<compile_context>
chip_gen: v7x
topology: tpu7x:2x2x1
jax: 0.10.2.dev20260603
libtpu: 0.0.44.dev20260713+nightly
codegen_flags: <defaults>
</compile_context>

<pallas_src>
import functools

import jax
import jax.numpy as jnp
from jax import lax
from jax.experimental import pallas as pl
from jax.experimental.pallas import tpu as pltpu
from jax.experimental.pallas import tpu_sc as plsc

_NUM_CLASSES = 100
_TOPK = 5
_BLK = 4096
_Q = 1024
_CHUNK = 128
_CPB = _BLK // _CHUNK
_GRP = 64
_IMAX = 2**31 - 1
_PADVAL = 1.0e18


def _chunkmin_kernel(xt_ref, xq_ref, out_ref, ksq_ref):
    q = xq_ref.shape[0]
    xq = xq_ref[...]
    xt = xt_ref[...]
    q_sq = jnp.sum(xq * xq, axis=1, keepdims=True)
    k_sq = jnp.sum(xt * xt, axis=1)[None, :]
    dot = lax.dot_general(xq, xt, (((1,), (1,)), ((), ())),
                          preferred_element_type=jnp.float32)
    d2 = q_sq + k_sq - 2.0 * dot
    cmin2 = jnp.min(d2.reshape(q, _CPB, _CHUNK), axis=2)
    out_ref[...] = jnp.sqrt(jnp.maximum(cmin2, 0.0))[None]
    ksq_ref[...] = k_sq[None]


def _chunksel_kernel(cmin_ref, out_ref):
    vals = cmin_ref[...]
    q, nc = vals.shape
    ciota = jnp.broadcast_to(
        lax.broadcasted_iota(jnp.int32, (1, nc), 1), (q, nc))
    picks = []
    for _ in range(_TOPK):
        m = jnp.min(vals, axis=1, keepdims=True)
        csel = jnp.min(jnp.where(vals == m, ciota, _IMAX),
                       axis=1, keepdims=True)
        vals = jnp.where(ciota == csel, jnp.inf, vals)
        picks.append(csel)
    out_ref[...] = jnp.concatenate(picks, axis=1)


def _make_gather(n_sel):
    info = plsc.get_sparse_core_info()
    nc, ns = info.num_cores, info.num_subcores
    nw = nc * ns
    per_w = n_sel // nw
    batch = 8
    n_batch = per_w // batch
    mesh = plsc.VectorSubcoreMesh(core_axis_name="c", subcore_axis_name="s")

    @functools.partial(
        pl.kernel, mesh=mesh,
        out_type=[
            jax.ShapeDtypeStruct((n_sel, _CHUNK * 32), jnp.float32),
            jax.ShapeDtypeStruct((n_sel, _CHUNK), jnp.int32),
            jax.ShapeDtypeStruct((n_sel, _CHUNK), jnp.float32),
        ],
        scratch_types=[
            pltpu.VMEM((batch,), jnp.int32),
            pltpu.VMEM((batch,), jnp.int32),
            pltpu.VMEM((batch, _CHUNK * 32), jnp.float32),
            pltpu.VMEM((batch, _CHUNK * 32), jnp.float32),
            pltpu.VMEM((batch, _CHUNK), jnp.int32),
            pltpu.VMEM((batch, _CHUNK), jnp.int32),
            pltpu.VMEM((batch, _CHUNK), jnp.float32),
            pltpu.VMEM((batch, _CHUNK), jnp.float32),
            pltpu.SemaphoreType.DMA,
            pltpu.SemaphoreType.DMA,
        ],
    )
    def gather(xtab_hbm, ytab_hbm, ktab_hbm, idx_hbm,
               outx_hbm, outy_hbm, outk_hbm,
               idx_a, idx_b, xbuf_a, xbuf_b, ybuf_a, ybuf_b,
               kbuf_a, kbuf_b, sg, sw):
        wid = lax.axis_index("s") * nc + lax.axis_index("c")
        base = wid * per_w
        bufs = ((idx_a, xbuf_a, ybuf_a, kbuf_a),
                (idx_b, xbuf_b, ybuf_b, kbuf_b))
        pending = [None, None]
        for b in range(n_batch):
            k = b % 2
            idx_v, xbuf, ybuf, kbuf = bufs[k]
            if pending[k] is not None:
                for w in pending[k]:
                    w.wait()
            off = base + b * batch
            pltpu.sync_copy(idx_hbm.at[pl.ds(off, batch)], idx_v)
            ax = pltpu.async_copy(xtab_hbm.at[idx_v], xbuf, sg)
            ay = pltpu.async_copy(ytab_hbm.at[idx_v], ybuf, sg)
            ak = pltpu.async_copy(ktab_hbm.at[idx_v], kbuf, sg)
            ax.wait()
            ay.wait()
            ak.wait()
            pending[k] = (
                pltpu.async_copy(xbuf, outx_hbm.at[pl.ds(off, batch)], sw),
                pltpu.async_copy(ybuf, outy_hbm.at[pl.ds(off, batch)], sw),
                pltpu.async_copy(kbuf, outk_hbm.at[pl.ds(off, batch)], sw),
            )
        for p in pending:
            if p is not None:
                for w in p:
                    w.wait()

    return gather


def _rerank_kernel(n_train, xq_ref, xg_ref, lab_ref, ksq_ref, cid_ref,
                   out_ref):
    g = xq_ref.shape[0]
    ncand = _TOPK * _CHUNK
    xq = xq_ref[...]
    xg = xg_ref[...]
    q_sq = jnp.sum(xq * xq, axis=1, keepdims=True)
    dot = lax.dot_general(xq, xg, (((1,), (1,)), ((), ())),
                          preferred_element_type=jnp.float32)
    dot4 = dot.reshape(g, g, _TOPK, _CHUNK)
    own = (lax.broadcasted_iota(jnp.int32, (g, g, 1, 1), 0)
           == lax.broadcasted_iota(jnp.int32, (g, g, 1, 1), 1))
    dot_own = jnp.sum(jnp.where(own, dot4, 0.0),
                      axis=1).reshape(g, ncand)
    k_sq_own = ksq_ref[...].reshape(g, ncand)
    d2 = q_sq + k_sq_own - 2.0 * dot_own
    dist = jnp.sqrt(jnp.maximum(d2, 0.0))

    cid = cid_ref[0]
    lane = lax.broadcasted_iota(jnp.int32, (1, 1, _CHUNK), 2)
    idxs = (cid[:, :, None] * _CHUNK + lane).reshape(g, ncand)
    labs = lab_ref[...].reshape(g, ncand)
    dist = jnp.where(idxs < n_train, dist, jnp.inf)

    vals = dist
    sel_l = []
    for _ in range(_TOPK):
        m = jnp.min(vals, axis=1, keepdims=True)
        isel = jnp.min(jnp.where(vals == m, idxs, _IMAX),
                       axis=1, keepdims=True)
        sel = idxs == isel
        sel_l.append(jnp.min(jnp.where(sel, labs, _IMAX),
                             axis=1, keepdims=True))
        vals = jnp.where(sel, jnp.inf, vals)

    counts = []
    for a in range(_TOPK):
        c = jnp.zeros((g, 1), jnp.int32)
        for b in range(_TOPK):
            c = c + (sel_l[a] == sel_l[b]).astype(jnp.int32)
        counts.append(c)
    best_s = counts[0] * (_NUM_CLASSES * 10) - sel_l[0]
    best_l = sel_l[0]
    for a in range(1, _TOPK):
        s = counts[a] * (_NUM_CLASSES * 10) - sel_l[a]
        upd = s > best_s
        best_s = jnp.where(upd, s, best_s)
        best_l = jnp.where(upd, sel_l[a], best_l)
    out_ref[...] = best_l


@jax.jit
def kernel(X_train, X_test, y_train):
    n_train = X_train.shape[0]
    n_steps = (n_train + _BLK - 1) // _BLK
    n_pad = n_steps * _BLK
    n_chunks = n_pad // _CHUNK
    xt = jnp.pad(X_train, ((0, n_pad - n_train), (0, 0)),
                 constant_values=_PADVAL)
    yt = jnp.pad(y_train, (0, n_pad - n_train))

    cmin3 = pl.pallas_call(
        _chunkmin_kernel,
        grid=(n_steps,),
        in_specs=[
            pl.BlockSpec((_BLK, 32), lambda i: (i, 0)),
            pl.BlockSpec((_Q, 32), lambda i: (0, 0)),
        ],
        out_specs=[
            pl.BlockSpec((1, _Q, _CPB), lambda i: (i, 0, 0)),
            pl.BlockSpec((1, 1, _BLK), lambda i: (i, 0, 0)),
        ],
        out_shape=[
            jax.ShapeDtypeStruct((n_steps, _Q, _CPB), jnp.float32),
            jax.ShapeDtypeStruct((n_steps, 1, _BLK), jnp.float32),
        ],
        compiler_params=pltpu.CompilerParams(
            dimension_semantics=("parallel",)),
    )(xt, X_test)
    cmin3, ksq3 = cmin3
    cmin = cmin3.transpose(1, 0, 2).reshape(_Q, n_chunks)

    qtile = 256
    cids = pl.pallas_call(
        _chunksel_kernel,
        grid=(_Q // qtile,),
        in_specs=[pl.BlockSpec((qtile, n_chunks), lambda i: (i, 0))],
        out_specs=pl.BlockSpec((qtile, _TOPK), lambda i: (i, 0)),
        out_shape=jax.ShapeDtypeStruct((_Q, _TOPK), jnp.int32),
    )(cmin)

    n_sel = _Q * _TOPK
    idx_flat = cids.reshape(n_sel)
    xtab = xt.reshape(n_chunks, _CHUNK, 32).transpose(0, 2, 1)\
             .reshape(n_chunks, _CHUNK * 32)
    ytab = yt.reshape(n_chunks, _CHUNK)
    ktab = ksq3.reshape(n_chunks, _CHUNK)
    xg, yg, kg = _make_gather(n_sel)(xtab, ytab, ktab, idx_flat)

    xg3 = xg.reshape(n_sel, 32, _CHUNK)
    cids3 = cids.reshape(_Q // _GRP, _GRP, _TOPK)
    out = pl.pallas_call(
        functools.partial(_rerank_kernel, n_train),
        grid=(_Q // _GRP,),
        in_specs=[
            pl.BlockSpec((_GRP, 32), lambda i: (i, 0)),
            pl.BlockSpec((_GRP * _TOPK, 32, _CHUNK), lambda i: (i, 0, 0)),
            pl.BlockSpec((_GRP * _TOPK, _CHUNK), lambda i: (i, 0)),
            pl.BlockSpec((_GRP * _TOPK, _CHUNK), lambda i: (i, 0)),
            pl.BlockSpec((1, _GRP, _TOPK), lambda i: (i, 0, 0)),
        ],
        out_specs=pl.BlockSpec((_GRP, 1), lambda i: (i, 0)),
        out_shape=jax.ShapeDtypeStruct((_Q, 1), jnp.int32),
        compiler_params=pltpu.CompilerParams(
            dimension_semantics=("parallel",)),
    )(X_test, xg3, yg, kg, cids3)
    return out[:, 0]

# --- scband reference (transcript-rebuilt; emitter-appended) ---
"""Pipeline reference for scband-knnclassifier-7215545057607 (READ-ONLY COPY).

The authoritative reference and input builder live on the scoring server;
editing this copy changes nothing except your own understanding.
"""

import jax, jax.numpy as jnp
import numpy as np

N_NEIGHBORS = 5
NUM_CLASSES = 100


def setup_inputs(seed: int = 0) -> dict:
    key = jax.random.key(seed)
    k1, k2, k3 = jax.random.split(key, 3)
    X_train = jax.random.normal(k1, (100000, 32), dtype=jnp.float32)
    X_test = jax.random.normal(k2, (1024, 32), dtype=jnp.float32)
    y_train = jax.random.randint(k3, (100000,), 0, NUM_CLASSES, dtype=jnp.int32)
    return {"X_train": X_train, "X_test": X_test, "y_train": y_train}


def _mode_along_last(labels):
    # labels: [Q, k] int. torch.mode returns the most frequent value;
    # ties broken by the smallest value.
    counts = (labels[:, :, None] == labels[:, None, :]).sum(axis=-1)  # [Q, k]
    # score: maximize count, then minimize label value on ties
    score = counts * (NUM_CLASSES * 10) - labels
    j = jnp.argmax(score, axis=1)
    preds = jnp.take_along_axis(labels, j[:, None], axis=1)[:, 0]
    return preds


def reference(X_train, X_test, y_train):
    # torch.cdist(X_test, X_train, p=2) via the Gram-matrix identity
    q_sq = jnp.sum(X_test * X_test, axis=-1, keepdims=True)        # [Q, 1]
    k_sq = jnp.sum(X_train * X_train, axis=-1)[None, :]            # [1, K]
    d2 = q_sq + k_sq - 2.0 * (X_test @ X_train.T)                  # [Q, K]
    dist = jnp.sqrt(jnp.maximum(d2, 0.0))
    # topk smallest distances
    _, indices = jax.lax.top_k(-dist, N_NEIGHBORS)                 # [Q, k]
    nearest_labels = jnp.take(y_train, indices, axis=0)            # [Q, k]
    predictions = _mode_along_last(nearest_labels)
    return predictions

if __name__ == "__main__":
    import jax
    _d = setup_inputs()
    print(jax.jit(kernel)(*tuple(_d.values())))

</pallas_src>

<mosaic_0001>
#map = affine_map<(d0, d1) -> (0, 0)>
#map1 = affine_map<(d0, d1) -> (0)>
module attributes {stable_mosaic.version = 14 : i64} {
  func.func @gather(%arg0: i32, %arg1: i32, %arg2: memref<800x4096xf32, #tpu.memory_space<hbm>>, %arg3: memref<800x128xi32, #tpu.memory_space<hbm>>, %arg4: memref<800x128xf32, #tpu.memory_space<hbm>>, %arg5: memref<5120xi32, #tpu.memory_space<hbm>>, %arg6: memref<5120x4096xf32, #tpu.memory_space<hbm>>, %arg7: memref<5120x128xi32, #tpu.memory_space<hbm>>, %arg8: memref<5120x128xf32, #tpu.memory_space<hbm>>, %arg9: memref<8xi32, #tpu.memory_space<vmem>>, %arg10: memref<8xi32, #tpu.memory_space<vmem>>, %arg11: memref<8x4096xf32, #tpu.memory_space<vmem>>, %arg12: memref<8x4096xf32, #tpu.memory_space<vmem>>, %arg13: memref<8x128xi32, #tpu.memory_space<vmem>>, %arg14: memref<8x128xi32, #tpu.memory_space<vmem>>, %arg15: memref<8x128xf32, #tpu.memory_space<vmem>>, %arg16: memref<8x128xf32, #tpu.memory_space<vmem>>, %arg17: memref<!tpu.dma_semaphore, #tpu.memory_space<semaphore_mem>>, %arg18: memref<!tpu.dma_semaphore, #tpu.memory_space<semaphore_mem>>) attributes {dimension_semantics = [#tpu.dimension_semantics<core_parallel>, #tpu.dimension_semantics<subcore_parallel>], iteration_bounds = array<i64: 2, 16>, scalar_prefetch = 0 : i64, scratch_operands = 10 : i64, tpu.core_type = #tpu.core_type<sc_vector_subcore>, window_params = [{transform_indices = #map}, {transform_indices = #map}, {transform_indices = #map}, {transform_indices = #map1}, {transform_indices = #map}, {transform_indices = #map}, {transform_indices = #map}]} {
    %mul3A = arith.constant 2 : i32
    %mul3A_0 = arith.muli %arg1, %mul3A : i32
    %add3A = arith.addi %mul3A_0, %arg0 : i32
    %mul3A_1 = arith.constant 160 : i32
    %mul3A_2 = arith.muli %add3A, %mul3A_1 : i32
    %add3A_3 = arith.constant 0 : i32
    %add3A_4 = arith.addi %mul3A_2, %add3A_3 : i32
    "tpu.region"() ({
      %run_scoped3A = tpu.sem_alloc : memref<!tpu.dma_semaphore, #tpu.memory_space<semaphore_mem>>
      %dma_start3A_881 = tpu.memref_slice %arg5[%add3A_4] : memref<5120xi32, #tpu.memory_space<hbm>> -> memref<8xi32, #tpu.memory_space<hbm>>
      %dma_start3A_882 = tpu.memref_slice %arg5[%add3A_4] : memref<5120xi32, #tpu.memory_space<hbm>> -> memref<8xi32, #tpu.memory_space<hbm>>
      tpu.enqueue_dma source(%dma_start3A_882 : memref<8xi32, #tpu.memory_space<hbm>>) target(%arg9 : memref<8xi32, #tpu.memory_space<vmem>>) target_semaphore(%run_scoped3A : memref<!tpu.dma_semaphore, #tpu.memory_space<semaphore_mem>>)
      %dma_wait3A_883 = tpu.memref_slice %arg5[%add3A_4] : memref<5120xi32, #tpu.memory_space<hbm>> -> memref<8xi32, #tpu.memory_space<hbm>>
      %dma_wait3A_884 = tpu.memref_slice %arg5[%add3A_4] : memref<5120xi32, #tpu.memory_space<hbm>> -> memref<8xi32, #tpu.memory_space<hbm>>
      tpu.wait_dma2 semaphore(%run_scoped3A : memref<!tpu.dma_semaphore, #tpu.memory_space<semaphore_mem>>) src(%dma_wait3A_884 : memref<8xi32, #tpu.memory_space<hbm>>) dst(%arg9 : memref<8xi32, #tpu.memory_space<vmem>>)
      tpu.yield
    }) : () -> ()
    %dma_start3A = arith.constant 0 : i32
    %dma_start3A_5 = arith.constant 0 : i32
    %dma_start3A_6 = tpu.memref_slice %arg2[%dma_start3A, %dma_start3A_5] : memref<800x4096xf32, #tpu.memory_space<hbm>> -> memref<800x4096xf32, #tpu.memory_space<hbm>>
    tpu.enqueue_indirect_dma source(%dma_start3A_6 : memref<800x4096xf32, #tpu.memory_space<hbm>>) target(%arg11 : memref<8x4096xf32, #tpu.memory_space<vmem>>) offsets(%arg9 : memref<8xi32, #tpu.memory_space<vmem>>) semaphore(%arg17 : memref<!tpu.dma_semaphore, #tpu.memory_space<semaphore_mem>>)
    %dma_start3A_7 = arith.constant 0 : i32
    %dma_start3A_8 = arith.constant 0 : i32
    %dma_start3A_9 = tpu.memref_slice %arg3[%dma_start3A_7, %dma_start3A_8] : memref<800x128xi32, #tpu.memory_space<hbm>> -> memref<800x128xi32, #tpu.memory_space<hbm>>
    tpu.enqueue_indirect_dma source(%dma_start3A_9 : memref<800x128xi32, #tpu.memory_space<hbm>>) target(%arg13 : memref<8x128xi32, #tpu.memory_space<vmem>>) offsets(%arg9 : memref<8xi32, #tpu.memory_space<vmem>>) semaphore(%arg17 : memref<!tpu.dma_semaphore, #tpu.memory_space<semaphore_mem>>)
    %dma_start3A_10 = arith.constant 0 : i32
    %dma_start3A_11 = arith.constant 0 : i32
    %dma_start3A_12 = tpu.memref_slice %arg4[%dma_start3A_10, %dma_start3A_11] : memref<800x128xf32, #tpu.memory_space<hbm>> -> memref<800x128xf32, #tpu.memory_space<hbm>>
    tpu.enqueue_indirect_dma source(%dma_start3A_12 : memref<800x128xf32, #tpu.memory_space<hbm>>) target(%arg15 : memref<8x128xf32, #tpu.memory_space<vmem>>) offsets(%arg9 : memref<8xi32, #tpu.memory_space<vmem>>) semaphore(%arg17 : memref<!tpu.dma_semaphore, #tpu.memory_space<semaphore_mem>>)
    %dma_wait3A = arith.constant 0 : i32
    %dma_wait3A_13 = arith.constant 0 : i32
    %dma_wait3A_14 = tpu.memref_slice %arg2[%dma_wait3A, %dma_wait3A_13] : memref<800x4096xf32, #tpu.memory_space<hbm>> -> memref<800x4096xf32, #tpu.memory_space<hbm>>
    tpu.wait_indirect_dma semaphore(%arg17 : memref<!tpu.dma_semaphore, #tpu.memory_space<semaphore_mem>>) src(%dma_wait3A_14 : memref<800x4096xf32, #tpu.memory_space<hbm>>) dst(%arg11 : memref<8x4096xf32, #tpu.memory_space<vmem>>)
    %dma_wait3A_15 = arith.constant 0 : i32
    %dma_wait3A_16 = arith.constant 0 : i32
    %dma_wait3A_17 = tpu.memref_slice %arg3[%dma_wait3A_15, %dma_wait3A_16] : memref<800x128xi32, #tpu.memory_space<hbm>> -> memref<800x128xi32, #tpu.memory_space<hbm>>
    tpu.wait_indirect_dma semaphore(%arg17 : memref<!tpu.dma_semaphore, #tpu.memory_space<semaphore_mem>>) src(%dma_wait3A_17 : memref<800x128xi32, #tpu.memory_space<hbm>>) dst(%arg13 : memref<8x128xi32, #tpu.memory_space<vmem>>)
    %dma_wait3A_18 = arith.constant 0 : i32
    %dma_wait3A_19 = arith.constant 0 : i32
    %dma_wait3A_20 = tpu.memref_slice %arg4[%dma_wait3A_18, %dma_wait3A_19] : memref<800x128xf32, #tpu.memory_space<hbm>> -> memref<800x128xf32, #tpu.memory_space<hbm>>
    tpu.wait_indirect_dma semaphore(%arg17 : memref<!tpu.dma_semaphore, #tpu.memory_space<semaphore_mem>>) src(%dma_wait3A_20 : memref<800x128xf32, #tpu.memory_space<hbm>>) dst(%arg15 : memref<8x128xf32, #tpu.memory_space<vmem>>)
    %dma_start3A_21 = arith.constant 0 : i32
    %dma_start3A_22 = tpu.memref_slice %arg6[%add3A_4, %dma_start3A_21] : memref<5120x4096xf32, #tpu.memory_space<hbm>> -> memref<8x4096xf32, #tpu.memory_space<hbm>>
    %dma_start3A_23 = arith.constant 0 : i32
    %dma_start3A_24 = tpu.memref_slice %arg6[%add3A_4, %dma_start3A_23] : memref<5120x4096xf32, #tpu.memory_space<hbm>> -> memref<8x4096xf32, #tpu.memory_space<hbm>>
    tpu.enqueue_dma source(%arg11 : memref<8x4096xf32, #tpu.memory_space<vmem>>) target(%dma_start3A_24 : memref<8x4096xf32, #tpu.memory_space<hbm>>) target_semaphore(%arg18 : memref<!tpu.dma_semaphore, #tpu.memory_space<semaphore_mem>>)
    %dma_start3A_25 = arith.constant 0 : i32
    %dma_start3A_26 = tpu.memref_slice %arg7[%add3A_4, %dma_start3A_25] : memref<5120x128xi32, #tpu.memory_space<hbm>> -> memref<8x128xi32, #tpu.memory_space<hbm>>
    %dma_start3A_27 = arith.constant 0 : i32
    %dma_start3A_28 = tpu.memref_slice %arg7[%add3A_4, %dma_start3A_27] : memref<5120x128xi32, #tpu.memory_space<hbm>> -> memref<8x128xi32, #tpu.memory_space<hbm>>
    tpu.enqueue_dma source(%arg13 : memref<8x128xi32, #tpu.memory_space<vmem>>) target(%dma_start3A_28 : memref<8x128xi32, #tpu.memory_space<hbm>>) target_semaphore(%arg18 : memref<!tpu.dma_semaphore, #tpu.memory_space<semaphore_mem>>)
    %dma_start3A_29 = arith.constant 0 : i32
    %dma_start3A_30 = tpu.memref_slice %arg8[%add3A_4, %dma_start3A_29] : memref<5120x128xf32, #tpu.memory_space<hbm>> -> memref<8x128xf32, #tpu.memory_space<hbm>>
    %dma_start3A_31 = arith.constant 0 : i32
    %dma_start3A_32 = tpu.memref_slice %arg8[%add3A_4, %dma_start3A_31] : memref<5120x128xf32, #tpu.memory_space<hbm>> -> memref<8x128xf32, #tpu.memory_space<hbm>>
    tpu.enqueue_dma source(%arg15 : memref<8x128xf32, #tpu.memory_space<vmem>>) target(%dma_start3A_32 : memref<8x128xf32, #tpu.memory_space<hbm>>) target_semaphore(%arg18 : memref<!tpu.dma_semaphore, #tpu.memory_space<semaphore_mem>>)
    %add3A_33 = arith.constant 8 : i32
    %add3A_34 = arith.addi %mul3A_2, %add3A_33 : i32
    "tpu.region"() ({
      %run_scoped3A = tpu.sem_alloc : memref<!tpu.dma_semaphore, #tpu.memory_space<semaphore_mem>>
      %dma_start3A_881 = tpu.memref_slice %arg5[%add3A_34] : memref<5120xi32, #tpu.memory_space<hbm>> -> memref<8xi32, #tpu.memory_space<hbm>>
      %dma_start3A_882 = tpu.memref_slice %arg5[%add3A_34] : memref<5120xi32, #tpu.memory_space<hbm>> -> memref<8xi32, #tpu.memory_space<hbm>>
      tpu.enqueue_dma source(%dma_start3A_882 : memref<8xi32, #tpu.memory_space<hbm>>) target(%arg10 : memref<8xi32, #tpu.memory_space<vmem>>) target_semaphore(%run_scoped3A : memref<!tpu.dma_semaphore, #tpu.memory_space<semaphore_mem>>)
      %dma_wait3A_883 = tpu.memref_slice %arg5[%add3A_34] : memref<5120xi32, #tpu.memory_space<hbm>> -> memref<8xi32, #tpu.memory_space<hbm>>
      %dma_wait3A_884 = tpu.memref_slice %arg5[%add3A_34] : memref<5120xi32, #tpu.memory_space<hbm>> -> memref<8xi32, #tpu.memory_space<hbm>>
      tpu.wait_dma2 semaphore(%run_scoped3A : memref<!tpu.dma_semaphore, #tpu.memory_space<semaphore_mem>>) src(%dma_wait3A_884 : memref<8xi32, #tpu.memory_space<hbm>>) dst(%arg10 : memref<8xi32, #tpu.memory_space<vmem>>)
      tpu.yield
    }) : () -> ()
    %dma_start3A_35 = arith.constant 0 : i32
    %dma_start3A_36 = arith.constant 0 : i32
    %dma_start3A_37 = tpu.memref_slice %arg2[%dma_start3A_35, %dma_start3A_36] : memref<800x4096xf32, #tpu.memory_space<hbm>> -> memref<800x4096xf32, #tpu.memory_space<hbm>>
    tpu.enqueue_indirect_dma source(%dma_start3A_37 : memref<800x4096xf32, #tpu.memory_space<hbm>>) target(%arg12 : memref<8x4096xf32, #tpu.memory_space<vmem>>) offsets(%arg10 : memref<8xi32, #tpu.memory_space<vmem>>) semaphore(%arg17 : memref<!tpu.dma_semaphore, #tpu.memory_space<semaphore_mem>>)
    %dma_start3A_38 = arith.constant 0 : i32
    %dma_start3A_39 = arith.constant 0 : i32
    %dma_start3A_40 = tpu.memref_slice %arg3[%dma_start3A_38, %dma_start3A_39] : memref<800x128xi32, #tpu.memory_space<hbm>> -> memref<800x128xi32, #tpu.memory_space<hbm>>
    tpu.enqueue_indirect_dma source(%dma_start3A_40 : memref<800x128xi32, #tpu.memory_space<hbm>>) target(%arg14 : memref<8x128xi32, #tpu.memory_space<vmem>>) offsets(%arg10 : memref<8xi32, #tpu.memory_space<vmem>>) semaphore(%arg17 : memref<!tpu.dma_semaphore, #tpu.memory_space<semaphore_mem>>)
    %dma_start3A_41 = arith.constant 0 : i32
    %dma_start3A_42 = arith.constant 0 : i32
    %dma_start3A_43 = tpu.memref_slice %arg4[%dma_start3A_41, %dma_start3A_42] : memref<800x128xf32, #tpu.memory_space<hbm>> -> memref<800x128xf32, #tpu.memory_space<hbm>>
    tpu.enqueue_indirect_dma source(%dma_start3A_43 : memref<800x128xf32, #tpu.memory_space<hbm>>) target(%arg16 : memref<8x128xf32, #tpu.memory_space<vmem>>) offsets(%arg10 : memref<8xi32, #tpu.memory_space<vmem>>) semaphore(%arg17 : memref<!tpu.dma_semaphore, #tpu.memory_space<semaphore_mem>>)
    %dma_wait3A_44 = arith.constant 0 : i32
    %dma_wait3A_45 = arith.constant 0 : i32
    %dma_wait3A_46 = tpu.memref_slice %arg2[%dma_wait3A_44, %dma_wait3A_45] : memref<800x4096xf32, #tpu.memory_space<hbm>> -> memref<800x4096xf32, #tpu.memory_space<hbm>>
    tpu.wait_indirect_dma semaphore(%arg17 : memref<!tpu.dma_semaphore, #tpu.memory_space<semaphore_mem>>) src(%dma_wait3A_46 : memref<800x4096xf32, #tpu.memory_space<hbm>>) dst(%arg12 : memref<8x4096xf32, #tpu.memory_space<vmem>>)
    %dma_wait3A_47 = arith.constant 0 : i32
    %dma_wait3A_48 = arith.constant 0 : i32
    %dma_wait3A_49 = tpu.memref_slice %arg3[%dma_wait3A_47, %dma_wait3A_48] : memref<800x128xi32, #tpu.memory_space<hbm>> -> memref<800x128xi32, #tpu.memory_space<hbm>>
    tpu.wait_indirect_dma semaphore(%arg17 : memref<!tpu.dma_semaphore, #tpu.memory_space<semaphore_mem>>) src(%dma_wait3A_49 : memref<800x128xi32, #tpu.memory_space<hbm>>) dst(%arg14 : memref<8x128xi32, #tpu.memory_space<vmem>>)
    %dma_wait3A_50 = arith.constant 0 : i32
    %dma_wait3A_51 = arith.constant 0 : i32
    %dma_wait3A_52 = tpu.memref_slice %arg4[%dma_wait3A_50, %dma_wait3A_51] : memref<800x128xf32, #tpu.memory_space<hbm>> -> memref<800x128xf32, #tpu.memory_space<hbm>>
    tpu.wait_indirect_dma semaphore(%arg17 : memref<!tpu.dma_semaphore, #tpu.memory_space<semaphore_mem>>) src(%dma_wait3A_52 : memref<800x128xf32, #tpu.memory_space<hbm>>) dst(%arg16 : memref<8x128xf32, #tpu.memory_space<vmem>>)
    %dma_start3A_53 = arith.constant 0 : i32
    %dma_start3A_54 = tpu.memref_slice %arg6[%add3A_34, %dma_start3A_53] : memref<5120x4096xf32, #tpu.memory_space<hbm>> -> memref<8x4096xf32, #tpu.memory_space<hbm>>
    %dma_start3A_55 = arith.constant 0 : i32
    %dma_start3A_56 = tpu.memref_slice %arg6[%add3A_34, %dma_start3A_55] : memref<5120x4096xf32, #tpu.memory_space<hbm>> -> memref<8x4096xf32, #tpu.memory_space<hbm>>
    tpu.enqueue_dma source(%arg12 : memref<8x4096xf32, #tpu.memory_space<vmem>>) target(%dma_start3A_56 : memref<8x4096xf32, #tpu.memory_space<hbm>>) target_semaphore(%arg18 : memref<!tpu.dma_semaphore, #tpu.memory_space<semaphore_mem>>)
    %dma_start3A_57 = arith.constant 0 : i32
    %dma_start3A_58 = tpu.memref_slice %arg7[%add3A_34, %dma_start3A_57] : memref<5120x128xi32, #tpu.memory_space<hbm>> -> memref<8x128xi32, #tpu.memory_space<hbm>>
    %dma_start3A_59 = arith.constant 0 : i32
    %dma_start3A_60 = tpu.memref_slice %arg7[%add3A_34, %dma_start3A_59] : memref<5120x128xi32, #tpu.memory_space<hbm>> -> memref<8x128xi32, #tpu.memory_space<hbm>>
    tpu.enqueue_dma source(%arg14 : memref<8x128xi32, #tpu.memory_space<vmem>>) target(%dma_start3A_60 : memref<8x128xi32, #tpu.memory_space<hbm>>) target_semaphore(%arg18 : memref<!tpu.dma_semaphore, #tpu.memory_space<semaphore_mem>>)
    %dma_start3A_61 = arith.constant 0 : i32
    %dma_start3A_62 = tpu.memref_slice %arg8[%add3A_34, %dma_start3A_61] : memref<5120x128xf32, #tpu.memory_space<hbm>> -> memref<8x128xf32, #tpu.memory_space<hbm>>
    %dma_start3A_63 = arith.constant 0 : i32
    %dma_start3A_64 = tpu.memref_slice %arg8[%add3A_34, %dma_start3A_63] : memref<5120x128xf32, #tpu.memory_space<hbm>> -> memref<8x128xf32, #tpu.memory_space<hbm>>
    tpu.enqueue_dma source(%arg16 : memref<8x128xf32, #tpu.memory_space<vmem>>) target(%dma_start3A_64 : memref<8x128xf32, #tpu.memory_space<hbm>>) target_semaphore(%arg18 : memref<!tpu.dma_semaphore, #tpu.memory_space<semaphore_mem>>)
    %dma_wait3A_65 = arith.constant 0 : i32
    %dma_wait3A_66 = tpu.memref_slice %arg6[%add3A_4, %dma_wait3A_65] : memref<5120x4096xf32, #tpu.memory_space<hbm>> -> memref<8x4096xf32, #tpu.memory_space<hbm>>
    %dma_wait3A_67 = arith.constant 0 : i32
    %dma_wait3A_68 = tpu.memref_slice %arg6[%add3A_4, %dma_wait3A_67] : memref<5120x4096xf32, #tpu.memory_space<hbm>> -> memref<8x4096xf32, #tpu.memory_space<hbm>>
    tpu.wait_dma2 semaphore(%arg18 : memref<!tpu.dma_semaphore, #tpu.memory_space<semaphore_mem>>) src(%arg11 : memref<8x4096xf32, #tpu.memory_space<vmem>>) dst(%dma_wait3A_68 : memref<8x4096xf32, #tpu.memory_space<hbm>>)
    %dma_wait3A_69 = arith.constant 0 : i32
    %dma_wait3A_70 = tpu.memref_slice %arg7[%add3A_4, %dma_wait3A_69] : memref<5120x128xi32, #tpu.memory_space<hbm>> -> memref<8x128xi32, #tpu.memory_space<hbm>>
    %dma_wait3A_71 = arith.constant 0 : i32
    %dma_wait3A_72 = tpu.memref_slice %arg7[%add3A_4, %dma_wait3A_71] : memref<5120x128xi32, #tpu.memory_space<hbm>> -> memref<8x128xi32, #tpu.memory_space<hbm>>
    tpu.wait_dma2 semaphore(%arg18 : memref<!tpu.dma_semaphore, #tpu.memory_space<semaphore_mem>>) src(%arg13 : memref<8x128xi32, #tpu.memory_space<vmem>>) dst(%dma_wait3A_72 : memref<8x128xi32, #tpu.memory_space<hbm>>)
    %dma_wait3A_73 = arith.constant 0 : i32
    %dma_wait3A_74 = tpu.memref_slice %arg8[%add3A_4, %dma_wait3A_73] : memref<5120x128xf32, #tpu.memory_space<hbm>> -> memref<8x128xf32, #tpu.memory_space<hbm>>
    %dma_wait3A_75 = arith.constant 0 : i32
    %dma_wait3A_76 = tpu.memref_slice %arg8[%add3A_4, %dma_wait3A_75] : memref<5120x128xf32, #tpu.memory_space<hbm>> -> memref<8x128xf32, #tpu.memory_space<hbm>>
    tpu.wait_dma2 semaphore(%arg18 : memref<!tpu.dma_semaphore, #tpu.memory_space<semaphore_mem>>) src(%arg15 : memref<8x128xf32, #tpu.memory_space<vmem>>) dst(%dma_wait3A_76 : memref<8x128xf32, #tpu.memory_space<hbm>>)
    %add3A_77 = arith.constant 16 : i32
    %add3A_78 = arith.addi %mul3A_2, %add3A_77 : i32
    "tpu.region"() ({
      %run_scoped3A = tpu.sem_alloc : memref<!tpu.dma_semaphore, #tpu.memory_space<semaphore_mem>>
      %dma_start3A_881 = tpu.memref_slice %arg5[%add3A_78] : memref<5120xi32, #tpu.memory_space<hbm>> -> memref<8xi32, #tpu.memory_space<hbm>>
      %dma_start3A_882 = tpu.memref_slice %arg5[%add3A_78] : memref<5120xi32, #tpu.memory_space<hbm>> -> memref<8xi32, #tpu.memory_space<hbm>>
      tpu.enqueue_dma source(%dma_start3A_882 : memref<8xi32, #tpu.memory_space<hbm>>) target(%arg9 : memref<8xi32, #tpu.memory_space<vmem>>) target_semaphore(%run_scoped3A : memref<!tpu.dma_semaphore, #tpu.memory_space<semaphore_mem>>)
      %dma_wait3A_883 = tpu.memref_slice %arg5[%add3A_78] : memref<5120xi32, #tpu.memory_space<hbm>> -> memref<8xi32, #tpu.memory_space<hbm>>
      %dma_wait3A_884 = tpu.memref_slice %arg5[%add3A_78] : memref<5120xi32, #tpu.memory_space<hbm>> -> memref<8xi32, #tpu.memory_space<hbm>>
      tpu.wait_dma2 semaphore(%run_scoped3A : memref<!tpu.dma_semaphore, #tpu.memory_space<semaphore_mem>>) src(%dma_wait3A_884 : memref<8xi32, #tpu.memory_space<hbm>>) dst(%arg9 : memref<8xi32, #tpu.memory_space<vmem>>)
      tpu.yield
    }) : () -> ()
    %dma_start3A_79 = arith.constant 0 : i32
    %dma_start3A_80 = arith.constant 0 : i32
    %dma_start3A_81 = tpu.memref_slice %arg2[%dma_start3A_79, %dma_start3A_80] : memref<800x4096xf32, #tpu.memory_space<hbm>> -> memref<800x4096xf32, #tpu.memory_space<hbm>>
    tpu.enqueue_indirect_dma source(%dma_start3A_81 : memref<800x4096xf32, #tpu.memory_space<hbm>>) target(%arg11 : memref<8x4096xf32, #tpu.memory_space<vmem>>) offsets(%arg9 : memref<8xi32, #tpu.memory_space<vmem>>) semaphore(%arg17 : memref<!tpu.dma_semaphore, #tpu.memory_space<semaphore_mem>>)
    %dma_start3A_82 = arith.constant 0 : i32
    %dma_start3A_83 = arith.constant 0 : i32
    %dma_start3A_84 = tpu.memref_slice %arg3[%dma_start3A_82, %dma_start3A_83] : memref<800x128xi32, #tpu.memory_space<hbm>> -> memref<800x128xi32, #tpu.memory_space<hbm>>
    tpu.enqueue_indirect_dma source(%dma_start3A_84 : memref<800x128xi32, #tpu.memory_space<hbm>>) target(%arg13 : memref<8x128xi32, #tpu.memory_space<vmem>>) offsets(%arg9 : memref<8xi32, #tpu.memory_space<vmem>>) semaphore(%arg17 : memref<!tpu.dma_semaphore, #tpu.memory_space<semaphore_mem>>)
    %dma_start3A_85 = arith.constant 0 : i32
    %dma_start3A_86 = arith.constant 0 : i32
    %dma_start3A_87 = tpu.memref_slice %arg4[%dma_start3A_85, %dma_start3A_86] : memref<800x128xf32, #tpu.memory_space<hbm>> -> memref<800x128xf32, #tpu.memory_space<hbm>>
    tpu.enqueue_indirect_dma source(%dma_start3A_87 : memref<800x128xf32, #tpu.memory_space<hbm>>) target(%arg15 : memref<8x128xf32, #tpu.memory_space<vmem>>) offsets(%arg9 : memref<8xi32, #tpu.memory_space<vmem>>) semaphore(%arg17 : memref<!tpu.dma_semaphore, #tpu.memory_space<semaphore_mem>>)
    %dma_wait3A_88 = arith.constant 0 : i32
    %dma_wait3A_89 = arith.constant 0 : i32
    %dma_wait3A_90 = tpu.memref_slice %arg2[%dma_wait3A_88, %dma_wait3A_89] : memref<800x4096xf32, #tpu.memory_space<hbm>> -> memref<800x4096xf32, #tpu.memory_space<hbm>>
    tpu.wait_indirect_dma semaphore(%arg17 : memref<!tpu.dma_semaphore, #tpu.memory_space<semaphore_mem>>) src(%dma_wait3A_90 : memref<800x4096xf32, #tpu.memory_space<hbm>>) dst(%arg11 : memref<8x4096xf32, #tpu.memory_space<vmem>>)
    %dma_wait3A_91 = arith.constant 0 : i32
    %dma_wait3A_92 = arith.constant 0 : i32
    %dma_wait3A_93 = tpu.memref_slice %arg3[%dma_wait3A_91, %dma_wait3A_92] : memref<800x128xi32, #tpu.memory_space<hbm>> -> memref<800x128xi32, #tpu.memory_space<hbm>>
    tpu.wait_indirect_dma semaphore(%arg17 : memref<!tpu.dma_semaphore, #tpu.memory_space<semaphore_mem>>) src(%dma_wait3A_93 : memref<800x128xi32, #tpu.memory_space<hbm>>) dst(%arg13 : memref<8x128xi32, #tpu.memory_space<vmem>>)
    %dma_wait3A_94 = arith.constant 0 : i32
    %dma_wait3A_95 = arith.constant 0 : i32
    %dma_wait3A_96 = tpu.memref_slice %arg4[%dma_wait3A_94, %dma_wait3A_95] : memref<800x128xf32, #tpu.memory_space<hbm>> -> memref<800x128xf32, #tpu.memory_space<hbm>>
    tpu.wait_indirect_dma semaphore(%arg17 : memref<!tpu.dma_semaphore, #tpu.memory_space<semaphore_mem>>) src(%dma_wait3A_96 : memref<800x128xf32, #tpu.memory_space<hbm>>) dst(%arg15 : memref<8x128xf32, #tpu.memory_space<vmem>>)
    %dma_start3A_97 = arith.constant 0 : i32
    %dma_start3A_98 = tpu.memref_slice %arg6[%add3A_78, %dma_start3A_97] : memref<5120x4096xf32, #tpu.memory_space<hbm>> -> memref<8x4096xf32, #tpu.memory_space<hbm>>
    %dma_start3A_99 = arith.constant 0 : i32
    %dma_start3A_100 = tpu.memref_slice %arg6[%add3A_78, %dma_start3A_99] : memref<5120x4096xf32, #tpu.memory_space<hbm>> -> memref<8x4096xf32, #tpu.memory_space<hbm>>
    tpu.enqueue_dma source(%arg11 : memref<8x4096xf32, #tpu.memory_space<vmem>>) target(%dma_start3A_100 : memref<8x4096xf32, #tpu.memory_space<hbm>>) target_semaphore(%arg18 : memref<!tpu.dma_semaphore, #tpu.memory_space<semaphore_mem>>)
    %dma_start3A_101 = arith.constant 0 : i32
    %dma_start3A_102 = tpu.memref_slice %arg7[%add3A_78, %dma_start3A_101] : memref<5120x128xi32, #tpu.memory_space<hbm>> -> memref<8x128xi32, #tpu.memory_space<hbm>>
    %dma_start3A_103 = arith.constant 0 : i32
    %dma_start3A_104 = tpu.memref_slice %arg7[%add3A_78, %dma_start3A_103] : memref<5120x128xi32, #tpu.memory_space<hbm>> -> memref<8x128xi32, #tpu.memory_space<hbm>>
    tpu.enqueue_dma source(%arg13 : memref<8x128xi32, #tpu.memory_space<vmem>>) target(%dma_start3A_104 : memref<8x128xi32, #tpu.memory_space<hbm>>) target_semaphore(%arg18 : memref<!tpu.dma_semaphore, #tpu.memory_space<semaphore_mem>>)
    %dma_start3A_105 = arith.constant 0 : i32
    %dma_start3A_106 = tpu.memref_slice %arg8[%add3A_78, %dma_start3A_105] : memref<5120x128xf32, #tpu.memory_space<hbm>> -> memref<8x128xf32, #tpu.memory_space<hbm>>
    %dma_start3A_107 = arith.constant 0 : i32
    %dma_start3A_108 = tpu.memref_slice %arg8[%add3A_78, %dma_start3A_107] : memref<5120x128xf32, #tpu.memory_space<hbm>> -> memref<8x128xf32, #tpu.memory_space<hbm>>
    tpu.enqueue_dma source(%arg15 : memref<8x128xf32, #tpu.memory_space<vmem>>) target(%dma_start3A_108 : memref<8x128xf32, #tpu.memory_space<hbm>>) target_semaphore(%arg18 : memref<!tpu.dma_semaphore, #tpu.memory_space<semaphore_mem>>)
    %dma_wait3A_109 = arith.constant 0 : i32
    %dma_wait3A_110 = tpu.memref_slice %arg6[%add3A_34, %dma_wait3A_109] : memref<5120x4096xf32, #tpu.memory_space<hbm>> -> memref<8x4096xf32, #tpu.memory_space<hbm>>
    %dma_wait3A_111 = arith.constant 0 : i32
    %dma_wait3A_112 = tpu.memref_slice %arg6[%add3A_34, %dma_wait3A_111] : memref<5120x4096xf32, #tpu.memory_space<hbm>> -> memref<8x4096xf32, #tpu.memory_space<hbm>>
    tpu.wait_dma2 semaphore(%arg18 : memref<!tpu.dma_semaphore, #tpu.memory_space<semaphore_mem>>) src(%arg12 : memref<8x4096xf32, #tpu.memory_space<vmem>>) dst(%dma_wait3A_112 : memref<8x4096xf32, #tpu.memory_space<hbm>>)
    %dma_wait3A_113 = arith.constant 0 : i32
    %dma_wait3A_114 = tpu.memref_slice %arg7[%add3A_34, %dma_wait3A_113] : memref<5120x128xi32, #tpu.memory_space<hbm>> -> memref<8x128xi32, #tpu.memory_space<hbm>>
    %dma_wait3A_115 = arith.constant 0 : i32
    %dma_wait3A_116 = tpu.memref_slice %arg7[%add3A_34, %dma_wait3A_115] : memref<5120x128xi32, #tpu.memory_space<hbm>> -> memref<8x128xi32, #tpu.memory_space<hbm>>
    tpu.wait_dma2 semaphore(%arg18 : memref<!tpu.dma_semaphore, #tpu.memory_space<semaphore_mem>>) src(%arg14 : memref<8x128xi32, #tpu.memory_space<vmem>>) dst(%dma_wait3A_116 : memref<8x128xi32, #tpu.memory_space<hbm>>)
    %dma_wait3A_117 = arith.constant 0 : i32
    %dma_wait3A_118 = tpu.memref_slice %arg8[%add3A_34, %dma_wait3A_117] : memref<5120x128xf32, #tpu.memory_space<hbm>> -> memref<8x128xf32, #tpu.memory_space<hbm>>
    %dma_wait3A_119 = arith.constant 0 : i32
    %dma_wait3A_120 = tpu.memref_slice %arg8[%add3A_34, %dma_wait3A_119] : memref<5120x128xf32, #tpu.memory_space<hbm>> -> memref<8x128xf32, #tpu.memory_space<hbm>>
    tpu.wait_dma2 semaphore(%arg18 : memref<!tpu.dma_semaphore, #tpu.memory_space<semaphore_mem>>) src(%arg16 : memref<8x128xf32, #tpu.memory_space<vmem>>) dst(%dma_wait3A_120 : memref<8x128xf32, #tpu.memory_space<hbm>>)
    %add3A_121 = arith.constant 24 : i32
    %add3A_122 = arith.addi %mul3A_2, %add3A_121 : i32
    "tpu.region"() ({
      %run_scoped3A = tpu.sem_alloc : memref<!tpu.dma_semaphore, #tpu.memory_space<semaphore_mem>>
      %dma_start3A_881 = tpu.memref_slice %arg5[%add3A_122] : memref<5120xi32, #tpu.memory_space<hbm>> -> memref<8xi32, #tpu.memory_space<hbm>>
      %dma_start3A_882 = tpu.memref_slice %arg5[%add3A_122] : memref<5120xi32, #tpu.memory_space<hbm>> -> memref<8xi32, #tpu.memory_space<hbm>>
      tpu.enqueue_dma source(%dma_start3A_882 : memref<8xi32, #tpu.memory_space<hbm>>) target(%arg10 : memref<8xi32, #tpu.memory_space<vmem>>) target_semaphore(%run_scoped3A : memref<!tpu.dma_semaphore, #tpu.memory_space<semaphore_mem>>)
      %dma_wait3A_883 = tpu.memref_slice %arg5[%add3A_122] : memref<5120xi32, #tpu.memory_space<hbm>> -> memref<8xi32, #tpu.memory_space<hbm>>
      %dma_wait3A_884 = tpu.memref_slice %arg5[%add3A_122] : memref<5120xi32, #tpu.memory_space<hbm>> -> memref<8xi32, #tpu.memory_space<hbm>>
      tpu.wait_dma2 semaphore(%run_scoped3A : memref<!tpu.dma_semaphore, #tpu.memory_space<semaphore_mem>>) src(%dma_wait3A_884 : memref<8xi32, #tpu.memory_space<hbm>>) dst(%arg10 : memref<8xi32, #tpu.memory_space<vmem>>)
      tpu.yield
    }) : () -> ()
    %dma_start3A_123 = arith.constant 0 : i32
    %dma_start3A_124 = arith.constant 0 : i32
    %dma_start3A_125 = tpu.memref_slice %arg2[%dma_start3A_123, %dma_start3A_124] : memref<800x4096xf32, #tpu.memory_space<hbm>> -> memref<800x4096xf32, #tpu.memory_space<hbm>>
    tpu.enqueue_indirect_dma source(%dma_start3A_125 : memref<800x4096xf32, #tpu.memory_space<hbm>>) target(%arg12 : memref<8x4096xf32, #tpu.memory_space<vmem>>) offsets(%arg10 : memref<8xi32, #tpu.memory_space<vmem>>) semaphore(%arg17 : memref<!tpu.dma_semaphore, #tpu.memory_space<semaphore_mem>>)
    %dma_start3A_126 = arith.constant 0 : i32
    %dma_start3A_127 = arith.constant 0 : i32
    %dma_start3A_128 = tpu.memref_slice %arg3[%dma_start3A_126, %dma_start3A_127] : memref<800x128xi32, #tpu.memory_space<hbm>> -> memref<800x128xi32, #tpu.memory_space<hbm>>
    tpu.enqueue_indirect_dma source(%dma_start3A_128 : memref<800x128xi32, #tpu.memory_space<hbm>>) target(%arg14 : memref<8x128xi32, #tpu.memory_space<vmem>>) offsets(%arg10 : memref<8xi32, #tpu.memory_space<vmem>>) semaphore(%arg17 : memref<!tpu.dma_semaphore, #tpu.memory_space<semaphore_mem>>)
    %dma_start3A_129 = arith.constant 0 : i32
    %dma_start3A_130 = arith.constant 0 : i32
    %dma_start3A_131 = tpu.memref_slice %arg4[%dma_start3A_129, %dma_start3A_130] : memref<800x128xf32, #tpu.memory_space<hbm>> -> memref<800x128xf32, #tpu.memory_space<hbm>>
    tpu.enqueue_indirect_dma source(%dma_start3A_131 : memref<800x128xf32, #tpu.memory_space<hbm>>) target(%arg16 : memref<8x128xf32, #tpu.memory_space<vmem>>) offsets(%arg10 : memref<8xi32, #tpu.memory_space<vmem>>) semaphore(%arg17 : memref<!tpu.dma_semaphore, #tpu.memory_space<semaphore_mem>>)
    %dma_wait3A_132 = arith.constant 0 : i32
    %dma_wait3A_133 = arith.constant 0 : i32
    %dma_wait3A_134 = tpu.memref_slice %arg2[%dma_wait3A_132, %dma_wait3A_133] : memref<800x4096xf32, #tpu.memory_space<hbm>> -> memref<800x4096xf32, #tpu.memory_space<hbm>>
    tpu.wait_indirect_dma semaphore(%arg17 : memref<!tpu.dma_semaphore, #tpu.memory_space<semaphore_mem>>) src(%dma_wait3A_134 : memref<800x4096xf32, #tpu.memory_space<hbm>>) dst(%arg12 : memref<8x4096xf32, #tpu.memory_space<vmem>>)
    %dma_wait3A_135 = arith.constant 0 : i32
    %dma_wait3A_136 = arith.constant 0 : i32
    %dma_wait3A_137 = tpu.memref_slice %arg3[%dma_wait3A_135, %dma_wait3A_136] : memref<800x128xi32, #tpu.memory_space<hbm>> -> memref<800x128xi32, #tpu.memory_space<hbm>>
    tpu.wait_indirect_dma semaphore(%arg17 : memref<!tpu.dma_semaphore, #tpu.memory_space<semaphore_mem>>) src(%dma_wait3A_137 : memref<800x128xi32, #tpu.memory_space<hbm>>) dst(%arg14 : memref<8x128xi32, #tpu.memory_space<vmem>>)
    %dma_wait3A_138 = arith.constant 0 : i32
    %dma_wait3A_139 = arith.constant 0 : i32
    %dma_wait3A_140 = tpu.memref_slice %arg4[%dma_wait3A_138, %dma_wait3A_139] : memref<800x128xf32, #tpu.memory_space<hbm>> -> memref<800x128xf32, #tpu.memory_space<hbm>>
    tpu.wait_indirect_dma semaphore(%arg17 : memref<!tpu.dma_semaphore, #tpu.memory_space<semaphore_mem>>) src(%dma_wait3A_140 : memref<800x128xf32, #tpu.memory_space<hbm>>) dst(%arg16 : memref<8x128xf32, #tpu.memory_space<vmem>>)
    %dma_start3A_141 = arith.constant 0 : i32
    %dma_start3A_142 = tpu.memref_slice %arg6[%add3A_122, %dma_start3A_141] : memref<5120x4096xf32, #tpu.memory_space<hbm>> -> memref<8x4096xf32, #tpu.memory_space<hbm>>
    %dma_start3A_143 = arith.constant 0 : i32
    %dma_start3A_144 = tpu.memref_slice %arg6[%add3A_122, %dma_start3A_143] : memref<5120x4096xf32, #tpu.memory_space<hbm>> -> memref<8x4096xf32, #tpu.memory_space<hbm>>
    tpu.enqueue_dma source(%arg12 : memref<8x4096xf32, #tpu.memory_space<vmem>>) target(%dma_start3A_144 : memref<8x4096xf32, #tpu.memory_space<hbm>>) target_semaphore(%arg18 : memref<!tpu.dma_semaphore, #tpu.memory_space<semaphore_mem>>)
    %dma_start3A_145 = arith.constant 0 : i32
    %dma_start3A_146 = tpu.memref_slice %arg7[%add3A_122, %dma_start3A_145] : memref<5120x128xi32, #tpu.memory_space<hbm>> -> memref<8x128xi32, #tpu.memory_space<hbm>>
    %dma_start3A_147 = arith.constant 0 : i32
    %dma_start3A_148 = tpu.memref_slice %arg7[%add3A_122, %dma_start3A_147] : memref<5120x128xi32, #tpu.memory_space<hbm>> -> memref<8x128xi32, #tpu.memory_space<hbm>>
    tpu.enqueue_dma source(%arg14 : memref<8x128xi32, #tpu.memory_space<vmem>>) target(%dma_start3A_148 : memref<8x128xi32, #tpu.memory_space<hbm>>) target_semaphore(%arg18 : memref<!tpu.dma_semaphore, #tpu.memory_space<semaphore_mem>>)
    %dma_start3A_149 = arith.constant 0 : i32
    %dma_start3A_150 = tpu.memref_slice %arg8[%add3A_122, %dma_start3A_149] : memref<5120x128xf32, #tpu.memory_space<hbm>> -> memref<8x128xf32, #tpu.memory_space<hbm>>
    %dma_start3A_151 = arith.constant 0 : i32
    %dma_start3A_152 = tpu.memref_slice %arg8[%add3A_122, %dma_start3A_151] : memref<5120x128xf32, #tpu.memory_space<hbm>> -> memref<8x128xf32, #tpu.memory_space<hbm>>
    tpu.enqueue_dma source(%arg16 : memref<8x128xf32, #tpu.memory_space<vmem>>) target(%dma_start3A_152 : memref<8x128xf32, #tpu.memory_space<hbm>>) target_semaphore(%arg18 : memref<!tpu.dma_semaphore, #tpu.memory_space<semaphore_mem>>)
    %dma_wait3A_153 = arith.constant 0 : i32
    %dma_wait3A_154 = tpu.memref_slice %arg6[%add3A_78, %dma_wait3A_153] : memref<5120x4096xf32, #tpu.memory_space<hbm>> -> memref<8x4096xf32, #tpu.memory_space<hbm>>
    %dma_wait3A_155 = arith.constant 0 : i32
    %dma_wait3A_156 = tpu.memref_slice %arg6[%add3A_78, %dma_wait3A_155] : memref<5120x4096xf32, #tpu.memory_space<hbm>> -> memref<8x4096xf32, #tpu.memory_space<hbm>>
    tpu.wait_dma2 semaphore(%arg18 : memref<!tpu.dma_semaphore, #tpu.memory_space<semaphore_mem>>) src(%arg11 : memref<8x4096xf32, #tpu.memory_space<vmem>>) dst(%dma_wait3A_156 : memref<8x4096xf32, #tpu.memory_space<hbm>>)
    %dma_wait3A_157 = arith.constant 0 : i32
    %dma_wait3A_158 = tpu.memref_slice %arg7[%add3A_78, %dma_wait3A_157] : memref<5120x128xi32, #tpu.memory_space<hbm>> -> memref<8x128xi32, #tpu.memory_space<hbm>>
    %dma_wait3A_159 = arith.constant 0 : i32
    %dma_wait3A_160 = tpu.memref_slice %arg7[%add3A_78, %dma_wait3A_159] : memref<5120x128xi32, #tpu.memory_space<hbm>> -> memref<8x128xi32, #tpu.memory_space<hbm>>
    tpu.wait_dma2 semaphore(%arg18 : memref<!tpu.dma_semaphore, #tpu.memory_space<semaphore_mem>>) src(%arg13 : memref<8x128xi32, #tpu.memory_space<vmem>>) dst(%dma_wait3A_160 : memref<8x128xi32, #tpu.memory_space<hbm>>)
    %dma_wait3A_161 = arith.constant 0 : i32
    %dma_wait3A_162 = tpu.memref_slice %arg8[%add3A_78, %dma_wait3A_161] : memref<5120x128xf32, #tpu.memory_space<hbm>> -> memref<8x128xf32, #tpu.memory_space<hbm>>
    %dma_wait3A_163 = arith.constant 0 : i32
    %dma_wait3A_164 = tpu.memref_slice %arg8[%add3A_78, %dma_wait3A_163] : memref<5120x128xf32, #tpu.memory_space<hbm>> -> memref<8x128xf32, #tpu.memory_space<hbm>>
    tpu.wait_dma2 semaphore(%arg18 : memref<!tpu.dma_semaphore, #tpu.memory_space<semaphore_mem>>) src(%arg15 : memref<8x128xf32, #tpu.memory_space<vmem>>) dst(%dma_wait3A_164 : memref<8x128xf32, #tpu.memory_space<hbm>>)
    %add3A_165 = arith.constant 32 : i32
    %add3A_166 = arith.addi %mul3A_2, %add3A_165 : i32
    "tpu.region"() ({
      %run_scoped3A = tpu.sem_alloc : memref<!tpu.dma_semaphore, #tpu.memory_space<semaphore_mem>>
      %dma_start3A_881 = tpu.memref_slice %arg5[%add3A_166] : memref<5120xi32, #tpu.memory_space<hbm>> -> memref<8xi32, #tpu.memory_space<hbm>>
      %dma_start3A_882 = tpu.memref_slice %arg5[%add3A_166] : memref<5120xi32, #tpu.memory_space<hbm>> -> memref<8xi32, #tpu.memory_space<hbm>>
      tpu.enqueue_dma source(%dma_start3A_882 : memref<8xi32, #tpu.memory_space<hbm>>) target(%arg9 : memref<8xi32, #tpu.memory_space<vmem>>) target_semaphore(%run_scoped3A : memref<!tpu.dma_semaphore, #tpu.memory_space<semaphore_mem>>)
      %dma_wait3A_883 = tpu.memref_slice %arg5[%add3A_166] : memref<5120xi32, #tpu.memory_space<hbm>> -> memref<8xi32, #tpu.memory_space<hbm>>
      %dma_wait3A_884 = tpu.memref_slice %arg5[%add3A_166] : memref<5120xi32, #tpu.memory_space<hbm>> -> memref<8xi32, #tpu.memory_space<hbm>>
      tpu.wait_dma2 semaphore(%run_scoped3A : memref<!tpu.dma_semaphore, #tpu.memory_space<semaphore_mem>>) src(%dma_wait3A_884 : memref<8xi32, #tpu.memory_space<hbm>>) dst(%arg9 : memref<8xi32, #tpu.memory_space<vmem>>)
      tpu.yield
    }) : () -> ()
    %dma_start3A_167 = arith.constant 0 : i32
    %dma_start3A_168 = arith.constant 0 : i32
    %dma_start3A_169 = tpu.memref_slice %arg2[%dma_start3A_167, %dma_start3A_168] : memref<800x4096xf32, #tpu.memory_space<hbm>> -> memref<800x4096xf32, #tpu.memory_space<hbm>>
    tpu.enqueue_indirect_dma source(%dma_start3A_169 : memref<800x4096xf32, #tpu.memory_space<hbm>>) target(%arg11 : memref<8x4096xf32, #tpu.memory_space<vmem>>) offsets(%arg9 : memref<8xi32, #tpu.memory_space<vmem>>) semaphore(%arg17 : memref<!tpu.dma_semaphore, #tpu.memory_space<semaphore_mem>>)
    %dma_start3A_170 = arith.constant 0 : i32
    %dma_start3A_171 = arith.constant 0 : i32
    %dma_start3A_172 = tpu.memref_slice %arg3[%dma_start3A_170, %dma_start3A_171] : memref<800x128xi32, #tpu.memory_space<hbm>> -> memref<800x128xi32, #tpu.memory_space<hbm>>
    tpu.enqueue_indirect_dma source(%dma_start3A_172 : memref<800x128xi32, #tpu.memory_space<hbm>>) target(%arg13 : memref<8x128xi32, #tpu.memory_space<vmem>>) offsets(%arg9 : memref<8xi32, #tpu.memory_space<vmem>>) semaphore(%arg17 : memref<!tpu.dma_semaphore, #tpu.memory_space<semaphore_mem>>)
    %dma_start3A_173 = arith.constant 0 : i32
    %dma_start3A_174 = arith.constant 0 : i32
    %dma_start3A_175 = tpu.memref_slice %arg4[%dma_start3A_173, %dma_start3A_174] : memref<800x128xf32, #tpu.memory_space<hbm>> -> memref<800x128xf32, #tpu.memory_space<hbm>>
    tpu.enqueue_indirect_dma source(%dma_start3A_175 : memref<800x128xf32, #tpu.memory_space<hbm>>) target(%arg15 : memref<8x128xf32, #tpu.memory_space<vmem>>) offsets(%arg9 : memref<8xi32, #tpu.memory_space<vmem>>) semaphore(%arg17 : memref<!tpu.dma_semaphore, #tpu.memory_space<semaphore_mem>>)
    %dma_wait3A_176 = arith.constant 0 : i32
    %dma_wait3A_177 = arith.constant 0 : i32
    %dma_wait3A_178 = tpu.memref_slice %arg2[%dma_wait3A_176, %dma_wait3A_177] : memref<800x4096xf32, #tpu.memory_space<hbm>> -> memref<800x4096xf32, #tpu.memory_space<hbm>>
    tpu.wait_indirect_dma semaphore(%arg17 : memref<!tpu.dma_semaphore, #tpu.memory_space<semaphore_mem>>) src(%dma_wait3A_178 : memref<800x4096xf32, #tpu.memory_space<hbm>>) dst(%arg11 : memref<8x4096xf32, #tpu.memory_space<vmem>>)
    %dma_wait3A_179 = arith.constant 0 : i32
    %dma_wait3A_180 = arith.constant 0 : i32
    %dma_wait3A_181 = tpu.memref_slice %arg3[%dma_wait3A_179, %dma_wait3A_180] : memref<800x128xi32, #tpu.memory_space<hbm>> -> memref<800x128xi32, #tpu.memory_space<hbm>>
    tpu.wait_indirect_dma semaphore(%arg17 : memref<!tpu.dma_semaphore, #tpu.memory_space<semaphore_mem>>) src(%dma_wait3A_181 : memref<800x128xi32, #tpu.memory_space<hbm>>) dst(%arg13 : memref<8x128xi32, #tpu.memory_space<vmem>>)
    %dma_wait3A_182 = arith.constant 0 : i32
    %dma_wait3A_183 = arith.constant 0 : i32
    %dma_wait3A_184 = tpu.memref_slice %arg4[%dma_wait3A_182, %dma_wait3A_183] : memref<800x128xf32, #tpu.memory_space<hbm>> -> memref<800x128xf32, #tpu.memory_space<hbm>>
    tpu.wait_indirect_dma semaphore(%arg17 : memref<!tpu.dma_semaphore, #tpu.memory_space<semaphore_mem>>) src(%dma_wait3A_184 : memref<800x128xf32, #tpu.memory_space<hbm>>) dst(%arg15 : memref<8x128xf32, #tpu.memory_space<vmem>>)
    %dma_start3A_185 = arith.constant 0 : i32
    %dma_start3A_186 = tpu.memref_slice %arg6[%add3A_166, %dma_start3A_185] : memref<5120x4096xf32, #tpu.memory_space<hbm>> -> memref<8x4096xf32, #tpu.memory_space<hbm>>
    %dma_start3A_187 = arith.constant 0 : i32
    %dma_start3A_188 = tpu.memref_slice %arg6[%add3A_166, %dma_start3A_187] : memref<5120x4096xf32, #tpu.memory_space<hbm>> -> memref<8x4096xf32, #tpu.memory_space<hbm>>
    tpu.enqueue_dma source(%arg11 : memref<8x4096xf32, #tpu.memory_space<vmem>>) target(%dma_start3A_188 : memref<8x4096xf32, #tpu.memory_space<hbm>>) target_semaphore(%arg18 : memref<!tpu.dma_semaphore, #tpu.memory_space<semaphore_mem>>)
    %dma_start3A_189 = arith.constant 0 : i32
    %dma_start3A_190 = tpu.memref_slice %arg7[%add3A_166, %dma_start3A_189] : memref<5120x128xi32, #tpu.memory_space<hbm>> -> memref<8x128xi32, #tpu.memory_space<hbm>>
    %dma_start3A_191 = arith.constant 0 : i32
    %dma_start3A_192 = tpu.memref_slice %arg7[%add3A_166, %dma_start3A_191] : memref<5120x128xi32, #tpu.memory_space<hbm>> -> memref<8x128xi32, #tpu.memory_space<hbm>>
    tpu.enqueue_dma source(%arg13 : memref<8x128xi32, #tpu.memory_space<vmem>>) target(%dma_start3A_192 : memref<8x128xi32, #tpu.memory_space<hbm>>) target_semaphore(%arg18 : memref<!tpu.dma_semaphore, #tpu.memory_space<semaphore_mem>>)
    %dma_start3A_193 = arith.constant 0 : i32
    %dma_start3A_194 = tpu.memref_slice %arg8[%add3A_166, %dma_start3A_193] : memref<5120x128xf32, #tpu.memory_space<hbm>> -> memref<8x128xf32, #tpu.memory_space<hbm>>
    %dma_start3A_195 = arith.constant 0 : i32
    %dma_start3A_196 = tpu.memref_slice %arg8[%add3A_166, %dma_start3A_195] : memref<5120x128xf32, #tpu.memory_space<hbm>> -> memref<8x128xf32, #tpu.memory_space<hbm>>
    tpu.enqueue_dma source(%arg15 : memref<8x128xf32, #tpu.memory_space<vmem>>) target(%dma_start3A_196 : memref<8x128xf32, #tpu.memory_space<hbm>>) target_semaphore(%arg18 : memref<!tpu.dma_semaphore, #tpu.memory_space<semaphore_mem>>)
    %dma_wait3A_197 = arith.constant 0 : i32
    %dma_wait3A_198 = tpu.memref_slice %arg6[%add3A_122, %dma_wait3A_197] : memref<5120x4096xf32, #tpu.memory_space<hbm>> -> memref<8x4096xf32, #tpu.memory_space<hbm>>
    %dma_wait3A_199 = arith.constant 0 : i32
    %dma_wait3A_200 = tpu.memref_slice %arg6[%add3A_122, %dma_wait3A_199] : memref<5120x4096xf32, #tpu.memory_space<hbm>> -> memref<8x4096xf32, #tpu.memory_space<hbm>>
    tpu.wait_dma2 semaphore(%arg18 : memref<!tpu.dma_semaphore, #tpu.memory_space<semaphore_mem>>) src(%arg12 : memref<8x4096xf32, #tpu.memory_space<vmem>>) dst(%dma_wait3A_200 : memref<8x4096xf32, #tpu.memory_space<hbm>>)
    %dma_wait3A_201 = arith.constant 0 : i32
    %dma_wait3A_202 = tpu.memref_slice %arg7[%add3A_122, %dma_wait3A_201] : memref<5120x128xi32, #tpu.memory_space<hbm>> -> memref<8x128xi32, #tpu.memory_space<hbm>>
    %dma_wait3A_203 = arith.constant 0 : i32
    %dma_wait3A_204 = tpu.memref_slice %arg7[%add3A_122, %dma_wait3A_203] : memref<5120x128xi32, #tpu.memory_space<hbm>> -> memref<8x128xi32, #tpu.memory_space<hbm>>
    tpu.wait_dma2 semaphore(%arg18 : memref<!tpu.dma_semaphore, #tpu.memory_space<semaphore_mem>>) src(%arg14 : memref<8x128xi32, #tpu.memory_space<vmem>>) dst(%dma_wait3A_204 : memref<8x128xi32, #tpu.memory_space<hbm>>)
    %dma_wait3A_205 = arith.constant 0 : i32
    %dma_wait3A_206 = tpu.memref_slice %arg8[%add3A_122, %dma_wait3A_205] : memref<5120x128xf32, #tpu.memory_space<hbm>> -> memref<8x128xf32, #tpu.memory_space<hbm>>
    %dma_wait3A_207 = arith.constant 0 : i32
    %dma_wait3A_208 = tpu.memref_slice %arg8[%add3A_122, %dma_wait3A_207] : memref<5120x128xf32, #tpu.memory_space<hbm>> -> memref<8x128xf32, #tpu.memory_space<hbm>>
    tpu.wait_dma2 semaphore(%arg18 : memref<!tpu.dma_semaphore, #tpu.memory_space<semaphore_mem>>) src(%arg16 : memref<8x128xf32, #tpu.memory_space<vmem>>) dst(%dma_wait3A_208 : memref<8x128xf32, #tpu.memory_space<hbm>>)
    %add3A_209 = arith.constant 40 : i32
    %add3A_210 = arith.addi %mul3A_2, %add3A_209 : i32
    "tpu.region"() ({
      %run_scoped3A = tpu.sem_alloc : memref<!tpu.dma_semaphore, #tpu.memory_space<semaphore_mem>>
      %dma_start3A_881 = tpu.memref_slice %arg5[%add3A_210] : memref<5120xi32, #tpu.memory_space<hbm>> -> memref<8xi32, #tpu.memory_space<hbm>>
      %dma_start3A_882 = tpu.memref_slice %arg5[%add3A_210] : memref<5120xi32, #tpu.memory_space<hbm>> -> memref<8xi32, #tpu.memory_space<hbm>>
      tpu.enqueue_dma source(%dma_start3A_882 : memref<8xi32, #tpu.memory_space<hbm>>) target(%arg10 : memref<8xi32, #tpu.memory_space<vmem>>) target_semaphore(%run_scoped3A : memref<!tpu.dma_semaphore, #tpu.memory_space<semaphore_mem>>)
      %dma_wait3A_883 = tpu.memref_slice %arg5[%add3A_210] : memref<5120xi32, #tpu.memory_space<hbm>> -> memref<8xi32, #tpu.memory_space<hbm>>
      %dma_wait3A_884 = tpu.memref_slice %arg5[%add3A_210] : memref<5120xi32, #tpu.memory_space<hbm>> -> memref<8xi32, #tpu.memory_space<hbm>>
      tpu.wait_dma2 semaphore(%run_scoped3A : memref<!tpu.dma_semaphore, #tpu.memory_space<semaphore_mem>>) src(%dma_wait3A_884 : memref<8xi32, #tpu.memory_space<hbm>>) dst(%arg10 : memref<8xi32, #tpu.memory_space<vmem>>)
      tpu.yield
    }) : () -> ()
    %dma_start3A_211 = arith.constant 0 : i32
    %dma_start3A_212 = arith.constant 0 : i32
    %dma_start3A_213 = tpu.memref_slice %arg2[%dma_start3A_211, %dma_start3A_212] : memref<800x4096xf32, #tpu.memory_space<hbm>> -> memref<800x4096xf32, #tpu.memory_space<hbm>>
    tpu.enqueue_indirect_dma source(%dma_start3A_213 : memref<800x4096xf32, #tpu.memory_space<hbm>>) target(%arg12 : memref<8x4096xf32, #tpu.memory_space<vmem>>) offsets(%arg10 : memref<8xi32, #tpu.memory_space<vmem>>) semaphore(%arg17 : memref<!tpu.dma_semaphore, #tpu.memory_space<semaphore_mem>>)
    %dma_start3A_214 = arith.constant 0 : i32
    %dma_start3A_215 = arith.constant 0 : i32
    %dma_start3A_216 = tpu.memref_slice %arg3[%dma_start3A_214, %dma_start3A_215] : memref<800x128xi32, #tpu.memory_space<hbm>> -> memref<800x128xi32, #tpu.memory_space<hbm>>
    tpu.enqueue_indirect_dma source(%dma_start3A_216 : memref<800x128xi32, #tpu.memory_space<hbm>>) target(%arg14 : memref<8x128xi32, #tpu.memory_space<vmem>>) offsets(%arg10 : memref<8xi32, #tpu.memory_space<vmem>>) semaphore(%arg17 : memref<!tpu.dma_semaphore, #tpu.memory_space<semaphore_mem>>)
    %dma_start3A_217 = arith.constant 0 : i32
    %dma_start3A_218 = arith.constant 0 : i32
    %dma_start3A_219 = tpu.memref_slice %arg4[%dma_start3A_217, %dma_start3A_218] : memref<800x128xf32, #tpu.memory_space<hbm>> -> memref<800x128xf32, #tpu.memory_space<hbm>>
    tpu.enqueue_indirect_dma source(%dma_start3A_219 : memref<800x128xf32, #tpu.memory_space<hbm>>) target(%arg16 : memref<8x128xf32, #tpu.memory_space<vmem>>) offsets(%arg10 : memref<8xi32, #tpu.memory_space<vmem>>) semaphore(%arg17 : memref<!tpu.dma_semaphore, #tpu.memory_space<semaphore_mem>>)
    %dma_wait3A_220 = arith.constant 0 : i32
    %dma_wait3A_221 = arith.constant 0 : i32
    %dma_wait3A_222 = tpu.memref_slice %arg2[%dma_wait3A_220, %dma_wait3A_221] : memref<800x4096xf32, #tpu.memory_space<hbm>> -> memref<800x4096xf32, #tpu.memory_space<hbm>>
    tpu.wait_indirect_dma semaphore(%arg17 : memref<!tpu.dma_semaphore, #tpu.memory_space<semaphore_mem>>) src(%dma_wait3A_222 : memref<800x4096xf32, #tpu.memory_space<hbm>>) dst(%arg12 : memref<8x4096xf32, #tpu.memory_space<vmem>>)
    %dma_wait3A_223 = arith.constant 0 : i32
    %dma_wait3A_224 = arith.constant 0 : i32
    %dma_wait3A_225 = tpu.memref_slice %arg3[%dma_wait3A_223, %dma_wait3A_224] : memref<800x128xi32, #tpu.memory_space<hbm>> -> memref<800x128xi32, #tpu.memory_space<hbm>>
    tpu.wait_indirect_dma semaphore(%arg17 : memref<!tpu.dma_semaphore, #tpu.memory_space<semaphore_mem>>) src(%dma_wait3A_225 : memref<800x128xi32, #tpu.memory_space<hbm>>) dst(%arg14 : memref<8x128xi32, #tpu.memory_space<vmem>>)
    %dma_wait3A_226 = arith.constant 0 : i32
    %dma_wait3A_227 = arith.constant 0 : i32
    %dma_wait3A_228 = tpu.memref_slice %arg4[%dma_wait3A_226, %dma_wait3A_227] : memref<800x128xf32, #tpu.memory_space<hbm>> -> memref<800x128xf32, #tpu.memory_space<hbm>>
    tpu.wait_indirect_dma semaphore(%arg17 : memref<!tpu.dma_semaphore, #tpu.memory_space<semaphore_mem>>) src(%dma_wait3A_228 : memref<800x128xf32, #tpu.memory_space<hbm>>) dst(%arg16 : memref<8x128xf32, #tpu.memory_space<vmem>>)
    %dma_start3A_229 = arith.constant 0 : i32
    %dma_start3A_230 = tpu.memref_slice %arg6[%add3A_210, %dma_start3A_229] : memref<5120x4096xf32, #tpu.memory_space<hbm>> -> memref<8x4096xf32, #tpu.memory_space<hbm>>
    %dma_start3A_231 = arith.constant 0 : i32
    %dma_start3A_232 = tpu.memref_slice %arg6[%add3A_210, %dma_start3A_231] : memref<5120x4096xf32, #tpu.memory_space<hbm>> -> memref<8x4096xf32, #tpu.memory_space<hbm>>
    tpu.enqueue_dma source(%arg12 : memref<8x4096xf32, #tpu.memory_space<vmem>>) target(%dma_start3A_232 : memref<8x4096xf32, #tpu.memory_space<hbm>>) target_semaphore(%arg18 : memref<!tpu.dma_semaphore, #tpu.memory_space<semaphore_mem>>)
    %dma_start3A_233 = arith.constant 0 : i32
    %dma_start3A_234 = tpu.memref_slice %arg7[%add3A_210, %dma_start3A_233] : memref<5120x128xi32, #tpu.memory_space<hbm>> -> memref<8x128xi32, #tpu.memory_space<hbm>>
    %dma_start3A_235 = arith.constant 0 : i32
    %dma_start3A_236 = tpu.memref_slice %arg7[%add3A_210, %dma_start3A_235] : memref<5120x128xi32, #tpu.memory_space<hbm>> -> memref<8x128xi32, #tpu.memory_space<hbm>>
    tpu.enqueue_dma source(%arg14 : memref<8x128xi32, #tpu.memory_space<vmem>>) target(%dma_start3A_236 : memref<8x128xi32, #tpu.memory_space<hbm>>) target_semaphore(%arg18 : memref<!tpu.dma_semaphore, #tpu.memory_space<semaphore_mem>>)
    %dma_start3A_237 = arith.constant 0 : i32
    %dma_start3A_238 = tpu.memref_slice %arg8[%add3A_210, %dma_start3A_237] : memref<5120x128xf32, #tpu.memory_space<hbm>> -> memref<8x128xf32, #tpu.memory_space<hbm>>
    %dma_start3A_239 = arith.constant 0 : i32
    %dma_start3A_240 = tpu.memref_slice %arg8[%add3A_210, %dma_start3A_239] : memref<5120x128xf32, #tpu.memory_space<hbm>> -> memref<8x128xf32, #tpu.memory_space<hbm>>
    tpu.enqueue_dma source(%arg16 : memref<8x128xf32, #tpu.memory_space<vmem>>) target(%dma_start3A_240 : memref<8x128xf32, #tpu.memory_space<hbm>>) target_semaphore(%arg18 : memref<!tpu.dma_semaphore, #tpu.memory_space<semaphore_mem>>)
    %dma_wait3A_241 = arith.constant 0 : i32
    %dma_wait3A_242 = tpu.memref_slice %arg6[%add3A_166, %dma_wait3A_241] : memref<5120x4096xf32, #tpu.memory_space<hbm>> -> memref<8x4096xf32, #tpu.memory_space<hbm>>
    %dma_wait3A_243 = arith.constant 0 : i32
    %dma_wait3A_244 = tpu.memref_slice %arg6[%add3A_166, %dma_wait3A_243] : memref<5120x4096xf32, #tpu.memory_space<hbm>> -> memref<8x4096xf32, #tpu.memory_space<hbm>>
    tpu.wait_dma2 semaphore(%arg18 : memref<!tpu.dma_semaphore, #tpu.memory_space<semaphore_mem>>) src(%arg11 : memref<8x4096xf32, #tpu.memory_space<vmem>>) dst(%dma_wait3A_244 : memref<8x4096xf32, #tpu.memory_space<hbm>>)
    %dma_wait3A_245 = arith.constant 0 : i32
    %dma_wait3A_246 = tpu.memref_slice %arg7[%add3A_166, %dma_wait3A_245] : memref<5120x128xi32, #tpu.memory_space<hbm>> -> memref<8x128xi32, #tpu.memory_space<hbm>>
    %dma_wait3A_247 = arith.constant 0 : i32
    %dma_wait3A_248 = tpu.memref_slice %arg7[%add3A_166, %dma_wait3A_247] : memref<5120x128xi32, #tpu.memory_space<hbm>> -> memref<8x128xi32, #tpu.memory_space<hbm>>
    tpu.wait_dma2 semaphore(%arg18 : memref<!tpu.dma_semaphore, #tpu.memory_space<semaphore_mem>>) src(%arg13 : memref<8x128xi32, #tpu.memory_space<vmem>>) dst(%dma_wait3A_248 : memref<8x128xi32, #tpu.memory_space<hbm>>)
    %dma_wait3A_249 = arith.constant 0 : i32
    %dma_wait3A_250 = tpu.memref_slice %arg8[%add3A_166, %dma_wait3A_249] : memref<5120x128xf32, #tpu.memory_space<hbm>> -> memref<8x128xf32, #tpu.memory_space<hbm>>
    %dma_wait3A_251 = arith.constant 0 : i32
    %dma_wait3A_252 = tpu.memref_slice %arg8[%add3A_166, %dma_wait3A_251] : memref<5120x128xf32, #tpu.memory_space<hbm>> -> memref<8x128xf32, #tpu.memory_space<hbm>>
    tpu.wait_dma2 semaphore(%arg18 : memref<!tpu.dma_semaphore, #tpu.memory_space<semaphore_mem>>) src(%arg15 : memref<8x128xf32, #tpu.memory_space<vmem>>) dst(%dma_wait3A_252 : memref<8x128xf32, #tpu.memory_space<hbm>>)
    %add3A_253 = arith.constant 48 : i32
    %add3A_254 = arith.addi %mul3A_2, %add3A_253 : i32
    "tpu.region"() ({
      %run_scoped3A = tpu.sem_alloc : memref<!tpu.dma_semaphore, #tpu.memory_space<semaphore_mem>>
      %dma_start3A_881 = tpu.memref_slice %arg5[%add3A_254] : memref<5120xi32, #tpu.memory_space<hbm>> -> memref<8xi32, #tpu.memory_space<hbm>>
      %dma_start3A_882 = tpu.memref_slice %arg5[%add3A_254] : memref<5120xi32, #tpu.memory_space<hbm>> -> memref<8xi32, #tpu.memory_space<hbm>>
      tpu.enqueue_dma source(%dma_start3A_882 : memref<8xi32, #tpu.memory_space<hbm>>) target(%arg9 : memref<8xi32, #tpu.memory_space<vmem>>) target_semaphore(%run_scoped3A : memref<!tpu.dma_semaphore, #tpu.memory_space<semaphore_mem>>)
      %dma_wait3A_883 = tpu.memref_slice %arg5[%add3A_254] : memref<5120xi32, #tpu.memory_space<hbm>> -> memref<8xi32, #tpu.memory_space<hbm>>
      %dma_wait3A_884 = tpu.memref_slice %arg5[%add3A_254] : memref<5120xi32, #tpu.memory_space<hbm>> -> memref<8xi32, #tpu.memory_space<hbm>>
      tpu.wait_dma2 semaphore(%run_scoped3A : memref<!tpu.dma_semaphore, #tpu.memory_space<semaphore_mem>>) src(%dma_wait3A_884 : memref<8xi32, #tpu.memory_space<hbm>>) dst(%arg9 : memref<8xi32, #tpu.memory_space<vmem>>)
      tpu.yield
    }) : () -> ()
    %dma_start3A_255 = arith.constant 0 : i32
    %dma_start3A_256 = arith.constant 0 : i32
    %dma_start3A_257 = tpu.memref_slice %arg2[%dma_start3A_255, %dma_start3A_256] : memref<800x4096xf32, #tpu.memory_space<hbm>> -> memref<800x4096xf32, #tpu.memory_space<hbm>>
    tpu.enqueue_indirect_dma source(%dma_start3A_257 : memref<800x4096xf32, #tpu.memory_space<hbm>>) target(%arg11 : memref<8x4096xf32, #tpu.memory_space<vmem>>) offsets(%arg9 : memref<8xi32, #tpu.memory_space<vmem>>) semaphore(%arg17 : memref<!tpu.dma_semaphore, #tpu.memory_space<semaphore_mem>>)
    %dma_start3A_258 = arith.constant 0 : i32
    %dma_start3A_259 = arith.constant 0 : i32
    %dma_start3A_260 = tpu.memref_slice %arg3[%dma_start3A_258, %dma_start3A_259] : memref<800x128xi32, #tpu.memory_space<hbm>> -> memref<800x128xi32, #tpu.memory_space<hbm>>
    tpu.enqueue_indirect_dma source(%dma_start3A_260 : memref<800x128xi32, #tpu.memory_space<hbm>>) target(%arg13 : memref<8x128xi32, #tpu.memory_space<vmem>>) offsets(%arg9 : memref<8xi32, #tpu.memory_space<vmem>>) semaphore(%arg17 : memref<!tpu.dma_semaphore, #tpu.memory_space<semaphore_mem>>)
    %dma_start3A_261 = arith.constant 0 : i32
    %dma_start3A_262 = arith.constant 0 : i32
    %dma_start3A_263 = tpu.memref_slice %arg4[%dma_start3A_261, %dma_start3A_262] : memref<800x128xf32, #tpu.memory_space<hbm>> -> memref<800x128xf32, #tpu.memory_space<hbm>>
    tpu.enqueue_indirect_dma source(%dma_start3A_263 : memref<800x128xf32, #tpu.memory_space<hbm>>) target(%arg15 : memref<8x128xf32, #tpu.memory_space<vmem>>) offsets(%arg9 : memref<8xi32, #tpu.memory_space<vmem>>) semaphore(%arg17 : memref<!tpu.dma_semaphore, #tpu.memory_space<semaphore_mem>>)
    %dma_wait3A_264 = arith.constant 0 : i32
    %dma_wait3A_265 = arith.constant 0 : i32
    %dma_wait3A_266 = tpu.memref_slice %arg2[%dma_wait3A_264, %dma_wait3A_265] : memref<800x4096xf32, #tpu.memory_space<hbm>> -> memref<800x4096xf32, #tpu.memory_space<hbm>>
    tpu.wait_indirect_dma semaphore(%arg17 : memref<!tpu.dma_semaphore, #tpu.memory_space<semaphore_mem>>) src(%dma_wait3A_266 : memref<800x4096xf32, #tpu.memory_space<hbm>>) dst(%arg11 : memref<8x4096xf32, #tpu.memory_space<vmem>>)
    %dma_wait3A_267 = arith.constant 0 : i32
    %dma_wait3A_268 = arith.constant 0 : i32
    %dma_wait3A_269 = tpu.memref_slice %arg3[%dma_wait3A_267, %dma_wait3A_268] : memref<800x128xi32, #tpu.memory_space<hbm>> -> memref<800x128xi32, #tpu.memory_space<hbm>>
    tpu.wait_indirect_dma semaphore(%arg17 : memref<!tpu.dma_semaphore, #tpu.memory_space<semaphore_mem>>) src(%dma_wait3A_269 : memref<800x128xi32, #tpu.memory_space<hbm>>) dst(%arg13 : memref<8x128xi32, #tpu.memory_space<vmem>>)
    %dma_wait3A_270 = arith.constant 0 : i32
    %dma_wait3A_271 = arith.constant 0 : i32
    %dma_wait3A_272 = tpu.memref_slice %arg4[%dma_wait3A_270, %dma_wait3A_271] : memref<800x128xf32, #tpu.memory_space<hbm>> -> memref<800x128xf32, #tpu.memory_space<hbm>>
    tpu.wait_indirect_dma semaphore(%arg17 : memref<!tpu.dma_semaphore, #tpu.memory_space<semaphore_mem>>) src(%dma_wait3A_272 : memref<800x128xf32, #tpu.memory_space<hbm>>) dst(%arg15 : memref<8x128xf32, #tpu.memory_space<vmem>>)
    %dma_start3A_273 = arith.constant 0 : i32
    %dma_start3A_274 = tpu.memref_slice %arg6[%add3A_254, %dma_start3A_273] : memref<5120x4096xf32, #tpu.memory_space<hbm>> -> memref<8x4096xf32, #tpu.memory_space<hbm>>
    %dma_start3A_275 = arith.constant 0 : i32
    %dma_start3A_276 = tpu.memref_slice %arg6[%add3A_254, %dma_start3A_275] : memref<5120x4096xf32, #tpu.memory_space<hbm>> -> memref<8x4096xf32, #tpu.memory_space<hbm>>
    tpu.enqueue_dma source(%arg11 : memref<8x4096xf32, #tpu.memory_space<vmem>>) target(%dma_start3A_276 : memref<8x4096xf32, #tpu.memory_space<hbm>>) target_semaphore(%arg18 : memref<!tpu.dma_semaphore, #tpu.memory_space<semaphore_mem>>)
    %dma_start3A_277 = arith.constant 0 : i32
    %dma_start3A_278 = tpu.memref_slice %arg7[%add3A_254, %dma_start3A_277] : memref<5120x128xi32, #tpu.memory_space<hbm>> -> memref<8x128xi32, #tpu.memory_space<hbm>>
    %dma_start3A_279 = arith.constant 0 : i32
    %dma_start3A_280 = tpu.memref_slice %arg7[%add3A_254, %dma_start3A_279] : memref<5120x128xi32, #tpu.memory_space<hbm>> -> memref<8x128xi32, #tpu.memory_space<hbm>>
    tpu.enqueue_dma source(%arg13 : memref<8x128xi32, #tpu.memory_space<vmem>>) target(%dma_start3A_280 : memref<8x128xi32, #tpu.memory_space<hbm>>) target_semaphore(%arg18 : memref<!tpu.dma_semaphore, #tpu.memory_space<semaphore_mem>>)
    %dma_start3A_281 = arith.constant 0 : i32
    %dma_start3A_282 = tpu.memref_slice %arg8[%add3A_254, %dma_start3A_281] : memref<5120x128xf32, #tpu.memory_space<hbm>> -> memref<8x128xf32, #tpu.memory_space<hbm>>
    %dma_start3A_283 = arith.constant 0 : i32
    %dma_start3A_284 = tpu.memref_slice %arg8[%add3A_254, %dma_start3A_283] : memref<5120x128xf32, #tpu.memory_space<hbm>> -> memref<8x128xf32, #tpu.memory_space<hbm>>
    tpu.enqueue_dma source(%arg15 : memref<8x128xf32, #tpu.memory_space<vmem>>) target(%dma_start3A_284 : memref<8x128xf32, #tpu.memory_space<hbm>>) target_semaphore(%arg18 : memref<!tpu.dma_semaphore, #tpu.memory_space<semaphore_mem>>)
    %dma_wait3A_285 = arith.constant 0 : i32
    %dma_wait3A_286 = tpu.memref_slice %arg6[%add3A_210, %dma_wait3A_285] : memref<5120x4096xf32, #tpu.memory_space<hbm>> -> memref<8x4096xf32, #tpu.memory_space<hbm>>
    %dma_wait3A_287 = arith.constant 0 : i32
    %dma_wait3A_288 = tpu.memref_slice %arg6[%add3A_210, %dma_wait3A_287] : memref<5120x4096xf32, #tpu.memory_space<hbm>> -> memref<8x4096xf32, #tpu.memory_space<hbm>>
    tpu.wait_dma2 semaphore(%arg18 : memref<!tpu.dma_semaphore, #tpu.memory_space<semaphore_mem>>) src(%arg12 : memref<8x4096xf32, #tpu.memory_space<vmem>>) dst(%dma_wait3A_288 : memref<8x4096xf32, #tpu.memory_space<hbm>>)
    %dma_wait3A_289 = arith.constant 0 : i32
    %dma_wait3A_290 = tpu.memref_slice %arg7[%add3A_210, %dma_wait3A_289] : memref<5120x128xi32, #tpu.memory_space<hbm>> -> memref<8x128xi32, #tpu.memory_space<hbm>>
    %dma_wait3A_291 = arith.constant 0 : i32
    %dma_wait3A_292 = tpu.memref_slice %arg7[%add3A_210, %dma_wait3A_291] : memref<5120x128xi32, #tpu.memory_space<hbm>> -> memref<8x128xi32, #tpu.memory_space<hbm>>
    tpu.wait_dma2 semaphore(%arg18 : memref<!tpu.dma_semaphore, #tpu.memory_space<semaphore_mem>>) src(%arg14 : memref<8x128xi32, #tpu.memory_space<vmem>>) dst(%dma_wait3A_292 : memref<8x128xi32, #tpu.memory_space<hbm>>)
    %dma_wait3A_293 = arith.constant 0 : i32
    %dma_wait3A_294 = tpu.memref_slice %arg8[%add3A_210, %dma_wait3A_293] : memref<5120x128xf32, #tpu.memory_space<hbm>> -> memref<8x128xf32, #tpu.memory_space<hbm>>
    %dma_wait3A_295 = arith.constant 0 : i32
    %dma_wait3A_296 = tpu.memref_slice %arg8[%add3A_210, %dma_wait3A_295] : memref<5120x128xf32, #tpu.memory_space<hbm>> -> memref<8x128xf32, #tpu.memory_space<hbm>>
    tpu.wait_dma2 semaphore(%arg18 : memref<!tpu.dma_semaphore, #tpu.memory_space<semaphore_mem>>) src(%arg16 : memref<8x128xf32, #tpu.memory_space<vmem>>) dst(%dma_wait3A_296 : memref<8x128xf32, #tpu.memory_space<hbm>>)
    %add3A_297 = arith.constant 56 : i32
    %add3A_298 = arith.addi %mul3A_2, %add3A_297 : i32
    "tpu.region"() ({
      %run_scoped3A = tpu.sem_alloc : memref<!tpu.dma_semaphore, #tpu.memory_space<semaphore_mem>>
      %dma_start3A_881 = tpu.memref_slice %arg5[%add3A_298] : memref<5120xi32, #tpu.memory_space<hbm>> -> memref<8xi32, #tpu.memory_space<hbm>>
      %dma_start3A_882 = tpu.memref_slice %arg5[%add3A_298] : memref<5120xi32, #tpu.memory_space<hbm>> -> memref<8xi32, #tpu.memory_space<hbm>>
      tpu.enqueue_dma source(%dma_start3A_882 : memref<8xi32, #tpu.memory_space<hbm>>) target(%arg10 : memref<8xi32, #tpu.memory_space<vmem>>) target_semaphore(%run_scoped3A : memref<!tpu.dma_semaphore, #tpu.memory_space<semaphore_mem>>)
      %dma_wait3A_883 = tpu.memref_slice %arg5[%add3A_298] : memref<5120xi32, #tpu.memory_space<hbm>> -> memref<8xi32, #tpu.memory_space<hbm>>
      %dma_wait3A_884 = tpu.memref_slice %arg5[%add3A_298] : memref<5120xi32, #tpu.memory_space<hbm>> -> memref<8xi32, #tpu.memory_space<hbm>>
      tpu.wait_dma2 semaphore(%run_scoped3A : memref<!tpu.dma_semaphore, #tpu.memory_space<semaphore_mem>>) src(%dma_wait3A_884 : memref<8xi32, #tpu.memory_space<hbm>>) dst(%arg10 : memref<8xi32, #tpu.memory_space<vmem>>)
      tpu.yield
    }) : () -> ()
    %dma_start3A_299 = arith.constant 0 : i32
    %dma_start3A_300 = arith.constant 0 : i32
    %dma_start3A_301 = tpu.memref_slice %arg2[%dma_start3A_299, %dma_start3A_300] : memref<800x4096xf32, #tpu.memory_space<hbm>> -> memref<800x4096xf32, #tpu.memory_space<hbm>>
    tpu.enqueue_indirect_dma source(%dma_start3A_301 : memref<800x4096xf32, #tpu.memory_space<hbm>>) target(%arg12 : memref<8x4096xf32, #tpu.memory_space<vmem>>) offsets(%arg10 : memref<8xi32, #tpu.memory_space<vmem>>) semaphore(%arg17 : memref<!tpu.dma_semaphore, #tpu.memory_space<semaphore_mem>>)
    %dma_start3A_302 = arith.constant 0 : i32
    %dma_start3A_303 = arith.constant 0 : i32
    %dma_start3A_304 = tpu.memref_slice %arg3[%dma_start3A_302, %dma_start3A_303] : memref<800x128xi32, #tpu.memory_space<hbm>> -> memref<800x128xi32, #tpu.memory_space<hbm>>
    tpu.enqueue_indirect_dma source(%dma_start3A_304 : memref<800x128xi32, #tpu.memory_space<hbm>>) target(%arg14 : memref<8x128xi32, #tpu.memory_space<vmem>>) offsets(%arg10 : memref<8xi32, #tpu.memory_space<vmem>>) semaphore(%arg17 : memref<!tpu.dma_semaphore, #tpu.memory_space<semaphore_mem>>)
    %dma_start3A_305 = arith.constant 0 : i32
    %dma_start3A_306 = arith.constant 0 : i32
    %dma_start3A_307 = tpu.memref_slice %arg4[%dma_start3A_305, %dma_start3A_306] : memref<800x128xf32, #tpu.memory_space<hbm>> -> memref<800x128xf32, #tpu.memory_space<hbm>>
    tpu.enqueue_indirect_dma source(%dma_start3A_307 : memref<800x128xf32, #tpu.memory_space<hbm>>) target(%arg16 : memref<8x128xf32, #tpu.memory_space<vmem>>) offsets(%arg10 : memref<8xi32, #tpu.memory_space<vmem>>) semaphore(%arg17 : memref<!tpu.dma_semaphore, #tpu.memory_space<semaphore_mem>>)
    %dma_wait3A_308 = arith.constant 0 : i32
    %dma_wait3A_309 = arith.constant 0 : i32
    %dma_wait3A_310 = tpu.memref_slice %arg2[%dma_wait3A_308, %dma_wait3A_309] : memref<800x4096xf32, #tpu.memory_space<hbm>> -> memref<800x4096xf32, #tpu.memory_space<hbm>>
    tpu.wait_indirect_dma semaphore(%arg17 : memref<!tpu.dma_semaphore, #tpu.memory_space<semaphore_mem>>) src(%dma_wait3A_310 : memref<800x4096xf32, #tpu.memory_space<hbm>>) dst(%arg12 : memref<8x4096xf32, #tpu.memory_space<vmem>>)
    %dma_wait3A_311 = arith.constant 0 : i32
    %dma_wait3A_312 = arith.constant 0 : i32
    %dma_wait3A_313 = tpu.memref_slice %arg3[%dma_wait3A_311, %dma_wait3A_312] : memref<800x128xi32, #tpu.memory_space<hbm>> -> memref<800x128xi32, #tpu.memory_space<hbm>>
    tpu.wait_indirect_dma semaphore(%arg17 : memref<!tpu.dma_semaphore, #tpu.memory_space<semaphore_mem>>) src(%dma_wait3A_313 : memref<800x128xi32, #tpu.memory_space<hbm>>) dst(%arg14 : memref<8x128xi32, #tpu.memory_space<vmem>>)
    %dma_wait3A_314 = arith.constant 0 : i32
    %dma_wait3A_315 = arith.constant 0 : i32
    %dma_wait3A_316 = tpu.memref_slice %arg4[%dma_wait3A_314, %dma_wait3A_315] : memref<800x128xf32, #tpu.memory_space<hbm>> -> memref<800x128xf32, #tpu.memory_space<hbm>>
    tpu.wait_indirect_dma semaphore(%arg17 : memref<!tpu.dma_semaphore, #tpu.memory_space<semaphore_mem>>) src(%dma_wait3A_316 : memref<800x128xf32, #tpu.memory_space<hbm>>) dst(%arg16 : memref<8x128xf32, #tpu.memory_space<vmem>>)
    %dma_start3A_317 = arith.constant 0 : i32
    %dma_start3A_318 = tpu.memref_slice %arg6[%add3A_298, %dma_start3A_317] : memref<5120x4096xf32, #tpu.memory_space<hbm>> -> memref<8x4096xf32, #tpu.memory_space<hbm>>
    %dma_start3A_319 = arith.constant 0 : i32
    %dma_start3A_320 = tpu.memref_slice %arg6[%add3A_298, %dma_start3A_319] : memref<5120x4096xf32, #tpu.memory_space<hbm>> -> memref<8x4096xf32, #tpu.memory_space<hbm>>
    tpu.enqueue_dma source(%arg12 : memref<8x4096xf32, #tpu.memory_space<vmem>>) target(%dma_start3A_320 : memref<8x4096xf32, #tpu.memory_space<hbm>>) target_semaphore(%arg18 : memref<!tpu.dma_semaphore, #tpu.memory_space<semaphore_mem>>)
    %dma_start3A_321 = arith.constant 0 : i32
    %dma_start3A_322 = tpu.memref_slice %arg7[%add3A_298, %dma_start3A_321] : memref<5120x128xi32, #tpu.memory_space<hbm>> -> memref<8x128xi32, #tpu.memory_space<hbm>>
    %dma_start3A_323 = arith.constant 0 : i32
    %dma_start3A_324 = tpu.memref_slice %arg7[%add3A_298, %dma_start3A_323] : memref<5120x128xi32, #tpu.memory_space<hbm>> -> memref<8x128xi32, #tpu.memory_space<hbm>>
    tpu.enqueue_dma source(%arg14 : memref<8x128xi32, #tpu.memory_space<vmem>>) target(%dma_start3A_324 : memref<8x128xi32, #tpu.memory_space<hbm>>) target_semaphore(%arg18 : memref<!tpu.dma_semaphore, #tpu.memory_space<semaphore_mem>>)
    %dma_start3A_325 = arith.constant 0 : i32
    %dma_start3A_326 = tpu.memref_slice %arg8[%add3A_298, %dma_start3A_325] : memref<5120x128xf32, #tpu.memory_space<hbm>> -> memref<8x128xf32, #tpu.memory_space<hbm>>
    %dma_start3A_327 = arith.constant 0 : i32
    %dma_start3A_328 = tpu.memref_slice %arg8[%add3A_298, %dma_start3A_327] : memref<5120x128xf32, #tpu.memory_space<hbm>> -> memref<8x128xf32, #tpu.memory_space<hbm>>
    tpu.enqueue_dma source(%arg16 : memref<8x128xf32, #tpu.memory_space<vmem>>) target(%dma_start3A_328 : memref<8x128xf32, #tpu.memory_space<hbm>>) target_semaphore(%arg18 : memref<!tpu.dma_semaphore, #tpu.memory_space<semaphore_mem>>)
    %dma_wait3A_329 = arith.constant 0 : i32
    %dma_wait3A_330 = tpu.memref_slice %arg6[%add3A_254, %dma_wait3A_329] : memref<5120x4096xf32, #tpu.memory_space<hbm>> -> memref<8x4096xf32, #tpu.memory_space<hbm>>
    %dma_wait3A_331 = arith.constant 0 : i32
    %dma_wait3A_332 = tpu.memref_slice %arg6[%add3A_254, %dma_wait3A_331] : memref<5120x4096xf32, #tpu.memory_space<hbm>> -> memref<8x4096xf32, #tpu.memory_space<hbm>>
    tpu.wait_dma2 semaphore(%arg18 : memref<!tpu.dma_semaphore, #tpu.memory_space<semaphore_mem>>) src(%arg11 : memref<8x4096xf32, #tpu.memory_space<vmem>>) dst(%dma_wait3A_332 : memref<8x4096xf32, #tpu.memory_space<hbm>>)
    %dma_wait3A_333 = arith.constant 0 : i32
    %dma_wait3A_334 = tpu.memref_slice %arg7[%add3A_254, %dma_wait3A_333] : memref<5120x128xi32, #tpu.memory_space<hbm>> -> memref<8x128xi32, #tpu.memory_space<hbm>>
    %dma_wait3A_335 = arith.constant 0 : i32
    %dma_wait3A_336 = tpu.memref_slice %arg7[%add3A_254, %dma_wait3A_335] : memref<5120x128xi32, #tpu.memory_space<hbm>> -> memref<8x128xi32, #tpu.memory_space<hbm>>
    tpu.wait_dma2 semaphore(%arg18 : memref<!tpu.dma_semaphore, #tpu.memory_space<semaphore_mem>>) src(%arg13 : memref<8x128xi32, #tpu.memory_space<vmem>>) dst(%dma_wait3A_336 : memref<8x128xi32, #tpu.memory_space<hbm>>)
    %dma_wait3A_337 = arith.constant 0 : i32
    %dma_wait3A_338 = tpu.memref_slice %arg8[%add3A_254, %dma_wait3A_337] : memref<5120x128xf32, #tpu.memory_space<hbm>> -> memref<8x128xf32, #tpu.memory_space<hbm>>
    %dma_wait3A_339 = arith.constant 0 : i32
    %dma_wait3A_340 = tpu.memref_slice %arg8[%add3A_254, %dma_wait3A_339] : memref<5120x128xf32, #tpu.memory_space<hbm>> -> memref<8x128xf32, #tpu.memory_space<hbm>>
    tpu.wait_dma2 semaphore(%arg18 : memref<!tpu.dma_semaphore, #tpu.memory_space<semaphore_mem>>) src(%arg15 : memref<8x128xf32, #tpu.memory_space<vmem>>) dst(%dma_wait3A_340 : memref<8x128xf32, #tpu.memory_space<hbm>>)
    %add3A_341 = arith.constant 64 : i32
    %add3A_342 = arith.addi %mul3A_2, %add3A_341 : i32
    "tpu.region"() ({
      %run_scoped3A = tpu.sem_alloc : memref<!tpu.dma_semaphore, #tpu.memory_space<semaphore_mem>>
      %dma_start3A_881 = tpu.memref_slice %arg5[%add3A_342] : memref<5120xi32, #tpu.memory_space<hbm>> -> memref<8xi32, #tpu.memory_space<hbm>>
      %dma_start3A_882 = tpu.memref_slice %arg5[%add3A_342] : memref<5120xi32, #tpu.memory_space<hbm>> -> memref<8xi32, #tpu.memory_space<hbm>>
      tpu.enqueue_dma source(%dma_start3A_882 : memref<8xi32, #tpu.memory_space<hbm>>) target(%arg9 : memref<8xi32, #tpu.memory_space<vmem>>) target_semaphore(%run_scoped3A : memref<!tpu.dma_semaphore, #tpu.memory_space<semaphore_mem>>)
      %dma_wait3A_883 = tpu.memref_slice %arg5[%add3A_342] : memref<5120xi32, #tpu.memory_space<hbm>> -> memref<8xi32, #tpu.memory_space<hbm>>
      %dma_wait3A_884 = tpu.memref_slice %arg5[%add3A_342] : memref<5120xi32, #tpu.memory_space<hbm>> -> memref<8xi32, #tpu.memory_space<hbm>>
      tpu.wait_dma2 semaphore(%run_scoped3A : memref<!tpu.dma_semaphore, #tpu.memory_space<semaphore_mem>>) src(%dma_wait3A_884 : memref<8xi32, #tpu.memory_space<hbm>>) dst(%arg9 : memref<8xi32, #tpu.memory_space<vmem>>)
      tpu.yield
    }) : () -> ()
    %dma_start3A_343 = arith.constant 0 : i32
    %dma_start3A_344 = arith.constant 0 : i32
    %dma_start3A_345 = tpu.memref_slice %arg2[%dma_start3A_343, %dma_start3A_344] : memref<800x4096xf32, #tpu.memory_space<hbm>> -> memref<800x4096xf32, #tpu.memory_space<hbm>>
    tpu.enqueue_indirect_dma source(%dma_start3A_345 : memref<800x4096xf32, #tpu.memory_space<hbm>>) target(%arg11 : memref<8x4096xf32, #tpu.memory_space<vmem>>) offsets(%arg9 : memref<8xi32, #tpu.memory_space<vmem>>) semaphore(%arg17 : memref<!tpu.dma_semaphore, #tpu.memory_space<semaphore_mem>>)
    %dma_start3A_346 = arith.constant 0 : i32
    %dma_start3A_347 = arith.constant 0 : i32
    %dma_start3A_348 = tpu.memref_slice %arg3[%dma_start3A_346, %dma_start3A_347] : memref<800x128xi32, #tpu.memory_space<hbm>> -> memref<800x128xi32, #tpu.memory_space<hbm>>
    tpu.enqueue_indirect_dma source(%dma_start3A_348 : memref<800x128xi32, #tpu.memory_space<hbm>>) target(%arg13 : memref<8x128xi32, #tpu.memory_space<vmem>>) offsets(%arg9 : memref<8xi32, #tpu.memory_space<vmem>>) semaphore(%arg17 : memref<!tpu.dma_semaphore, #tpu.memory_space<semaphore_mem>>)
    %dma_start3A_349 = arith.constant 0 : i32
    %dma_start3A_350 = arith.constant 0 : i32
    %dma_start3A_351 = tpu.memref_slice %arg4[%dma_start3A_349, %dma_start3A_350] : memref<800x128xf32, #tpu.memory_space<hbm>> -> memref<800x128xf32, #tpu.memory_space<hbm>>
    tpu.enqueue_indirect_dma source(%dma_start3A_351 : memref<800x128xf32, #tpu.memory_space<hbm>>) target(%arg15 : memref<8x128xf32, #tpu.memory_space<vmem>>) offsets(%arg9 : memref<8xi32, #tpu.memory_space<vmem>>) semaphore(%arg17 : memref<!tpu.dma_semaphore, #tpu.memory_space<semaphore_mem>>)
    %dma_wait3A_352 = arith.constant 0 : i32
    %dma_wait3A_353 = arith.constant 0 : i32
    %dma_wait3A_354 = tpu.memref_slice %arg2[%dma_wait3A_352, %dma_wait3A_353] : memref<800x4096xf32, #tpu.memory_space<hbm>> -> memref<800x4096xf32, #tpu.memory_space<hbm>>
    tpu.wait_indirect_dma semaphore(%arg17 : memref<!tpu.dma_semaphore, #tpu.memory_space<semaphore_mem>>) src(%dma_wait3A_354 : memref<800x4096xf32, #tpu.memory_space<hbm>>) dst(%arg11 : memref<8x4096xf32, #tpu.memory_space<vmem>>)
    %dma_wait3A_355 = arith.constant 0 : i32
    %dma_wait3A_356 = arith.constant 0 : i32
    %dma_wait3A_357 = tpu.memref_slice %arg3[%dma_wait3A_355, %dma_wait3A_356] : memref<800x128xi32, #tpu.memory_space<hbm>> -> memref<800x128xi32, #tpu.memory_space<hbm>>
    tpu.wait_indirect_dma semaphore(%arg17 : memref<!tpu.dma_semaphore, #tpu.memory_space<semaphore_mem>>) src(%dma_wait3A_357 : memref<800x128xi32, #tpu.memory_space<hbm>>) dst(%arg13 : memref<8x128xi32, #tpu.memory_space<vmem>>)
    %dma_wait3A_358 = arith.constant 0 : i32
    %dma_wait3A_359 = arith.constant 0 : i32
    %dma_wait3A_360 = tpu.memref_slice %arg4[%dma_wait3A_358, %dma_wait3A_359] : memref<800x128xf32, #tpu.memory_space<hbm>> -> memref<800x128xf32, #tpu.memory_space<hbm>>
    tpu.wait_indirect_dma semaphore(%arg17 : memref<!tpu.dma_semaphore, #tpu.memory_space<semaphore_mem>>) src(%dma_wait3A_360 : memref<800x128xf32, #tpu.memory_space<hbm>>) dst(%arg15 : memref<8x128xf32, #tpu.memory_space<vmem>>)
    %dma_start3A_361 = arith.constant 0 : i32
    %dma_start3A_362 = tpu.memref_slice %arg6[%add3A_342, %dma_start3A_361] : memref<5120x4096xf32, #tpu.memory_space<hbm>> -> memref<8x4096xf32, #tpu.memory_space<hbm>>
    %dma_start3A_363 = arith.constant 0 : i32
    %dma_start3A_364 = tpu.memref_slice %arg6[%add3A_342, %dma_start3A_363] : memref<5120x4096xf32, #tpu.memory_space<hbm>> -> memref<8x4096xf32, #tpu.memory_space<hbm>>
    tpu.enqueue_dma source(%arg11 : memref<8x4096xf32, #tpu.memory_space<vmem>>) target(%dma_start3A_364 : memref<8x4096xf32, #tpu.memory_space<hbm>>) target_semaphore(%arg18 : memref<!tpu.dma_semaphore, #tpu.memory_space<semaphore_mem>>)
    %dma_start3A_365 = arith.constant 0 : i32
    %dma_start3A_366 = tpu.memref_slice %arg7[%add3A_342, %dma_start3A_365] : memref<5120x128xi32, #tpu.memory_space<hbm>> -> memref<8x128xi32, #tpu.memory_space<hbm>>
    %dma_start3A_367 = arith.constant 0 : i32
    %dma_start3A_368 = tpu.memref_slice %arg7[%add3A_342, %dma_start3A_367] : memref<5120x128xi32, #tpu.memory_space<hbm>> -> memref<8x128xi32, #tpu.memory_space<hbm>>
    tpu.enqueue_dma source(%arg13 : memref<8x128xi32, #tpu.memory_space<vmem>>) target(%dma_start3A_368 : memref<8x128xi32, #tpu.memory_space<hbm>>) target_semaphore(%arg18 : memref<!tpu.dma_semaphore, #tpu.memory_space<semaphore_mem>>)
    %dma_start3A_369 = arith.constant 0 : i32
    %dma_start3A_370 = tpu.memref_slice %arg8[%add3A_342, %dma_start3A_369] : memref<5120x128xf32, #tpu.memory_space<hbm>> -> memref<8x128xf32, #tpu.memory_space<hbm>>
    %dma_start3A_371 = arith.constant 0 : i32
    %dma_start3A_372 = tpu.memref_slice %arg8[%add3A_342, %dma_start3A_371] : memref<5120x128xf32, #tpu.memory_space<hbm>> -> memref<8x128xf32, #tpu.memory_space<hbm>>
    tpu.enqueue_dma source(%arg15 : memref<8x128xf32, #tpu.memory_space<vmem>>) target(%dma_start3A_372 : memref<8x128xf32, #tpu.memory_space<hbm>>) target_semaphore(%arg18 : memref<!tpu.dma_semaphore, #tpu.memory_space<semaphore_mem>>)
    %dma_wait3A_373 = arith.constant 0 : i32
    %dma_wait3A_374 = tpu.memref_slice %arg6[%add3A_298, %dma_wait3A_373] : memref<5120x4096xf32, #tpu.memory_space<hbm>> -> memref<8x4096xf32, #tpu.memory_space<hbm>>
    %dma_wait3A_375 = arith.constant 0 : i32
    %dma_wait3A_376 = tpu.memref_slice %arg6[%add3A_298, %dma_wait3A_375] : memref<5120x4096xf32, #tpu.memory_space<hbm>> -> memref<8x4096xf32, #tpu.memory_space<hbm>>
    tpu.wait_dma2 semaphore(%arg18 : memref<!tpu.dma_semaphore, #tpu.memory_space<semaphore_mem>>) src(%arg12 : memref<8x4096xf32, #tpu.memory_space<vmem>>) dst(%dma_wait3A_376 : memref<8x4096xf32, #tpu.memory_space<hbm>>)
    %dma_wait3A_377 = arith.constant 0 : i32
    %dma_wait3A_378 = tpu.memref_slice %arg7[%add3A_298, %dma_wait3A_377] : memref<5120x128xi32, #tpu.memory_space<hbm>> -> memref<8x128xi32, #tpu.memory_space<hbm>>
    %dma_wait3A_379 = arith.constant 0 : i32
    %dma_wait3A_380 = tpu.memref_slice %arg7[%add3A_298, %dma_wait3A_379] : memref<5120x128xi32, #tpu.memory_space<hbm>> -> memref<8x128xi32, #tpu.memory_space<hbm>>
    tpu.wait_dma2 semaphore(%arg18 : memref<!tpu.dma_semaphore, #tpu.memory_space<semaphore_mem>>) src(%arg14 : memref<8x128xi32, #tpu.memory_space<vmem>>) dst(%dma_wait3A_380 : memref<8x128xi32, #tpu.memory_space<hbm>>)
    %dma_wait3A_381 = arith.constant 0 : i32
    %dma_wait3A_382 = tpu.memref_slice %arg8[%add3A_298, %dma_wait3A_381] : memref<5120x128xf32, #tpu.memory_space<hbm>> -> memref<8x128xf32, #tpu.memory_space<hbm>>
    %dma_wait3A_383 = arith.constant 0 : i32
    %dma_wait3A_384 = tpu.memref_slice %arg8[%add3A_298, %dma_wait3A_383] : memref<5120x128xf32, #tpu.memory_space<hbm>> -> memref<8x128xf32, #tpu.memory_space<hbm>>
    tpu.wait_dma2 semaphore(%arg18 : memref<!tpu.dma_semaphore, #tpu.memory_space<semaphore_mem>>) src(%arg16 : memref<8x128xf32, #tpu.memory_space<vmem>>) dst(%dma_wait3A_384 : memref<8x128xf32, #tpu.memory_space<hbm>>)
    %add3A_385 = arith.constant 72 : i32
    %add3A_386 = arith.addi %mul3A_2, %add3A_385 : i32
    "tpu.region"() ({
      %run_scoped3A = tpu.sem_alloc : memref<!tpu.dma_semaphore, #tpu.memory_space<semaphore_mem>>
      %dma_start3A_881 = tpu.memref_slice %arg5[%add3A_386] : memref<5120xi32, #tpu.memory_space<hbm>> -> memref<8xi32, #tpu.memory_space<hbm>>
      %dma_start3A_882 = tpu.memref_slice %arg5[%add3A_386] : memref<5120xi32, #tpu.memory_space<hbm>> -> memref<8xi32, #tpu.memory_space<hbm>>
      tpu.enqueue_dma source(%dma_start3A_882 : memref<8xi32, #tpu.memory_space<hbm>>) target(%arg10 : memref<8xi32, #tpu.memory_space<vmem>>) target_semaphore(%run_scoped3A : memref<!tpu.dma_semaphore, #tpu.memory_space<semaphore_mem>>)
      %dma_wait3A_883 = tpu.memref_slice %arg5[%add3A_386] : memref<5120xi32, #tpu.memory_space<hbm>> -> memref<8xi32, #tpu.memory_space<hbm>>
      %dma_wait3A_884 = tpu.memref_slice %arg5[%add3A_386] : memref<5120xi32, #tpu.memory_space<hbm>> -> memref<8xi32, #tpu.memory_space<hbm>>
      tpu.wait_dma2 semaphore(%run_scoped3A : memref<!tpu.dma_semaphore, #tpu.memory_space<semaphore_mem>>) src(%dma_wait3A_884 : memref<8xi32, #tpu.memory_space<hbm>>) dst(%arg10 : memref<8xi32, #tpu.memory_space<vmem>>)
      tpu.yield
    }) : () -> ()
    %dma_start3A_387 = arith.constant 0 : i32
    %dma_start3A_388 = arith.constant 0 : i32
    %dma_start3A_389 = tpu.memref_slice %arg2[%dma_start3A_387, %dma_start3A_388] : memref<800x4096xf32, #tpu.memory_space<hbm>> -> memref<800x4096xf32, #tpu.memory_space<hbm>>
    tpu.enqueue_indirect_dma source(%dma_start3A_389 : memref<800x4096xf32, #tpu.memory_space<hbm>>) target(%arg12 : memref<8x4096xf32, #tpu.memory_space<vmem>>) offsets(%arg10 : memref<8xi32, #tpu.memory_space<vmem>>) semaphore(%arg17 : memref<!tpu.dma_semaphore, #tpu.memory_space<semaphore_mem>>)
    %dma_start3A_390 = arith.constant 0 : i32
    %dma_start3A_391 = arith.constant 0 : i32
    %dma_start3A_392 = tpu.memref_slice %arg3[%dma_start3A_390, %dma_start3A_391] : memref<800x128xi32, #tpu.memory_space<hbm>> -> memref<800x128xi32, #tpu.memory_space<hbm>>
    tpu.enqueue_indirect_dma source(%dma_start3A_392 : memref<800x128xi32, #tpu.memory_space<hbm>>) target(%arg14 : memref<8x128xi32, #tpu.memory_space<vmem>>) offsets(%arg10 : memref<8xi32, #tpu.memory_space<vmem>>) semaphore(%arg17 : memref<!tpu.dma_semaphore, #tpu.memory_space<semaphore_mem>>)
    %dma_start3A_393 = arith.constant 0 : i32
    %dma_start3A_394 = arith.constant 0 : i32
    %dma_start3A_395 = tpu.memref_slice %arg4[%dma_start3A_393, %dma_start3A_394] : memref<800x128xf32, #tpu.memory_space<hbm>> -> memref<800x128xf32, #tpu.memory_space<hbm>>
    tpu.enqueue_indirect_dma source(%dma_start3A_395 : memref<800x128xf32, #tpu.memory_space<hbm>>) target(%arg16 : memref<8x128xf32, #tpu.memory_space<vmem>>) offsets(%arg10 : memref<8xi32, #tpu.memory_space<vmem>>) semaphore(%arg17 : memref<!tpu.dma_semaphore, #tpu.memory_space<semaphore_mem>>)
    %dma_wait3A_396 = arith.constant 0 : i32
    %dma_wait3A_397 = arith.constant 0 : i32
    %dma_wait3A_398 = tpu.memref_slice %arg2[%dma_wait3A_396, %dma_wait3A_397] : memref<800x4096xf32, #tpu.memory_space<hbm>> -> memref<800x4096xf32, #tpu.memory_space<hbm>>
    tpu.wait_indirect_dma semaphore(%arg17 : memref<!tpu.dma_semaphore, #tpu.memory_space<semaphore_mem>>) src(%dma_wait3A_398 : memref<800x4096xf32, #tpu.memory_space<hbm>>) dst(%arg12 : memref<8x4096xf32, #tpu.memory_space<vmem>>)
    %dma_wait3A_399 = arith.constant 0 : i32
    %dma_wait3A_400 = arith.constant 0 : i32
    %dma_wait3A_401 = tpu.memref_slice %arg3[%dma_wait3A_399, %dma_wait3A_400] : memref<800x128xi32, #tpu.memory_space<hbm>> -> memref<800x128xi32, #tpu.memory_space<hbm>>
    tpu.wait_indirect_dma semaphore(%arg17 : memref<!tpu.dma_semaphore, #tpu.memory_space<semaphore_mem>>) src(%dma_wait3A_401 : memref<800x128xi32, #tpu.memory_space<hbm>>) dst(%arg14 : memref<8x128xi32, #tpu.memory_space<vmem>>)
    %dma_wait3A_402 = arith.constant 0 : i32
    %dma_wait3A_403 = arith.constant 0 : i32
    %dma_wait3A_404 = tpu.memref_slice %arg4[%dma_wait3A_402, %dma_wait3A_403] : memref<800x128xf32, #tpu.memory_space<hbm>> -> memref<800x128xf32, #tpu.memory_space<hbm>>
    tpu.wait_indirect_dma semaphore(%arg17 : memref<!tpu.dma_semaphore, #tpu.memory_space<semaphore_mem>>) src(%dma_wait3A_404 : memref<800x128xf32, #tpu.memory_space<hbm>>) dst(%arg16 : memref<8x128xf32, #tpu.memory_space<vmem>>)
    %dma_start3A_405 = arith.constant 0 : i32
    %dma_start3A_406 = tpu.memref_slice %arg6[%add3A_386, %dma_start3A_405] : memref<5120x4096xf32, #tpu.memory_space<hbm>> -> memref<8x4096xf32, #tpu.memory_space<hbm>>
    %dma_start3A_407 = arith.constant 0 : i32
    %dma_start3A_408 = tpu.memref_slice %arg6[%add3A_386, %dma_start3A_407] : memref<5120x4096xf32, #tpu.memory_space<hbm>> -> memref<8x4096xf32, #tpu.memory_space<hbm>>
    tpu.enqueue_dma source(%arg12 : memref<8x4096xf32, #tpu.memory_space<vmem>>) target(%dma_start3A_408 : memref<8x4096xf32, #tpu.memory_space<hbm>>) target_semaphore(%arg18 : memref<!tpu.dma_semaphore, #tpu.memory_space<semaphore_mem>>)
    %dma_start3A_409 = arith.constant 0 : i32
    %dma_start3A_410 = tpu.memref_slice %arg7[%add3A_386, %dma_start3A_409] : memref<5120x128xi32, #tpu.memory_space<hbm>> -> memref<8x128xi32, #tpu.memory_space<hbm>>
    %dma_start3A_411 = arith.constant 0 : i32
    %dma_start3A_412 = tpu.memref_slice %arg7[%add3A_386, %dma_start3A_411] : memref<5120x128xi32, #tpu.memory_space<hbm>> -> memref<8x128xi32, #tpu.memory_space<hbm>>
    tpu.enqueue_dma source(%arg14 : memref<8x128xi32, #tpu.memory_space<vmem>>) target(%dma_start3A_412 : memref<8x128xi32, #tpu.memory_space<hbm>>) target_semaphore(%arg18 : memref<!tpu.dma_semaphore, #tpu.memory_space<semaphore_mem>>)
    %dma_start3A_413 = arith.constant 0 : i32
    %dma_start3A_414 = tpu.memref_slice %arg8[%add3A_386, %dma_start3A_413] : memref<5120x128xf32, #tpu.memory_space<hbm>> -> memref<8x128xf32, #tpu.memory_space<hbm>>
    %dma_start3A_415 = arith.constant 0 : i32
    %dma_start3A_416 = tpu.memref_slice %arg8[%add3A_386, %dma_start3A_415] : memref<5120x128xf32, #tpu.memory_space<hbm>> -> memref<8x128xf32, #tpu.memory_space<hbm>>
    tpu.enqueue_dma source(%arg16 : memref<8x128xf32, #tpu.memory_space<vmem>>) target(%dma_start3A_416 : memref<8x128xf32, #tpu.memory_space<hbm>>) target_semaphore(%arg18 : memref<!tpu.dma_semaphore, #tpu.memory_space<semaphore_mem>>)
    %dma_wait3A_417 = arith.constant 0 : i32
    %dma_wait3A_418 = tpu.memref_slice %arg6[%add3A_342, %dma_wait3A_417] : memref<5120x4096xf32, #tpu.memory_space<hbm>> -> memref<8x4096xf32, #tpu.memory_space<hbm>>
    %dma_wait3A_419 = arith.constant 0 : i32
    %dma_wait3A_420 = tpu.memref_slice %arg6[%add3A_342, %dma_wait3A_419] : memref<5120x4096xf32, #tpu.memory_space<hbm>> -> memref<8x4096xf32, #tpu.memory_space<hbm>>
    tpu.wait_dma2 semaphore(%arg18 : memref<!tpu.dma_semaphore, #tpu.memory_space<semaphore_mem>>) src(%arg11 : memref<8x4096xf32, #tpu.memory_space<vmem>>) dst(%dma_wait3A_420 : memref<8x4096xf32, #tpu.memory_space<hbm>>)
    %dma_wait3A_421 = arith.constant 0 : i32
    %dma_wait3A_422 = tpu.memref_slice %arg7[%add3A_342, %dma_wait3A_421] : memref<5120x128xi32, #tpu.memory_space<hbm>> -> memref<8x128xi32, #tpu.memory_space<hbm>>
    %dma_wait3A_423 = arith.constant 0 : i32
    %dma_wait3A_424 = tpu.memref_slice %arg7[%add3A_342, %dma_wait3A_423] : memref<5120x128xi32, #tpu.memory_space<hbm>> -> memref<8x128xi32, #tpu.memory_space<hbm>>
    tpu.wait_dma2 semaphore(%arg18 : memref<!tpu.dma_semaphore, #tpu.memory_space<semaphore_mem>>) src(%arg13 : memref<8x128xi32, #tpu.memory_space<vmem>>) dst(%dma_wait3A_424 : memref<8x128xi32, #tpu.memory_space<hbm>>)
    %dma_wait3A_425 = arith.constant 0 : i32
    %dma_wait3A_426 = tpu.memref_slice %arg8[%add3A_342, %dma_wait3A_425] : memref<5120x128xf32, #tpu.memory_space<hbm>> -> memref<8x128xf32, #tpu.memory_space<hbm>>
    %dma_wait3A_427 = arith.constant 0 : i32
    %dma_wait3A_428 = tpu.memref_slice %arg8[%add3A_342, %dma_wait3A_427] : memref<5120x128xf32, #tpu.memory_space<hbm>> -> memref<8x128xf32, #tpu.memory_space<hbm>>
    tpu.wait_dma2 semaphore(%arg18 : memref<!tpu.dma_semaphore, #tpu.memory_space<semaphore_mem>>) src(%arg15 : memref<8x128xf32, #tpu.memory_space<vmem>>) dst(%dma_wait3A_428 : memref<8x128xf32, #tpu.memory_space<hbm>>)
    %add3A_429 = arith.constant 80 : i32
    %add3A_430 = arith.addi %mul3A_2, %add3A_429 : i32
    "tpu.region"() ({
      %run_scoped3A = tpu.sem_alloc : memref<!tpu.dma_semaphore, #tpu.memory_space<semaphore_mem>>
      %dma_start3A_881 = tpu.memref_slice %arg5[%add3A_430] : memref<5120xi32, #tpu.memory_space<hbm>> -> memref<8xi32, #tpu.memory_space<hbm>>
      %dma_start3A_882 = tpu.memref_slice %arg5[%add3A_430] : memref<5120xi32, #tpu.memory_space<hbm>> -> memref<8xi32, #tpu.memory_space<hbm>>
      tpu.enqueue_dma source(%dma_start3A_882 : memref<8xi32, #tpu.memory_space<hbm>>) target(%arg9 : memref<8xi32, #tpu.memory_space<vmem>>) target_semaphore(%run_scoped3A : memref<!tpu.dma_semaphore, #tpu.memory_space<semaphore_mem>>)
      %dma_wait3A_883 = tpu.memref_slice %arg5[%add3A_430] : memref<5120xi32, #tpu.memory_space<hbm>> -> memref<8xi32, #tpu.memory_space<hbm>>
      %dma_wait3A_884 = tpu.memref_slice %arg5[%add3A_430] : memref<5120xi32, #tpu.memory_space<hbm>> -> memref<8xi32, #tpu.memory_space<hbm>>
      tpu.wait_dma2 semaphore(%run_scoped3A : memref<!tpu.dma_semaphore, #tpu.memory_space<semaphore_mem>>) src(%dma_wait3A_884 : memref<8xi32, #tpu.memory_space<hbm>>) dst(%arg9 : memref<8xi32, #tpu.memory_space<vmem>>)
      tpu.yield
    }) : () -> ()
    %dma_start3A_431 = arith.constant 0 : i32
    %dma_start3A_432 = arith.constant 0 : i32
    %dma_start3A_433 = tpu.memref_slice %arg2[%dma_start3A_431, %dma_start3A_432] : memref<800x4096xf32, #tpu.memory_space<hbm>> -> memref<800x4096xf32, #tpu.memory_space<hbm>>
    tpu.enqueue_indirect_dma source(%dma_start3A_433 : memref<800x4096xf32, #tpu.memory_space<hbm>>) target(%arg11 : memref<8x4096xf32, #tpu.memory_space<vmem>>) offsets(%arg9 : memref<8xi32, #tpu.memory_space<vmem>>) semaphore(%arg17 : memref<!tpu.dma_semaphore, #tpu.memory_space<semaphore_mem>>)
    %dma_start3A_434 = arith.constant 0 : i32
    %dma_start3A_435 = arith.constant 0 : i32
    %dma_start3A_436 = tpu.memref_slice %arg3[%dma_start3A_434, %dma_start3A_435] : memref<800x128xi32, #tpu.memory_space<hbm>> -> memref<800x128xi32, #tpu.memory_space<hbm>>
    tpu.enqueue_indirect_dma source(%dma_start3A_436 : memref<800x128xi32, #tpu.memory_space<hbm>>) target(%arg13 : memref<8x128xi32, #tpu.memory_space<vmem>>) offsets(%arg9 : memref<8xi32, #tpu.memory_space<vmem>>) semaphore(%arg17 : memref<!tpu.dma_semaphore, #tpu.memory_space<semaphore_mem>>)
    %dma_start3A_437 = arith.constant 0 : i32
    %dma_start3A_438 = arith.constant 0 : i32
    %dma_start3A_439 = tpu.memref_slice %arg4[%dma_start3A_437, %dma_start3A_438] : memref<800x128xf32, #tpu.memory_space<hbm>> -> memref<800x128xf32, #tpu.memory_space<hbm>>
    tpu.enqueue_indirect_dma source(%dma_start3A_439 : memref<800x128xf32, #tpu.memory_space<hbm>>) target(%arg15 : memref<8x128xf32, #tpu.memory_space<vmem>>) offsets(%arg9 : memref<8xi32, #tpu.memory_space<vmem>>) semaphore(%arg17 : memref<!tpu.dma_semaphore, #tpu.memory_space<semaphore_mem>>)
    %dma_wait3A_440 = arith.constant 0 : i32
    %dma_wait3A_441 = arith.constant 0 : i32
    %dma_wait3A_442 = tpu.memref_slice %arg2[%dma_wait3A_440, %dma_wait3A_441] : memref<800x4096xf32, #tpu.memory_space<hbm>> -> memref<800x4096xf32, #tpu.memory_space<hbm>>
    tpu.wait_indirect_dma semaphore(%arg17 : memref<!tpu.dma_semaphore, #tpu.memory_space<semaphore_mem>>) src(%dma_wait3A_442 : memref<800x4096xf32, #tpu.memory_space<hbm>>) dst(%arg11 : memref<8x4096xf32, #tpu.memory_space<vmem>>)
    %dma_wait3A_443 = arith.constant 0 : i32
    %dma_wait3A_444 = arith.constant 0 : i32
    %dma_wait3A_445 = tpu.memref_slice %arg3[%dma_wait3A_443, %dma_wait3A_444] : memref<800x128xi32, #tpu.memory_space<hbm>> -> memref<800x128xi32, #tpu.memory_space<hbm>>
    tpu.wait_indirect_dma semaphore(%arg17 : memref<!tpu.dma_semaphore, #tpu.memory_space<semaphore_mem>>) src(%dma_wait3A_445 : memref<800x128xi32, #tpu.memory_space<hbm>>) dst(%arg13 : memref<8x128xi32, #tpu.memory_space<vmem>>)
    %dma_wait3A_446 = arith.constant 0 : i32
    %dma_wait3A_447 = arith.constant 0 : i32
    %dma_wait3A_448 = tpu.memref_slice %arg4[%dma_wait3A_446, %dma_wait3A_447] : memref<800x128xf32, #tpu.memory_space<hbm>> -> memref<800x128xf32, #tpu.memory_space<hbm>>
    tpu.wait_indirect_dma semaphore(%arg17 : memref<!tpu.dma_semaphore, #tpu.memory_space<semaphore_mem>>) src(%dma_wait3A_448 : memref<800x128xf32, #tpu.memory_space<hbm>>) dst(%arg15 : memref<8x128xf32, #tpu.memory_space<vmem>>)
    %dma_start3A_449 = arith.constant 0 : i32
    %dma_start3A_450 = tpu.memref_slice %arg6[%add3A_430, %dma_start3A_449] : memref<5120x4096xf32, #tpu.memory_space<hbm>> -> memref<8x4096xf32, #tpu.memory_space<hbm>>
    %dma_start3A_451 = arith.constant 0 : i32
    %dma_start3A_452 = tpu.memref_slice %arg6[%add3A_430, %dma_start3A_451] : memref<5120x4096xf32, #tpu.memory_space<hbm>> -> memref<8x4096xf32, #tpu.memory_space<hbm>>
    tpu.enqueue_dma source(%arg11 : memref<8x4096xf32, #tpu.memory_space<vmem>>) target(%dma_start3A_452 : memref<8x4096xf32, #tpu.memory_space<hbm>>) target_semaphore(%arg18 : memref<!tpu.dma_semaphore, #tpu.memory_space<semaphore_mem>>)
    %dma_start3A_453 = arith.constant 0 : i32
    %dma_start3A_454 = tpu.memref_slice %arg7[%add3A_430, %dma_start3A_453] : memref<5120x128xi32, #tpu.memory_space<hbm>> -> memref<8x128xi32, #tpu.memory_space<hbm>>
    %dma_start3A_455 = arith.constant 0 : i32
    %dma_start3A_456 = tpu.memref_slice %arg7[%add3A_430, %dma_start3A_455] : memref<5120x128xi32, #tpu.memory_space<hbm>> -> memref<8x128xi32, #tpu.memory_space<hbm>>
    tpu.enqueue_dma source(%arg13 : memref<8x128xi32, #tpu.memory_space<vmem>>) target(%dma_start3A_456 : memref<8x128xi32, #tpu.memory_space<hbm>>) target_semaphore(%arg18 : memref<!tpu.dma_semaphore, #tpu.memory_space<semaphore_mem>>)
    %dma_start3A_457 = arith.constant 0 : i32
    %dma_start3A_458 = tpu.memref_slice %arg8[%add3A_430, %dma_start3A_457] : memref<5120x128xf32, #tpu.memory_space<hbm>> -> memref<8x128xf32, #tpu.memory_space<hbm>>
    %dma_start3A_459 = arith.constant 0 : i32
    %dma_start3A_460 = tpu.memref_slice %arg8[%add3A_430, %dma_start3A_459] : memref<5120x128xf32, #tpu.memory_space<hbm>> -> memref<8x128xf32, #tpu.memory_space<hbm>>
    tpu.enqueue_dma source(%arg15 : memref<8x128xf32, #tpu.memory_space<vmem>>) target(%dma_start3A_460 : memref<8x128xf32, #tpu.memory_space<hbm>>) target_semaphore(%arg18 : memref<!tpu.dma_semaphore, #tpu.memory_space<semaphore_mem>>)
    %dma_wait3A_461 = arith.constant 0 : i32
    %dma_wait3A_462 = tpu.memref_slice %arg6[%add3A_386, %dma_wait3A_461] : memref<5120x4096xf32, #tpu.memory_space<hbm>> -> memref<8x4096xf32, #tpu.memory_space<hbm>>
    %dma_wait3A_463 = arith.constant 0 : i32
    %dma_wait3A_464 = tpu.memref_slice %arg6[%add3A_386, %dma_wait3A_463] : memref<5120x4096xf32, #tpu.memory_space<hbm>> -> memref<8x4096xf32, #tpu.memory_space<hbm>>
    tpu.wait_dma2 semaphore(%arg18 : memref<!tpu.dma_semaphore, #tpu.memory_space<semaphore_mem>>) src(%arg12 : memref<8x4096xf32, #tpu.memory_space<vmem>>) dst(%dma_wait3A_464 : memref<8x4096xf32, #tpu.memory_space<hbm>>)
    %dma_wait3A_465 = arith.constant 0 : i32
    %dma_wait3A_466 = tpu.memref_slice %arg7[%add3A_386, %dma_wait3A_465] : memref<5120x128xi32, #tpu.memory_space<hbm>> -> memref<8x128xi32, #tpu.memory_space<hbm>>
    %dma_wait3A_467 = arith.constant 0 : i32
    %dma_wait3A_468 = tpu.memref_slice %arg7[%add3A_386, %dma_wait3A_467] : memref<5120x128xi32, #tpu.memory_space<hbm>> -> memref<8x128xi32, #tpu.memory_space<hbm>>
    tpu.wait_dma2 semaphore(%arg18 : memref<!tpu.dma_semaphore, #tpu.memory_space<semaphore_mem>>) src(%arg14 : memref<8x128xi32, #tpu.memory_space<vmem>>) dst(%dma_wait3A_468 : memref<8x128xi32, #tpu.memory_space<hbm>>)
    %dma_wait3A_469 = arith.constant 0 : i32
    %dma_wait3A_470 = tpu.memref_slice %arg8[%add3A_386, %dma_wait3A_469] : memref<5120x128xf32, #tpu.memory_space<hbm>> -> memref<8x128xf32, #tpu.memory_space<hbm>>
    %dma_wait3A_471 = arith.constant 0 : i32
    %dma_wait3A_472 = tpu.memref_slice %arg8[%add3A_386, %dma_wait3A_471] : memref<5120x128xf32, #tpu.memory_space<hbm>> -> memref<8x128xf32, #tpu.memory_space<hbm>>
    tpu.wait_dma2 semaphore(%arg18 : memref<!tpu.dma_semaphore, #tpu.memory_space<semaphore_mem>>) src(%arg16 : memref<8x128xf32, #tpu.memory_space<vmem>>) dst(%dma_wait3A_472 : memref<8x128xf32, #tpu.memory_space<hbm>>)
    %add3A_473 = arith.constant 88 : i32
    %add3A_474 = arith.addi %mul3A_2, %add3A_473 : i32
    "tpu.region"() ({
      %run_scoped3A = tpu.sem_alloc : memref<!tpu.dma_semaphore, #tpu.memory_space<semaphore_mem>>
      %dma_start3A_881 = tpu.memref_slice %arg5[%add3A_474] : memref<5120xi32, #tpu.memory_space<hbm>> -> memref<8xi32, #tpu.memory_space<hbm>>
      %dma_start3A_882 = tpu.memref_slice %arg5[%add3A_474] : memref<5120xi32, #tpu.memory_space<hbm>> -> memref<8xi32, #tpu.memory_space<hbm>>
      tpu.enqueue_dma source(%dma_start3A_882 : memref<8xi32, #tpu.memory_space<hbm>>) target(%arg10 : memref<8xi32, #tpu.memory_space<vmem>>) target_semaphore(%run_scoped3A : memref<!tpu.dma_semaphore, #tpu.memory_space<semaphore_mem>>)
      %dma_wait3A_883 = tpu.memref_slice %arg5[%add3A_474] : memref<5120xi32, #tpu.memory_space<hbm>> -> memref<8xi32, #tpu.memory_space<hbm>>
      %dma_wait3A_884 = tpu.memref_slice %arg5[%add3A_474] : memref<5120xi32, #tpu.memory_space<hbm>> -> memref<8xi32, #tpu.memory_space<hbm>>
      tpu.wait_dma2 semaphore(%run_scoped3A : memref<!tpu.dma_semaphore, #tpu.memory_space<semaphore_mem>>) src(%dma_wait3A_884 : memref<8xi32, #tpu.memory_space<hbm>>) dst(%arg10 : memref<8xi32, #tpu.memory_space<vmem>>)
      tpu.yield
    }) : () -> ()
    %dma_start3A_475 = arith.constant 0 : i32
    %dma_start3A_476 = arith.constant 0 : i32
    %dma_start3A_477 = tpu.memref_slice %arg2[%dma_start3A_475, %dma_start3A_476] : memref<800x4096xf32, #tpu.memory_space<hbm>> -> memref<800x4096xf32, #tpu.memory_space<hbm>>
    tpu.enqueue_indirect_dma source(%dma_start3A_477 : memref<800x4096xf32, #tpu.memory_space<hbm>>) target(%arg12 : memref<8x4096xf32, #tpu.memory_space<vmem>>) offsets(%arg10 : memref<8xi32, #tpu.memory_space<vmem>>) semaphore(%arg17 : memref<!tpu.dma_semaphore, #tpu.memory_space<semaphore_mem>>)
    %dma_start3A_478 = arith.constant 0 : i32
    %dma_start3A_479 = arith.constant 0 : i32
    %dma_start3A_480 = tpu.memref_slice %arg3[%dma_start3A_478, %dma_start3A_479] : memref<800x128xi32, #tpu.memory_space<hbm>> -> memref<800x128xi32, #tpu.memory_space<hbm>>
    tpu.enqueue_indirect_dma source(%dma_start3A_480 : memref<800x128xi32, #tpu.memory_space<hbm>>) target(%arg14 : memref<8x128xi32, #tpu.memory_space<vmem>>) offsets(%arg10 : memref<8xi32, #tpu.memory_space<vmem>>) semaphore(%arg17 : memref<!tpu.dma_semaphore, #tpu.memory_space<semaphore_mem>>)
    %dma_start3A_481 = arith.constant 0 : i32
    %dma_start3A_482 = arith.constant 0 : i32
    %dma_start3A_483 = tpu.memref_slice %arg4[%dma_start3A_481, %dma_start3A_482] : memref<800x128xf32, #tpu.memory_space<hbm>> -> memref<800x128xf32, #tpu.memory_space<hbm>>
    tpu.enqueue_indirect_dma source(%dma_start3A_483 : memref<800x128xf32, #tpu.memory_space<hbm>>) target(%arg16 : memref<8x128xf32, #tpu.memory_space<vmem>>) offsets(%arg10 : memref<8xi32, #tpu.memory_space<vmem>>) semaphore(%arg17 : memref<!tpu.dma_semaphore, #tpu.memory_space<semaphore_mem>>)
    %dma_wait3A_484 = arith.constant 0 : i32
    %dma_wait3A_485 = arith.constant 0 : i32
    %dma_wait3A_486 = tpu.memref_slice %arg2[%dma_wait3A_484, %dma_wait3A_485] : memref<800x4096xf32, #tpu.memory_space<hbm>> -> memref<800x4096xf32, #tpu.memory_space<hbm>>
    tpu.wait_indirect_dma semaphore(%arg17 : memref<!tpu.dma_semaphore, #tpu.memory_space<semaphore_mem>>) src(%dma_wait3A_486 : memref<800x4096xf32, #tpu.memory_space<hbm>>) dst(%arg12 : memref<8x4096xf32, #tpu.memory_space<vmem>>)
    %dma_wait3A_487 = arith.constant 0 : i32
    %dma_wait3A_488 = arith.constant 0 : i32
    %dma_wait3A_489 = tpu.memref_slice %arg3[%dma_wait3A_487, %dma_wait3A_488] : memref<800x128xi32, #tpu.memory_space<hbm>> -> memref<800x128xi32, #tpu.memory_space<hbm>>
    tpu.wait_indirect_dma semaphore(%arg17 : memref<!tpu.dma_semaphore, #tpu.memory_space<semaphore_mem>>) src(%dma_wait3A_489 : memref<800x128xi32, #tpu.memory_space<hbm>>) dst(%arg14 : memref<8x128xi32, #tpu.memory_space<vmem>>)
    %dma_wait3A_490 = arith.constant 0 : i32
    %dma_wait3A_491 = arith.constant 0 : i32
    %dma_wait3A_492 = tpu.memref_slice %arg4[%dma_wait3A_490, %dma_wait3A_491] : memref<800x128xf32, #tpu.memory_space<hbm>> -> memref<800x128xf32, #tpu.memory_space<hbm>>
    tpu.wait_indirect_dma semaphore(%arg17 : memref<!tpu.dma_semaphore, #tpu.memory_space<semaphore_mem>>) src(%dma_wait3A_492 : memref<800x128xf32, #tpu.memory_space<hbm>>) dst(%arg16 : memref<8x128xf32, #tpu.memory_space<vmem>>)
    %dma_start3A_493 = arith.constant 0 : i32
    %dma_start3A_494 = tpu.memref_slice %arg6[%add3A_474, %dma_start3A_493] : memref<5120x4096xf32, #tpu.memory_space<hbm>> -> memref<8x4096xf32, #tpu.memory_space<hbm>>
    %dma_start3A_495 = arith.constant 0 : i32
    %dma_start3A_496 = tpu.memref_slice %arg6[%add3A_474, %dma_start3A_495] : memref<5120x4096xf32, #tpu.memory_space<hbm>> -> memref<8x4096xf32, #tpu.memory_space<hbm>>
    tpu.enqueue_dma source(%arg12 : memref<8x4096xf32, #tpu.memory_space<vmem>>) target(%dma_start3A_496 : memref<8x4096xf32, #tpu.memory_space<hbm>>) target_semaphore(%arg18 : memref<!tpu.dma_semaphore, #tpu.memory_space<semaphore_mem>>)
    %dma_start3A_497 = arith.constant 0 : i32
    %dma_start3A_498 = tpu.memref_slice %arg7[%add3A_474, %dma_start3A_497] : memref<5120x128xi32, #tpu.memory_space<hbm>> -> memref<8x128xi32, #tpu.memory_space<hbm>>
    %dma_start3A_499 = arith.constant 0 : i32
    %dma_start3A_500 = tpu.memref_slice %arg7[%add3A_474, %dma_start3A_499] : memref<5120x128xi32, #tpu.memory_space<hbm>> -> memref<8x128xi32, #tpu.memory_space<hbm>>
    tpu.enqueue_dma source(%arg14 : memref<8x128xi32, #tpu.memory_space<vmem>>) target(%dma_start3A_500 : memref<8x128xi32, #tpu.memory_space<hbm>>) target_semaphore(%arg18 : memref<!tpu.dma_semaphore, #tpu.memory_space<semaphore_mem>>)
    %dma_start3A_501 = arith.constant 0 : i32
    %dma_start3A_502 = tpu.memref_slice %arg8[%add3A_474, %dma_start3A_501] : memref<5120x128xf32, #tpu.memory_space<hbm>> -> memref<8x128xf32, #tpu.memory_space<hbm>>
    %dma_start3A_503 = arith.constant 0 : i32
    %dma_start3A_504 = tpu.memref_slice %arg8[%add3A_474, %dma_start3A_503] : memref<5120x128xf32, #tpu.memory_space<hbm>> -> memref<8x128xf32, #tpu.memory_space<hbm>>
    tpu.enqueue_dma source(%arg16 : memref<8x128xf32, #tpu.memory_space<vmem>>) target(%dma_start3A_504 : memref<8x128xf32, #tpu.memory_space<hbm>>) target_semaphore(%arg18 : memref<!tpu.dma_semaphore, #tpu.memory_space<semaphore_mem>>)
    %dma_wait3A_505 = arith.constant 0 : i32
    %dma_wait3A_506 = tpu.memref_slice %arg6[%add3A_430, %dma_wait3A_505] : memref<5120x4096xf32, #tpu.memory_space<hbm>> -> memref<8x4096xf32, #tpu.memory_space<hbm>>
    %dma_wait3A_507 = arith.constant 0 : i32
    %dma_wait3A_508 = tpu.memref_slice %arg6[%add3A_430, %dma_wait3A_507] : memref<5120x4096xf32, #tpu.memory_space<hbm>> -> memref<8x4096xf32, #tpu.memory_space<hbm>>
    tpu.wait_dma2 semaphore(%arg18 : memref<!tpu.dma_semaphore, #tpu.memory_space<semaphore_mem>>) src(%arg11 : memref<8x4096xf32, #tpu.memory_space<vmem>>) dst(%dma_wait3A_508 : memref<8x4096xf32, #tpu.memory_space<hbm>>)
    %dma_wait3A_509 = arith.constant 0 : i32
    %dma_wait3A_510 = tpu.memref_slice %arg7[%add3A_430, %dma_wait3A_509] : memref<5120x128xi32, #tpu.memory_space<hbm>> -> memref<8x128xi32, #tpu.memory_space<hbm>>
    %dma_wait3A_511 = arith.constant 0 : i32
    %dma_wait3A_512 = tpu.memref_slice %arg7[%add3A_430, %dma_wait3A_511] : memref<5120x128xi32, #tpu.memory_space<hbm>> -> memref<8x128xi32, #tpu.memory_space<hbm>>
    tpu.wait_dma2 semaphore(%arg18 : memref<!tpu.dma_semaphore, #tpu.memory_space<semaphore_mem>>) src(%arg13 : memref<8x128xi32, #tpu.memory_space<vmem>>) dst(%dma_wait3A_512 : memref<8x128xi32, #tpu.memory_space<hbm>>)
    %dma_wait3A_513 = arith.constant 0 : i32
    %dma_wait3A_514 = tpu.memref_slice %arg8[%add3A_430, %dma_wait3A_513] : memref<5120x128xf32, #tpu.memory_space<hbm>> -> memref<8x128xf32, #tpu.memory_space<hbm>>
    %dma_wait3A_515 = arith.constant 0 : i32
    %dma_wait3A_516 = tpu.memref_slice %arg8[%add3A_430, %dma_wait3A_515] : memref<5120x128xf32, #tpu.memory_space<hbm>> -> memref<8x128xf32, #tpu.memory_space<hbm>>
    tpu.wait_dma2 semaphore(%arg18 : memref<!tpu.dma_semaphore, #tpu.memory_space<semaphore_mem>>) src(%arg15 : memref<8x128xf32, #tpu.memory_space<vmem>>) dst(%dma_wait3A_516 : memref<8x128xf32, #tpu.memory_space<hbm>>)
    %add3A_517 = arith.constant 96 : i32
    %add3A_518 = arith.addi %mul3A_2, %add3A_517 : i32
    "tpu.region"() ({
      %run_scoped3A = tpu.sem_alloc : memref<!tpu.dma_semaphore, #tpu.memory_space<semaphore_mem>>
      %dma_start3A_881 = tpu.memref_slice %arg5[%add3A_518] : memref<5120xi32, #tpu.memory_space<hbm>> -> memref<8xi32, #tpu.memory_space<hbm>>
      %dma_start3A_882 = tpu.memref_slice %arg5[%add3A_518] : memref<5120xi32, #tpu.memory_space<hbm>> -> memref<8xi32, #tpu.memory_space<hbm>>
      tpu.enqueue_dma source(%dma_start3A_882 : memref<8xi32, #tpu.memory_space<hbm>>) target(%arg9 : memref<8xi32, #tpu.memory_space<vmem>>) target_semaphore(%run_scoped3A : memref<!tpu.dma_semaphore, #tpu.memory_space<semaphore_mem>>)
      %dma_wait3A_883 = tpu.memref_slice %arg5[%add3A_518] : memref<5120xi32, #tpu.memory_space<hbm>> -> memref<8xi32, #tpu.memory_space<hbm>>
      %dma_wait3A_884 = tpu.memref_slice %arg5[%add3A_518] : memref<5120xi32, #tpu.memory_space<hbm>> -> memref<8xi32, #tpu.memory_space<hbm>>
      tpu.wait_dma2 semaphore(%run_scoped3A : memref<!tpu.dma_semaphore, #tpu.memory_space<semaphore_mem>>) src(%dma_wait3A_884 : memref<8xi32, #tpu.memory_space<hbm>>) dst(%arg9 : memref<8xi32, #tpu.memory_space<vmem>>)
      tpu.yield
    }) : () -> ()
    %dma_start3A_519 = arith.constant 0 : i32
    %dma_start3A_520 = arith.constant 0 : i32
    %dma_start3A_521 = tpu.memref_slice %arg2[%dma_start3A_519, %dma_start3A_520] : memref<800x4096xf32, #tpu.memory_space<hbm>> -> memref<800x4096xf32, #tpu.memory_space<hbm>>
    tpu.enqueue_indirect_dma source(%dma_start3A_521 : memref<800x4096xf32, #tpu.memory_space<hbm>>) target(%arg11 : memref<8x4096xf32, #tpu.memory_space<vmem>>) offsets(%arg9 : memref<8xi32, #tpu.memory_space<vmem>>) semaphore(%arg17 : memref<!tpu.dma_semaphore, #tpu.memory_space<semaphore_mem>>)
    %dma_start3A_522 = arith.constant 0 : i32
    %dma_start3A_523 = arith.constant 0 : i32
    %dma_start3A_524 = tpu.memref_slice %arg3[%dma_start3A_522, %dma_start3A_523] : memref<800x128xi32, #tpu.memory_space<hbm>> -> memref<800x128xi32, #tpu.memory_space<hbm>>
    tpu.enqueue_indirect_dma source(%dma_start3A_524 : memref<800x128xi32, #tpu.memory_space<hbm>>) target(%arg13 : memref<8x128xi32, #tpu.memory_space<vmem>>) offsets(%arg9 : memref<8xi32, #tpu.memory_space<vmem>>) semaphore(%arg17 : memref<!tpu.dma_semaphore, #tpu.memory_space<semaphore_mem>>)
    %dma_start3A_525 = arith.constant 0 : i32
    %dma_start3A_526 = arith.constant 0 : i32
    %dma_start3A_527 = tpu.memref_slice %arg4[%dma_start3A_525, %dma_start3A_526] : memref<800x128xf32, #tpu.memory_space<hbm>> -> memref<800x128xf32, #tpu.memory_space<hbm>>
    tpu.enqueue_indirect_dma source(%dma_start3A_527 : memref<800x128xf32, #tpu.memory_space<hbm>>) target(%arg15 : memref<8x128xf32, #tpu.memory_space<vmem>>) offsets(%arg9 : memref<8xi32, #tpu.memory_space<vmem>>) semaphore(%arg17 : memref<!tpu.dma_semaphore, #tpu.memory_space<semaphore_mem>>)
    %dma_wait3A_528 = arith.constant 0 : i32
    %dma_wait3A_529 = arith.constant 0 : i32
    %dma_wait3A_530 = tpu.memref_slice %arg2[%dma_wait3A_528, %dma_wait3A_529] : memref<800x4096xf32, #tpu.memory_space<hbm>> -> memref<800x4096xf32, #tpu.memory_space<hbm>>
    tpu.wait_indirect_dma semaphore(%arg17 : memref<!tpu.dma_semaphore, #tpu.memory_space<semaphore_mem>>) src(%dma_wait3A_530 : memref<800x4096xf32, #tpu.memory_space<hbm>>) dst(%arg11 : memref<8x4096xf32, #tpu.memory_space<vmem>>)
    %dma_wait3A_531 = arith.constant 0 : i32
    %dma_wait3A_532 = arith.constant 0 : i32
    %dma_wait3A_533 = tpu.memref_slice %arg3[%dma_wait3A_531, %dma_wait3A_532] : memref<800x128xi32, #tpu.memory_space<hbm>> -> memref<800x128xi32, #tpu.memory_space<hbm>>
    tpu.wait_indirect_dma semaphore(%arg17 : memref<!tpu.dma_semaphore, #tpu.memory_space<semaphore_mem>>) src(%dma_wait3A_533 : memref<800x128xi32, #tpu.memory_space<hbm>>) dst(%arg13 : memref<8x128xi32, #tpu.memory_space<vmem>>)
    %dma_wait3A_534 = arith.constant 0 : i32
    %dma_wait3A_535 = arith.constant 0 : i32
    %dma_wait3A_536 = tpu.memref_slice %arg4[%dma_wait3A_534, %dma_wait3A_535] : memref<800x128xf32, #tpu.memory_space<hbm>> -> memref<800x128xf32, #tpu.memory_space<hbm>>
    tpu.wait_indirect_dma semaphore(%arg17 : memref<!tpu.dma_semaphore, #tpu.memory_space<semaphore_mem>>) src(%dma_wait3A_536 : memref<800x128xf32, #tpu.memory_space<hbm>>) dst(%arg15 : memref<8x128xf32, #tpu.memory_space<vmem>>)
    %dma_start3A_537 = arith.constant 0 : i32
    %dma_start3A_538 = tpu.memref_slice %arg6[%add3A_518, %dma_start3A_537] : memref<5120x4096xf32, #tpu.memory_space<hbm>> -> memref<8x4096xf32, #tpu.memory_space<hbm>>
    %dma_start3A_539 = arith.constant 0 : i32
    %dma_start3A_540 = tpu.memref_slice %arg6[%add3A_518, %dma_start3A_539] : memref<5120x4096xf32, #tpu.memory_space<hbm>> -> memref<8x4096xf32, #tpu.memory_space<hbm>>
    tpu.enqueue_dma source(%arg11 : memref<8x4096xf32, #tpu.memory_space<vmem>>) target(%dma_start3A_540 : memref<8x4096xf32, #tpu.memory_space<hbm>>) target_semaphore(%arg18 : memref<!tpu.dma_semaphore, #tpu.memory_space<semaphore_mem>>)
    %dma_start3A_541 = arith.constant 0 : i32
    %dma_start3A_542 = tpu.memref_slice %arg7[%add3A_518, %dma_start3A_541] : memref<5120x128xi32, #tpu.memory_space<hbm>> -> memref<8x128xi32, #tpu.memory_space<hbm>>
    %dma_start3A_543 = arith.constant 0 : i32
    %dma_start3A_544 = tpu.memref_slice %arg7[%add3A_518, %dma_start3A_543] : memref<5120x128xi32, #tpu.memory_space<hbm>> -> memref<8x128xi32, #tpu.memory_space<hbm>>
    tpu.enqueue_dma source(%arg13 : memref<8x128xi32, #tpu.memory_space<vmem>>) target(%dma_start3A_544 : memref<8x128xi32, #tpu.memory_space<hbm>>) target_semaphore(%arg18 : memref<!tpu.dma_semaphore, #tpu.memory_space<semaphore_mem>>)
    %dma_start3A_545 = arith.constant 0 : i32
    %dma_start3A_546 = tpu.memref_slice %arg8[%add3A_518, %dma_start3A_545] : memref<5120x128xf32, #tpu.memory_space<hbm>> -> memref<8x128xf32, #tpu.memory_space<hbm>>
    %dma_start3A_547 = arith.constant 0 : i32
    %dma_start3A_548 = tpu.memref_slice %arg8[%add3A_518, %dma_start3A_547] : memref<5120x128xf32, #tpu.memory_space<hbm>> -> memref<8x128xf32, #tpu.memory_space<hbm>>
    tpu.enqueue_dma source(%arg15 : memref<8x128xf32, #tpu.memory_space<vmem>>) target(%dma_start3A_548 : memref<8x128xf32, #tpu.memory_space<hbm>>) target_semaphore(%arg18 : memref<!tpu.dma_semaphore, #tpu.memory_space<semaphore_mem>>)
    %dma_wait3A_549 = arith.constant 0 : i32
    %dma_wait3A_550 = tpu.memref_slice %arg6[%add3A_474, %dma_wait3A_549] : memref<5120x4096xf32, #tpu.memory_space<hbm>> -> memref<8x4096xf32, #tpu.memory_space<hbm>>
    %dma_wait3A_551 = arith.constant 0 : i32
    %dma_wait3A_552 = tpu.memref_slice %arg6[%add3A_474, %dma_wait3A_551] : memref<5120x4096xf32, #tpu.memory_space<hbm>> -> memref<8x4096xf32, #tpu.memory_space<hbm>>
    tpu.wait_dma2 semaphore(%arg18 : memref<!tpu.dma_semaphore, #tpu.memory_space<semaphore_mem>>) src(%arg12 : memref<8x4096xf32, #tpu.memory_space<vmem>>) dst(%dma_wait3A_552 : memref<8x4096xf32, #tpu.memory_space<hbm>>)
    %dma_wait3A_553 = arith.constant 0 : i32
    %dma_wait3A_554 = tpu.memref_slice %arg7[%add3A_474, %dma_wait3A_553] : memref<5120x128xi32, #tpu.memory_space<hbm>> -> memref<8x128xi32, #tpu.memory_space<hbm>>
    %dma_wait3A_555 = arith.constant 0 : i32
    %dma_wait3A_556 = tpu.memref_slice %arg7[%add3A_474, %dma_wait3A_555] : memref<5120x128xi32, #tpu.memory_space<hbm>> -> memref<8x128xi32, #tpu.memory_space<hbm>>
    tpu.wait_dma2 semaphore(%arg18 : memref<!tpu.dma_semaphore, #tpu.memory_space<semaphore_mem>>) src(%arg14 : memref<8x128xi32, #tpu.memory_space<vmem>>) dst(%dma_wait3A_556 : memref<8x128xi32, #tpu.memory_space<hbm>>)
    %dma_wait3A_557 = arith.constant 0 : i32
    %dma_wait3A_558 = tpu.memref_slice %arg8[%add3A_474, %dma_wait3A_557] : memref<5120x128xf32, #tpu.memory_space<hbm>> -> memref<8x128xf32, #tpu.memory_space<hbm>>
    %dma_wait3A_559 = arith.constant 0 : i32
    %dma_wait3A_560 = tpu.memref_slice %arg8[%add3A_474, %dma_wait3A_559] : memref<5120x128xf32, #tpu.memory_space<hbm>> -> memref<8x128xf32, #tpu.memory_space<hbm>>
    tpu.wait_dma2 semaphore(%arg18 : memref<!tpu.dma_semaphore, #tpu.memory_space<semaphore_mem>>) src(%arg16 : memref<8x128xf32, #tpu.memory_space<vmem>>) dst(%dma_wait3A_560 : memref<8x128xf32, #tpu.memory_space<hbm>>)
    %add3A_561 = arith.constant 104 : i32
    %add3A_562 = arith.addi %mul3A_2, %add3A_561 : i32
    "tpu.region"() ({
      %run_scoped3A = tpu.sem_alloc : memref<!tpu.dma_semaphore, #tpu.memory_space<semaphore_mem>>
      %dma_start3A_881 = tpu.memref_slice %arg5[%add3A_562] : memref<5120xi32, #tpu.memory_space<hbm>> -> memref<8xi32, #tpu.memory_space<hbm>>
      %dma_start3A_882 = tpu.memref_slice %arg5[%add3A_562] : memref<5120xi32, #tpu.memory_space<hbm>> -> memref<8xi32, #tpu.memory_space<hbm>>
      tpu.enqueue_dma source(%dma_start3A_882 : memref<8xi32, #tpu.memory_space<hbm>>) target(%arg10 : memref<8xi32, #tpu.memory_space<vmem>>) target_semaphore(%run_scoped3A : memref<!tpu.dma_semaphore, #tpu.memory_space<semaphore_mem>>)
      %dma_wait3A_883 = tpu.memref_slice %arg5[%add3A_562] : memref<5120xi32, #tpu.memory_space<hbm>> -> memref<8xi32, #tpu.memory_space<hbm>>
      %dma_wait3A_884 = tpu.memref_slice %arg5[%add3A_562] : memref<5120xi32, #tpu.memory_space<hbm>> -> memref<8xi32, #tpu.memory_space<hbm>>
      tpu.wait_dma2 semaphore(%run_scoped3A : memref<!tpu.dma_semaphore, #tpu.memory_space<semaphore_mem>>) src(%dma_wait3A_884 : memref<8xi32, #tpu.memory_space<hbm>>) dst(%arg10 : memref<8xi32, #tpu.memory_space<vmem>>)
      tpu.yield
    }) : () -> ()
    %dma_start3A_563 = arith.constant 0 : i32
    %dma_start3A_564 = arith.constant 0 : i32
    %dma_start3A_565 = tpu.memref_slice %arg2[%dma_start3A_563, %dma_start3A_564] : memref<800x4096xf32, #tpu.memory_space<hbm>> -> memref<800x4096xf32, #tpu.memory_space<hbm>>
    tpu.enqueue_indirect_dma source(%dma_start3A_565 : memref<800x4096xf32, #tpu.memory_space<hbm>>) target(%arg12 : memref<8x4096xf32, #tpu.memory_space<vmem>>) offsets(%arg10 : memref<8xi32, #tpu.memory_space<vmem>>) semaphore(%arg17 : memref<!tpu.dma_semaphore, #tpu.memory_space<semaphore_mem>>)
    %dma_start3A_566 = arith.constant 0 : i32
    %dma_start3A_567 = arith.constant 0 : i32
    %dma_start3A_568 = tpu.memref_slice %arg3[%dma_start3A_566, %dma_start3A_567] : memref<800x128xi32, #tpu.memory_space<hbm>> -> memref<800x128xi32, #tpu.memory_space<hbm>>
    tpu.enqueue_indirect_dma source(%dma_start3A_568 : memref<800x128xi32, #tpu.memory_space<hbm>>) target(%arg14 : memref<8x128xi32, #tpu.memory_space<vmem>>) offsets(%arg10 : memref<8xi32, #tpu.memory_space<vmem>>) semaphore(%arg17 : memref<!tpu.dma_semaphore, #tpu.memory_space<semaphore_mem>>)
    %dma_start3A_569 = arith.constant 0 : i32
    %dma_start3A_570 = arith.constant 0 : i32
    %dma_start3A_571 = tpu.memref_slice %arg4[%dma_start3A_569, %dma_start3A_570] : memref<800x128xf32, #tpu.memory_space<hbm>> -> memref<800x128xf32, #tpu.memory_space<hbm>>
    tpu.enqueue_indirect_dma source(%dma_start3A_571 : memref<800x128xf32, #tpu.memory_space<hbm>>) target(%arg16 : memref<8x128xf32, #tpu.memory_space<vmem>>) offsets(%arg10 : memref<8xi32, #tpu.memory_space<vmem>>) semaphore(%arg17 : memref<!tpu.dma_semaphore, #tpu.memory_space<semaphore_mem>>)
    %dma_wait3A_572 = arith.constant 0 : i32
    %dma_wait3A_573 = arith.constant 0 : i32
    %dma_wait3A_574 = tpu.memref_slice %arg2[%dma_wait3A_572, %dma_wait3A_573] : memref<800x4096xf32, #tpu.memory_space<hbm>> -> memref<800x4096xf32, #tpu.memory_space<hbm>>
    tpu.wait_indirect_dma semaphore(%arg17 : memref<!tpu.dma_semaphore, #tpu.memory_space<semaphore_mem>>) src(%dma_wait3A_574 : memref<800x4096xf32, #tpu.memory_space<hbm>>) dst(%arg12 : memref<8x4096xf32, #tpu.memory_space<vmem>>)
    %dma_wait3A_575 = arith.constant 0 : i32
    %dma_wait3A_576 = arith.constant 0 : i32
    %dma_wait3A_577 = tpu.memref_slice %arg3[%dma_wait3A_575, %dma_wait3A_576] : memref<800x128xi32, #tpu.memory_space<hbm>> -> memref<800x128xi32, #tpu.memory_space<hbm>>
    tpu.wait_indirect_dma semaphore(%arg17 : memref<!tpu.dma_semaphore, #tpu.memory_space<semaphore_mem>>) src(%dma_wait3A_577 : memref<800x128xi32, #tpu.memory_space<hbm>>) dst(%arg14 : memref<8x128xi32, #tpu.memory_space<vmem>>)
    %dma_wait3A_578 = arith.constant 0 : i32
    %dma_wait3A_579 = arith.constant 0 : i32
    %dma_wait3A_580 = tpu.memref_slice %arg4[%dma_wait3A_578, %dma_wait3A_579] : memref<800x128xf32, #tpu.memory_space<hbm>> -> memref<800x128xf32, #tpu.memory_space<hbm>>
    tpu.wait_indirect_dma semaphore(%arg17 : memref<!tpu.dma_semaphore, #tpu.memory_space<semaphore_mem>>) src(%dma_wait3A_580 : memref<800x128xf32, #tpu.memory_space<hbm>>) dst(%arg16 : memref<8x128xf32, #tpu.memory_space<vmem>>)
    %dma_start3A_581 = arith.constant 0 : i32
    %dma_start3A_582 = tpu.memref_slice %arg6[%add3A_562, %dma_start3A_581] : memref<5120x4096xf32, #tpu.memory_space<hbm>> -> memref<8x4096xf32, #tpu.memory_space<hbm>>
    %dma_start3A_583 = arith.constant 0 : i32
    %dma_start3A_584 = tpu.memref_slice %arg6[%add3A_562, %dma_start3A_583] : memref<5120x4096xf32, #tpu.memory_space<hbm>> -> memref<8x4096xf32, #tpu.memory_space<hbm>>
    tpu.enqueue_dma source(%arg12 : memref<8x4096xf32, #tpu.memory_space<vmem>>) target(%dma_start3A_584 : memref<8x4096xf32, #tpu.memory_space<hbm>>) target_semaphore(%arg18 : memref<!tpu.dma_semaphore, #tpu.memory_space<semaphore_mem>>)
    %dma_start3A_585 = arith.constant 0 : i32
    %dma_start3A_586 = tpu.memref_slice %arg7[%add3A_562, %dma_start3A_585] : memref<5120x128xi32, #tpu.memory_space<hbm>> -> memref<8x128xi32, #tpu.memory_space<hbm>>
    %dma_start3A_587 = arith.constant 0 : i32
    %dma_start3A_588 = tpu.memref_slice %arg7[%add3A_562, %dma_start3A_587] : memref<5120x128xi32, #tpu.memory_space<hbm>> -> memref<8x128xi32, #tpu.memory_space<hbm>>
    tpu.enqueue_dma source(%arg14 : memref<8x128xi32, #tpu.memory_space<vmem>>) target(%dma_start3A_588 : memref<8x128xi32, #tpu.memory_space<hbm>>) target_semaphore(%arg18 : memref<!tpu.dma_semaphore, #tpu.memory_space<semaphore_mem>>)
    %dma_start3A_589 = arith.constant 0 : i32
    %dma_start3A_590 = tpu.memref_slice %arg8[%add3A_562, %dma_start3A_589] : memref<5120x128xf32, #tpu.memory_space<hbm>> -> memref<8x128xf32, #tpu.memory_space<hbm>>
    %dma_start3A_591 = arith.constant 0 : i32
    %dma_start3A_592 = tpu.memref_slice %arg8[%add3A_562, %dma_start3A_591] : memref<5120x128xf32, #tpu.memory_space<hbm>> -> memref<8x128xf32, #tpu.memory_space<hbm>>
    tpu.enqueue_dma source(%arg16 : memref<8x128xf32, #tpu.memory_space<vmem>>) target(%dma_start3A_592 : memref<8x128xf32, #tpu.memory_space<hbm>>) target_semaphore(%arg18 : memref<!tpu.dma_semaphore, #tpu.memory_space<semaphore_mem>>)
    %dma_wait3A_593 = arith.constant 0 : i32
    %dma_wait3A_594 = tpu.memref_slice %arg6[%add3A_518, %dma_wait3A_593] : memref<5120x4096xf32, #tpu.memory_space<hbm>> -> memref<8x4096xf32, #tpu.memory_space<hbm>>
    %dma_wait3A_595 = arith.constant 0 : i32
    %dma_wait3A_596 = tpu.memref_slice %arg6[%add3A_518, %dma_wait3A_595] : memref<5120x4096xf32, #tpu.memory_space<hbm>> -> memref<8x4096xf32, #tpu.memory_space<hbm>>
    tpu.wait_dma2 semaphore(%arg18 : memref<!tpu.dma_semaphore, #tpu.memory_space<semaphore_mem>>) src(%arg11 : memref<8x4096xf32, #tpu.memory_space<vmem>>) dst(%dma_wait3A_596 : memref<8x4096xf32, #tpu.memory_space<hbm>>)
    %dma_wait3A_597 = arith.constant 0 : i32
    %dma_wait3A_598 = tpu.memref_slice %arg7[%add3A_518, %dma_wait3A_597] : memref<5120x128xi32, #tpu.memory_space<hbm>> -> memref<8x128xi32, #tpu.memory_space<hbm>>
    %dma_wait3A_599 = arith.constant 0 : i32
    %dma_wait3A_600 = tpu.memref_slice %arg7[%add3A_518, %dma_wait3A_599] : memref<5120x128xi32, #tpu.memory_space<hbm>> -> memref<8x128xi32, #tpu.memory_space<hbm>>
    tpu.wait_dma2 semaphore(%arg18 : memref<!tpu.dma_semaphore, #tpu.memory_space<semaphore_mem>>) src(%arg13 : memref<8x128xi32, #tpu.memory_space<vmem>>) dst(%dma_wait3A_600 : memref<8x128xi32, #tpu.memory_space<hbm>>)
    %dma_wait3A_601 = arith.constant 0 : i32
    %dma_wait3A_602 = tpu.memref_slice %arg8[%add3A_518, %dma_wait3A_601] : memref<5120x128xf32, #tpu.memory_space<hbm>> -> memref<8x128xf32, #tpu.memory_space<hbm>>
    %dma_wait3A_603 = arith.constant 0 : i32
    %dma_wait3A_604 = tpu.memref_slice %arg8[%add3A_518, %dma_wait3A_603] : memref<5120x128xf32, #tpu.memory_space<hbm>> -> memref<8x128xf32, #tpu.memory_space<hbm>>
    tpu.wait_dma2 semaphore(%arg18 : memref<!tpu.dma_semaphore, #tpu.memory_space<semaphore_mem>>) src(%arg15 : memref<8x128xf32, #tpu.memory_space<vmem>>) dst(%dma_wait3A_604 : memref<8x128xf32, #tpu.memory_space<hbm>>)
    %add3A_605 = arith.constant 112 : i32
    %add3A_606 = arith.addi %mul3A_2, %add3A_605 : i32
    "tpu.region"() ({
      %run_scoped3A = tpu.sem_alloc : memref<!tpu.dma_semaphore, #tpu.memory_space<semaphore_mem>>
      %dma_start3A_881 = tpu.memref_slice %arg5[%add3A_606] : memref<5120xi32, #tpu.memory_space<hbm>> -> memref<8xi32, #tpu.memory_space<hbm>>
      %dma_start3A_882 = tpu.memref_slice %arg5[%add3A_606] : memref<5120xi32, #tpu.memory_space<hbm>> -> memref<8xi32, #tpu.memory_space<hbm>>
      tpu.enqueue_dma source(%dma_start3A_882 : memref<8xi32, #tpu.memory_space<hbm>>) target(%arg9 : memref<8xi32, #tpu.memory_space<vmem>>) target_semaphore(%run_scoped3A : memref<!tpu.dma_semaphore, #tpu.memory_space<semaphore_mem>>)
      %dma_wait3A_883 = tpu.memref_slice %arg5[%add3A_606] : memref<5120xi32, #tpu.memory_space<hbm>> -> memref<8xi32, #tpu.memory_space<hbm>>
      %dma_wait3A_884 = tpu.memref_slice %arg5[%add3A_606] : memref<5120xi32, #tpu.memory_space<hbm>> -> memref<8xi32, #tpu.memory_space<hbm>>
      tpu.wait_dma2 semaphore(%run_scoped3A : memref<!tpu.dma_semaphore, #tpu.memory_space<semaphore_mem>>) src(%dma_wait3A_884 : memref<8xi32, #tpu.memory_space<hbm>>) dst(%arg9 : memref<8xi32, #tpu.memory_space<vmem>>)
      tpu.yield
    }) : () -> ()
    %dma_start3A_607 = arith.constant 0 : i32
    %dma_start3A_608 = arith.constant 0 : i32
    %dma_start3A_609 = tpu.memref_slice %arg2[%dma_start3A_607, %dma_start3A_608] : memref<800x4096xf32, #tpu.memory_space<hbm>> -> memref<800x4096xf32, #tpu.memory_space<hbm>>
    tpu.enqueue_indirect_dma source(%dma_start3A_609 : memref<800x4096xf32, #tpu.memory_space<hbm>>) target(%arg11 : memref<8x4096xf32, #tpu.memory_space<vmem>>) offsets(%arg9 : memref<8xi32, #tpu.memory_space<vmem>>) semaphore(%arg17 : memref<!tpu.dma_semaphore, #tpu.memory_space<semaphore_mem>>)
    %dma_start3A_610 = arith.constant 0 : i32
    %dma_start3A_611 = arith.constant 0 : i32
    %dma_start3A_612 = tpu.memref_slice %arg3[%dma_start3A_610, %dma_start3A_611] : memref<800x128xi32, #tpu.memory_space<hbm>> -> memref<800x128xi32, #tpu.memory_space<hbm>>
    tpu.enqueue_indirect_dma source(%dma_start3A_612 : memref<800x128xi32, #tpu.memory_space<hbm>>) target(%arg13 : memref<8x128xi32, #tpu.memory_space<vmem>>) offsets(%arg9 : memref<8xi32, #tpu.memory_space<vmem>>) semaphore(%arg17 : memref<!tpu.dma_semaphore, #tpu.memory_space<semaphore_mem>>)
    %dma_start3A_613 = arith.constant 0 : i32
    %dma_start3A_614 = arith.constant 0 : i32
    %dma_start3A_615 = tpu.memref_slice %arg4[%dma_start3A_613, %dma_start3A_614] : memref<800x128xf32, #tpu.memory_space<hbm>> -> memref<800x128xf32, #tpu.memory_space<hbm>>
    tpu.enqueue_indirect_dma source(%dma_start3A_615 : memref<800x128xf32, #tpu.memory_space<hbm>>) target(%arg15 : memref<8x128xf32, #tpu.memory_space<vmem>>) offsets(%arg9 : memref<8xi32, #tpu.memory_space<vmem>>) semaphore(%arg17 : memref<!tpu.dma_semaphore, #tpu.memory_space<semaphore_mem>>)
    %dma_wait3A_616 = arith.constant 0 : i32
    %dma_wait3A_617 = arith.constant 0 : i32
    %dma_wait3A_618 = tpu.memref_slice %arg2[%dma_wait3A_616, %dma_wait3A_617] : memref<800x4096xf32, #tpu.memory_space<hbm>> -> memref<800x4096xf32, #tpu.memory_space<hbm>>
    tpu.wait_indirect_dma semaphore(%arg17 : memref<!tpu.dma_semaphore, #tpu.memory_space<semaphore_mem>>) src(%dma_wait3A_618 : memref<800x4096xf32, #tpu.memory_space<hbm>>) dst(%arg11 : memref<8x4096xf32, #tpu.memory_space<vmem>>)
    %dma_wait3A_619 = arith.constant 0 : i32
    %dma_wait3A_620 = arith.constant 0 : i32
    %dma_wait3A_621 = tpu.memref_slice %arg3[%dma_wait3A_619, %dma_wait3A_620] : memref<800x128xi32, #tpu.memory_space<hbm>> -> memref<800x128xi32, #tpu.memory_space<hbm>>
    tpu.wait_indirect_dma semaphore(%arg17 : memref<!tpu.dma_semaphore, #tpu.memory_space<semaphore_mem>>) src(%dma_wait3A_621 : memref<800x128xi32, #tpu.memory_space<hbm>>) dst(%arg13 : memref<8x128xi32, #tpu.memory_space<vmem>>)
    %dma_wait3A_622 = arith.constant 0 : i32
    %dma_wait3A_623 = arith.constant 0 : i32
    %dma_wait3A_624 = tpu.memref_slice %arg4[%dma_wait3A_622, %dma_wait3A_623] : memref<800x128xf32, #tpu.memory_space<hbm>> -> memref<800x128xf32, #tpu.memory_space<hbm>>
    tpu.wait_indirect_dma semaphore(%arg17 : memref<!tpu.dma_semaphore, #tpu.memory_space<semaphore_mem>>) src(%dma_wait3A_624 : memref<800x128xf32, #tpu.memory_space<hbm>>) dst(%arg15 : memref<8x128xf32, #tpu.memory_space<vmem>>)
    %dma_start3A_625 = arith.constant 0 : i32
    %dma_start3A_626 = tpu.memref_slice %arg6[%add3A_606, %dma_start3A_625] : memref<5120x4096xf32, #tpu.memory_space<hbm>> -> memref<8x4096xf32, #tpu.memory_space<hbm>>
    %dma_start3A_627 = arith.constant 0 : i32
    %dma_start3A_628 = tpu.memref_slice %arg6[%add3A_606, %dma_start3A_627] : memref<5120x4096xf32, #tpu.memory_space<hbm>> -> memref<8x4096xf32, #tpu.memory_space<hbm>>
    tpu.enqueue_dma source(%arg11 : memref<8x4096xf32, #tpu.memory_space<vmem>>) target(%dma_start3A_628 : memref<8x4096xf32, #tpu.memory_space<hbm>>) target_semaphore(%arg18 : memref<!tpu.dma_semaphore, #tpu.memory_space<semaphore_mem>>)
    %dma_start3A_629 = arith.constant 0 : i32
    %dma_start3A_630 = tpu.memref_slice %arg7[%add3A_606, %dma_start3A_629] : memref<5120x128xi32, #tpu.memory_space<hbm>> -> memref<8x128xi32, #tpu.memory_space<hbm>>
    %dma_start3A_631 = arith.constant 0 : i32
    %dma_start3A_632 = tpu.memref_slice %arg7[%add3A_606, %dma_start3A_631] : memref<5120x128xi32, #tpu.memory_space<hbm>> -> memref<8x128xi32, #tpu.memory_space<hbm>>
    tpu.enqueue_dma source(%arg13 : memref<8x128xi32, #tpu.memory_space<vmem>>) target(%dma_start3A_632 : memref<8x128xi32, #tpu.memory_space<hbm>>) target_semaphore(%arg18 : memref<!tpu.dma_semaphore, #tpu.memory_space<semaphore_mem>>)
    %dma_start3A_633 = arith.constant 0 : i32
    %dma_start3A_634 = tpu.memref_slice %arg8[%add3A_606, %dma_start3A_633] : memref<5120x128xf32, #tpu.memory_space<hbm>> -> memref<8x128xf32, #tpu.memory_space<hbm>>
    %dma_start3A_635 = arith.constant 0 : i32
    %dma_start3A_636 = tpu.memref_slice %arg8[%add3A_606, %dma_start3A_635] : memref<5120x128xf32, #tpu.memory_space<hbm>> -> memref<8x128xf32, #tpu.memory_space<hbm>>
    tpu.enqueue_dma source(%arg15 : memref<8x128xf32, #tpu.memory_space<vmem>>) target(%dma_start3A_636 : memref<8x128xf32, #tpu.memory_space<hbm>>) target_semaphore(%arg18 : memref<!tpu.dma_semaphore, #tpu.memory_space<semaphore_mem>>)
    %dma_wait3A_637 = arith.constant 0 : i32
    %dma_wait3A_638 = tpu.memref_slice %arg6[%add3A_562, %dma_wait3A_637] : memref<5120x4096xf32, #tpu.memory_space<hbm>> -> memref<8x4096xf32, #tpu.memory_space<hbm>>
    %dma_wait3A_639 = arith.constant 0 : i32
    %dma_wait3A_640 = tpu.memref_slice %arg6[%add3A_562, %dma_wait3A_639] : memref<5120x4096xf32, #tpu.memory_space<hbm>> -> memref<8x4096xf32, #tpu.memory_space<hbm>>
    tpu.wait_dma2 semaphore(%arg18 : memref<!tpu.dma_semaphore, #tpu.memory_space<semaphore_mem>>) src(%arg12 : memref<8x4096xf32, #tpu.memory_space<vmem>>) dst(%dma_wait3A_640 : memref<8x4096xf32, #tpu.memory_space<hbm>>)
    %dma_wait3A_641 = arith.constant 0 : i32
    %dma_wait3A_642 = tpu.memref_slice %arg7[%add3A_562, %dma_wait3A_641] : memref<5120x128xi32, #tpu.memory_space<hbm>> -> memref<8x128xi32, #tpu.memory_space<hbm>>
    %dma_wait3A_643 = arith.constant 0 : i32
    %dma_wait3A_644 = tpu.memref_slice %arg7[%add3A_562, %dma_wait3A_643] : memref<5120x128xi32, #tpu.memory_space<hbm>> -> memref<8x128xi32, #tpu.memory_space<hbm>>
    tpu.wait_dma2 semaphore(%arg18 : memref<!tpu.dma_semaphore, #tpu.memory_space<semaphore_mem>>) src(%arg14 : memref<8x128xi32, #tpu.memory_space<vmem>>) dst(%dma_wait3A_644 : memref<8x128xi32, #tpu.memory_space<hbm>>)
    %dma_wait3A_645 = arith.constant 0 : i32
    %dma_wait3A_646 = tpu.memref_slice %arg8[%add3A_562, %dma_wait3A_645] : memref<5120x128xf32, #tpu.memory_space<hbm>> -> memref<8x128xf32, #tpu.memory_space<hbm>>
    %dma_wait3A_647 = arith.constant 0 : i32
    %dma_wait3A_648 = tpu.memref_slice %arg8[%add3A_562, %dma_wait3A_647] : memref<5120x128xf32, #tpu.memory_space<hbm>> -> memref<8x128xf32, #tpu.memory_space<hbm>>
    tpu.wait_dma2 semaphore(%arg18 : memref<!tpu.dma_semaphore, #tpu.memory_space<semaphore_mem>>) src(%arg16 : memref<8x128xf32, #tpu.memory_space<vmem>>) dst(%dma_wait3A_648 : memref<8x128xf32, #tpu.memory_space<hbm>>)
    %add3A_649 = arith.constant 120 : i32
    %add3A_650 = arith.addi %mul3A_2, %add3A_649 : i32
    "tpu.region"() ({
      %run_scoped3A = tpu.sem_alloc : memref<!tpu.dma_semaphore, #tpu.memory_space<semaphore_mem>>
      %dma_start3A_881 = tpu.memref_slice %arg5[%add3A_650] : memref<5120xi32, #tpu.memory_space<hbm>> -> memref<8xi32, #tpu.memory_space<hbm>>
      %dma_start3A_882 = tpu.memref_slice %arg5[%add3A_650] : memref<5120xi32, #tpu.memory_space<hbm>> -> memref<8xi32, #tpu.memory_space<hbm>>
      tpu.enqueue_dma source(%dma_start3A_882 : memref<8xi32, #tpu.memory_space<hbm>>) target(%arg10 : memref<8xi32, #tpu.memory_space<vmem>>) target_semaphore(%run_scoped3A : memref<!tpu.dma_semaphore, #tpu.memory_space<semaphore_mem>>)
      %dma_wait3A_883 = tpu.memref_slice %arg5[%add3A_650] : memref<5120xi32, #tpu.memory_space<hbm>> -> memref<8xi32, #tpu.memory_space<hbm>>
      %dma_wait3A_884 = tpu.memref_slice %arg5[%add3A_650] : memref<5120xi32, #tpu.memory_space<hbm>> -> memref<8xi32, #tpu.memory_space<hbm>>
      tpu.wait_dma2 semaphore(%run_scoped3A : memref<!tpu.dma_semaphore, #tpu.memory_space<semaphore_mem>>) src(%dma_wait3A_884 : memref<8xi32, #tpu.memory_space<hbm>>) dst(%arg10 : memref<8xi32, #tpu.memory_space<vmem>>)
      tpu.yield
    }) : () -> ()
    %dma_start3A_651 = arith.constant 0 : i32
    %dma_start3A_652 = arith.constant 0 : i32
    %dma_start3A_653 = tpu.memref_slice %arg2[%dma_start3A_651, %dma_start3A_652] : memref<800x4096xf32, #tpu.memory_space<hbm>> -> memref<800x4096xf32, #tpu.memory_space<hbm>>
    tpu.enqueue_indirect_dma source(%dma_start3A_653 : memref<800x4096xf32, #tpu.memory_space<hbm>>) target(%arg12 : memref<8x4096xf32, #tpu.memory_space<vmem>>) offsets(%arg10 : memref<8xi32, #tpu.memory_space<vmem>>) semaphore(%arg17 : memref<!tpu.dma_semaphore, #tpu.memory_space<semaphore_mem>>)
    %dma_start3A_654 = arith.constant 0 : i32
    %dma_start3A_655 = arith.constant 0 : i32
    %dma_start3A_656 = tpu.memref_slice %arg3[%dma_start3A_654, %dma_start3A_655] : memref<800x128xi32, #tpu.memory_space<hbm>> -> memref<800x128xi32, #tpu.memory_space<hbm>>
    tpu.enqueue_indirect_dma source(%dma_start3A_656 : memref<800x128xi32, #tpu.memory_space<hbm>>) target(%arg14 : memref<8x128xi32, #tpu.memory_space<vmem>>) offsets(%arg10 : memref<8xi32, #tpu.memory_space<vmem>>) semaphore(%arg17 : memref<!tpu.dma_semaphore, #tpu.memory_space<semaphore_mem>>)
    %dma_start3A_657 = arith.constant 0 : i32
    %dma_start3A_658 = arith.constant 0 : i32
    %dma_start3A_659 = tpu.memref_slice %arg4[%dma_start3A_657, %dma_start3A_658] : memref<800x128xf32, #tpu.memory_space<hbm>> -> memref<800x128xf32, #tpu.memory_space<hbm>>
    tpu.enqueue_indirect_dma source(%dma_start3A_659 : memref<800x128xf32, #tpu.memory_space<hbm>>) target(%arg16 : memref<8x128xf32, #tpu.memory_space<vmem>>) offsets(%arg10 : memref<8xi32, #tpu.memory_space<vmem>>) semaphore(%arg17 : memref<!tpu.dma_semaphore, #tpu.memory_space<semaphore_mem>>)
    %dma_wait3A_660 = arith.constant 0 : i32
    %dma_wait3A_661 = arith.constant 0 : i32
    %dma_wait3A_662 = tpu.memref_slice %arg2[%dma_wait3A_660, %dma_wait3A_661] : memref<800x4096xf32, #tpu.memory_space<hbm>> -> memref<800x4096xf32, #tpu.memory_space<hbm>>
    tpu.wait_indirect_dma semaphore(%arg17 : memref<!tpu.dma_semaphore, #tpu.memory_space<semaphore_mem>>) src(%dma_wait3A_662 : memref<800x4096xf32, #tpu.memory_space<hbm>>) dst(%arg12 : memref<8x4096xf32, #tpu.memory_space<vmem>>)
    %dma_wait3A_663 = arith.constant 0 : i32
    %dma_wait3A_664 = arith.constant 0 : i32
    %dma_wait3A_665 = tpu.memref_slice %arg3[%dma_wait3A_663, %dma_wait3A_664] : memref<800x128xi32, #tpu.memory_space<hbm>> -> memref<800x128xi32, #tpu.memory_space<hbm>>
    tpu.wait_indirect_dma semaphore(%arg17 : memref<!tpu.dma_semaphore, #tpu.memory_space<semaphore_mem>>) src(%dma_wait3A_665 : memref<800x128xi32, #tpu.memory_space<hbm>>) dst(%arg14 : memref<8x128xi32, #tpu.memory_space<vmem>>)
    %dma_wait3A_666 = arith.constant 0 : i32
    %dma_wait3A_667 = arith.constant 0 : i32
    %dma_wait3A_668 = tpu.memref_slice %arg4[%dma_wait3A_666, %dma_wait3A_667] : memref<800x128xf32, #tpu.memory_space<hbm>> -> memref<800x128xf32, #tpu.memory_space<hbm>>
    tpu.wait_indirect_dma semaphore(%arg17 : memref<!tpu.dma_semaphore, #tpu.memory_space<semaphore_mem>>) src(%dma_wait3A_668 : memref<800x128xf32, #tpu.memory_space<hbm>>) dst(%arg16 : memref<8x128xf32, #tpu.memory_space<vmem>>)
    %dma_start3A_669 = arith.constant 0 : i32
    %dma_start3A_670 = tpu.memref_slice %arg6[%add3A_650, %dma_start3A_669] : memref<5120x4096xf32, #tpu.memory_space<hbm>> -> memref<8x4096xf32, #tpu.memory_space<hbm>>
    %dma_start3A_671 = arith.constant 0 : i32
    %dma_start3A_672 = tpu.memref_slice %arg6[%add3A_650, %dma_start3A_671] : memref<5120x4096xf32, #tpu.memory_space<hbm>> -> memref<8x4096xf32, #tpu.memory_space<hbm>>
    tpu.enqueue_dma source(%arg12 : memref<8x4096xf32, #tpu.memory_space<vmem>>) target(%dma_start3A_672 : memref<8x4096xf32, #tpu.memory_space<hbm>>) target_semaphore(%arg18 : memref<!tpu.dma_semaphore, #tpu.memory_space<semaphore_mem>>)
    %dma_start3A_673 = arith.constant 0 : i32
    %dma_start3A_674 = tpu.memref_slice %arg7[%add3A_650, %dma_start3A_673] : memref<5120x128xi32, #tpu.memory_space<hbm>> -> memref<8x128xi32, #tpu.memory_space<hbm>>
    %dma_start3A_675 = arith.constant 0 : i32
    %dma_start3A_676 = tpu.memref_slice %arg7[%add3A_650, %dma_start3A_675] : memref<5120x128xi32, #tpu.memory_space<hbm>> -> memref<8x128xi32, #tpu.memory_space<hbm>>
    tpu.enqueue_dma source(%arg14 : memref<8x128xi32, #tpu.memory_space<vmem>>) target(%dma_start3A_676 : memref<8x128xi32, #tpu.memory_space<hbm>>) target_semaphore(%arg18 : memref<!tpu.dma_semaphore, #tpu.memory_space<semaphore_mem>>)
    %dma_start3A_677 = arith.constant 0 : i32
    %dma_start3A_678 = tpu.memref_slice %arg8[%add3A_650, %dma_start3A_677] : memref<5120x128xf32, #tpu.memory_space<hbm>> -> memref<8x128xf32, #tpu.memory_space<hbm>>
    %dma_start3A_679 = arith.constant 0 : i32
    %dma_start3A_680 = tpu.memref_slice %arg8[%add3A_650, %dma_start3A_679] : memref<5120x128xf32, #tpu.memory_space<hbm>> -> memref<8x128xf32, #tpu.memory_space<hbm>>
    tpu.enqueue_dma source(%arg16 : memref<8x128xf32, #tpu.memory_space<vmem>>) target(%dma_start3A_680 : memref<8x128xf32, #tpu.memory_space<hbm>>) target_semaphore(%arg18 : memref<!tpu.dma_semaphore, #tpu.memory_space<semaphore_mem>>)
    %dma_wait3A_681 = arith.constant 0 : i32
    %dma_wait3A_682 = tpu.memref_slice %arg6[%add3A_606, %dma_wait3A_681] : memref<5120x4096xf32, #tpu.memory_space<hbm>> -> memref<8x4096xf32, #tpu.memory_space<hbm>>
    %dma_wait3A_683 = arith.constant 0 : i32
    %dma_wait3A_684 = tpu.memref_slice %arg6[%add3A_606, %dma_wait3A_683] : memref<5120x4096xf32, #tpu.memory_space<hbm>> -> memref<8x4096xf32, #tpu.memory_space<hbm>>
    tpu.wait_dma2 semaphore(%arg18 : memref<!tpu.dma_semaphore, #tpu.memory_space<semaphore_mem>>) src(%arg11 : memref<8x4096xf32, #tpu.memory_space<vmem>>) dst(%dma_wait3A_684 : memref<8x4096xf32, #tpu.memory_space<hbm>>)
    %dma_wait3A_685 = arith.constant 0 : i32
    %dma_wait3A_686 = tpu.memref_slice %arg7[%add3A_606, %dma_wait3A_685] : memref<5120x128xi32, #tpu.memory_space<hbm>> -> memref<8x128xi32, #tpu.memory_space<hbm>>
    %dma_wait3A_687 = arith.constant 0 : i32
    %dma_wait3A_688 = tpu.memref_slice %arg7[%add3A_606, %dma_wait3A_687] : memref<5120x128xi32, #tpu.memory_space<hbm>> -> memref<8x128xi32, #tpu.memory_space<hbm>>
    tpu.wait_dma2 semaphore(%arg18 : memref<!tpu.dma_semaphore, #tpu.memory_space<semaphore_mem>>) src(%arg13 : memref<8x128xi32, #tpu.memory_space<vmem>>) dst(%dma_wait3A_688 : memref<8x128xi32, #tpu.memory_space<hbm>>)
    %dma_wait3A_689 = arith.constant 0 : i32
    %dma_wait3A_690 = tpu.memref_slice %arg8[%add3A_606, %dma_wait3A_689] : memref<5120x128xf32, #tpu.memory_space<hbm>> -> memref<8x128xf32, #tpu.memory_space<hbm>>
    %dma_wait3A_691 = arith.constant 0 : i32
    %dma_wait3A_692 = tpu.memref_slice %arg8[%add3A_606, %dma_wait3A_691] : memref<5120x128xf32, #tpu.memory_space<hbm>> -> memref<8x128xf32, #tpu.memory_space<hbm>>
    tpu.wait_dma2 semaphore(%arg18 : memref<!tpu.dma_semaphore, #tpu.memory_space<semaphore_mem>>) src(%arg15 : memref<8x128xf32, #tpu.memory_space<vmem>>) dst(%dma_wait3A_692 : memref<8x128xf32, #tpu.memory_space<hbm>>)
    %add3A_693 = arith.constant 128 : i32
    %add3A_694 = arith.addi %mul3A_2, %add3A_693 : i32
    "tpu.region"() ({
      %run_scoped3A = tpu.sem_alloc : memref<!tpu.dma_semaphore, #tpu.memory_space<semaphore_mem>>
      %dma_start3A_881 = tpu.memref_slice %arg5[%add3A_694] : memref<5120xi32, #tpu.memory_space<hbm>> -> memref<8xi32, #tpu.memory_space<hbm>>
      %dma_start3A_882 = tpu.memref_slice %arg5[%add3A_694] : memref<5120xi32, #tpu.memory_space<hbm>> -> memref<8xi32, #tpu.memory_space<hbm>>
      tpu.enqueue_dma source(%dma_start3A_882 : memref<8xi32, #tpu.memory_space<hbm>>) target(%arg9 : memref<8xi32, #tpu.memory_space<vmem>>) target_semaphore(%run_scoped3A : memref<!tpu.dma_semaphore, #tpu.memory_space<semaphore_mem>>)
      %dma_wait3A_883 = tpu.memref_slice %arg5[%add3A_694] : memref<5120xi32, #tpu.memory_space<hbm>> -> memref<8xi32, #tpu.memory_space<hbm>>
      %dma_wait3A_884 = tpu.memref_slice %arg5[%add3A_694] : memref<5120xi32, #tpu.memory_space<hbm>> -> memref<8xi32, #tpu.memory_space<hbm>>
      tpu.wait_dma2 semaphore(%run_scoped3A : memref<!tpu.dma_semaphore, #tpu.memory_space<semaphore_mem>>) src(%dma_wait3A_884 : memref<8xi32, #tpu.memory_space<hbm>>) dst(%arg9 : memref<8xi32, #tpu.memory_space<vmem>>)
      tpu.yield
    }) : () -> ()
    %dma_start3A_695 = arith.constant 0 : i32
    %dma_start3A_696 = arith.constant 0 : i32
    %dma_start3A_697 = tpu.memref_slice %arg2[%dma_start3A_695, %dma_start3A_696] : memref<800x4096xf32, #tpu.memory_space<hbm>> -> memref<800x4096xf32, #tpu.memory_space<hbm>>
    tpu.enqueue_indirect_dma source(%dma_start3A_697 : memref<800x4096xf32, #tpu.memory_space<hbm>>) target(%arg11 : memref<8x4096xf32, #tpu.memory_space<vmem>>) offsets(%arg9 : memref<8xi32, #tpu.memory_space<vmem>>) semaphore(%arg17 : memref<!tpu.dma_semaphore, #tpu.memory_space<semaphore_mem>>)
    %dma_start3A_698 = arith.constant 0 : i32
    %dma_start3A_699 = arith.constant 0 : i32
    %dma_start3A_700 = tpu.memref_slice %arg3[%dma_start3A_698, %dma_start3A_699] : memref<800x128xi32, #tpu.memory_space<hbm>> -> memref<800x128xi32, #tpu.memory_space<hbm>>
    tpu.enqueue_indirect_dma source(%dma_start3A_700 : memref<800x128xi32, #tpu.memory_space<hbm>>) target(%arg13 : memref<8x128xi32, #tpu.memory_space<vmem>>) offsets(%arg9 : memref<8xi32, #tpu.memory_space<vmem>>) semaphore(%arg17 : memref<!tpu.dma_semaphore, #tpu.memory_space<semaphore_mem>>)
    %dma_start3A_701 = arith.constant 0 : i32
    %dma_start3A_702 = arith.constant 0 : i32
    %dma_start3A_703 = tpu.memref_slice %arg4[%dma_start3A_701, %dma_start3A_702] : memref<800x128xf32, #tpu.memory_space<hbm>> -> memref<800x128xf32, #tpu.memory_space<hbm>>
    tpu.enqueue_indirect_dma source(%dma_start3A_703 : memref<800x128xf32, #tpu.memory_space<hbm>>) target(%arg15 : memref<8x128xf32, #tpu.memory_space<vmem>>) offsets(%arg9 : memref<8xi32, #tpu.memory_space<vmem>>) semaphore(%arg17 : memref<!tpu.dma_semaphore, #tpu.memory_space<semaphore_mem>>)
    %dma_wait3A_704 = arith.constant 0 : i32
    %dma_wait3A_705 = arith.constant 0 : i32
    %dma_wait3A_706 = tpu.memref_slice %arg2[%dma_wait3A_704, %dma_wait3A_705] : memref<800x4096xf32, #tpu.memory_space<hbm>> -> memref<800x4096xf32, #tpu.memory_space<hbm>>
    tpu.wait_indirect_dma semaphore(%arg17 : memref<!tpu.dma_semaphore, #tpu.memory_space<semaphore_mem>>) src(%dma_wait3A_706 : memref<800x4096xf32, #tpu.memory_space<hbm>>) dst(%arg11 : memref<8x4096xf32, #tpu.memory_space<vmem>>)
    %dma_wait3A_707 = arith.constant 0 : i32
    %dma_wait3A_708 = arith.constant 0 : i32
    %dma_wait3A_709 = tpu.memref_slice %arg3[%dma_wait3A_707, %dma_wait3A_708] : memref<800x128xi32, #tpu.memory_space<hbm>> -> memref<800x128xi32, #tpu.memory_space<hbm>>
    tpu.wait_indirect_dma semaphore(%arg17 : memref<!tpu.dma_semaphore, #tpu.memory_space<semaphore_mem>>) src(%dma_wait3A_709 : memref<800x128xi32, #tpu.memory_space<hbm>>) dst(%arg13 : memref<8x128xi32, #tpu.memory_space<vmem>>)
    %dma_wait3A_710 = arith.constant 0 : i32
    %dma_wait3A_711 = arith.constant 0 : i32
    %dma_wait3A_712 = tpu.memref_slice %arg4[%dma_wait3A_710, %dma_wait3A_711] : memref<800x128xf32, #tpu.memory_space<hbm>> -> memref<800x128xf32, #tpu.memory_space<hbm>>
    tpu.wait_indirect_dma semaphore(%arg17 : memref<!tpu.dma_semaphore, #tpu.memory_space<semaphore_mem>>) src(%dma_wait3A_712 : memref<800x128xf32, #tpu.memory_space<hbm>>) dst(%arg15 : memref<8x128xf32, #tpu.memory_space<vmem>>)
    %dma_start3A_713 = arith.constant 0 : i32
    %dma_start3A_714 = tpu.memref_slice %arg6[%add3A_694, %dma_start3A_713] : memref<5120x4096xf32, #tpu.memory_space<hbm>> -> memref<8x4096xf32, #tpu.memory_space<hbm>>
    %dma_start3A_715 = arith.constant 0 : i32
    %dma_start3A_716 = tpu.memref_slice %arg6[%add3A_694, %dma_start3A_715] : memref<5120x4096xf32, #tpu.memory_space<hbm>> -> memref<8x4096xf32, #tpu.memory_space<hbm>>
    tpu.enqueue_dma source(%arg11 : memref<8x4096xf32, #tpu.memory_space<vmem>>) target(%dma_start3A_716 : memref<8x4096xf32, #tpu.memory_space<hbm>>) target_semaphore(%arg18 : memref<!tpu.dma_semaphore, #tpu.memory_space<semaphore_mem>>)
    %dma_start3A_717 = arith.constant 0 : i32
    %dma_start3A_718 = tpu.memref_slice %arg7[%add3A_694, %dma_start3A_717] : memref<5120x128xi32, #tpu.memory_space<hbm>> -> memref<8x128xi32, #tpu.memory_space<hbm>>
    %dma_start3A_719 = arith.constant 0 : i32
    %dma_start3A_720 = tpu.memref_slice %arg7[%add3A_694, %dma_start3A_719] : memref<5120x128xi32, #tpu.memory_space<hbm>> -> memref<8x128xi32, #tpu.memory_space<hbm>>
    tpu.enqueue_dma source(%arg13 : memref<8x128xi32, #tpu.memory_space<vmem>>) target(%dma_start3A_720 : memref<8x128xi32, #tpu.memory_space<hbm>>) target_semaphore(%arg18 : memref<!tpu.dma_semaphore, #tpu.memory_space<semaphore_mem>>)
    %dma_start3A_721 = arith.constant 0 : i32
    %dma_start3A_722 = tpu.memref_slice %arg8[%add3A_694, %dma_start3A_721] : memref<5120x128xf32, #tpu.memory_space<hbm>> -> memref<8x128xf32, #tpu.memory_space<hbm>>
    %dma_start3A_723 = arith.constant 0 : i32
    %dma_start3A_724 = tpu.memref_slice %arg8[%add3A_694, %dma_start3A_723] : memref<5120x128xf32, #tpu.memory_space<hbm>> -> memref<8x128xf32, #tpu.memory_space<hbm>>
    tpu.enqueue_dma source(%arg15 : memref<8x128xf32, #tpu.memory_space<vmem>>) target(%dma_start3A_724 : memref<8x128xf32, #tpu.memory_space<hbm>>) target_semaphore(%arg18 : memref<!tpu.dma_semaphore, #tpu.memory_space<semaphore_mem>>)
    %dma_wait3A_725 = arith.constant 0 : i32
    %dma_wait3A_726 = tpu.memref_slice %arg6[%add3A_650, %dma_wait3A_725] : memref<5120x4096xf32, #tpu.memory_space<hbm>> -> memref<8x4096xf32, #tpu.memory_space<hbm>>
    %dma_wait3A_727 = arith.constant 0 : i32
    %dma_wait3A_728 = tpu.memref_slice %arg6[%add3A_650, %dma_wait3A_727] : memref<5120x4096xf32, #tpu.memory_space<hbm>> -> memref<8x4096xf32, #tpu.memory_space<hbm>>
    tpu.wait_dma2 semaphore(%arg18 : memref<!tpu.dma_semaphore, #tpu.memory_space<semaphore_mem>>) src(%arg12 : memref<8x4096xf32, #tpu.memory_space<vmem>>) dst(%dma_wait3A_728 : memref<8x4096xf32, #tpu.memory_space<hbm>>)
    %dma_wait3A_729 = arith.constant 0 : i32
    %dma_wait3A_730 = tpu.memref_slice %arg7[%add3A_650, %dma_wait3A_729] : memref<5120x128xi32, #tpu.memory_space<hbm>> -> memref<8x128xi32, #tpu.memory_space<hbm>>
    %dma_wait3A_731 = arith.constant 0 : i32
    %dma_wait3A_732 = tpu.memref_slice %arg7[%add3A_650, %dma_wait3A_731] : memref<5120x128xi32, #tpu.memory_space<hbm>> -> memref<8x128xi32, #tpu.memory_space<hbm>>
    tpu.wait_dma2 semaphore(%arg18 : memref<!tpu.dma_semaphore, #tpu.memory_space<semaphore_mem>>) src(%arg14 : memref<8x128xi32, #tpu.memory_space<vmem>>) dst(%dma_wait3A_732 : memref<8x128xi32, #tpu.memory_space<hbm>>)
    %dma_wait3A_733 = arith.constant 0 : i32
    %dma_wait3A_734 = tpu.memref_slice %arg8[%add3A_650, %dma_wait3A_733] : memref<5120x128xf32, #tpu.memory_space<hbm>> -> memref<8x128xf32, #tpu.memory_space<hbm>>
    %dma_wait3A_735 = arith.constant 0 : i32
    %dma_wait3A_736 = tpu.memref_slice %arg8[%add3A_650, %dma_wait3A_735] : memref<5120x128xf32, #tpu.memory_space<hbm>> -> memref<8x128xf32, #tpu.memory_space<hbm>>
    tpu.wait_dma2 semaphore(%arg18 : memref<!tpu.dma_semaphore, #tpu.memory_space<semaphore_mem>>) src(%arg16 : memref<8x128xf32, #tpu.memory_space<vmem>>) dst(%dma_wait3A_736 : memref<8x128xf32, #tpu.memory_space<hbm>>)
    %add3A_737 = arith.constant 136 : i32
    %add3A_738 = arith.addi %mul3A_2, %add3A_737 : i32
    "tpu.region"() ({
      %run_scoped3A = tpu.sem_alloc : memref<!tpu.dma_semaphore, #tpu.memory_space<semaphore_mem>>
      %dma_start3A_881 = tpu.memref_slice %arg5[%add3A_738] : memref<5120xi32, #tpu.memory_space<hbm>> -> memref<8xi32, #tpu.memory_space<hbm>>
      %dma_start3A_882 = tpu.memref_slice %arg5[%add3A_738] : memref<5120xi32, #tpu.memory_space<hbm>> -> memref<8xi32, #tpu.memory_space<hbm>>
      tpu.enqueue_dma source(%dma_start3A_882 : memref<8xi32, #tpu.memory_space<hbm>>) target(%arg10 : memref<8xi32, #tpu.memory_space<vmem>>) target_semaphore(%run_scoped3A : memref<!tpu.dma_semaphore, #tpu.memory_space<semaphore_mem>>)
      %dma_wait3A_883 = tpu.memref_slice %arg5[%add3A_738] : memref<5120xi32, #tpu.memory_space<hbm>> -> memref<8xi32, #tpu.memory_space<hbm>>
      %dma_wait3A_884 = tpu.memref_slice %arg5[%add3A_738] : memref<5120xi32, #tpu.memory_space<hbm>> -> memref<8xi32, #tpu.memory_space<hbm>>
      tpu.wait_dma2 semaphore(%run_scoped3A : memref<!tpu.dma_semaphore, #tpu.memory_space<semaphore_mem>>) src(%dma_wait3A_884 : memref<8xi32, #tpu.memory_space<hbm>>) dst(%arg10 : memref<8xi32, #tpu.memory_space<vmem>>)
      tpu.yield
    }) : () -> ()
    %dma_start3A_739 = arith.constant 0 : i32
    %dma_start3A_740 = arith.constant 0 : i32
    %dma_start3A_741 = tpu.memref_slice %arg2[%dma_start3A_739, %dma_start3A_740] : memref<800x4096xf32, #tpu.memory_space<hbm>> -> memref<800x4096xf32, #tpu.memory_space<hbm>>
    tpu.enqueue_indirect_dma source(%dma_start3A_741 : memref<800x4096xf32, #tpu.memory_space<hbm>>) target(%arg12 : memref<8x4096xf32, #tpu.memory_space<vmem>>) offsets(%arg10 : memref<8xi32, #tpu.memory_space<vmem>>) semaphore(%arg17 : memref<!tpu.dma_semaphore, #tpu.memory_space<semaphore_mem>>)
    %dma_start3A_742 = arith.constant 0 : i32
    %dma_start3A_743 = arith.constant 0 : i32
    %dma_start3A_744 = tpu.memref_slice %arg3[%dma_start3A_742, %dma_start3A_743] : memref<800x128xi32, #tpu.memory_space<hbm>> -> memref<800x128xi32, #tpu.memory_space<hbm>>
    tpu.enqueue_indirect_dma source(%dma_start3A_744 : memref<800x128xi32, #tpu.memory_space<hbm>>) target(%arg14 : memref<8x128xi32, #tpu.memory_space<vmem>>) offsets(%arg10 : memref<8xi32, #tpu.memory_space<vmem>>) semaphore(%arg17 : memref<!tpu.dma_semaphore, #tpu.memory_space<semaphore_mem>>)
    %dma_start3A_745 = arith.constant 0 : i32
    %dma_start3A_746 = arith.constant 0 : i32
    %dma_start3A_747 = tpu.memref_slice %arg4[%dma_start3A_745, %dma_start3A_746] : memref<800x128xf32, #tpu.memory_space<hbm>> -> memref<800x128xf32, #tpu.memory_space<hbm>>
    tpu.enqueue_indirect_dma source(%dma_start3A_747 : memref<800x128xf32, #tpu.memory_space<hbm>>) target(%arg16 : memref<8x128xf32, #tpu.memory_space<vmem>>) offsets(%arg10 : memref<8xi32, #tpu.memory_space<vmem>>) semaphore(%arg17 : memref<!tpu.dma_semaphore, #tpu.memory_space<semaphore_mem>>)
    %dma_wait3A_748 = arith.constant 0 : i32
    %dma_wait3A_749 = arith.constant 0 : i32
    %dma_wait3A_750 = tpu.memref_slice %arg2[%dma_wait3A_748, %dma_wait3A_749] : memref<800x4096xf32, #tpu.memory_space<hbm>> -> memref<800x4096xf32, #tpu.memory_space<hbm>>
    tpu.wait_indirect_dma semaphore(%arg17 : memref<!tpu.dma_semaphore, #tpu.memory_space<semaphore_mem>>) src(%dma_wait3A_750 : memref<800x4096xf32, #tpu.memory_space<hbm>>) dst(%arg12 : memref<8x4096xf32, #tpu.memory_space<vmem>>)
    %dma_wait3A_751 = arith.constant 0 : i32
    %dma_wait3A_752 = arith.constant 0 : i32
    %dma_wait3A_753 = tpu.memref_slice %arg3[%dma_wait3A_751, %dma_wait3A_752] : memref<800x128xi32, #tpu.memory_space<hbm>> -> memref<800x128xi32, #tpu.memory_space<hbm>>
    tpu.wait_indirect_dma semaphore(%arg17 : memref<!tpu.dma_semaphore, #tpu.memory_space<semaphore_mem>>) src(%dma_wait3A_753 : memref<800x128xi32, #tpu.memory_space<hbm>>) dst(%arg14 : memref<8x128xi32, #tpu.memory_space<vmem>>)
    %dma_wait3A_754 = arith.constant 0 : i32
    %dma_wait3A_755 = arith.constant 0 : i32
    %dma_wait3A_756 = tpu.memref_slice %arg4[%dma_wait3A_754, %dma_wait3A_755] : memref<800x128xf32, #tpu.memory_space<hbm>> -> memref<800x128xf32, #tpu.memory_space<hbm>>
    tpu.wait_indirect_dma semaphore(%arg17 : memref<!tpu.dma_semaphore, #tpu.memory_space<semaphore_mem>>) src(%dma_wait3A_756 : memref<800x128xf32, #tpu.memory_space<hbm>>) dst(%arg16 : memref<8x128xf32, #tpu.memory_space<vmem>>)
    %dma_start3A_757 = arith.constant 0 : i32
    %dma_start3A_758 = tpu.memref_slice %arg6[%add3A_738, %dma_start3A_757] : memref<5120x4096xf32, #tpu.memory_space<hbm>> -> memref<8x4096xf32, #tpu.memory_space<hbm>>
    %dma_start3A_759 = arith.constant 0 : i32
    %dma_start3A_760 = tpu.memref_slice %arg6[%add3A_738, %dma_start3A_759] : memref<5120x4096xf32, #tpu.memory_space<hbm>> -> memref<8x4096xf32, #tpu.memory_space<hbm>>
    tpu.enqueue_dma source(%arg12 : memref<8x4096xf32, #tpu.memory_space<vmem>>) target(%dma_start3A_760 : memref<8x4096xf32, #tpu.memory_space<hbm>>) target_semaphore(%arg18 : memref<!tpu.dma_semaphore, #tpu.memory_space<semaphore_mem>>)
    %dma_start3A_761 = arith.constant 0 : i32
    %dma_start3A_762 = tpu.memref_slice %arg7[%add3A_738, %dma_start3A_761] : memref<5120x128xi32, #tpu.memory_space<hbm>> -> memref<8x128xi32, #tpu.memory_space<hbm>>
    %dma_start3A_763 = arith.constant 0 : i32
    %dma_start3A_764 = tpu.memref_slice %arg7[%add3A_738, %dma_start3A_763] : memref<5120x128xi32, #tpu.memory_space<hbm>> -> memref<8x128xi32, #tpu.memory_space<hbm>>
    tpu.enqueue_dma source(%arg14 : memref<8x128xi32, #tpu.memory_space<vmem>>) target(%dma_start3A_764 : memref<8x128xi32, #tpu.memory_space<hbm>>) target_semaphore(%arg18 : memref<!tpu.dma_semaphore, #tpu.memory_space<semaphore_mem>>)
    %dma_start3A_765 = arith.constant 0 : i32
    %dma_start3A_766 = tpu.memref_slice %arg8[%add3A_738, %dma_start3A_765] : memref<5120x128xf32, #tpu.memory_space<hbm>> -> memref<8x128xf32, #tpu.memory_space<hbm>>
    %dma_start3A_767 = arith.constant 0 : i32
    %dma_start3A_768 = tpu.memref_slice %arg8[%add3A_738, %dma_start3A_767] : memref<5120x128xf32, #tpu.memory_space<hbm>> -> memref<8x128xf32, #tpu.memory_space<hbm>>
    tpu.enqueue_dma source(%arg16 : memref<8x128xf32, #tpu.memory_space<vmem>>) target(%dma_start3A_768 : memref<8x128xf32, #tpu.memory_space<hbm>>) target_semaphore(%arg18 : memref<!tpu.dma_semaphore, #tpu.memory_space<semaphore_mem>>)
    %dma_wait3A_769 = arith.constant 0 : i32
    %dma_wait3A_770 = tpu.memref_slice %arg6[%add3A_694, %dma_wait3A_769] : memref<5120x4096xf32, #tpu.memory_space<hbm>> -> memref<8x4096xf32, #tpu.memory_space<hbm>>
    %dma_wait3A_771 = arith.constant 0 : i32
    %dma_wait3A_772 = tpu.memref_slice %arg6[%add3A_694, %dma_wait3A_771] : memref<5120x4096xf32, #tpu.memory_space<hbm>> -> memref<8x4096xf32, #tpu.memory_space<hbm>>
    tpu.wait_dma2 semaphore(%arg18 : memref<!tpu.dma_semaphore, #tpu.memory_space<semaphore_mem>>) src(%arg11 : memref<8x4096xf32, #tpu.memory_space<vmem>>) dst(%dma_wait3A_772 : memref<8x4096xf32, #tpu.memory_space<hbm>>)
    %dma_wait3A_773 = arith.constant 0 : i32
    %dma_wait3A_774 = tpu.memref_slice %arg7[%add3A_694, %dma_wait3A_773] : memref<5120x128xi32, #tpu.memory_space<hbm>> -> memref<8x128xi32, #tpu.memory_space<hbm>>
    %dma_wait3A_775 = arith.constant 0 : i32
    %dma_wait3A_776 = tpu.memref_slice %arg7[%add3A_694, %dma_wait3A_775] : memref<5120x128xi32, #tpu.memory_space<hbm>> -> memref<8x128xi32, #tpu.memory_space<hbm>>
    tpu.wait_dma2 semaphore(%arg18 : memref<!tpu.dma_semaphore, #tpu.memory_space<semaphore_mem>>) src(%arg13 : memref<8x128xi32, #tpu.memory_space<vmem>>) dst(%dma_wait3A_776 : memref<8x128xi32, #tpu.memory_space<hbm>>)
    %dma_wait3A_777 = arith.constant 0 : i32
    %dma_wait3A_778 = tpu.memref_slice %arg8[%add3A_694, %dma_wait3A_777] : memref<5120x128xf32, #tpu.memory_space<hbm>> -> memref<8x128xf32, #tpu.memory_space<hbm>>
    %dma_wait3A_779 = arith.constant 0 : i32
    %dma_wait3A_780 = tpu.memref_slice %arg8[%add3A_694, %dma_wait3A_779] : memref<5120x128xf32, #tpu.memory_space<hbm>> -> memref<8x128xf32, #tpu.memory_space<hbm>>
    tpu.wait_dma2 semaphore(%arg18 : memref<!tpu.dma_semaphore, #tpu.memory_space<semaphore_mem>>) src(%arg15 : memref<8x128xf32, #tpu.memory_space<vmem>>) dst(%dma_wait3A_780 : memref<8x128xf32, #tpu.memory_space<hbm>>)
    %add3A_781 = arith.constant 144 : i32
    %add3A_782 = arith.addi %mul3A_2, %add3A_781 : i32
    "tpu.region"() ({
      %run_scoped3A = tpu.sem_alloc : memref<!tpu.dma_semaphore, #tpu.memory_space<semaphore_mem>>
      %dma_start3A_881 = tpu.memref_slice %arg5[%add3A_782] : memref<5120xi32, #tpu.memory_space<hbm>> -> memref<8xi32, #tpu.memory_space<hbm>>
      %dma_start3A_882 = tpu.memref_slice %arg5[%add3A_782] : memref<5120xi32, #tpu.memory_space<hbm>> -> memref<8xi32, #tpu.memory_space<hbm>>
      tpu.enqueue_dma source(%dma_start3A_882 : memref<8xi32, #tpu.memory_space<hbm>>) target(%arg9 : memref<8xi32, #tpu.memory_space<vmem>>) target_semaphore(%run_scoped3A : memref<!tpu.dma_semaphore, #tpu.memory_space<semaphore_mem>>)
      %dma_wait3A_883 = tpu.memref_slice %arg5[%add3A_782] : memref<5120xi32, #tpu.memory_space<hbm>> -> memref<8xi32, #tpu.memory_space<hbm>>
      %dma_wait3A_884 = tpu.memref_slice %arg5[%add3A_782] : memref<5120xi32, #tpu.memory_space<hbm>> -> memref<8xi32, #tpu.memory_space<hbm>>
      tpu.wait_dma2 semaphore(%run_scoped3A : memref<!tpu.dma_semaphore, #tpu.memory_space<semaphore_mem>>) src(%dma_wait3A_884 : memref<8xi32, #tpu.memory_space<hbm>>) dst(%arg9 : memref<8xi32, #tpu.memory_space<vmem>>)
      tpu.yield
    }) : () -> ()
    %dma_start3A_783 = arith.constant 0 : i32
    %dma_start3A_784 = arith.constant 0 : i32
    %dma_start3A_785 = tpu.memref_slice %arg2[%dma_start3A_783, %dma_start3A_784] : memref<800x4096xf32, #tpu.memory_space<hbm>> -> memref<800x4096xf32, #tpu.memory_space<hbm>>
    tpu.enqueue_indirect_dma source(%dma_start3A_785 : memref<800x4096xf32, #tpu.memory_space<hbm>>) target(%arg11 : memref<8x4096xf32, #tpu.memory_space<vmem>>) offsets(%arg9 : memref<8xi32, #tpu.memory_space<vmem>>) semaphore(%arg17 : memref<!tpu.dma_semaphore, #tpu.memory_space<semaphore_mem>>)
    %dma_start3A_786 = arith.constant 0 : i32
    %dma_start3A_787 = arith.constant 0 : i32
    %dma_start3A_788 = tpu.memref_slice %arg3[%dma_start3A_786, %dma_start3A_787] : memref<800x128xi32, #tpu.memory_space<hbm>> -> memref<800x128xi32, #tpu.memory_space<hbm>>
    tpu.enqueue_indirect_dma source(%dma_start3A_788 : memref<800x128xi32, #tpu.memory_space<hbm>>) target(%arg13 : memref<8x128xi32, #tpu.memory_space<vmem>>) offsets(%arg9 : memref<8xi32, #tpu.memory_space<vmem>>) semaphore(%arg17 : memref<!tpu.dma_semaphore, #tpu.memory_space<semaphore_mem>>)
    %dma_start3A_789 = arith.constant 0 : i32
    %dma_start3A_790 = arith.constant 0 : i32
    %dma_start3A_791 = tpu.memref_slice %arg4[%dma_start3A_789, %dma_start3A_790] : memref<800x128xf32, #tpu.memory_space<hbm>> -> memref<800x128xf32, #tpu.memory_space<hbm>>
    tpu.enqueue_indirect_dma source(%dma_start3A_791 : memref<800x128xf32, #tpu.memory_space<hbm>>) target(%arg15 : memref<8x128xf32, #tpu.memory_space<vmem>>) offsets(%arg9 : memref<8xi32, #tpu.memory_space<vmem>>) semaphore(%arg17 : memref<!tpu.dma_semaphore, #tpu.memory_space<semaphore_mem>>)
    %dma_wait3A_792 = arith.constant 0 : i32
    %dma_wait3A_793 = arith.constant 0 : i32
    %dma_wait3A_794 = tpu.memref_slice %arg2[%dma_wait3A_792, %dma_wait3A_793] : memref<800x4096xf32, #tpu.memory_space<hbm>> -> memref<800x4096xf32, #tpu.memory_space<hbm>>
    tpu.wait_indirect_dma semaphore(%arg17 : memref<!tpu.dma_semaphore, #tpu.memory_space<semaphore_mem>>) src(%dma_wait3A_794 : memref<800x4096xf32, #tpu.memory_space<hbm>>) dst(%arg11 : memref<8x4096xf32, #tpu.memory_space<vmem>>)
    %dma_wait3A_795 = arith.constant 0 : i32
    %dma_wait3A_796 = arith.constant 0 : i32
    %dma_wait3A_797 = tpu.memref_slice %arg3[%dma_wait3A_795, %dma_wait3A_796] : memref<800x128xi32, #tpu.memory_space<hbm>> -> memref<800x128xi32, #tpu.memory_space<hbm>>
    tpu.wait_indirect_dma semaphore(%arg17 : memref<!tpu.dma_semaphore, #tpu.memory_space<semaphore_mem>>) src(%dma_wait3A_797 : memref<800x128xi32, #tpu.memory_space<hbm>>) dst(%arg13 : memref<8x128xi32, #tpu.memory_space<vmem>>)
    %dma_wait3A_798 = arith.constant 0 : i32
    %dma_wait3A_799 = arith.constant 0 : i32
    %dma_wait3A_800 = tpu.memref_slice %arg4[%dma_wait3A_798, %dma_wait3A_799] : memref<800x128xf32, #tpu.memory_space<hbm>> -> memref<800x128xf32, #tpu.memory_space<hbm>>
    tpu.wait_indirect_dma semaphore(%arg17 : memref<!tpu.dma_semaphore, #tpu.memory_space<semaphore_mem>>) src(%dma_wait3A_800 : memref<800x128xf32, #tpu.memory_space<hbm>>) dst(%arg15 : memref<8x128xf32, #tpu.memory_space<vmem>>)
    %dma_start3A_801 = arith.constant 0 : i32
    %dma_start3A_802 = tpu.memref_slice %arg6[%add3A_782, %dma_start3A_801] : memref<5120x4096xf32, #tpu.memory_space<hbm>> -> memref<8x4096xf32, #tpu.memory_space<hbm>>
    %dma_start3A_803 = arith.constant 0 : i32
    %dma_start3A_804 = tpu.memref_slice %arg6[%add3A_782, %dma_start3A_803] : memref<5120x4096xf32, #tpu.memory_space<hbm>> -> memref<8x4096xf32, #tpu.memory_space<hbm>>
    tpu.enqueue_dma source(%arg11 : memref<8x4096xf32, #tpu.memory_space<vmem>>) target(%dma_start3A_804 : memref<8x4096xf32, #tpu.memory_space<hbm>>) target_semaphore(%arg18 : memref<!tpu.dma_semaphore, #tpu.memory_space<semaphore_mem>>)
    %dma_start3A_805 = arith.constant 0 : i32
    %dma_start3A_806 = tpu.memref_slice %arg7[%add3A_782, %dma_start3A_805] : memref<5120x128xi32, #tpu.memory_space<hbm>> -> memref<8x128xi32, #tpu.memory_space<hbm>>
    %dma_start3A_807 = arith.constant 0 : i32
    %dma_start3A_808 = tpu.memref_slice %arg7[%add3A_782, %dma_start3A_807] : memref<5120x128xi32, #tpu.memory_space<hbm>> -> memref<8x128xi32, #tpu.memory_space<hbm>>
    tpu.enqueue_dma source(%arg13 : memref<8x128xi32, #tpu.memory_space<vmem>>) target(%dma_start3A_808 : memref<8x128xi32, #tpu.memory_space<hbm>>) target_semaphore(%arg18 : memref<!tpu.dma_semaphore, #tpu.memory_space<semaphore_mem>>)
    %dma_start3A_809 = arith.constant 0 : i32
    %dma_start3A_810 = tpu.memref_slice %arg8[%add3A_782, %dma_start3A_809] : memref<5120x128xf32, #tpu.memory_space<hbm>> -> memref<8x128xf32, #tpu.memory_space<hbm>>
    %dma_start3A_811 = arith.constant 0 : i32
    %dma_start3A_812 = tpu.memref_slice %arg8[%add3A_782, %dma_start3A_811] : memref<5120x128xf32, #tpu.memory_space<hbm>> -> memref<8x128xf32, #tpu.memory_space<hbm>>
    tpu.enqueue_dma source(%arg15 : memref<8x128xf32, #tpu.memory_space<vmem>>) target(%dma_start3A_812 : memref<8x128xf32, #tpu.memory_space<hbm>>) target_semaphore(%arg18 : memref<!tpu.dma_semaphore, #tpu.memory_space<semaphore_mem>>)
    %dma_wait3A_813 = arith.constant 0 : i32
    %dma_wait3A_814 = tpu.memref_slice %arg6[%add3A_738, %dma_wait3A_813] : memref<5120x4096xf32, #tpu.memory_space<hbm>> -> memref<8x4096xf32, #tpu.memory_space<hbm>>
    %dma_wait3A_815 = arith.constant 0 : i32
    %dma_wait3A_816 = tpu.memref_slice %arg6[%add3A_738, %dma_wait3A_815] : memref<5120x4096xf32, #tpu.memory_space<hbm>> -> memref<8x4096xf32, #tpu.memory_space<hbm>>
    tpu.wait_dma2 semaphore(%arg18 : memref<!tpu.dma_semaphore, #tpu.memory_space<semaphore_mem>>) src(%arg12 : memref<8x4096xf32, #tpu.memory_space<vmem>>) dst(%dma_wait3A_816 : memref<8x4096xf32, #tpu.memory_space<hbm>>)
    %dma_wait3A_817 = arith.constant 0 : i32
    %dma_wait3A_818 = tpu.memref_slice %arg7[%add3A_738, %dma_wait3A_817] : memref<5120x128xi32, #tpu.memory_space<hbm>> -> memref<8x128xi32, #tpu.memory_space<hbm>>
    %dma_wait3A_819 = arith.constant 0 : i32
    %dma_wait3A_820 = tpu.memref_slice %arg7[%add3A_738, %dma_wait3A_819] : memref<5120x128xi32, #tpu.memory_space<hbm>> -> memref<8x128xi32, #tpu.memory_space<hbm>>
    tpu.wait_dma2 semaphore(%arg18 : memref<!tpu.dma_semaphore, #tpu.memory_space<semaphore_mem>>) src(%arg14 : memref<8x128xi32, #tpu.memory_space<vmem>>) dst(%dma_wait3A_820 : memref<8x128xi32, #tpu.memory_space<hbm>>)
    %dma_wait3A_821 = arith.constant 0 : i32
    %dma_wait3A_822 = tpu.memref_slice %arg8[%add3A_738, %dma_wait3A_821] : memref<5120x128xf32, #tpu.memory_space<hbm>> -> memref<8x128xf32, #tpu.memory_space<hbm>>
    %dma_wait3A_823 = arith.constant 0 : i32
    %dma_wait3A_824 = tpu.memref_slice %arg8[%add3A_738, %dma_wait3A_823] : memref<5120x128xf32, #tpu.memory_space<hbm>> -> memref<8x128xf32, #tpu.memory_space<hbm>>
    tpu.wait_dma2 semaphore(%arg18 : memref<!tpu.dma_semaphore, #tpu.memory_space<semaphore_mem>>) src(%arg16 : memref<8x128xf32, #tpu.memory_space<vmem>>) dst(%dma_wait3A_824 : memref<8x128xf32, #tpu.memory_space<hbm>>)
    %add3A_825 = arith.constant 152 : i32
    %add3A_826 = arith.addi %mul3A_2, %add3A_825 : i32
    "tpu.region"() ({
      %run_scoped3A = tpu.sem_alloc : memref<!tpu.dma_semaphore, #tpu.memory_space<semaphore_mem>>
      %dma_start3A_881 = tpu.memref_slice %arg5[%add3A_826] : memref<5120xi32, #tpu.memory_space<hbm>> -> memref<8xi32, #tpu.memory_space<hbm>>
      %dma_start3A_882 = tpu.memref_slice %arg5[%add3A_826] : memref<5120xi32, #tpu.memory_space<hbm>> -> memref<8xi32, #tpu.memory_space<hbm>>
      tpu.enqueue_dma source(%dma_start3A_882 : memref<8xi32, #tpu.memory_space<hbm>>) target(%arg10 : memref<8xi32, #tpu.memory_space<vmem>>) target_semaphore(%run_scoped3A : memref<!tpu.dma_semaphore, #tpu.memory_space<semaphore_mem>>)
      %dma_wait3A_883 = tpu.memref_slice %arg5[%add3A_826] : memref<5120xi32, #tpu.memory_space<hbm>> -> memref<8xi32, #tpu.memory_space<hbm>>
      %dma_wait3A_884 = tpu.memref_slice %arg5[%add3A_826] : memref<5120xi32, #tpu.memory_space<hbm>> -> memref<8xi32, #tpu.memory_space<hbm>>
      tpu.wait_dma2 semaphore(%run_scoped3A : memref<!tpu.dma_semaphore, #tpu.memory_space<semaphore_mem>>) src(%dma_wait3A_884 : memref<8xi32, #tpu.memory_space<hbm>>) dst(%arg10 : memref<8xi32, #tpu.memory_space<vmem>>)
      tpu.yield
    }) : () -> ()
    %dma_start3A_827 = arith.constant 0 : i32
    %dma_start3A_828 = arith.constant 0 : i32
    %dma_start3A_829 = tpu.memref_slice %arg2[%dma_start3A_827, %dma_start3A_828] : memref<800x4096xf32, #tpu.memory_space<hbm>> -> memref<800x4096xf32, #tpu.memory_space<hbm>>
    tpu.enqueue_indirect_dma source(%dma_start3A_829 : memref<800x4096xf32, #tpu.memory_space<hbm>>) target(%arg12 : memref<8x4096xf32, #tpu.memory_space<vmem>>) offsets(%arg10 : memref<8xi32, #tpu.memory_space<vmem>>) semaphore(%arg17 : memref<!tpu.dma_semaphore, #tpu.memory_space<semaphore_mem>>)
    %dma_start3A_830 = arith.constant 0 : i32
    %dma_start3A_831 = arith.constant 0 : i32
    %dma_start3A_832 = tpu.memref_slice %arg3[%dma_start3A_830, %dma_start3A_831] : memref<800x128xi32, #tpu.memory_space<hbm>> -> memref<800x128xi32, #tpu.memory_space<hbm>>
    tpu.enqueue_indirect_dma source(%dma_start3A_832 : memref<800x128xi32, #tpu.memory_space<hbm>>) target(%arg14 : memref<8x128xi32, #tpu.memory_space<vmem>>) offsets(%arg10 : memref<8xi32, #tpu.memory_space<vmem>>) semaphore(%arg17 : memref<!tpu.dma_semaphore, #tpu.memory_space<semaphore_mem>>)
    %dma_start3A_833 = arith.constant 0 : i32
    %dma_start3A_834 = arith.constant 0 : i32
    %dma_start3A_835 = tpu.memref_slice %arg4[%dma_start3A_833, %dma_start3A_834] : memref<800x128xf32, #tpu.memory_space<hbm>> -> memref<800x128xf32, #tpu.memory_space<hbm>>
    tpu.enqueue_indirect_dma source(%dma_start3A_835 : memref<800x128xf32, #tpu.memory_space<hbm>>) target(%arg16 : memref<8x128xf32, #tpu.memory_space<vmem>>) offsets(%arg10 : memref<8xi32, #tpu.memory_space<vmem>>) semaphore(%arg17 : memref<!tpu.dma_semaphore, #tpu.memory_space<semaphore_mem>>)
    %dma_wait3A_836 = arith.constant 0 : i32
    %dma_wait3A_837 = arith.constant 0 : i32
    %dma_wait3A_838 = tpu.memref_slice %arg2[%dma_wait3A_836, %dma_wait3A_837] : memref<800x4096xf32, #tpu.memory_space<hbm>> -> memref<800x4096xf32, #tpu.memory_space<hbm>>
    tpu.wait_indirect_dma semaphore(%arg17 : memref<!tpu.dma_semaphore, #tpu.memory_space<semaphore_mem>>) src(%dma_wait3A_838 : memref<800x4096xf32, #tpu.memory_space<hbm>>) dst(%arg12 : memref<8x4096xf32, #tpu.memory_space<vmem>>)
    %dma_wait3A_839 = arith.constant 0 : i32
    %dma_wait3A_840 = arith.constant 0 : i32
    %dma_wait3A_841 = tpu.memref_slice %arg3[%dma_wait3A_839, %dma_wait3A_840] : memref<800x128xi32, #tpu.memory_space<hbm>> -> memref<800x128xi32, #tpu.memory_space<hbm>>
    tpu.wait_indirect_dma semaphore(%arg17 : memref<!tpu.dma_semaphore, #tpu.memory_space<semaphore_mem>>) src(%dma_wait3A_841 : memref<800x128xi32, #tpu.memory_space<hbm>>) dst(%arg14 : memref<8x128xi32, #tpu.memory_space<vmem>>)
    %dma_wait3A_842 = arith.constant 0 : i32
    %dma_wait3A_843 = arith.constant 0 : i32
    %dma_wait3A_844 = tpu.memref_slice %arg4[%dma_wait3A_842, %dma_wait3A_843] : memref<800x128xf32, #tpu.memory_space<hbm>> -> memref<800x128xf32, #tpu.memory_space<hbm>>
    tpu.wait_indirect_dma semaphore(%arg17 : memref<!tpu.dma_semaphore, #tpu.memory_space<semaphore_mem>>) src(%dma_wait3A_844 : memref<800x128xf32, #tpu.memory_space<hbm>>) dst(%arg16 : memref<8x128xf32, #tpu.memory_space<vmem>>)
    %dma_start3A_845 = arith.constant 0 : i32
    %dma_start3A_846 = tpu.memref_slice %arg6[%add3A_826, %dma_start3A_845] : memref<5120x4096xf32, #tpu.memory_space<hbm>> -> memref<8x4096xf32, #tpu.memory_space<hbm>>
    %dma_start3A_847 = arith.constant 0 : i32
    %dma_start3A_848 = tpu.memref_slice %arg6[%add3A_826, %dma_start3A_847] : memref<5120x4096xf32, #tpu.memory_space<hbm>> -> memref<8x4096xf32, #tpu.memory_space<hbm>>
    tpu.enqueue_dma source(%arg12 : memref<8x4096xf32, #tpu.memory_space<vmem>>) target(%dma_start3A_848 : memref<8x4096xf32, #tpu.memory_space<hbm>>) target_semaphore(%arg18 : memref<!tpu.dma_semaphore, #tpu.memory_space<semaphore_mem>>)
    %dma_start3A_849 = arith.constant 0 : i32
    %dma_start3A_850 = tpu.memref_slice %arg7[%add3A_826, %dma_start3A_849] : memref<5120x128xi32, #tpu.memory_space<hbm>> -> memref<8x128xi32, #tpu.memory_space<hbm>>
    %dma_start3A_851 = arith.constant 0 : i32
    %dma_start3A_852 = tpu.memref_slice %arg7[%add3A_826, %dma_start3A_851] : memref<5120x128xi32, #tpu.memory_space<hbm>> -> memref<8x128xi32, #tpu.memory_space<hbm>>
    tpu.enqueue_dma source(%arg14 : memref<8x128xi32, #tpu.memory_space<vmem>>) target(%dma_start3A_852 : memref<8x128xi32, #tpu.memory_space<hbm>>) target_semaphore(%arg18 : memref<!tpu.dma_semaphore, #tpu.memory_space<semaphore_mem>>)
    %dma_start3A_853 = arith.constant 0 : i32
    %dma_start3A_854 = tpu.memref_slice %arg8[%add3A_826, %dma_start3A_853] : memref<5120x128xf32, #tpu.memory_space<hbm>> -> memref<8x128xf32, #tpu.memory_space<hbm>>
    %dma_start3A_855 = arith.constant 0 : i32
    %dma_start3A_856 = tpu.memref_slice %arg8[%add3A_826, %dma_start3A_855] : memref<5120x128xf32, #tpu.memory_space<hbm>> -> memref<8x128xf32, #tpu.memory_space<hbm>>
    tpu.enqueue_dma source(%arg16 : memref<8x128xf32, #tpu.memory_space<vmem>>) target(%dma_start3A_856 : memref<8x128xf32, #tpu.memory_space<hbm>>) target_semaphore(%arg18 : memref<!tpu.dma_semaphore, #tpu.memory_space<semaphore_mem>>)
    %dma_wait3A_857 = arith.constant 0 : i32
    %dma_wait3A_858 = tpu.memref_slice %arg6[%add3A_782, %dma_wait3A_857] : memref<5120x4096xf32, #tpu.memory_space<hbm>> -> memref<8x4096xf32, #tpu.memory_space<hbm>>
    %dma_wait3A_859 = arith.constant 0 : i32
    %dma_wait3A_860 = tpu.memref_slice %arg6[%add3A_782, %dma_wait3A_859] : memref<5120x4096xf32, #tpu.memory_space<hbm>> -> memref<8x4096xf32, #tpu.memory_space<hbm>>
    tpu.wait_dma2 semaphore(%arg18 : memref<!tpu.dma_semaphore, #tpu.memory_space<semaphore_mem>>) src(%arg11 : memref<8x4096xf32, #tpu.memory_space<vmem>>) dst(%dma_wait3A_860 : memref<8x4096xf32, #tpu.memory_space<hbm>>)
    %dma_wait3A_861 = arith.constant 0 : i32
    %dma_wait3A_862 = tpu.memref_slice %arg7[%add3A_782, %dma_wait3A_861] : memref<5120x128xi32, #tpu.memory_space<hbm>> -> memref<8x128xi32, #tpu.memory_space<hbm>>
    %dma_wait3A_863 = arith.constant 0 : i32
    %dma_wait3A_864 = tpu.memref_slice %arg7[%add3A_782, %dma_wait3A_863] : memref<5120x128xi32, #tpu.memory_space<hbm>> -> memref<8x128xi32, #tpu.memory_space<hbm>>
    tpu.wait_dma2 semaphore(%arg18 : memref<!tpu.dma_semaphore, #tpu.memory_space<semaphore_mem>>) src(%arg13 : memref<8x128xi32, #tpu.memory_space<vmem>>) dst(%dma_wait3A_864 : memref<8x128xi32, #tpu.memory_space<hbm>>)
    %dma_wait3A_865 = arith.constant 0 : i32
    %dma_wait3A_866 = tpu.memref_slice %arg8[%add3A_782, %dma_wait3A_865] : memref<5120x128xf32, #tpu.memory_space<hbm>> -> memref<8x128xf32, #tpu.memory_space<hbm>>
    %dma_wait3A_867 = arith.constant 0 : i32
    %dma_wait3A_868 = tpu.memref_slice %arg8[%add3A_782, %dma_wait3A_867] : memref<5120x128xf32, #tpu.memory_space<hbm>> -> memref<8x128xf32, #tpu.memory_space<hbm>>
    tpu.wait_dma2 semaphore(%arg18 : memref<!tpu.dma_semaphore, #tpu.memory_space<semaphore_mem>>) src(%arg15 : memref<8x128xf32, #tpu.memory_space<vmem>>) dst(%dma_wait3A_868 : memref<8x128xf32, #tpu.memory_space<hbm>>)
    %dma_wait3A_869 = arith.constant 0 : i32
    %dma_wait3A_870 = tpu.memref_slice %arg6[%add3A_826, %dma_wait3A_869] : memref<5120x4096xf32, #tpu.memory_space<hbm>> -> memref<8x4096xf32, #tpu.memory_space<hbm>>
    %dma_wait3A_871 = arith.constant 0 : i32
    %dma_wait3A_872 = tpu.memref_slice %arg6[%add3A_826, %dma_wait3A_871] : memref<5120x4096xf32, #tpu.memory_space<hbm>> -> memref<8x4096xf32, #tpu.memory_space<hbm>>
    tpu.wait_dma2 semaphore(%arg18 : memref<!tpu.dma_semaphore, #tpu.memory_space<semaphore_mem>>) src(%arg12 : memref<8x4096xf32, #tpu.memory_space<vmem>>) dst(%dma_wait3A_872 : memref<8x4096xf32, #tpu.memory_space<hbm>>)
    %dma_wait3A_873 = arith.constant 0 : i32
    %dma_wait3A_874 = tpu.memref_slice %arg7[%add3A_826, %dma_wait3A_873] : memref<5120x128xi32, #tpu.memory_space<hbm>> -> memref<8x128xi32, #tpu.memory_space<hbm>>
    %dma_wait3A_875 = arith.constant 0 : i32
    %dma_wait3A_876 = tpu.memref_slice %arg7[%add3A_826, %dma_wait3A_875] : memref<5120x128xi32, #tpu.memory_space<hbm>> -> memref<8x128xi32, #tpu.memory_space<hbm>>
    tpu.wait_dma2 semaphore(%arg18 : memref<!tpu.dma_semaphore, #tpu.memory_space<semaphore_mem>>) src(%arg14 : memref<8x128xi32, #tpu.memory_space<vmem>>) dst(%dma_wait3A_876 : memref<8x128xi32, #tpu.memory_space<hbm>>)
    %dma_wait3A_877 = arith.constant 0 : i32
    %dma_wait3A_878 = tpu.memref_slice %arg8[%add3A_826, %dma_wait3A_877] : memref<5120x128xf32, #tpu.memory_space<hbm>> -> memref<8x128xf32, #tpu.memory_space<hbm>>
    %dma_wait3A_879 = arith.constant 0 : i32
    %dma_wait3A_880 = tpu.memref_slice %arg8[%add3A_826, %dma_wait3A_879] : memref<5120x128xf32, #tpu.memory_space<hbm>> -> memref<8x128xf32, #tpu.memory_space<hbm>>
    tpu.wait_dma2 semaphore(%arg18 : memref<!tpu.dma_semaphore, #tpu.memory_space<semaphore_mem>>) src(%arg16 : memref<8x128xf32, #tpu.memory_space<vmem>>) dst(%dma_wait3A_880 : memref<8x128xf32, #tpu.memory_space<hbm>>)
    return
  }
}

module attributes {stable_mosaic.version = 14 : i64} {
  func.func @_chunkmin_kernel(%arg0: i32, %arg1: memref<4096x32xf32, #tpu.memory_space<vmem>>, %arg2: memref<1024x32xf32, #tpu.memory_space<vmem>>, %arg3: memref<1x1024x32xf32, #tpu.memory_space<vmem>>, %arg4: memref<1x1x4096xf32, #tpu.memory_space<vmem>>) attributes {dimension_semantics = [#tpu.dimension_semantics<parallel>], iteration_bounds = array<i64: 25>, scalar_prefetch = 0 : i64, scratch_operands = 0 : i64, tpu.core_type = #tpu.core_type<tc>, window_params = [{transform_indices = @transform_0, window_bounds = array<i64: 4096, 32>}, {pipeline_mode = #tpu.pipeline_mode<synchronous>, transform_indices = @transform_1, window_bounds = array<i64: 1024, 32>}, {transform_indices = @transform_2, window_bounds = array<i64: 1, 1024, 32>}, {transform_indices = @transform_3, window_bounds = array<i64: 1, 1, 4096>}]} {
    %get3A = arith.constant 0 : index
    %get3A_0 = arith.constant 0 : index
    %get3A_1 = vector.load %arg2[%get3A, %get3A_0] : memref<1024x32xf32, #tpu.memory_space<vmem>>, vector<1024x32xf32>
    %get3A_2 = arith.constant 0 : index
    %get3A_3 = arith.constant 0 : index
    %get3A_4 = vector.load %arg1[%get3A_2, %get3A_3] : memref<4096x32xf32, #tpu.memory_space<vmem>>, vector<4096x32xf32>
    %mul3A = arith.mulf %get3A_1, %get3A_1 : vector<1024x32xf32>
    %reduce_sum3A = arith.constant dense<0.000000e+00> : vector<1024xf32>
    %reduce_sum3A_5 = vector.multi_reduction <add>, %mul3A, %reduce_sum3A [1] : vector<1024x32xf32> to vector<1024xf32>
    %broadcast_in_dim3A = vector.shape_cast %reduce_sum3A_5 : vector<1024xf32> to vector<1024x1xf32>
    %mul3A_6 = arith.mulf %get3A_4, %get3A_4 : vector<4096x32xf32>
    %reduce_sum3A_7 = arith.constant dense<0.000000e+00> : vector<4096xf32>
    %reduce_sum3A_8 = vector.multi_reduction <add>, %mul3A_6, %reduce_sum3A_7 [1] : vector<4096x32xf32> to vector<4096xf32>
    %broadcast_in_dim3A_9 = vector.shape_cast %reduce_sum3A_8 : vector<4096xf32> to vector<1x4096xf32>
    %dot_general3A = arith.constant dense<0.000000e+00> : vector<1024x4096xf32>
    %dot_general3A_10 = tpu.matmul %get3A_1, %get3A_4, %dot_general3A {dimension_numbers = #tpu.dot_dimension_numbers<[1], [1], [0], [0], [0, 0, 1, 0], [], []>, transpose_lhs_hint = false} : vector<1024x32xf32>, vector<4096x32xf32>, vector<1024x4096xf32> -> vector<1024x4096xf32>
    %add3A = vector.broadcast %broadcast_in_dim3A : vector<1024x1xf32> to vector<1024x4096xf32>
    %add3A_11 = vector.broadcast %broadcast_in_dim3A_9 : vector<1x4096xf32> to vector<1024x4096xf32>
    %add3A_12 = arith.addf %add3A, %add3A_11 : vector<1024x4096xf32>
    %mul3A_13 = arith.constant 2.000000e+00 : f32
    %mul3A_14 = vector.broadcast %mul3A_13 : f32 to vector<1024x4096xf32>
    %mul3A_15 = arith.mulf %mul3A_14, %dot_general3A_10 : vector<1024x4096xf32>
    %sub3A = arith.subf %add3A_12, %mul3A_15 : vector<1024x4096xf32>
    %reshape3A = vector.shape_cast %sub3A : vector<1024x4096xf32> to vector<1024x32x128xf32>
    %reduce_min3A = arith.constant dense<0x7F800000> : vector<1024x32xf32>
    %reduce_min3A_16 = vector.multi_reduction <minimumf>, %reshape3A, %reduce_min3A [2] : vector<1024x32x128xf32> to vector<1024x32xf32>
    %max3A = arith.constant 0.000000e+00 : f32
    %max3A_17 = vector.broadcast %max3A : f32 to vector<1024x32xf32>
    %max3A_18 = arith.maximumf %reduce_min3A_16, %max3A_17 : vector<1024x32xf32>
    %sqrt3A = math.sqrt %max3A_18 : vector<1024x32xf32>
    %broadcast_in_dim3A_19 = vector.shape_cast %sqrt3A : vector<1024x32xf32> to vector<1x1024x32xf32>
    %swap3A = arith.constant 0 : index
    %swap3A_20 = arith.constant 0 : index
    %swap3A_21 = arith.constant 0 : index
    %swap3A_22 = vector.load %arg3[%swap3A, %swap3A_20, %swap3A_21] : memref<1x1024x32xf32, #tpu.memory_space<vmem>>, vector<1x1024x32xf32>
    tpu.vector_store %arg3[%swap3A, %swap3A_20, %swap3A_21], %broadcast_in_dim3A_19 {strides = array<i32>} : memref<1x1024x32xf32, #tpu.memory_space<vmem>>, vector<1x1024x32xf32>,
    %broadcast_in_dim3A_23 = vector.shape_cast %broadcast_in_dim3A_9 : vector<1x4096xf32> to vector<1x1x4096xf32>
    %swap3A_24 = arith.constant 0 : index
    %swap3A_25 = arith.constant 0 : index
    %swap3A_26 = arith.constant 0 : index
    %swap3A_27 = vector.load %arg4[%swap3A_24, %swap3A_25, %swap3A_26] : memref<1x1x4096xf32, #tpu.memory_space<vmem>>, vector<1x1x4096xf32>
    tpu.vector_store %arg4[%swap3A_24, %swap3A_25, %swap3A_26], %broadcast_in_dim3A_23 {strides = array<i32>} : memref<1x1x4096xf32, #tpu.memory_space<vmem>>, vector<1x1x4096xf32>,
    return
  }
  func.func @transform_0(%arg0: i32) -> (i32, i32) {
    %c0_i32 = arith.constant 0 : i32
    %c0_i32_0 = arith.constant 0 : i32
    return %arg0, %c0_i32 : i32, i32
  }
  func.func @transform_1(%arg0: i32) -> (i32, i32) {
    %c0_i32 = arith.constant 0 : i32
    %c0_i32_0 = arith.constant 0 : i32
    %c0_i32_1 = arith.constant 0 : i32
    return %c0_i32, %c0_i32_0 : i32, i32
  }
  func.func @transform_2(%arg0: i32) -> (i32, i32, i32) {
    %c0_i32 = arith.constant 0 : i32
    %c0_i32_0 = arith.constant 0 : i32
    %c0_i32_1 = arith.constant 0 : i32
    return %arg0, %c0_i32, %c0_i32_0 : i32, i32, i32
  }
  func.func @transform_3(%arg0: i32) -> (i32, i32, i32) {
    %c0_i32 = arith.constant 0 : i32
    %c0_i32_0 = arith.constant 0 : i32
    %c0_i32_1 = arith.constant 0 : i32
    return %arg0, %c0_i32, %c0_i32_0 : i32, i32, i32
  }
}

module attributes {stable_mosaic.version = 14 : i64} {
  func.func @_chunksel_kernel(%arg0: i32, %arg1: memref<256x800xf32, #tpu.memory_space<vmem>>, %arg2: memref<256x5xi32, #tpu.memory_space<vmem>>) attributes {dimension_semantics = [#tpu.dimension_semantics<arbitrary>], iteration_bounds = array<i64: 4>, scalar_prefetch = 0 : i64, scratch_operands = 0 : i64, tpu.core_type = #tpu.core_type<tc>, window_params = [{transform_indices = @transform_0, window_bounds = array<i64: 256, 800>}, {transform_indices = @transform_1, window_bounds = array<i64: 256, 5>}]} {
    %get3A = arith.constant 0 : index
    %get3A_0 = arith.constant 0 : index
    %get3A_1 = vector.load %arg1[%get3A, %get3A_0] : memref<256x800xf32, #tpu.memory_space<vmem>>, vector<256x800xf32>
    %iota3A = tpu.iota {dimensions = array<i32: 1>} : vector<1x800xi32>
    %broadcast_in_dim3A = vector.shape_cast %iota3A : vector<1x800xi32> to vector<1x800xi32>
    %broadcast_in_dim3A_2 = vector.broadcast %broadcast_in_dim3A : vector<1x800xi32> to vector<256x800xi32>
    %reduce_min3A = arith.constant dense<0x7F800000> : vector<256xf32>
    %reduce_min3A_3 = vector.multi_reduction <minimumf>, %get3A_1, %reduce_min3A [1] : vector<256x800xf32> to vector<256xf32>
    %broadcast_in_dim3A_4 = vector.shape_cast %reduce_min3A_3 : vector<256xf32> to vector<256x1xf32>
    %eq3A = vector.broadcast %broadcast_in_dim3A_4 : vector<256x1xf32> to vector<256x800xf32>
    %eq3A_5 = arith.cmpf oeq, %get3A_1, %eq3A : vector<256x800xf32>
    %jit3A = arith.constant 2147483647 : i32
    %broadcast_in_dim3A_6 = vector.broadcast %jit3A : i32 to vector<256x800xi32>
    %select_n3A = arith.select %eq3A_5, %broadcast_in_dim3A_2, %broadcast_in_dim3A_6 : vector<256x800xi1>, vector<256x800xi32>
    %reduce_min3A_7 = arith.constant dense<2147483647> : vector<256xi32>
    %reduce_min3A_8 = vector.multi_reduction <minsi>, %select_n3A, %reduce_min3A_7 [1] : vector<256x800xi32> to vector<256xi32>
    %broadcast_in_dim3A_9 = vector.shape_cast %reduce_min3A_8 : vector<256xi32> to vector<256x1xi32>
    %eq3A_10 = vector.broadcast %broadcast_in_dim3A_9 : vector<256x1xi32> to vector<256x800xi32>
    %eq3A_11 = arith.cmpi eq, %broadcast_in_dim3A_2, %eq3A_10 : vector<256x800xi32>
    %jit3A_12 = arith.constant 0x7F800000 : f32
    %broadcast_in_dim3A_13 = vector.broadcast %jit3A_12 : f32 to vector<256x800xf32>
    %select_n3A_14 = arith.select %eq3A_11, %broadcast_in_dim3A_13, %get3A_1 : vector<256x800xi1>, vector<256x800xf32>
    %reduce_min3A_15 = arith.constant dense<0x7F800000> : vector<256xf32>
    %reduce_min3A_16 = vector.multi_reduction <minimumf>, %select_n3A_14, %reduce_min3A_15 [1] : vector<256x800xf32> to vector<256xf32>
    %broadcast_in_dim3A_17 = vector.shape_cast %reduce_min3A_16 : vector<256xf32> to vector<256x1xf32>
    %eq3A_18 = vector.broadcast %broadcast_in_dim3A_17 : vector<256x1xf32> to vector<256x800xf32>
    %eq3A_19 = arith.cmpf oeq, %select_n3A_14, %eq3A_18 : vector<256x800xf32>
    %jit3A_20 = arith.constant 2147483647 : i32
    %broadcast_in_dim3A_21 = vector.broadcast %jit3A_20 : i32 to vector<256x800xi32>
    %select_n3A_22 = arith.select %eq3A_19, %broadcast_in_dim3A_2, %broadcast_in_dim3A_21 : vector<256x800xi1>, vector<256x800xi32>
    %reduce_min3A_23 = arith.constant dense<2147483647> : vector<256xi32>
    %reduce_min3A_24 = vector.multi_reduction <minsi>, %select_n3A_22, %reduce_min3A_23 [1] : vector<256x800xi32> to vector<256xi32>
    %broadcast_in_dim3A_25 = vector.shape_cast %reduce_min3A_24 : vector<256xi32> to vector<256x1xi32>
    %eq3A_26 = vector.broadcast %broadcast_in_dim3A_25 : vector<256x1xi32> to vector<256x800xi32>
    %eq3A_27 = arith.cmpi eq, %broadcast_in_dim3A_2, %eq3A_26 : vector<256x800xi32>
    %jit3A_28 = arith.constant 0x7F800000 : f32
    %broadcast_in_dim3A_29 = vector.broadcast %jit3A_28 : f32 to vector<256x800xf32>
    %select_n3A_30 = arith.select %eq3A_27, %broadcast_in_dim3A_29, %select_n3A_14 : vector<256x800xi1>, vector<256x800xf32>
    %reduce_min3A_31 = arith.constant dense<0x7F800000> : vector<256xf32>
    %reduce_min3A_32 = vector.multi_reduction <minimumf>, %select_n3A_30, %reduce_min3A_31 [1] : vector<256x800xf32> to vector<256xf32>
    %broadcast_in_dim3A_33 = vector.shape_cast %reduce_min3A_32 : vector<256xf32> to vector<256x1xf32>
    %eq3A_34 = vector.broadcast %broadcast_in_dim3A_33 : vector<256x1xf32> to vector<256x800xf32>
    %eq3A_35 = arith.cmpf oeq, %select_n3A_30, %eq3A_34 : vector<256x800xf32>
    %jit3A_36 = arith.constant 2147483647 : i32
    %broadcast_in_dim3A_37 = vector.broadcast %jit3A_36 : i32 to vector<256x800xi32>
    %select_n3A_38 = arith.select %eq3A_35, %broadcast_in_dim3A_2, %broadcast_in_dim3A_37 : vector<256x800xi1>, vector<256x800xi32>
    %reduce_min3A_39 = arith.constant dense<2147483647> : vector<256xi32>
    %reduce_min3A_40 = vector.multi_reduction <minsi>, %select_n3A_38, %reduce_min3A_39 [1] : vector<256x800xi32> to vector<256xi32>
    %broadcast_in_dim3A_41 = vector.shape_cast %reduce_min3A_40 : vector<256xi32> to vector<256x1xi32>
    %eq3A_42 = vector.broadcast %broadcast_in_dim3A_41 : vector<256x1xi32> to vector<256x800xi32>
    %eq3A_43 = arith.cmpi eq, %broadcast_in_dim3A_2, %eq3A_42 : vector<256x800xi32>
    %jit3A_44 = arith.constant 0x7F800000 : f32
    %broadcast_in_dim3A_45 = vector.broadcast %jit3A_44 : f32 to vector<256x800xf32>
    %select_n3A_46 = arith.select %eq3A_43, %broadcast_in_dim3A_45, %select_n3A_30 : vector<256x800xi1>, vector<256x800xf32>
    %reduce_min3A_47 = arith.constant dense<0x7F800000> : vector<256xf32>
    %reduce_min3A_48 = vector.multi_reduction <minimumf>, %select_n3A_46, %reduce_min3A_47 [1] : vector<256x800xf32> to vector<256xf32>
    %broadcast_in_dim3A_49 = vector.shape_cast %reduce_min3A_48 : vector<256xf32> to vector<256x1xf32>
    %eq3A_50 = vector.broadcast %broadcast_in_dim3A_49 : vector<256x1xf32> to vector<256x800xf32>
    %eq3A_51 = arith.cmpf oeq, %select_n3A_46, %eq3A_50 : vector<256x800xf32>
    %jit3A_52 = arith.constant 2147483647 : i32
    %broadcast_in_dim3A_53 = vector.broadcast %jit3A_52 : i32 to vector<256x800xi32>
    %select_n3A_54 = arith.select %eq3A_51, %broadcast_in_dim3A_2, %broadcast_in_dim3A_53 : vector<256x800xi1>, vector<256x800xi32>
    %reduce_min3A_55 = arith.constant dense<2147483647> : vector<256xi32>
    %reduce_min3A_56 = vector.multi_reduction <minsi>, %select_n3A_54, %reduce_min3A_55 [1] : vector<256x800xi32> to vector<256xi32>
    %broadcast_in_dim3A_57 = vector.shape_cast %reduce_min3A_56 : vector<256xi32> to vector<256x1xi32>
    %eq3A_58 = vector.broadcast %broadcast_in_dim3A_57 : vector<256x1xi32> to vector<256x800xi32>
    %eq3A_59 = arith.cmpi eq, %broadcast_in_dim3A_2, %eq3A_58 : vector<256x800xi32>
    %jit3A_60 = arith.constant 0x7F800000 : f32
    %broadcast_in_dim3A_61 = vector.broadcast %jit3A_60 : f32 to vector<256x800xf32>
    %select_n3A_62 = arith.select %eq3A_59, %broadcast_in_dim3A_61, %select_n3A_46 : vector<256x800xi1>, vector<256x800xf32>
    %reduce_min3A_63 = arith.constant dense<0x7F800000> : vector<256xf32>
    %reduce_min3A_64 = vector.multi_reduction <minimumf>, %select_n3A_62, %reduce_min3A_63 [1] : vector<256x800xf32> to vector<256xf32>
    %broadcast_in_dim3A_65 = vector.shape_cast %reduce_min3A_64 : vector<256xf32> to vector<256x1xf32>
    %eq3A_66 = vector.broadcast %broadcast_in_dim3A_65 : vector<256x1xf32> to vector<256x800xf32>
    %eq3A_67 = arith.cmpf oeq, %select_n3A_62, %eq3A_66 : vector<256x800xf32>
    %jit3A_68 = arith.constant 2147483647 : i32
    %broadcast_in_dim3A_69 = vector.broadcast %jit3A_68 : i32 to vector<256x800xi32>
    %select_n3A_70 = arith.select %eq3A_67, %broadcast_in_dim3A_2, %broadcast_in_dim3A_69 : vector<256x800xi1>, vector<256x800xi32>
    %reduce_min3A_71 = arith.constant dense<2147483647> : vector<256xi32>
    %reduce_min3A_72 = vector.multi_reduction <minsi>, %select_n3A_70, %reduce_min3A_71 [1] : vector<256x800xi32> to vector<256xi32>
    %broadcast_in_dim3A_73 = vector.shape_cast %reduce_min3A_72 : vector<256xi32> to vector<256x1xi32>
    %concatenate3A = tpu.concatenate %broadcast_in_dim3A_9, %broadcast_in_dim3A_25, %broadcast_in_dim3A_41, %broadcast_in_dim3A_57, %broadcast_in_dim3A_73 in 1 : vector<256x1xi32>, vector<256x1xi32>, vector<256x1xi32>, vector<256x1xi32>, vector<256x1xi32> -> vector<256x5xi32>
    %swap3A = arith.constant 0 : index
    %swap3A_74 = arith.constant 0 : index
    %swap3A_75 = vector.load %arg2[%swap3A, %swap3A_74] : memref<256x5xi32, #tpu.memory_space<vmem>>, vector<256x5xi32>
    tpu.vector_store %arg2[%swap3A, %swap3A_74], %concatenate3A {strides = array<i32>} : memref<256x5xi32, #tpu.memory_space<vmem>>, vector<256x5xi32>,
    return
  }
  func.func @transform_0(%arg0: i32) -> (i32, i32) {
    %c0_i32 = arith.constant 0 : i32
    %c0_i32_0 = arith.constant 0 : i32
    return %arg0, %c0_i32 : i32, i32
  }
  func.func @transform_1(%arg0: i32) -> (i32, i32) {
    %c0_i32 = arith.constant 0 : i32
    %c0_i32_0 = arith.constant 0 : i32
    return %arg0, %c0_i32 : i32, i32
  }
}

module attributes {stable_mosaic.version = 14 : i64} {
  func.func @_rerank_kernel(%arg0: i32, %arg1: memref<64x32xf32, #tpu.memory_space<vmem>>, %arg2: memref<320x32x128xf32, #tpu.memory_space<vmem>>, %arg3: memref<320x128xi32, #tpu.memory_space<vmem>>, %arg4: memref<320x128xf32, #tpu.memory_space<vmem>>, %arg5: memref<1x64x5xi32, #tpu.memory_space<vmem>>, %arg6: memref<64x1xi32, #tpu.memory_space<vmem>>) attributes {dimension_semantics = [#tpu.dimension_semantics<parallel>], iteration_bounds = array<i64: 16>, scalar_prefetch = 0 : i64, scratch_operands = 0 : i64, tpu.core_type = #tpu.core_type<tc>, window_params = [{transform_indices = @transform_0, window_bounds = array<i64: 64, 32>}, {transform_indices = @transform_1, window_bounds = array<i64: 320, 32, 128>}, {transform_indices = @transform_2, window_bounds = array<i64: 320, 128>}, {transform_indices = @transform_3, window_bounds = array<i64: 320, 128>}, {transform_indices = @transform_4, window_bounds = array<i64: 1, 64, 5>}, {transform_indices = @transform_5, window_bounds = array<i64: 64, 1>}]} {
    %get3A = arith.constant 0 : index
    %get3A_0 = arith.constant 0 : index
    %get3A_1 = vector.load %arg1[%get3A, %get3A_0] : memref<64x32xf32, #tpu.memory_space<vmem>>, vector<64x32xf32>
    %get3A_2 = arith.constant 0 : index
    %get3A_3 = arith.constant 0 : index
    %get3A_4 = arith.constant 0 : index
    %get3A_5 = vector.load %arg2[%get3A_2, %get3A_3, %get3A_4] : memref<320x32x128xf32, #tpu.memory_space<vmem>>, vector<320x32x128xf32>
    %mul3A = arith.mulf %get3A_1, %get3A_1 : vector<64x32xf32>
    %reduce_sum3A = arith.constant dense<0.000000e+00> : vector<64xf32>
    %reduce_sum3A_6 = vector.multi_reduction <add>, %mul3A, %reduce_sum3A [1] : vector<64x32xf32> to vector<64xf32>
    %broadcast_in_dim3A = vector.shape_cast %reduce_sum3A_6 : vector<64xf32> to vector<64x1xf32>
    %dot_general3A = arith.constant dense<0.000000e+00> : vector<64x320x128xf32>
    %dot_general3A_7 = tpu.matmul %get3A_1, %get3A_5, %dot_general3A {dimension_numbers = #tpu.dot_dimension_numbers<[1], [1], [0], [0, 2], [0, 0, 1, 0, 1, 2], [], []>, transpose_lhs_hint = false} : vector<64x32xf32>, vector<320x32x128xf32>, vector<64x320x128xf32> -> vector<64x320x128xf32>
    %reshape3A = vector.shape_cast %dot_general3A_7 : vector<64x320x128xf32> to vector<64x64x5x128xf32>
    %iota3A = tpu.iota {dimensions = array<i32: 0>} : vector<64x64x1x1xi32>
    %iota3A_8 = tpu.iota {dimensions = array<i32: 1>} : vector<64x64x1x1xi32>
    %eq3A = arith.cmpi eq, %iota3A, %iota3A_8 : vector<64x64x1x1xi32>
    %jit3A = arith.constant 0.000000e+00 : f32
    %broadcast_in_dim3A_9 = vector.shape_cast %eq3A : vector<64x64x1x1xi1> to vector<64x64x1x1xi1>
    %broadcast_in_dim3A_10 = vector.broadcast %broadcast_in_dim3A_9 : vector<64x64x1x1xi1> to vector<64x64x5x128xi1>
    %broadcast_in_dim3A_11 = vector.broadcast %jit3A : f32 to vector<64x64x5x128xf32>
    %select_n3A = arith.select %broadcast_in_dim3A_10, %reshape3A, %broadcast_in_dim3A_11 : vector<64x64x5x128xi1>, vector<64x64x5x128xf32>
    %reduce_sum3A_12 = arith.constant dense<0.000000e+00> : vector<64x5x128xf32>
    %reduce_sum3A_13 = vector.multi_reduction <add>, %select_n3A, %reduce_sum3A_12 [1] : vector<64x64x5x128xf32> to vector<64x5x128xf32>
    %reshape3A_14 = vector.shape_cast %reduce_sum3A_13 : vector<64x5x128xf32> to vector<64x640xf32>
    %get3A_15 = arith.constant 0 : index
    %get3A_16 = arith.constant 0 : index
    %get3A_17 = vector.load %arg4[%get3A_15, %get3A_16] : memref<320x128xf32, #tpu.memory_space<vmem>>, vector<320x128xf32>
    %reshape3A_18 = vector.shape_cast %get3A_17 : vector<320x128xf32> to vector<64x640xf32>
    %add3A = vector.broadcast %broadcast_in_dim3A : vector<64x1xf32> to vector<64x640xf32>
    %add3A_19 = arith.addf %add3A, %reshape3A_18 : vector<64x640xf32>
    %mul3A_20 = arith.constant 2.000000e+00 : f32
    %mul3A_21 = vector.broadcast %mul3A_20 : f32 to vector<64x640xf32>
    %mul3A_22 = arith.mulf %mul3A_21, %reshape3A_14 : vector<64x640xf32>
    %sub3A = arith.subf %add3A_19, %mul3A_22 : vector<64x640xf32>
    %max3A = arith.constant 0.000000e+00 : f32
    %max3A_23 = vector.broadcast %max3A : f32 to vector<64x640xf32>
    %max3A_24 = arith.maximumf %sub3A, %max3A_23 : vector<64x640xf32>
    %sqrt3A = math.sqrt %max3A_24 : vector<64x640xf32>
    %get3A_25 = arith.constant 0 : index
    %get3A_26 = arith.constant 0 : index
    %get3A_27 = arith.constant 0 : index
    %get3A_28 = vector.load %arg5[%get3A_25, %get3A_26, %get3A_27] : memref<1x64x5xi32, #tpu.memory_space<vmem>>, vector<1x64x5xi32>
    %get3A_29 = vector.shape_cast %get3A_28 : vector<1x64x5xi32> to vector<64x5xi32>
    %iota3A_30 = tpu.iota {dimensions = array<i32: 2>} : vector<1x1x128xi32>
    %broadcast_in_dim3A_31 = vector.shape_cast %get3A_29 : vector<64x5xi32> to vector<64x5x1xi32>
    %mul3A_32 = arith.constant 128 : i32
    %mul3A_33 = vector.broadcast %mul3A_32 : i32 to vector<64x5x1xi32>
    %mul3A_34 = arith.muli %broadcast_in_dim3A_31, %mul3A_33 : vector<64x5x1xi32>
    %add3A_35 = vector.broadcast %mul3A_34 : vector<64x5x1xi32> to vector<64x5x128xi32>
    %add3A_36 = vector.broadcast %iota3A_30 : vector<1x1x128xi32> to vector<64x5x128xi32>
    %add3A_37 = arith.addi %add3A_35, %add3A_36 : vector<64x5x128xi32>
    %reshape3A_38 = vector.shape_cast %add3A_37 : vector<64x5x128xi32> to vector<64x640xi32>
    %get3A_39 = arith.constant 0 : index
    %get3A_40 = arith.constant 0 : index
    %get3A_41 = vector.load %arg3[%get3A_39, %get3A_40] : memref<320x128xi32, #tpu.memory_space<vmem>>, vector<320x128xi32>
    %reshape3A_42 = vector.shape_cast %get3A_41 : vector<320x128xi32> to vector<64x640xi32>
    %lt3A = arith.constant 100000 : i32
    %lt3A_43 = vector.broadcast %lt3A : i32 to vector<64x640xi32>
    %lt3A_44 = arith.cmpi slt, %reshape3A_38, %lt3A_43 : vector<64x640xi32>
    %jit3A_45 = arith.constant 0x7F800000 : f32
    %broadcast_in_dim3A_46 = vector.broadcast %jit3A_45 : f32 to vector<64x640xf32>
    %select_n3A_47 = arith.select %lt3A_44, %sqrt3A, %broadcast_in_dim3A_46 : vector<64x640xi1>, vector<64x640xf32>
    %reduce_min3A = arith.constant dense<0x7F800000> : vector<64xf32>
    %reduce_min3A_48 = vector.multi_reduction <minimumf>, %select_n3A_47, %reduce_min3A [1] : vector<64x640xf32> to vector<64xf32>
    %broadcast_in_dim3A_49 = vector.shape_cast %reduce_min3A_48 : vector<64xf32> to vector<64x1xf32>
    %eq3A_50 = vector.broadcast %broadcast_in_dim3A_49 : vector<64x1xf32> to vector<64x640xf32>
    %eq3A_51 = arith.cmpf oeq, %select_n3A_47, %eq3A_50 : vector<64x640xf32>
    %jit3A_52 = arith.constant 2147483647 : i32
    %broadcast_in_dim3A_53 = vector.broadcast %jit3A_52 : i32 to vector<64x640xi32>
    %select_n3A_54 = arith.select %eq3A_51, %reshape3A_38, %broadcast_in_dim3A_53 : vector<64x640xi1>, vector<64x640xi32>
    %reduce_min3A_55 = arith.constant dense<2147483647> : vector<64xi32>
    %reduce_min3A_56 = vector.multi_reduction <minsi>, %select_n3A_54, %reduce_min3A_55 [1] : vector<64x640xi32> to vector<64xi32>
    %broadcast_in_dim3A_57 = vector.shape_cast %reduce_min3A_56 : vector<64xi32> to vector<64x1xi32>
    %eq3A_58 = vector.broadcast %broadcast_in_dim3A_57 : vector<64x1xi32> to vector<64x640xi32>
    %eq3A_59 = arith.cmpi eq, %reshape3A_38, %eq3A_58 : vector<64x640xi32>
    %jit3A_60 = arith.constant 2147483647 : i32
    %broadcast_in_dim3A_61 = vector.broadcast %jit3A_60 : i32 to vector<64x640xi32>
    %select_n3A_62 = arith.select %eq3A_59, %reshape3A_42, %broadcast_in_dim3A_61 : vector<64x640xi1>, vector<64x640xi32>
    %reduce_min3A_63 = arith.constant dense<2147483647> : vector<64xi32>
    %reduce_min3A_64 = vector.multi_reduction <minsi>, %select_n3A_62, %reduce_min3A_63 [1] : vector<64x640xi32> to vector<64xi32>
    %broadcast_in_dim3A_65 = vector.shape_cast %reduce_min3A_64 : vector<64xi32> to vector<64x1xi32>
    %jit3A_66 = arith.constant 0x7F800000 : f32
    %broadcast_in_dim3A_67 = vector.broadcast %jit3A_66 : f32 to vector<64x640xf32>
    %select_n3A_68 = arith.select %eq3A_59, %broadcast_in_dim3A_67, %select_n3A_47 : vector<64x640xi1>, vector<64x640xf32>
    %reduce_min3A_69 = arith.constant dense<0x7F800000> : vector<64xf32>
    %reduce_min3A_70 = vector.multi_reduction <minimumf>, %select_n3A_68, %reduce_min3A_69 [1] : vector<64x640xf32> to vector<64xf32>
    %broadcast_in_dim3A_71 = vector.shape_cast %reduce_min3A_70 : vector<64xf32> to vector<64x1xf32>
    %eq3A_72 = vector.broadcast %broadcast_in_dim3A_71 : vector<64x1xf32> to vector<64x640xf32>
    %eq3A_73 = arith.cmpf oeq, %select_n3A_68, %eq3A_72 : vector<64x640xf32>
    %jit3A_74 = arith.constant 2147483647 : i32
    %broadcast_in_dim3A_75 = vector.broadcast %jit3A_74 : i32 to vector<64x640xi32>
    %select_n3A_76 = arith.select %eq3A_73, %reshape3A_38, %broadcast_in_dim3A_75 : vector<64x640xi1>, vector<64x640xi32>
    %reduce_min3A_77 = arith.constant dense<2147483647> : vector<64xi32>
    %reduce_min3A_78 = vector.multi_reduction <minsi>, %select_n3A_76, %reduce_min3A_77 [1] : vector<64x640xi32> to vector<64xi32>
    %broadcast_in_dim3A_79 = vector.shape_cast %reduce_min3A_78 : vector<64xi32> to vector<64x1xi32>
    %eq3A_80 = vector.broadcast %broadcast_in_dim3A_79 : vector<64x1xi32> to vector<64x640xi32>
    %eq3A_81 = arith.cmpi eq, %reshape3A_38, %eq3A_80 : vector<64x640xi32>
    %jit3A_82 = arith.constant 2147483647 : i32
    %broadcast_in_dim3A_83 = vector.broadcast %jit3A_82 : i32 to vector<64x640xi32>
    %select_n3A_84 = arith.select %eq3A_81, %reshape3A_42, %broadcast_in_dim3A_83 : vector<64x640xi1>, vector<64x640xi32>
    %reduce_min3A_85 = arith.constant dense<2147483647> : vector<64xi32>
    %reduce_min3A_86 = vector.multi_reduction <minsi>, %select_n3A_84, %reduce_min3A_85 [1] : vector<64x640xi32> to vector<64xi32>
    %broadcast_in_dim3A_87 = vector.shape_cast %reduce_min3A_86 : vector<64xi32> to vector<64x1xi32>
    %jit3A_88 = arith.constant 0x7F800000 : f32
    %broadcast_in_dim3A_89 = vector.broadcast %jit3A_88 : f32 to vector<64x640xf32>
    %select_n3A_90 = arith.select %eq3A_81, %broadcast_in_dim3A_89, %select_n3A_68 : vector<64x640xi1>, vector<64x640xf32>
    %reduce_min3A_91 = arith.constant dense<0x7F800000> : vector<64xf32>
    %reduce_min3A_92 = vector.multi_reduction <minimumf>, %select_n3A_90, %reduce_min3A_91 [1] : vector<64x640xf32> to vector<64xf32>
    %broadcast_in_dim3A_93 = vector.shape_cast %reduce_min3A_92 : vector<64xf32> to vector<64x1xf32>
    %eq3A_94 = vector.broadcast %broadcast_in_dim3A_93 : vector<64x1xf32> to vector<64x640xf32>
    %eq3A_95 = arith.cmpf oeq, %select_n3A_90, %eq3A_94 : vector<64x640xf32>
    %jit3A_96 = arith.constant 2147483647 : i32
    %broadcast_in_dim3A_97 = vector.broadcast %jit3A_96 : i32 to vector<64x640xi32>
    %select_n3A_98 = arith.select %eq3A_95, %reshape3A_38, %broadcast_in_dim3A_97 : vector<64x640xi1>, vector<64x640xi32>
    %reduce_min3A_99 = arith.constant dense<2147483647> : vector<64xi32>
    %reduce_min3A_100 = vector.multi_reduction <minsi>, %select_n3A_98, %reduce_min3A_99 [1] : vector<64x640xi32> to vector<64xi32>
    %broadcast_in_dim3A_101 = vector.shape_cast %reduce_min3A_100 : vector<64xi32> to vector<64x1xi32>
    %eq3A_102 = vector.broadcast %broadcast_in_dim3A_101 : vector<64x1xi32> to vector<64x640xi32>
    %eq3A_103 = arith.cmpi eq, %reshape3A_38, %eq3A_102 : vector<64x640xi32>
    %jit3A_104 = arith.constant 2147483647 : i32
    %broadcast_in_dim3A_105 = vector.broadcast %jit3A_104 : i32 to vector<64x640xi32>
    %select_n3A_106 = arith.select %eq3A_103, %reshape3A_42, %broadcast_in_dim3A_105 : vector<64x640xi1>, vector<64x640xi32>
    %reduce_min3A_107 = arith.constant dense<2147483647> : vector<64xi32>
    %reduce_min3A_108 = vector.multi_reduction <minsi>, %select_n3A_106, %reduce_min3A_107 [1] : vector<64x640xi32> to vector<64xi32>
    %broadcast_in_dim3A_109 = vector.shape_cast %reduce_min3A_108 : vector<64xi32> to vector<64x1xi32>
    %jit3A_110 = arith.constant 0x7F800000 : f32
    %broadcast_in_dim3A_111 = vector.broadcast %jit3A_110 : f32 to vector<64x640xf32>
    %select_n3A_112 = arith.select %eq3A_103, %broadcast_in_dim3A_111, %select_n3A_90 : vector<64x640xi1>, vector<64x640xf32>
    %reduce_min3A_113 = arith.constant dense<0x7F800000> : vector<64xf32>
    %reduce_min3A_114 = vector.multi_reduction <minimumf>, %select_n3A_112, %reduce_min3A_113 [1] : vector<64x640xf32> to vector<64xf32>
    %broadcast_in_dim3A_115 = vector.shape_cast %reduce_min3A_114 : vector<64xf32> to vector<64x1xf32>
    %eq3A_116 = vector.broadcast %broadcast_in_dim3A_115 : vector<64x1xf32> to vector<64x640xf32>
    %eq3A_117 = arith.cmpf oeq, %select_n3A_112, %eq3A_116 : vector<64x640xf32>
    %jit3A_118 = arith.constant 2147483647 : i32
    %broadcast_in_dim3A_119 = vector.broadcast %jit3A_118 : i32 to vector<64x640xi32>
    %select_n3A_120 = arith.select %eq3A_117, %reshape3A_38, %broadcast_in_dim3A_119 : vector<64x640xi1>, vector<64x640xi32>
    %reduce_min3A_121 = arith.constant dense<2147483647> : vector<64xi32>
    %reduce_min3A_122 = vector.multi_reduction <minsi>, %select_n3A_120, %reduce_min3A_121 [1] : vector<64x640xi32> to vector<64xi32>
    %broadcast_in_dim3A_123 = vector.shape_cast %reduce_min3A_122 : vector<64xi32> to vector<64x1xi32>
    %eq3A_124 = vector.broadcast %broadcast_in_dim3A_123 : vector<64x1xi32> to vector<64x640xi32>
    %eq3A_125 = arith.cmpi eq, %reshape3A_38, %eq3A_124 : vector<64x640xi32>
    %jit3A_126 = arith.constant 2147483647 : i32
    %broadcast_in_dim3A_127 = vector.broadcast %jit3A_126 : i32 to vector<64x640xi32>
    %select_n3A_128 = arith.select %eq3A_125, %reshape3A_42, %broadcast_in_dim3A_127 : vector<64x640xi1>, vector<64x640xi32>
    %reduce_min3A_129 = arith.constant dense<2147483647> : vector<64xi32>
    %reduce_min3A_130 = vector.multi_reduction <minsi>, %select_n3A_128, %reduce_min3A_129 [1] : vector<64x640xi32> to vector<64xi32>
    %broadcast_in_dim3A_131 = vector.shape_cast %reduce_min3A_130 : vector<64xi32> to vector<64x1xi32>
    %jit3A_132 = arith.constant 0x7F800000 : f32
    %broadcast_in_dim3A_133 = vector.broadcast %jit3A_132 : f32 to vector<64x640xf32>
    %select_n3A_134 = arith.select %eq3A_125, %broadcast_in_dim3A_133, %select_n3A_112 : vector<64x640xi1>, vector<64x640xf32>
    %reduce_min3A_135 = arith.constant dense<0x7F800000> : vector<64xf32>
    %reduce_min3A_136 = vector.multi_reduction <minimumf>, %select_n3A_134, %reduce_min3A_135 [1] : vector<64x640xf32> to vector<64xf32>
    %broadcast_in_dim3A_137 = vector.shape_cast %reduce_min3A_136 : vector<64xf32> to vector<64x1xf32>
    %eq3A_138 = vector.broadcast %broadcast_in_dim3A_137 : vector<64x1xf32> to vector<64x640xf32>
    %eq3A_139 = arith.cmpf oeq, %select_n3A_134, %eq3A_138 : vector<64x640xf32>
    %jit3A_140 = arith.constant 2147483647 : i32
    %broadcast_in_dim3A_141 = vector.broadcast %jit3A_140 : i32 to vector<64x640xi32>
    %select_n3A_142 = arith.select %eq3A_139, %reshape3A_38, %broadcast_in_dim3A_141 : vector<64x640xi1>, vector<64x640xi32>
    %reduce_min3A_143 = arith.constant dense<2147483647> : vector<64xi32>
    %reduce_min3A_144 = vector.multi_reduction <minsi>, %select_n3A_142, %reduce_min3A_143 [1] : vector<64x640xi32> to vector<64xi32>
    %broadcast_in_dim3A_145 = vector.shape_cast %reduce_min3A_144 : vector<64xi32> to vector<64x1xi32>
    %eq3A_146 = vector.broadcast %broadcast_in_dim3A_145 : vector<64x1xi32> to vector<64x640xi32>
    %eq3A_147 = arith.cmpi eq, %reshape3A_38, %eq3A_146 : vector<64x640xi32>
    %jit3A_148 = arith.constant 2147483647 : i32
    %broadcast_in_dim3A_149 = vector.broadcast %jit3A_148 : i32 to vector<64x640xi32>
    %select_n3A_150 = arith.select %eq3A_147, %reshape3A_42, %broadcast_in_dim3A_149 : vector<64x640xi1>, vector<64x640xi32>
    %reduce_min3A_151 = arith.constant dense<2147483647> : vector<64xi32>
    %reduce_min3A_152 = vector.multi_reduction <minsi>, %select_n3A_150, %reduce_min3A_151 [1] : vector<64x640xi32> to vector<64xi32>
    %broadcast_in_dim3A_153 = vector.shape_cast %reduce_min3A_152 : vector<64xi32> to vector<64x1xi32>
    %broadcast_in_dim3A_154 = arith.constant 0 : i32
    %broadcast_in_dim3A_155 = vector.broadcast %broadcast_in_dim3A_154 : i32 to vector<64x1xi32>
    %eq3A_156 = arith.cmpi eq, %broadcast_in_dim3A_65, %broadcast_in_dim3A_65 : vector<64x1xi32>
    %convert_element_type3A = arith.extui %eq3A_156 : vector<64x1xi1> to vector<64x1xi32>
    %add3A_157 = arith.addi %broadcast_in_dim3A_155, %convert_element_type3A : vector<64x1xi32>
    %eq3A_158 = arith.cmpi eq, %broadcast_in_dim3A_65, %broadcast_in_dim3A_87 : vector<64x1xi32>
    %convert_element_type3A_159 = arith.extui %eq3A_158 : vector<64x1xi1> to vector<64x1xi32>
    %add3A_160 = arith.addi %add3A_157, %convert_element_type3A_159 : vector<64x1xi32>
    %eq3A_161 = arith.cmpi eq, %broadcast_in_dim3A_65, %broadcast_in_dim3A_109 : vector<64x1xi32>
    %convert_element_type3A_162 = arith.extui %eq3A_161 : vector<64x1xi1> to vector<64x1xi32>
    %add3A_163 = arith.addi %add3A_160, %convert_element_type3A_162 : vector<64x1xi32>
    %eq3A_164 = arith.cmpi eq, %broadcast_in_dim3A_65, %broadcast_in_dim3A_131 : vector<64x1xi32>
    %convert_element_type3A_165 = arith.extui %eq3A_164 : vector<64x1xi1> to vector<64x1xi32>
    %add3A_166 = arith.addi %add3A_163, %convert_element_type3A_165 : vector<64x1xi32>
    %eq3A_167 = arith.cmpi eq, %broadcast_in_dim3A_65, %broadcast_in_dim3A_153 : vector<64x1xi32>
    %convert_element_type3A_168 = arith.extui %eq3A_167 : vector<64x1xi1> to vector<64x1xi32>
    %add3A_169 = arith.addi %add3A_166, %convert_element_type3A_168 : vector<64x1xi32>
    %broadcast_in_dim3A_170 = arith.constant 0 : i32
    %broadcast_in_dim3A_171 = vector.broadcast %broadcast_in_dim3A_170 : i32 to vector<64x1xi32>
    %eq3A_172 = arith.cmpi eq, %broadcast_in_dim3A_87, %broadcast_in_dim3A_65 : vector<64x1xi32>
    %convert_element_type3A_173 = arith.extui %eq3A_172 : vector<64x1xi1> to vector<64x1xi32>
    %add3A_174 = arith.addi %broadcast_in_dim3A_171, %convert_element_type3A_173 : vector<64x1xi32>
    %eq3A_175 = arith.cmpi eq, %broadcast_in_dim3A_87, %broadcast_in_dim3A_87 : vector<64x1xi32>
    %convert_element_type3A_176 = arith.extui %eq3A_175 : vector<64x1xi1> to vector<64x1xi32>
    %add3A_177 = arith.addi %add3A_174, %convert_element_type3A_176 : vector<64x1xi32>
    %eq3A_178 = arith.cmpi eq, %broadcast_in_dim3A_87, %broadcast_in_dim3A_109 : vector<64x1xi32>
    %convert_element_type3A_179 = arith.extui %eq3A_178 : vector<64x1xi1> to vector<64x1xi32>
    %add3A_180 = arith.addi %add3A_177, %convert_element_type3A_179 : vector<64x1xi32>
    %eq3A_181 = arith.cmpi eq, %broadcast_in_dim3A_87, %broadcast_in_dim3A_131 : vector<64x1xi32>
    %convert_element_type3A_182 = arith.extui %eq3A_181 : vector<64x1xi1> to vector<64x1xi32>
    %add3A_183 = arith.addi %add3A_180, %convert_element_type3A_182 : vector<64x1xi32>
    %eq3A_184 = arith.cmpi eq, %broadcast_in_dim3A_87, %broadcast_in_dim3A_153 : vector<64x1xi32>
    %convert_element_type3A_185 = arith.extui %eq3A_184 : vector<64x1xi1> to vector<64x1xi32>
    %add3A_186 = arith.addi %add3A_183, %convert_element_type3A_185 : vector<64x1xi32>
    %broadcast_in_dim3A_187 = arith.constant 0 : i32
    %broadcast_in_dim3A_188 = vector.broadcast %broadcast_in_dim3A_187 : i32 to vector<64x1xi32>
    %eq3A_189 = arith.cmpi eq, %broadcast_in_dim3A_109, %broadcast_in_dim3A_65 : vector<64x1xi32>
    %convert_element_type3A_190 = arith.extui %eq3A_189 : vector<64x1xi1> to vector<64x1xi32>
    %add3A_191 = arith.addi %broadcast_in_dim3A_188, %convert_element_type3A_190 : vector<64x1xi32>
    %eq3A_192 = arith.cmpi eq, %broadcast_in_dim3A_109, %broadcast_in_dim3A_87 : vector<64x1xi32>
    %convert_element_type3A_193 = arith.extui %eq3A_192 : vector<64x1xi1> to vector<64x1xi32>
    %add3A_194 = arith.addi %add3A_191, %convert_element_type3A_193 : vector<64x1xi32>
    %eq3A_195 = arith.cmpi eq, %broadcast_in_dim3A_109, %broadcast_in_dim3A_109 : vector<64x1xi32>
    %convert_element_type3A_196 = arith.extui %eq3A_195 : vector<64x1xi1> to vector<64x1xi32>
    %add3A_197 = arith.addi %add3A_194, %convert_element_type3A_196 : vector<64x1xi32>
    %eq3A_198 = arith.cmpi eq, %broadcast_in_dim3A_109, %broadcast_in_dim3A_131 : vector<64x1xi32>
    %convert_element_type3A_199 = arith.extui %eq3A_198 : vector<64x1xi1> to vector<64x1xi32>
    %add3A_200 = arith.addi %add3A_197, %convert_element_type3A_199 : vector<64x1xi32>
    %eq3A_201 = arith.cmpi eq, %broadcast_in_dim3A_109, %broadcast_in_dim3A_153 : vector<64x1xi32>
    %convert_element_type3A_202 = arith.extui %eq3A_201 : vector<64x1xi1> to vector<64x1xi32>
    %add3A_203 = arith.addi %add3A_200, %convert_element_type3A_202 : vector<64x1xi32>
    %broadcast_in_dim3A_204 = arith.constant 0 : i32
    %broadcast_in_dim3A_205 = vector.broadcast %broadcast_in_dim3A_204 : i32 to vector<64x1xi32>
    %eq3A_206 = arith.cmpi eq, %broadcast_in_dim3A_131, %broadcast_in_dim3A_65 : vector<64x1xi32>
    %convert_element_type3A_207 = arith.extui %eq3A_206 : vector<64x1xi1> to vector<64x1xi32>
    %add3A_208 = arith.addi %broadcast_in_dim3A_205, %convert_element_type3A_207 : vector<64x1xi32>
    %eq3A_209 = arith.cmpi eq, %broadcast_in_dim3A_131, %broadcast_in_dim3A_87 : vector<64x1xi32>
    %convert_element_type3A_210 = arith.extui %eq3A_209 : vector<64x1xi1> to vector<64x1xi32>
    %add3A_211 = arith.addi %add3A_208, %convert_element_type3A_210 : vector<64x1xi32>
    %eq3A_212 = arith.cmpi eq, %broadcast_in_dim3A_131, %broadcast_in_dim3A_109 : vector<64x1xi32>
    %convert_element_type3A_213 = arith.extui %eq3A_212 : vector<64x1xi1> to vector<64x1xi32>
    %add3A_214 = arith.addi %add3A_211, %convert_element_type3A_213 : vector<64x1xi32>
    %eq3A_215 = arith.cmpi eq, %broadcast_in_dim3A_131, %broadcast_in_dim3A_131 : vector<64x1xi32>
    %convert_element_type3A_216 = arith.extui %eq3A_215 : vector<64x1xi1> to vector<64x1xi32>
    %add3A_217 = arith.addi %add3A_214, %convert_element_type3A_216 : vector<64x1xi32>
    %eq3A_218 = arith.cmpi eq, %broadcast_in_dim3A_131, %broadcast_in_dim3A_153 : vector<64x1xi32>
    %convert_element_type3A_219 = arith.extui %eq3A_218 : vector<64x1xi1> to vector<64x1xi32>
    %add3A_220 = arith.addi %add3A_217, %convert_element_type3A_219 : vector<64x1xi32>
    %broadcast_in_dim3A_221 = arith.constant 0 : i32
    %broadcast_in_dim3A_222 = vector.broadcast %broadcast_in_dim3A_221 : i32 to vector<64x1xi32>
    %eq3A_223 = arith.cmpi eq, %broadcast_in_dim3A_153, %broadcast_in_dim3A_65 : vector<64x1xi32>
    %convert_element_type3A_224 = arith.extui %eq3A_223 : vector<64x1xi1> to vector<64x1xi32>
    %add3A_225 = arith.addi %broadcast_in_dim3A_222, %convert_element_type3A_224 : vector<64x1xi32>
    %eq3A_226 = arith.cmpi eq, %broadcast_in_dim3A_153, %broadcast_in_dim3A_87 : vector<64x1xi32>
    %convert_element_type3A_227 = arith.extui %eq3A_226 : vector<64x1xi1> to vector<64x1xi32>
    %add3A_228 = arith.addi %add3A_225, %convert_element_type3A_227 : vector<64x1xi32>
    %eq3A_229 = arith.cmpi eq, %broadcast_in_dim3A_153, %broadcast_in_dim3A_109 : vector<64x1xi32>
    %convert_element_type3A_230 = arith.extui %eq3A_229 : vector<64x1xi1> to vector<64x1xi32>
    %add3A_231 = arith.addi %add3A_228, %convert_element_type3A_230 : vector<64x1xi32>
    %eq3A_232 = arith.cmpi eq, %broadcast_in_dim3A_153, %broadcast_in_dim3A_131 : vector<64x1xi32>
    %convert_element_type3A_233 = arith.extui %eq3A_232 : vector<64x1xi1> to vector<64x1xi32>
    %add3A_234 = arith.addi %add3A_231, %convert_element_type3A_233 : vector<64x1xi32>
    %eq3A_235 = arith.cmpi eq, %broadcast_in_dim3A_153, %broadcast_in_dim3A_153 : vector<64x1xi32>
    %convert_element_type3A_236 = arith.extui %eq3A_235 : vector<64x1xi1> to vector<64x1xi32>
    %add3A_237 = arith.addi %add3A_234, %convert_element_type3A_236 : vector<64x1xi32>
    %mul3A_238 = arith.constant 1000 : i32
    %mul3A_239 = vector.broadcast %mul3A_238 : i32 to vector<64x1xi32>
    %mul3A_240 = arith.muli %add3A_169, %mul3A_239 : vector<64x1xi32>
    %sub3A_241 = arith.subi %mul3A_240, %broadcast_in_dim3A_65 : vector<64x1xi32>
    %mul3A_242 = arith.constant 1000 : i32
    %mul3A_243 = vector.broadcast %mul3A_242 : i32 to vector<64x1xi32>
    %mul3A_244 = arith.muli %add3A_186, %mul3A_243 : vector<64x1xi32>
    %sub3A_245 = arith.subi %mul3A_244, %broadcast_in_dim3A_87 : vector<64x1xi32>
    %gt3A = arith.cmpi sgt, %sub3A_245, %sub3A_241 : vector<64x1xi32>
    %select_n3A_246 = arith.select %gt3A, %sub3A_245, %sub3A_241 : vector<64x1xi1>, vector<64x1xi32>
    %select_n3A_247 = arith.select %gt3A, %broadcast_in_dim3A_87, %broadcast_in_dim3A_65 : vector<64x1xi1>, vector<64x1xi32>
    %mul3A_248 = arith.constant 1000 : i32
    %mul3A_249 = vector.broadcast %mul3A_248 : i32 to vector<64x1xi32>
    %mul3A_250 = arith.muli %add3A_203, %mul3A_249 : vector<64x1xi32>
    %sub3A_251 = arith.subi %mul3A_250, %broadcast_in_dim3A_109 : vector<64x1xi32>
    %gt3A_252 = arith.cmpi sgt, %sub3A_251, %select_n3A_246 : vector<64x1xi32>
    %select_n3A_253 = arith.select %gt3A_252, %sub3A_251, %select_n3A_246 : vector<64x1xi1>, vector<64x1xi32>
    %select_n3A_254 = arith.select %gt3A_252, %broadcast_in_dim3A_109, %select_n3A_247 : vector<64x1xi1>, vector<64x1xi32>
    %mul3A_255 = arith.constant 1000 : i32
    %mul3A_256 = vector.broadcast %mul3A_255 : i32 to vector<64x1xi32>
    %mul3A_257 = arith.muli %add3A_220, %mul3A_256 : vector<64x1xi32>
    %sub3A_258 = arith.subi %mul3A_257, %broadcast_in_dim3A_131 : vector<64x1xi32>
    %gt3A_259 = arith.cmpi sgt, %sub3A_258, %select_n3A_253 : vector<64x1xi32>
    %select_n3A_260 = arith.select %gt3A_259, %sub3A_258, %select_n3A_253 : vector<64x1xi1>, vector<64x1xi32>
    %select_n3A_261 = arith.select %gt3A_259, %broadcast_in_dim3A_131, %select_n3A_254 : vector<64x1xi1>, vector<64x1xi32>
    %mul3A_262 = arith.constant 1000 : i32
    %mul3A_263 = vector.broadcast %mul3A_262 : i32 to vector<64x1xi32>
    %mul3A_264 = arith.muli %add3A_237, %mul3A_263 : vector<64x1xi32>
    %sub3A_265 = arith.subi %mul3A_264, %broadcast_in_dim3A_153 : vector<64x1xi32>
    %gt3A_266 = arith.cmpi sgt, %sub3A_265, %select_n3A_260 : vector<64x1xi32>
    %select_n3A_267 = arith.select %gt3A_266, %broadcast_in_dim3A_153, %select_n3A_261 : vector<64x1xi1>, vector<64x1xi32>
    %swap3A = arith.constant 0 : index
    %swap3A_268 = arith.constant 0 : index
    %swap3A_269 = vector.load %arg6[%swap3A, %swap3A_268] : memref<64x1xi32, #tpu.memory_space<vmem>>, vector<64x1xi32>
    tpu.vector_store %arg6[%swap3A, %swap3A_268], %select_n3A_267 {strides = array<i32>} : memref<64x1xi32, #tpu.memory_space<vmem>>, vector<64x1xi32>,
    return
  }
  func.func @transform_0(%arg0: i32) -> (i32, i32) {
    %c0_i32 = arith.constant 0 : i32
    %c0_i32_0 = arith.constant 0 : i32
    return %arg0, %c0_i32 : i32, i32
  }
  func.func @transform_1(%arg0: i32) -> (i32, i32, i32) {
    %c0_i32 = arith.constant 0 : i32
    %c0_i32_0 = arith.constant 0 : i32
    %c0_i32_1 = arith.constant 0 : i32
    return %arg0, %c0_i32, %c0_i32_0 : i32, i32, i32
  }
  func.func @transform_2(%arg0: i32) -> (i32, i32) {
    %c0_i32 = arith.constant 0 : i32
    %c0_i32_0 = arith.constant 0 : i32
    return %arg0, %c0_i32 : i32, i32
  }
  func.func @transform_3(%arg0: i32) -> (i32, i32) {
    %c0_i32 = arith.constant 0 : i32
    %c0_i32_0 = arith.constant 0 : i32
    return %arg0, %c0_i32 : i32, i32
  }
  func.func @transform_4(%arg0: i32) -> (i32, i32, i32) {
    %c0_i32 = arith.constant 0 : i32
    %c0_i32_0 = arith.constant 0 : i32
    %c0_i32_1 = arith.constant 0 : i32
    return %arg0, %c0_i32, %c0_i32_0 : i32, i32, i32
  }
  func.func @transform_5(%arg0: i32) -> (i32, i32) {
    %c0_i32 = arith.constant 0 : i32
    %c0_i32_0 = arith.constant 0 : i32
    return %arg0, %c0_i32 : i32, i32
  }
}

</mosaic_0001>

<sc_bundles>
// kernel: kernel.6.cloned.1.call-start
scs
__scs_entry_jumppad:
0x0: {  	(pc) =	sbr.rel $0x88, $3  }
0x1: {  	(tag) =	ssettag $0x0;
	lr =	simm.s32 $0x1  }
0x2: {  	[smem:$0x3F9E] =	sst lr;
	_ =	strace $0xD0000000  }
0x3: {  	_ = 	snop  }
0x4: {  	_ = 	snop  }
0x5: {  	_ = 	snop  }
0x6: {  	_ = 	snop  }
0x7: {  	_ = 	snop  }
__scs_overlays_trampoline_lowered:
0x8: {  	[smem:$0x3FAD] =	sst s0  }
0x9: {  	[smem:$0x3FAE] =	sst s1  }
0xa: {  	[smem:$0x3FAF] =	sst s2  }
0xb: {  	[smem:$0x3FB0] =	sst s3  }
0xc: {  	[smem:$0x3FB1] =	sst s4  }
0xd: {  	[smem:$0x3FB2] =	sst s5  }
0xe: {  	[smem:$0x3FB3] =	sst s6  }
0xf: {  	[smem:$0x3FB4] =	sst s7  }
0x10: {  	[smem:$0x3FB5] =	sst s8  }
0x11: {  	[smem:$0x3FB6] =	sst s9;
	s0 =	simm.s32 @!p0 $0x0  }
0x12: {  	s1 =	sld [smem:$0x3F9C];
	s0 =	simm.s32 @p0 $0x1  }
0x13: {  	[smem:$0x3FB7] =	sst s0;
	s0 =	simm.s32 @!p1 $0x0  }
0x14: {  	s2 =	sld [smem:$0x3F9B];
	s0 =	simm.s32 @p1 $0x1  }
0x15: {  	[smem:$0x3FB8] =	sst s0;
	s0 =	simm.s32 @!p2 $0x0  }
0x16: {  	s3 =	sld [smem:$0x3FDB];
	s0 =	simm.s32 @p2 $0x1  }
0x17: {  	s4 =	simm.s32 $0x1BF5;
	[smem:$0x3FBA] =	sst s0  }
0x18: {  	s0 =	sld [smem:$0x3F9D];
	_ =	swait.ge [sflag:s4], $0x0  }
0x19: {  	s7 =	sld [smem:$0x3F9E]  }
0x1a: {  	s8 =	sadd.s32 $0xFFFFE003, lr  }
0x1b: {  	s9 =	sadd.s32 $0xFFFFFEF7, lr;
	s5 =	simm.s32 $0xFFFFFFFF;
	p2 =	slt.u32 s8, $0xFFFFF086  }
0x1c: {  	p1 =	slt.u32 s9, $0xF7A;
	s5 =	simm.s32 @!p2 $0x0  }
0x1d: {  	s5 =	simm.s32 @p1 $0x1;
	p0 =	seq.s32 s7, s2  }
0x1e: {  	s7 =	smul.u32 @!p0 $0xF7A, s2;
	p2 =	seq.s32 @!p0 s5, $0x0  }
0x1f: {  	s9 =	smul.u32 $0xF7A, s1;
	s8 =	simm.s32 @!p0 $0x1BF5;
	p2 =	por !p2, p0  }
0x20: {  	[sflag:s8] =	ssyncset.s32 @!p0 $0xFFFFF086;
	s6 =	sadd.s32 @!p0 s3, s7;
	s7 =	simm.s32 @!p0 $0x108  }
0x21: {  	s3 =	sadd.s32 s3, s9;
	s6 =	sadd.s32 @!p0 $0x88, s6;
	s7 =	simm.s32 @p2 $0x1082  }
0x22: {  	[simem:s7], [sflag:s8] =	dma.local @!p0 [hbm:s6], $0xF7A  }
0x23: {  	s9 =	sor.u32 $0xD0000000, s2;
	s6 =	simm.s32 $0x108;
	_ =	swait.ge @!p0 [sflag:s8], $0x0  }
0x24: {  	s3 =	sadd.s32 $0x88, s3;
	s6 =	simm.s32 @!p1 $0x1082;
	[sflag:s4] =	ssyncset.s32 $0xFFFFF086  }
0x25: {  	[simem:s6], [sflag:s4] =	dma.local [hbm:s3], $0xF7A  }
0x26: {  	[smem:$0x3F9E] =	sst s1;
	(tag) =	ssettag s2;
	_ =	strace s9  }
0x27: {  	s1 =	sld [smem:$0x3FAE]  }
0x28: {  	s2 =	sld [smem:$0x3FAF]  }
0x29: {  	s4 =	sld [smem:$0x3FB1]  }
0x2a: {  	p0 =	seq.s32 s5, $0x0;
	s5 =	sld [smem:$0x3FB2]  }
0x2b: {  	s6 =	sld [smem:$0x3FB3]  }
0x2c: {  	s7 =	sld [smem:$0x3FB4]  }
0x2d: {  	s3 =	simm.s32 $0x108;
	s8 =	sld [smem:$0x3FB5]  }
0x2e: {  	s3 =	simm.s32 @!p0 $0x1082;
	s9 =	sld [smem:$0x3FB6]  }
0x2f: {  	lr =	sadd.s32 s0, s3;
	s0 =	sld [smem:$0x3FAD]  }
0x30: {  	s3 =	sld [smem:$0x3FB0]  }
0x31: {  	[smem:$0x3FB9] =	sst s10  }
0x32: {  	s10 =	sld [smem:$0x3FB7];
	_ =	sdelay $0x3  }
0x33: {  	p0 =	seq.s32 s10, $0x1;
	s10 =	sld [smem:$0x3FB9];
	_ =	sdelay $0x3  }
0x34: {  	[smem:$0x3FB9] =	sst s10  }
0x35: {  	s10 =	sld [smem:$0x3FB8];
	_ =	sdelay $0x3  }
0x36: {  	p1 =	seq.s32 s10, $0x1;
	s10 =	sld [smem:$0x3FB9];
	_ =	sdelay $0x3  }
0x37: {  	[smem:$0x3FB9] =	sst s10  }
0x38: {  	s10 =	sld [smem:$0x3FBA]  }
0x39: {  	_ = 	snop;
	(pc) =	sbr.ind lr, $3  }
0x3a: {  	_ = 	snop  }
0x3b: {  	_ = 	snop  }
0x3c: {  	p2 =	seq.s32 s10, $0x1;
	s10 =	sld [smem:$0x3FB9]  }
0x3d: {  	_ =	shalt  }
0x3e: {  	_ =	shalt  }
0x3f: {  	_ =	shalt  }
0x40: {  	_ =	shalt  }
0x41: {  	_ =	shalt  }
0x42: {  	_ =	shalt  }
0x43: {  	_ =	shalt  }
0x44: {  	_ =	shalt  }
0x45: {  	_ =	shalt  }
0x46: {  	_ =	shalt  }
0x47: {  	_ =	shalt  }
0x48: {  	_ =	shalt  }
0x49: {  	_ =	shalt  }
0x4a: {  	_ =	shalt  }
0x4b: {  	_ =	shalt  }
0x4c: {  	_ =	shalt  }
0x4d: {  	_ =	shalt  }
0x4e: {  	_ =	shalt  }
0x4f: {  	_ =	shalt  }
0x50: {  	_ =	shalt  }
0x51: {  	_ =	shalt  }
0x52: {  	_ =	shalt  }
0x53: {  	_ =	shalt  }
0x54: {  	_ =	shalt  }
0x55: {  	_ =	shalt  }
0x56: {  	_ =	shalt  }
0x57: {  	_ =	shalt  }
0x58: {  	_ =	shalt  }
0x59: {  	_ =	shalt  }
0x5a: {  	_ =	shalt  }
0x5b: {  	_ =	shalt  }
0x5c: {  	_ =	shalt  }
0x5d: {  	_ =	shalt  }
0x5e: {  	_ =	shalt  }
0x5f: {  	_ =	shalt  }
0x60: {  	_ =	shalt  }
0x61: {  	_ =	shalt  }
0x62: {  	_ =	shalt  }
0x63: {  	_ =	shalt  }
0x64: {  	_ =	shalt  }
0x65: {  	_ =	shalt  }
0x66: {  	_ =	shalt  }
0x67: {  	_ =	shalt  }
0x68: {  	_ =	shalt  }
0x69: {  	_ =	shalt  }
0x6a: {  	_ =	shalt  }
0x6b: {  	_ =	shalt  }
0x6c: {  	_ =	shalt  }
0x6d: {  	_ =	shalt  }
0x6e: {  	_ =	shalt  }
0x6f: {  	_ =	shalt  }
0x70: {  	_ =	shalt  }
0x71: {  	_ =	shalt  }
0x72: {  	_ =	shalt  }
0x73: {  	_ =	shalt  }
0x74: {  	_ =	shalt  }
0x75: {  	_ =	shalt  }
0x76: {  	_ =	shalt  }
0x77: {  	_ =	shalt  }
0x78: {  	_ =	shalt  }
0x79: {  	_ =	shalt  }
0x7a: {  	_ =	shalt  }
0x7b: {  	_ =	shalt  }
0x7c: {  	_ =	shalt  }
0x7d: {  	_ =	shalt  }
0x7e: {  	_ =	shalt  }
0x7f: {  	_ =	shalt  }
0x80: {  	_ =	shalt  }
0x81: {  	_ =	shalt  }
0x82: {  	_ =	shalt  }
0x83: {  	_ =	shalt  }
0x84: {  	_ =	shalt  }
0x85: {  	_ =	shalt  }
0x86: {  	_ =	shalt  }
0x87: {  	_ =	shalt  }
.Lfunc_end0:
.L_simem_size_0:
called_computation.1_lowered:
.L_overlay_start_0:
0x88: {  	s2 =	sld [smem:$0x3FD9]  }
0x89: {  	s3 =	sld [smem:$0x3FFE];
	_ =	sdelay $0x1  }
0x8a: {  	s1 =	srdreg.scid  }
0x8b: {  	s0 =	sand.u32 $0x1, s1  }
0x8c: {  	s16 =	sshll.u32 s0, $0xA;
	s2 =	sadd.s32 s3, s2  }
0x8d: {  	s2 =	sadd.s32 s2, s16  }
0x8e: {  	[smem:$0x3FC5] =	sst s2  }
0x8f: {  	_ = 	snop  }
0x90: {  	(tm) =	ssettm $0x1  }
0x91: {  	s17 =	sld [smem:$0x3FFB];
	_ =	sdelay $0x3  }
0x92: {  	_ =	strace s17  }
0x93: {  	s2 =	sld [smem:$0x3FFC];
	_ =	sdelay $0x3  }
0x94: {  	_ =	strace s2  }
0x95: {  	s2 =	sld [smem:$0x3FFD];
	_ =	sdelay $0x3  }
0x96: {  	_ =	strace s2  }
0x97: {  	_ =	strace $0x8FFFFFFF  }
0x98: {  	s18 =	sld [smem:$0x3FDB];
	_ =	sdelay $0x1  }
0x99: {  	s19 =	simm.s32 $_scs_section_size  }
0x9a: {  	s4 =	simm.s32 $_size__tile_overlayer_lowered;
	s5 =	simm.s32 $_tile_overlayer_lowered  }
0x9b: {  	s22 =	simm.s32 $0x1BFF;
	s21 =	sshll.u32 s5, $0x1;
	s2 =	sadd.s32 s19, s18  }
0x9c: {  	s6 =	simm.s32 $0x0;
	s20 =	sshll.u32 s4, $0x1;
	s4 =	sadd.s32 s21, s2  }
0x9d: {  	[timem:s6], [sflag:s22] =	dma.local [hbm:s4], s20  }
0x9e: {  	_ =	swait.ge [sflag:s22], s20  }
0x9f: {  	s3 =	ssub.s32 $0x0, s20;
	[sflag:s22] =	ssyncset.done $0x0  }
0xa0: {  	[sflag:s22] =	ssyncadd.s32 s3;
	_ =	sdelay $0x1  }
0xa1: {  	s23 =	simm.s32 $0x1B8B  }
0xa2: {  	_ =	swait.ge [sflag:s23], $0x1  }
0xa3: {  	[sflag:s23] =	ssyncset.done $0x0  }
0xa4: {  	s25 =	simm.s32 $0x1B8E;
	s24 =	sld [smem:$0x3FFE];
	[sflag:s23] =	ssyncadd.s32 $0xFFFFFFFF  }
0xa5: {  	s26 =	simm.s32 $execute0_lowered;
	[smem:$0x3FD2] =	sst s25  }
0xa6: {  	s4 =	sshll.u32 s26, $0x1;
	_ =	strace $0x80000046;
	[dreg:$0x1] =	wrdreg $0xFFFFFFFF  }
0xa7: {  	s28 =	simm.s32 $_size_execute0_lowered;
	s2 =	sadd.s32 s2, s4;
	[dreg:$0x0] =	wrdreg $0x0  }
0xa8: {  	s4 =	sshll.u32 s28, $0x1;
	[dreg:$0x2] =	wrdreg s2  }
0xa9: {  	[dreg:$0x3] =	wrdreg s4  }
0xaa: {  	[dreg:$0x4] =	wrdreg $0xC0  }
0xab: {  	_ =	task [dreg:s6], $0x5FFFF  }
0xac: {  	[dreg:$0x1] =	wrdreg $0xFFFFFFFF  }
0xad: {  	[dreg:$0x0] =	wrdreg $0x60  }
0xae: {  	[dreg:$0x2] =	wrdreg s24  }
0xaf: {  	[dreg:$0x3] =	wrdreg $0x9  }
0xb0: {  	_ =	task.clear_ibuf [dreg:s6], $0x4FFFF;
	_ =	strace $0x90000046  }
0xb1: {  	s29 =	simm.s32 $0x9;
	_ =	strace $0x80000048  }
0xb2: {  	_ =	swait.ge [sflag:s29], $0x1  }
0xb3: {  	[sflag:s29] =	ssyncadd.s32 $0xFFFFFFFF  }
0xb4: {  	_ =	strace $0x90000048  }
0xb5: {  	_ =	sfence  }
0xb6: {  	s30 =	sld [smem:$0x0];
	_ =	sdelay $0x2  }
0xb7: {  	s31 =	sshll.u32 s1, $0xD;
	s1 =	sshrl.u32 s1, $0x2  }
0xb8: {  	s3 =	sand.u32 $0x4000, s31;
	s1 =	sadd.s32 s1, s30  }
0xb9: {  	s0 =	sor.u32 s3, s0;
	s1 =	sshll.u32 s1, $0x11  }
0xba: {  	s0 =	sor.u32 s1, s0  }
0xbb: {  	s0 =	sadd.s32 $0x8F2B, s0  }
0xbc: {  	[sflag:s0] =	ssyncadd.remote.s32 $0x1  }
0xbd: {  	_ =	sfence.sel $0xFFFF  }
0xbe: {  	[dreg:$0x0] =	wrdreg $0xFFFFFFFF;
	(pc) =	sbr.abs _section_cstart, $3  }
0xbf: {  	[dreg:$0x1] =	wrdreg $0xFFFFFFFF  }
0xc0: {  	_ =	task.clear_ibuf [dreg:s6], $0x2FFFF;
	_ =	strace $0x9FFFFFFF  }
0xc1: {  	(tm) =	ssettm $0x7FFFFFFF  }
tec
execute0_lowered:
.L_overlay_start_1:
0x0: {  	(tag) =	ssettag $0x1  }
0x1: {  	s0 =	rddreg [dreg:$0x0];
	s2 =	simm.s32 $0x0;
	s1 =	srdreg.scid  }
0x2: {  	s3 =	stileid.u32;
	[smem:$0x7FF] =	sst s2;
	s29 =	sadd.s32 $0x8A00, s0  }
0x3: {  	s31 =	sadd.s32 $0x1800, s0;
	_ =	strace $0x80000047;
	[smem:$0x7BA] =	sst s29  }
0x4: {  	s1 =	sand.u32 $0x1, s1;
	s8 =	sadd.s32 $0x8D00, s0;
	[smem:$0x7BB] =	sst s31  }
0x5: {  	s4 =	sshll.u32 s3, $0x1;
	s9 =	sadd.s32 $0x8E00, s0;
	[smem:$0x7BF] =	sst s8  }
0x6: {  	s20 =	sadd.s32 $0x73C00, s0;
	s10 =	sadd.s32 $0x8F00, s0;
	[smem:$0x7C0] =	sst s9  }
0x7: {  	s17 =	sadd.s32 $0x74000, s0;
	s11 =	sadd.s32 $0x9000, s0;
	[smem:$0x7C1] =	sst s10  }
0x8: {  	s18 =	sadd.s32 $0x2F4000, s0;
	s13 =	sadd.s32 $0x9100, s0;
	[smem:$0x7C2] =	sst s11  }
0x9: {  	s16 =	sadd.s32 $0x9200, s0;
	s12 =	sor.u32 s1, s4;
	[smem:$0x7C3] =	sst s13  }
0xa: {  	s4 =	sadd.s32 $0x6CA00, s0;
	s1 =	ssub.s32 $0x2, s1;
	[smem:$0x7C4] =	sst s16  }
0xb: {  	[smem:$0x7BC] =	sst s4;
	s6 =	sshrl.u32 s1, $0x1;
	s14 =	smul.u32 $0x14000, s12  }
0xc: {  	s15 =	smul.u32 $0xA00, s12;
	s1 =	ssub.s32 s1, s6;
	s6 =	sadd.s32 $0x8B00, s0  }
0xd: {  	s21 =	smul.u32 $0xA0, s12;
	[smem:$0x7BD] =	sst s6;
	s14 =	sadd.s32 s17, s14  }
0xe: {  	s19 =	sadd.s32 $0x308000, s0;
	s22 =	sadd.s32 s18, s15;
	[dreg:$0x3] =	wrdreg s14  }
0xf: {  	s7 =	sshrl.u32 s21, $0x3;
	s23 =	sadd.s32 s19, s15;
	[dreg:$0x4] =	wrdreg s22  }
0x10: {  	s16 =	sor.u32 $0x8, s21;
	s5 =	sadd.s32 s20, s7;
	[dreg:$0x5] =	wrdreg s23  }
0x11: {  	s3 =	sor.u32 $0x10, s21;
	s7 =	sadd.s32 $0x8C00, s0;
	[dreg:$0x2] =	wrdreg s5  }
0x12: {  	s24 =	sshrl.u32 s16, $0x3;
	s14 =	sadd.s32 $0x9500, s0;
	[smem:$0x7BE] =	sst s7  }
0x13: {  	s26 =	sshll.u32 s16, $0x9;
	s25 =	sadd.s32 s20, s24;
	[smem:$0x7F2] =	sst s14  }
0x14: {  	s29 =	sshll.u32 s16, $0x4;
	s28 =	sadd.s32 s17, s26;
	[dreg:$0x6] =	wrdreg s25  }
0x15: {  	s11 =	sor.u32 $0x18, s21;
	s31 =	sadd.s32 s18, s29;
	[dreg:$0x7] =	wrdreg s28  }
0x16: {  	s9 =	sshll.u32 s3, $0x4;
	s4 =	sadd.s32 s19, s29;
	[dreg:$0x8] =	wrdreg s31  }
0x17: {  	s13 =	sshrl.u32 s11, $0x3;
	s10 =	sadd.s32 s18, s9;
	[dreg:$0x9] =	wrdreg s4  }
0x18: {  	s22 =	sshll.u32 s11, $0x9;
	s12 =	sadd.s32 s19, s9;
	[dreg:$0xc] =	wrdreg s10  }
0x19: {  	s5 =	sshrl.u32 s3, $0x3;
	s15 =	sadd.s32 s20, s13;
	[dreg:$0xd] =	wrdreg s12  }
0x1a: {  	s7 =	sshll.u32 s3, $0x9;
	s23 =	sadd.s32 s17, s22;
	[dreg:$0xe] =	wrdreg s15  }
0x1b: {  	s24 =	sshll.u32 s11, $0x4;
	s6 =	sadd.s32 s20, s5;
	[dreg:$0xf] =	wrdreg s23  }
0x1c: {  	s26 =	sadd.s32 $0x20, s21;
	s8 =	sadd.s32 s17, s7;
	[dreg:$0xa] =	wrdreg s6  }
0x1d: {  	s22 =	sadd.s32 $0x30, s21;
	s25 =	sadd.s32 s18, s24;
	[dreg:$0xb] =	wrdreg s8  }
0x1e: {  	s28 =	sadd.s32 s19, s24;
	s29 =	sshrl.u32 s26, $0x3;
	[dreg:$0x10] =	wrdreg s25  }
0x1f: {  	s3 =	sshll.u32 s26, $0x9;
	[dreg:$0x11] =	wrdreg s28;
	s31 =	sadd.s32 s20, s29  }
0x20: {  	s5 =	sshll.u32 s26, $0x4;
	s4 =	sadd.s32 s17, s3;
	[dreg:$0x12] =	wrdreg s31  }
0x21: {  	s7 =	sadd.s32 $0x28, s21;
	s6 =	sadd.s32 s18, s5;
	[dreg:$0x13] =	wrdreg s4  }
0x22: {  	s24 =	sshrl.u32 s22, $0x3;
	s8 =	sadd.s32 s19, s5;
	[dreg:$0x14] =	wrdreg s6  }
0x23: {  	s26 =	sshll.u32 s22, $0x9;
	s25 =	sadd.s32 s20, s24;
	[dreg:$0x15] =	wrdreg s8  }
0x24: {  	s9 =	sshrl.u32 s7, $0x3;
	s28 =	sadd.s32 s17, s26;
	[dreg:$0x1a] =	wrdreg s25  }
0x25: {  	s11 =	sshll.u32 s7, $0x9;
	s10 =	sadd.s32 s20, s9;
	[dreg:$0x1b] =	wrdreg s28  }
0x26: {  	s13 =	sshll.u32 s7, $0x4;
	s12 =	sadd.s32 s17, s11;
	[dreg:$0x16] =	wrdreg s10  }
0x27: {  	s29 =	sshll.u32 s22, $0x4;
	s16 =	sadd.s32 s18, s13;
	[dreg:$0x17] =	wrdreg s12  }
0x28: {  	s3 =	sadd.s32 $0x38, s21;
	s23 =	sadd.s32 s19, s13;
	[dreg:$0x18] =	wrdreg s16  }
0x29: {  	s26 =	sadd.s32 $0x48, s21;
	s31 =	sadd.s32 s18, s29;
	[dreg:$0x19] =	wrdreg s23  }
0x2a: {  	s4 =	sadd.s32 s19, s29;
	s5 =	sshrl.u32 s3, $0x3;
	[dreg:$0x1c] =	wrdreg s31  }
0x2b: {  	s7 =	sshll.u32 s3, $0x9;
	[dreg:$0x1d] =	wrdreg s4;
	s6 =	sadd.s32 s20, s5  }
0x2c: {  	s9 =	sshll.u32 s3, $0x4;
	s8 =	sadd.s32 s17, s7;
	[dreg:$0x1e] =	wrdreg s6  }
0x2d: {  	s11 =	sadd.s32 $0x40, s21;
	s10 =	sadd.s32 s18, s9;
	[dreg:$0x1f] =	wrdreg s8  }
0x2e: {  	s29 =	sshrl.u32 s26, $0x3;
	s12 =	sadd.s32 s19, s9;
	[smem:$0x7C5] =	sst s10  }
0x2f: {  	s3 =	sshll.u32 s26, $0x9;
	s31 =	sadd.s32 s20, s29;
	[smem:$0x7C6] =	sst s12  }
0x30: {  	s13 =	sshrl.u32 s11, $0x3;
	s4 =	sadd.s32 s17, s3;
	[smem:$0x7CB] =	sst s31  }
0x31: {  	s22 =	sshll.u32 s11, $0x9;
	s15 =	sadd.s32 s20, s13;
	[smem:$0x7CC] =	sst s4  }
0x32: {  	s24 =	sshll.u32 s11, $0x4;
	s23 =	sadd.s32 s17, s22;
	[smem:$0x7C7] =	sst s15  }
0x33: {  	s5 =	sshll.u32 s26, $0x4;
	s25 =	sadd.s32 s18, s24;
	[smem:$0x7C8] =	sst s23  }
0x34: {  	s7 =	sadd.s32 $0x50, s21;
	s28 =	sadd.s32 s19, s24;
	[smem:$0x7C9] =	sst s25  }
0x35: {  	s3 =	sadd.s32 $0x60, s21;
	s6 =	sadd.s32 s18, s5;
	[smem:$0x7CA] =	sst s28  }
0x36: {  	s8 =	sadd.s32 s19, s5;
	s9 =	sshrl.u32 s7, $0x3;
	[smem:$0x7CD] =	sst s6  }
0x37: {  	s11 =	sshll.u32 s7, $0x9;
	[smem:$0x7CE] =	sst s8;
	s10 =	sadd.s32 s20, s9  }
0x38: {  	s13 =	sshll.u32 s7, $0x4;
	s12 =	sadd.s32 s17, s11;
	[smem:$0x7CF] =	sst s10  }
0x39: {  	s22 =	sadd.s32 $0x58, s21;
	s16 =	sadd.s32 s18, s13;
	[smem:$0x7D0] =	sst s12  }
0x3a: {  	s5 =	sshrl.u32 s3, $0x3;
	s23 =	sadd.s32 s19, s13;
	[smem:$0x7D1] =	sst s16  }
0x3b: {  	s7 =	sshll.u32 s3, $0x9;
	s6 =	sadd.s32 s20, s5;
	[smem:$0x7D2] =	sst s23  }
0x3c: {  	s24 =	sshrl.u32 s22, $0x3;
	s8 =	sadd.s32 s17, s7;
	[smem:$0x7D7] =	sst s6  }
0x3d: {  	s26 =	sshll.u32 s22, $0x9;
	s25 =	sadd.s32 s20, s24;
	[smem:$0x7D8] =	sst s8  }
0x3e: {  	s29 =	sshll.u32 s22, $0x4;
	s28 =	sadd.s32 s17, s26;
	[smem:$0x7D3] =	sst s25  }
0x3f: {  	s9 =	sshll.u32 s3, $0x4;
	s31 =	sadd.s32 s18, s29;
	[smem:$0x7D4] =	sst s28  }
0x40: {  	s11 =	sadd.s32 $0x68, s21;
	s4 =	sadd.s32 s19, s29;
	[smem:$0x7D5] =	sst s31  }
0x41: {  	s7 =	sadd.s32 $0x78, s21;
	s10 =	sadd.s32 s18, s9;
	[smem:$0x7D6] =	sst s4  }
0x42: {  	s12 =	sadd.s32 s19, s9;
	s13 =	sshrl.u32 s11, $0x3;
	[smem:$0x7D9] =	sst s10  }
0x43: {  	s22 =	sshll.u32 s11, $0x9;
	[smem:$0x7DA] =	sst s12;
	s15 =	sadd.s32 s20, s13  }
0x44: {  	s24 =	sshll.u32 s11, $0x4;
	s23 =	sadd.s32 s17, s22;
	[smem:$0x7DB] =	sst s15  }
0x45: {  	s26 =	sadd.s32 $0x70, s21;
	s25 =	sadd.s32 s18, s24;
	[smem:$0x7DC] =	sst s23  }
0x46: {  	s9 =	sshrl.u32 s7, $0x3;
	s28 =	sadd.s32 s19, s24;
	[smem:$0x7DD] =	sst s25  }
0x47: {  	s11 =	sshll.u32 s7, $0x9;
	s10 =	sadd.s32 s20, s9;
	[smem:$0x7DE] =	sst s28  }
0x48: {  	s29 =	sshrl.u32 s26, $0x3;
	s12 =	sadd.s32 s17, s11;
	[smem:$0x7E3] =	sst s10  }
0x49: {  	s3 =	sshll.u32 s26, $0x9;
	s31 =	sadd.s32 s20, s29;
	[smem:$0x7E4] =	sst s12  }
0x4a: {  	s5 =	sshll.u32 s26, $0x4;
	s4 =	sadd.s32 s17, s3;
	[smem:$0x7DF] =	sst s31  }
0x4b: {  	s6 =	sadd.s32 s18, s5;
	[smem:$0x7E0] =	sst s4  }
0x4c: {  	s13 =	sshll.u32 s7, $0x4;
	s8 =	sadd.s32 s19, s5;
	[smem:$0x7E1] =	sst s6  }
0x4d: {  	s16 =	sadd.s32 s18, s13;
	[smem:$0x7E2] =	sst s8  }
0x4e: {  	s23 =	sadd.s32 s19, s13;
	[smem:$0x7E5] =	sst s16  }
0x4f: {  	s22 =	sadd.s32 $0x80, s21;
	s12 =	sadd.s32 $0x9300, s0;
	[smem:$0x7E6] =	sst s23  }
0x50: {  	s24 =	sshrl.u32 s22, $0x3;
	s13 =	sadd.s32 $0x9400, s0;
	[smem:$0x7EE] =	sst s12  }
0x51: {  	s26 =	sshll.u32 s22, $0x9;
	s25 =	sadd.s32 s20, s24;
	[smem:$0x7F0] =	sst s13  }
0x52: {  	s29 =	sshll.u32 s22, $0x4;
	s28 =	sadd.s32 s17, s26;
	[smem:$0x7E7] =	sst s25  }
0x53: {  	s31 =	sadd.s32 s18, s29;
	[smem:$0x7E8] =	sst s28  }
0x54: {  	s3 =	sadd.s32 $0x88, s21;
	s4 =	sadd.s32 s19, s29;
	[smem:$0x7E9] =	sst s31  }
0x55: {  	s22 =	sadd.s32 $0x90, s21;
	s26 =	sadd.s32 $0x9600, s0;
	[smem:$0x7EA] =	sst s4  }
0x56: {  	s5 =	sshrl.u32 s3, $0x3;
	s29 =	sadd.s32 $0x9700, s0;
	[smem:$0x7F7] =	sst s26  }
0x57: {  	s7 =	sshll.u32 s3, $0x9;
	s6 =	sadd.s32 s20, s5;
	[smem:$0x7F9] =	sst s29  }
0x58: {  	s9 =	sshll.u32 s3, $0x4;
	s8 =	sadd.s32 s17, s7;
	[smem:$0x7EB] =	sst s6  }
0x59: {  	s21 =	sadd.s32 $0x98, s21;
	s10 =	sadd.s32 s18, s9;
	[smem:$0x7EC] =	sst s8  }
0x5a: {  	s11 =	sshrl.u32 s22, $0x3;
	s15 =	sadd.s32 s19, s9;
	[smem:$0x7ED] =	sst s10  }
0x5b: {  	s23 =	sshll.u32 s22, $0x9;
	s16 =	sadd.s32 s20, s11;
	[smem:$0x7EF] =	sst s15  }
0x5c: {  	s24 =	sshll.u32 s21, $0x9;
	s23 =	sadd.s32 s17, s23;
	[smem:$0x7F1] =	sst s16  }
0x5d: {  	s25 =	sadd.s32 s17, s24;
	[smem:$0x7F3] =	sst s23  }
0x5e: {  	s31 =	sadd.s32 $0x9800, s0;
	[smem:$0x7F8] =	sst s25  }
0x5f: {  	s22 =	sshll.u32 s22, $0x4;
	s0 =	sadd.s32 $0x9900, s0;
	[smem:$0x7FB] =	sst s31  }
0x60: {  	s15 =	sadd.s32 s18, s22;
	[smem:$0x7FC] =	sst s0  }
0x61: {  	s22 =	sadd.s32 s19, s22;
	s16 =	sshrl.u32 s21, $0x3;
	[smem:$0x7F4] =	sst s15  }
0x62: {  	s21 =	sshll.u32 s21, $0x4;
	[smem:$0x7F5] =	sst s22;
	s20 =	sadd.s32 s20, s16  }
0x63: {  	v0 =	vlaneseq.u32;
	s30 =	simm.s32 $0x2;
	s28 =	sadd.s32 s18, s21;
	[smem:$0x7F6] =	sst s20  }
0x64: {  	v1 =	vshrl.u32 v0, $0x3;
	s3 =	simm.s32 $0x3;
	s21 =	sadd.s32 s19, s21;
	[smem:$0x7FA] =	sst s28  }
0x65: {  	vm0 =	vmmov $0xffff;
	v0 =	vand.u32 $0x7, v0;
	v1 =	vmul.u32 $0x8, v1;
	s24 =	simm.s32 $0x1;
	[smem:$0x7FD] =	sst s21;
	s21 =	smax.u32 s1, $0x1  }
.LBB2_1:
0x66: {  	[smem:$0x7B9] =	sst s21  }
0x67: {  	s17 =	rddreg [dreg:$0x2]  }
0x68: {  	[tilespmem:s2], [sflag:$0x3] =	stream.linear.gather [hbm4b:s17+s2], $0x8, $0x38;
	[tilespmem:$0x11100] =	vst v63  }
0x69: {  	_ =	swait.ge [sflag:s3], $0x8  }
0x6a: {  	[sflag:s3] =	ssyncset.done $0x0  }
0x6b: {  	[sflag:s3] =	ssyncadd.s32 $0xFFFFFFF8  }
0x6c: {  	v2 =	vld.msk [tilespmem:$0x0], $0xff;
	_ =	sdelay $0x4  }
0x6d: {  	v3 =	vshll.u32 v2, $0x5  }
0x6e: {  	v2 =	vand.u32 $0x7, v2;
	v3 =	vand.u32 $0xFFFFFF00, v3  }
0x6f: {  	v2 =	vor.u32 v2, v3  }
0x70: {  	v2 =	vperm.xlane v2, v0;
	_ =	sdelay $0x1  }
0x71: {  	v2 =	vadd.s32 v1, v2;
	_ =	sdelay $0x1  }
0x72: {  	s4 =	sld [smem:$0x7BA];
	_ =	sdelay $0x1  }
0x73: {  	s0 =	simm.s32 $0x100;
	s7 =	sld [smem:$0x7BD]  }
0x74: {  	[tilespmem:s0], [sflag:$0x1] =	stream.indirect_vreg.gather [hbm4b:s4+s2], $0x80, v2, vm0, $0xb8;
	[tilespmem:$0x11100] =	vst v63  }
0x75: {  	s1 =	simm.s32 $0x900;
	s8 =	sld [smem:$0x7BE]  }
0x76: {  	[tilespmem:s1], [sflag:$0x1] =	stream.indirect_vreg.gather [hbm4b:s7+s2], $0x80, v2, vm0, $0xb8;
	[tilespmem:$0x11100] =	vst v63  }
0x77: {  	s18 =	simm.s32 $0x1100;
	s9 =	sld [smem:$0x7BF]  }
0x78: {  	[tilespmem:s18], [sflag:$0x1] =	stream.indirect_vreg.gather [hbm4b:s8+s2], $0x80, v2, vm0, $0xb8;
	[tilespmem:$0x11100] =	vst v63  }
0x79: {  	s19 =	simm.s32 $0x1900;
	s10 =	sld [smem:$0x7C0]  }
0x7a: {  	[tilespmem:s19], [sflag:$0x1] =	stream.indirect_vreg.gather [hbm4b:s9+s2], $0x80, v2, vm0, $0xb8;
	[tilespmem:$0x11100] =	vst v63  }
0x7b: {  	s20 =	simm.s32 $0x2100;
	s11 =	sld [smem:$0x7C1]  }
0x7c: {  	[tilespmem:s20], [sflag:$0x1] =	stream.indirect_vreg.gather [hbm4b:s10+s2], $0x80, v2, vm0, $0xb8;
	[tilespmem:$0x11100] =	vst v63  }
0x7d: {  	s21 =	simm.s32 $0x2900;
	s12 =	sld [smem:$0x7C2]  }
0x7e: {  	[tilespmem:s21], [sflag:$0x1] =	stream.indirect_vreg.gather [hbm4b:s11+s2], $0x80, v2, vm0, $0xb8;
	[tilespmem:$0x11100] =	vst v63  }
0x7f: {  	s22 =	simm.s32 $0x3100;
	s13 =	sld [smem:$0x7C3]  }
0x80: {  	[tilespmem:s22], [sflag:$0x1] =	stream.indirect_vreg.gather [hbm4b:s12+s2], $0x80, v2, vm0, $0xb8;
	[tilespmem:$0x11100] =	vst v63  }
0x81: {  	s23 =	simm.s32 $0x3900;
	s22 =	sld [smem:$0x7C4]  }
0x82: {  	[tilespmem:s23], [sflag:$0x1] =	stream.indirect_vreg.gather [hbm4b:s13+s2], $0x80, v2, vm0, $0xb8;
	[tilespmem:$0x11100] =	vst v63  }
0x83: {  	s25 =	simm.s32 $0x4100;
	s15 =	sld [smem:$0x7EE]  }
0x84: {  	[tilespmem:s25], [sflag:$0x1] =	stream.indirect_vreg.gather [hbm4b:s22+s2], $0x80, v2, vm0, $0xb8;
	[tilespmem:$0x11100] =	vst v63  }
0x85: {  	s26 =	simm.s32 $0x4900;
	s16 =	sld [smem:$0x7F0]  }
0x86: {  	[tilespmem:s26], [sflag:$0x1] =	stream.indirect_vreg.gather [hbm4b:s15+s2], $0x80, v2, vm0, $0xb8;
	[tilespmem:$0x11100] =	vst v63  }
0x87: {  	s29 =	simm.s32 $0x5100;
	s17 =	sld [smem:$0x7F2]  }
0x88: {  	[tilespmem:s29], [sflag:$0x1] =	stream.indirect_vreg.gather [hbm4b:s16+s2], $0x80, v2, vm0, $0xb8;
	[tilespmem:$0x11100] =	vst v63  }
0x89: {  	s31 =	simm.s32 $0x5900;
	s18 =	sld [smem:$0x7F7]  }
0x8a: {  	[tilespmem:s31], [sflag:$0x1] =	stream.indirect_vreg.gather [hbm4b:s17+s2], $0x80, v2, vm0, $0xb8;
	[tilespmem:$0x11100] =	vst v63  }
0x8b: {  	s5 =	simm.s32 $0x6100;
	s19 =	sld [smem:$0x7F9]  }
0x8c: {  	[tilespmem:s5], [sflag:$0x1] =	stream.indirect_vreg.gather [hbm4b:s18+s2], $0x80, v2, vm0, $0xb8;
	[tilespmem:$0x11100] =	vst v63  }
0x8d: {  	s6 =	simm.s32 $0x6900;
	s20 =	sld [smem:$0x7FB]  }
0x8e: {  	[tilespmem:s6], [sflag:$0x1] =	stream.indirect_vreg.gather [hbm4b:s19+s2], $0x80, v2, vm0, $0xb8;
	[tilespmem:$0x11100] =	vst v63  }
0x8f: {  	s14 =	simm.s32 $0x7100;
	s31 =	sld [smem:$0x7FC]  }
0x90: {  	[tilespmem:s14], [sflag:$0x1] =	stream.indirect_vreg.gather [hbm4b:s20+s2], $0x80, v2, vm0, $0xb8;
	[tilespmem:$0x11100] =	vst v63  }
0x91: {  	s21 =	simm.s32 $0x7900;
	s5 =	sld [smem:$0x7BB]  }
0x92: {  	[tilespmem:s21], [sflag:$0x1] =	stream.indirect_vreg.gather [hbm4b:s31+s2], $0x80, v2, vm0, $0xb8;
	[tilespmem:$0x11100] =	vst v63  }
0x93: {  	s23 =	simm.s32 $0x10100;
	s6 =	sld [smem:$0x7BC];
	s14 =	simm.s32 $0x8  }
0x94: {  	[tilespmem:s23], [sflag:$0x1] =	stream.indirect.gather [hbm4b:s5+s14], $0x80, s2, s14, $0xb8;
	[tilespmem:$0x11100] =	vst v63  }
0x95: {  	s26 =	simm.s32 $0x10900  }
0x96: {  	[tilespmem:s26], [sflag:$0x1] =	stream.indirect.gather [hbm4b:s6+s14], $0x80, s2, s14, $0xb8;
	[tilespmem:$0x11100] =	vst v63  }
0x97: {  	_ =	swait.ge [sflag:s24], $0x8000  }
0x98: {  	[sflag:s24] =	ssyncset.done $0x0  }
0x99: {  	[sflag:s24] =	ssyncadd.s32 $0xFFFF8000  }
0x9a: {  	_ =	swait.ge [sflag:s24], $0x400  }
0x9b: {  	[sflag:s24] =	ssyncset.done $0x0  }
0x9c: {  	[sflag:s24] =	ssyncadd.s32 $0xFFFFFC00  }
0x9d: {  	_ =	swait.ge [sflag:s24], $0x400  }
0x9e: {  	[sflag:s24] =	ssyncset.done $0x0  }
0x9f: {  	s0 =	simm.s32 $0x100;
	s29 =	rddreg [dreg:$0x3];
	[sflag:s24] =	ssyncadd.s32 $0xFFFFFC00  }
0xa0: {  	[hbm4b:s29+s2] =	stream.linear.scatter [tilespmem:s0], [sflag:$0x2], $0x8000, $0x38;
	[tilespmem:$0x11100] =	vst v63  }
0xa1: {  	s25 =	simm.s32 $0x10100;
	s23 =	rddreg [dreg:$0x4]  }
0xa2: {  	[hbm4b:s23+s2] =	stream.linear.scatter [tilespmem:s25], [sflag:$0x2], $0x400, $0x38;
	[tilespmem:$0x11100] =	vst v63  }
0xa3: {  	s26 =	simm.s32 $0x10900;
	s0 =	rddreg [dreg:$0x5]  }
0xa4: {  	[hbm4b:s0+s2] =	stream.linear.scatter [tilespmem:s26], [sflag:$0x2], $0x400, $0x38;
	[tilespmem:$0x11100] =	vst v63  }
0xa5: {  	s21 =	simm.s32 $0x80;
	s1 =	rddreg [dreg:$0x6]  }
0xa6: {  	[tilespmem:s21], [sflag:$0x3] =	stream.linear.gather [hbm4b:s1+s2], $0x8, $0x38;
	[tilespmem:$0x11100] =	vst v63  }
0xa7: {  	_ =	swait.ge [sflag:s3], $0x8  }
0xa8: {  	[sflag:s3] =	ssyncset.done $0x0  }
0xa9: {  	[sflag:s3] =	ssyncadd.s32 $0xFFFFFFF8  }
0xaa: {  	v2 =	vld.msk [tilespmem:$0x80], $0xff;
	_ =	sdelay $0x4  }
0xab: {  	v3 =	vshll.u32 v2, $0x5  }
0xac: {  	v2 =	vand.u32 $0x7, v2;
	v3 =	vand.u32 $0xFFFFFF00, v3  }
0xad: {  	v2 =	vor.u32 v2, v3  }
0xae: {  	v2 =	vperm.xlane v2, v0;
	_ =	sdelay $0x1  }
0xaf: {  	v2 =	vadd.s32 v1, v2;
	_ =	sdelay $0x3  }
0xb0: {  	s23 =	simm.s32 $0x8100  }
0xb1: {  	[tilespmem:s23], [sflag:$0x1] =	stream.indirect_vreg.gather [hbm4b:s4+s2], $0x80, v2, vm0, $0xb8;
	[tilespmem:$0x11100] =	vst v63  }
0xb2: {  	s26 =	simm.s32 $0x8900  }
0xb3: {  	[tilespmem:s26], [sflag:$0x1] =	stream.indirect_vreg.gather [hbm4b:s7+s2], $0x80, v2, vm0, $0xb8;
	[tilespmem:$0x11100] =	vst v63  }
0xb4: {  	s29 =	simm.s32 $0x9100  }
0xb5: {  	[tilespmem:s29], [sflag:$0x1] =	stream.indirect_vreg.gather [hbm4b:s8+s2], $0x80, v2, vm0, $0xb8;
	[tilespmem:$0x11100] =	vst v63  }
0xb6: {  	s1 =	simm.s32 $0x9900  }
0xb7: {  	[tilespmem:s1], [sflag:$0x1] =	stream.indirect_vreg.gather [hbm4b:s9+s2], $0x80, v2, vm0, $0xb8;
	[tilespmem:$0x11100] =	vst v63  }
0xb8: {  	s23 =	simm.s32 $0xA100  }
0xb9: {  	[tilespmem:s23], [sflag:$0x1] =	stream.indirect_vreg.gather [hbm4b:s10+s2], $0x80, v2, vm0, $0xb8;
	[tilespmem:$0x11100] =	vst v63  }
0xba: {  	s26 =	simm.s32 $0xA900  }
0xbb: {  	[tilespmem:s26], [sflag:$0x1] =	stream.indirect_vreg.gather [hbm4b:s11+s2], $0x80, v2, vm0, $0xb8;
	[tilespmem:$0x11100] =	vst v63  }
0xbc: {  	s29 =	simm.s32 $0xB100  }
0xbd: {  	[tilespmem:s29], [sflag:$0x1] =	stream.indirect_vreg.gather [hbm4b:s12+s2], $0x80, v2, vm0, $0xb8;
	[tilespmem:$0x11100] =	vst v63  }
0xbe: {  	s1 =	simm.s32 $0xB900  }
0xbf: {  	[tilespmem:s1], [sflag:$0x1] =	stream.indirect_vreg.gather [hbm4b:s13+s2], $0x80, v2, vm0, $0xb8;
	[tilespmem:$0x11100] =	vst v63  }
0xc0: {  	s23 =	simm.s32 $0xC100  }
0xc1: {  	[tilespmem:s23], [sflag:$0x1] =	stream.indirect_vreg.gather [hbm4b:s22+s2], $0x80, v2, vm0, $0xb8;
	[tilespmem:$0x11100] =	vst v63  }
0xc2: {  	s26 =	simm.s32 $0xC900  }
0xc3: {  	[tilespmem:s26], [sflag:$0x1] =	stream.indirect_vreg.gather [hbm4b:s15+s2], $0x80, v2, vm0, $0xb8;
	[tilespmem:$0x11100] =	vst v63  }
0xc4: {  	s29 =	simm.s32 $0xD100  }
0xc5: {  	[tilespmem:s29], [sflag:$0x1] =	stream.indirect_vreg.gather [hbm4b:s16+s2], $0x80, v2, vm0, $0xb8;
	[tilespmem:$0x11100] =	vst v63  }
0xc6: {  	s1 =	simm.s32 $0xD900  }
0xc7: {  	[tilespmem:s1], [sflag:$0x1] =	stream.indirect_vreg.gather [hbm4b:s17+s2], $0x80, v2, vm0, $0xb8;
	[tilespmem:$0x11100] =	vst v63  }
0xc8: {  	s23 =	simm.s32 $0xE100  }
0xc9: {  	[tilespmem:s23], [sflag:$0x1] =	stream.indirect_vreg.gather [hbm4b:s18+s2], $0x80, v2, vm0, $0xb8;
	[tilespmem:$0x11100] =	vst v63  }
0xca: {  	s26 =	simm.s32 $0xE900  }
0xcb: {  	[tilespmem:s26], [sflag:$0x1] =	stream.indirect_vreg.gather [hbm4b:s19+s2], $0x80, v2, vm0, $0xb8;
	[tilespmem:$0x11100] =	vst v63  }
0xcc: {  	s29 =	simm.s32 $0xF100  }
0xcd: {  	[tilespmem:s29], [sflag:$0x1] =	stream.indirect_vreg.gather [hbm4b:s20+s2], $0x80, v2, vm0, $0xb8;
	[tilespmem:$0x11100] =	vst v63  }
0xce: {  	s1 =	simm.s32 $0xF900  }
0xcf: {  	[tilespmem:s1], [sflag:$0x1] =	stream.indirect_vreg.gather [hbm4b:s31+s2], $0x80, v2, vm0, $0xb8;
	[tilespmem:$0x11100] =	vst v63  }
0xd0: {  	s14 =	simm.s32 $0x8;
	s21 =	simm.s32 $0x10500;
	s23 =	simm.s32 $0x80  }
0xd1: {  	[tilespmem:s21], [sflag:$0x1] =	stream.indirect.gather [hbm4b:s5+s14], $0x80, s23, s14, $0xb8;
	[tilespmem:$0x11100] =	vst v63  }
0xd2: {  	s29 =	simm.s32 $0x10D00  }
0xd3: {  	[tilespmem:s29], [sflag:$0x1] =	stream.indirect.gather [hbm4b:s6+s14], $0x80, s23, s14, $0xb8;
	[tilespmem:$0x11100] =	vst v63  }
0xd4: {  	_ =	swait.ge [sflag:s24], $0x8000  }
0xd5: {  	[sflag:s24] =	ssyncset.done $0x0  }
0xd6: {  	[sflag:s24] =	ssyncadd.s32 $0xFFFF8000  }
0xd7: {  	_ =	swait.ge [sflag:s24], $0x400  }
0xd8: {  	[sflag:s24] =	ssyncset.done $0x0  }
0xd9: {  	[sflag:s24] =	ssyncadd.s32 $0xFFFFFC00  }
0xda: {  	_ =	swait.ge [sflag:s24], $0x400  }
0xdb: {  	[sflag:s24] =	ssyncset.done $0x0  }
0xdc: {  	s0 =	simm.s32 $0x8100;
	s21 =	rddreg [dreg:$0x7];
	[sflag:s24] =	ssyncadd.s32 $0xFFFFFC00  }
0xdd: {  	[hbm4b:s21+s2] =	stream.linear.scatter [tilespmem:s0], [sflag:$0x2], $0x8000, $0x38;
	[tilespmem:$0x11100] =	vst v63  }
0xde: {  	s26 =	simm.s32 $0x10500;
	s23 =	rddreg [dreg:$0x8]  }
0xdf: {  	[hbm4b:s23+s2] =	stream.linear.scatter [tilespmem:s26], [sflag:$0x2], $0x400, $0x38;
	[tilespmem:$0x11100] =	vst v63  }
0xe0: {  	s1 =	simm.s32 $0x10D00;
	s0 =	rddreg [dreg:$0x9]  }
0xe1: {  	[hbm4b:s0+s2] =	stream.linear.scatter [tilespmem:s1], [sflag:$0x2], $0x400, $0x38;
	[tilespmem:$0x11100] =	vst v63  }
0xe2: {  	_ =	swait.ge [sflag:s30], $0x8000  }
0xe3: {  	[sflag:s30] =	ssyncset.done $0x0  }
0xe4: {  	[sflag:s30] =	ssyncadd.s32 $0xFFFF8000  }
0xe5: {  	_ =	swait.ge [sflag:s30], $0x400  }
0xe6: {  	[sflag:s30] =	ssyncset.done $0x0  }
0xe7: {  	[sflag:s30] =	ssyncadd.s32 $0xFFFFFC00  }
0xe8: {  	_ =	swait.ge [sflag:s30], $0x400  }
0xe9: {  	[sflag:s30] =	ssyncset.done $0x0  }
0xea: {  	s1 =	rddreg [dreg:$0xa];
	[sflag:s30] =	ssyncadd.s32 $0xFFFFFC00  }
0xeb: {  	[tilespmem:s2], [sflag:$0x3] =	stream.linear.gather [hbm4b:s1+s2], $0x8, $0x38;
	[tilespmem:$0x11100] =	vst v63  }
0xec: {  	_ =	swait.ge [sflag:s3], $0x8  }
0xed: {  	[sflag:s3] =	ssyncset.done $0x0  }
0xee: {  	[sflag:s3] =	ssyncadd.s32 $0xFFFFFFF8  }
0xef: {  	v2 =	vld.msk [tilespmem:$0x0], $0xff;
	_ =	sdelay $0x4  }
0xf0: {  	v3 =	vshll.u32 v2, $0x5  }
0xf1: {  	v2 =	vand.u32 $0x7, v2;
	v3 =	vand.u32 $0xFFFFFF00, v3  }
0xf2: {  	v2 =	vor.u32 v2, v3  }
0xf3: {  	v2 =	vperm.xlane v2, v0;
	_ =	sdelay $0x1  }
0xf4: {  	v2 =	vadd.s32 v1, v2;
	_ =	sdelay $0x3  }
0xf5: {  	s0 =	simm.s32 $0x100  }
0xf6: {  	[tilespmem:s0], [sflag:$0x1] =	stream.indirect_vreg.gather [hbm4b:s4+s2], $0x80, v2, vm0, $0xb8;
	[tilespmem:$0x11100] =	vst v63  }
0xf7: {  	s21 =	simm.s32 $0x900  }
0xf8: {  	[tilespmem:s21], [sflag:$0x1] =	stream.indirect_vreg.gather [hbm4b:s7+s2], $0x80, v2, vm0, $0xb8;
	[tilespmem:$0x11100] =	vst v63  }
0xf9: {  	s28 =	simm.s32 $0x1100  }
0xfa: {  	[tilespmem:s28], [sflag:$0x1] =	stream.indirect_vreg.gather [hbm4b:s8+s2], $0x80, v2, vm0, $0xb8;
	[tilespmem:$0x11100] =	vst v63  }
0xfb: {  	s23 =	simm.s32 $0x1900  }
0xfc: {  	[tilespmem:s23], [sflag:$0x1] =	stream.indirect_vreg.gather [hbm4b:s9+s2], $0x80, v2, vm0, $0xb8;
	[tilespmem:$0x11100] =	vst v63  }
0xfd: {  	s21 =	simm.s32 $0x2100  }
0xfe: {  	[tilespmem:s21], [sflag:$0x1] =	stream.indirect_vreg.gather [hbm4b:s10+s2], $0x80, v2, vm0, $0xb8;
	[tilespmem:$0x11100] =	vst v63  }
0xff: {  	s23 =	simm.s32 $0x2900  }
0x100: {  	[tilespmem:s23], [sflag:$0x1] =	stream.indirect_vreg.gather [hbm4b:s11+s2], $0x80, v2, vm0, $0xb8;
	[tilespmem:$0x11100] =	vst v63  }
0x101: {  	s21 =	simm.s32 $0x3100  }
0x102: {  	[tilespmem:s21], [sflag:$0x1] =	stream.indirect_vreg.gather [hbm4b:s12+s2], $0x80, v2, vm0, $0xb8;
	[tilespmem:$0x11100] =	vst v63  }
0x103: {  	s23 =	simm.s32 $0x3900  }
0x104: {  	[tilespmem:s23], [sflag:$0x1] =	stream.indirect_vreg.gather [hbm4b:s13+s2], $0x80, v2, vm0, $0xb8;
	[tilespmem:$0x11100] =	vst v63  }
0x105: {  	s21 =	simm.s32 $0x4100  }
0x106: {  	[tilespmem:s21], [sflag:$0x1] =	stream.indirect_vreg.gather [hbm4b:s22+s2], $0x80, v2, vm0, $0xb8;
	[tilespmem:$0x11100] =	vst v63  }
0x107: {  	s23 =	simm.s32 $0x4900  }
0x108: {  	[tilespmem:s23], [sflag:$0x1] =	stream.indirect_vreg.gather [hbm4b:s15+s2], $0x80, v2, vm0, $0xb8;
	[tilespmem:$0x11100] =	vst v63  }
0x109: {  	s21 =	simm.s32 $0x5100  }
0x10a: {  	[tilespmem:s21], [sflag:$0x1] =	stream.indirect_vreg.gather [hbm4b:s16+s2], $0x80, v2, vm0, $0xb8;
	[tilespmem:$0x11100] =	vst v63  }
0x10b: {  	s23 =	simm.s32 $0x5900  }
0x10c: {  	[tilespmem:s23], [sflag:$0x1] =	stream.indirect_vreg.gather [hbm4b:s17+s2], $0x80, v2, vm0, $0xb8;
	[tilespmem:$0x11100] =	vst v63  }
0x10d: {  	s21 =	simm.s32 $0x6100  }
0x10e: {  	[tilespmem:s21], [sflag:$0x1] =	stream.indirect_vreg.gather [hbm4b:s18+s2], $0x80, v2, vm0, $0xb8;
	[tilespmem:$0x11100] =	vst v63  }
0x10f: {  	s23 =	simm.s32 $0x6900  }
0x110: {  	[tilespmem:s23], [sflag:$0x1] =	stream.indirect_vreg.gather [hbm4b:s19+s2], $0x80, v2, vm0, $0xb8;
	[tilespmem:$0x11100] =	vst v63  }
0x111: {  	s21 =	simm.s32 $0x7100  }
0x112: {  	[tilespmem:s21], [sflag:$0x1] =	stream.indirect_vreg.gather [hbm4b:s20+s2], $0x80, v2, vm0, $0xb8;
	[tilespmem:$0x11100] =	vst v63  }
0x113: {  	s23 =	simm.s32 $0x7900  }
0x114: {  	[tilespmem:s23], [sflag:$0x1] =	stream.indirect_vreg.gather [hbm4b:s31+s2], $0x80, v2, vm0, $0xb8;
	[tilespmem:$0x11100] =	vst v63  }
0x115: {  	s1 =	simm.s32 $0x10100  }
0x116: {  	[tilespmem:s1], [sflag:$0x1] =	stream.indirect.gather [hbm4b:s5+s14], $0x80, s2, s14, $0xb8;
	[tilespmem:$0x11100] =	vst v63  }
0x117: {  	s25 =	simm.s32 $0x10900  }
0x118: {  	[tilespmem:s25], [sflag:$0x1] =	stream.indirect.gather [hbm4b:s6+s14], $0x80, s2, s14, $0xb8;
	[tilespmem:$0x11100] =	vst v63  }
0x119: {  	_ =	swait.ge [sflag:s24], $0x8000  }
0x11a: {  	[sflag:s24] =	ssyncset.done $0x0  }
0x11b: {  	[sflag:s24] =	ssyncadd.s32 $0xFFFF8000  }
0x11c: {  	_ =	swait.ge [sflag:s24], $0x400  }
0x11d: {  	[sflag:s24] =	ssyncset.done $0x0  }
0x11e: {  	[sflag:s24] =	ssyncadd.s32 $0xFFFFFC00  }
0x11f: {  	_ =	swait.ge [sflag:s24], $0x400  }
0x120: {  	[sflag:s24] =	ssyncset.done $0x0  }
0x121: {  	s21 =	rddreg [dreg:$0xb];
	[sflag:s24] =	ssyncadd.s32 $0xFFFFFC00  }
0x122: {  	[hbm4b:s21+s2] =	stream.linear.scatter [tilespmem:s0], [sflag:$0x2], $0x8000, $0x38;
	[tilespmem:$0x11100] =	vst v63  }
0x123: {  	s23 =	rddreg [dreg:$0xc]  }
0x124: {  	[hbm4b:s23+s2] =	stream.linear.scatter [tilespmem:s1], [sflag:$0x2], $0x400, $0x38;
	[tilespmem:$0x11100] =	vst v63  }
0x125: {  	s0 =	rddreg [dreg:$0xd]  }
0x126: {  	[hbm4b:s0+s2] =	stream.linear.scatter [tilespmem:s25], [sflag:$0x2], $0x400, $0x38;
	[tilespmem:$0x11100] =	vst v63  }
0x127: {  	_ =	swait.ge [sflag:s30], $0x8000  }
0x128: {  	[sflag:s30] =	ssyncset.done $0x0  }
0x129: {  	[sflag:s30] =	ssyncadd.s32 $0xFFFF8000  }
0x12a: {  	_ =	swait.ge [sflag:s30], $0x400  }
0x12b: {  	[sflag:s30] =	ssyncset.done $0x0  }
0x12c: {  	[sflag:s30] =	ssyncadd.s32 $0xFFFFFC00  }
0x12d: {  	_ =	swait.ge [sflag:s30], $0x400  }
0x12e: {  	[sflag:s30] =	ssyncset.done $0x0  }
0x12f: {  	s29 =	simm.s32 $0x80;
	s1 =	rddreg [dreg:$0xe];
	[sflag:s30] =	ssyncadd.s32 $0xFFFFFC00  }
0x130: {  	[tilespmem:s29], [sflag:$0x3] =	stream.linear.gather [hbm4b:s1+s2], $0x8, $0x38;
	[tilespmem:$0x11100] =	vst v63  }
0x131: {  	_ =	swait.ge [sflag:s3], $0x8  }
0x132: {  	[sflag:s3] =	ssyncset.done $0x0  }
0x133: {  	[sflag:s3] =	ssyncadd.s32 $0xFFFFFFF8  }
0x134: {  	v2 =	vld.msk [tilespmem:$0x80], $0xff;
	_ =	sdelay $0x4  }
0x135: {  	v3 =	vshll.u32 v2, $0x5  }
0x136: {  	v2 =	vand.u32 $0x7, v2;
	v3 =	vand.u32 $0xFFFFFF00, v3  }
0x137: {  	v2 =	vor.u32 v2, v3  }
0x138: {  	v2 =	vperm.xlane v2, v0;
	_ =	sdelay $0x1  }
0x139: {  	v2 =	vadd.s32 v1, v2;
	_ =	sdelay $0x3  }
0x13a: {  	s0 =	simm.s32 $0x8100  }
0x13b: {  	[tilespmem:s0], [sflag:$0x1] =	stream.indirect_vreg.gather [hbm4b:s4+s2], $0x80, v2, vm0, $0xb8;
	[tilespmem:$0x11100] =	vst v63  }
0x13c: {  	s23 =	simm.s32 $0x8900  }
0x13d: {  	[tilespmem:s23], [sflag:$0x1] =	stream.indirect_vreg.gather [hbm4b:s7+s2], $0x80, v2, vm0, $0xb8;
	[tilespmem:$0x11100] =	vst v63  }
0x13e: {  	s1 =	simm.s32 $0x9100  }
0x13f: {  	[tilespmem:s1], [sflag:$0x1] =	stream.indirect_vreg.gather [hbm4b:s8+s2], $0x80, v2, vm0, $0xb8;
	[tilespmem:$0x11100] =	vst v63  }
0x140: {  	s25 =	simm.s32 $0x9900  }
0x141: {  	[tilespmem:s25], [sflag:$0x1] =	stream.indirect_vreg.gather [hbm4b:s9+s2], $0x80, v2, vm0, $0xb8;
	[tilespmem:$0x11100] =	vst v63  }
0x142: {  	s23 =	simm.s32 $0xA100  }
0x143: {  	[tilespmem:s23], [sflag:$0x1] =	stream.indirect_vreg.gather [hbm4b:s10+s2], $0x80, v2, vm0, $0xb8;
	[tilespmem:$0x11100] =	vst v63  }
0x144: {  	s25 =	simm.s32 $0xA900  }
0x145: {  	[tilespmem:s25], [sflag:$0x1] =	stream.indirect_vreg.gather [hbm4b:s11+s2], $0x80, v2, vm0, $0xb8;
	[tilespmem:$0x11100] =	vst v63  }
0x146: {  	s23 =	simm.s32 $0xB100  }
0x147: {  	[tilespmem:s23], [sflag:$0x1] =	stream.indirect_vreg.gather [hbm4b:s12+s2], $0x80, v2, vm0, $0xb8;
	[tilespmem:$0x11100] =	vst v63  }
0x148: {  	s25 =	simm.s32 $0xB900  }
0x149: {  	[tilespmem:s25], [sflag:$0x1] =	stream.indirect_vreg.gather [hbm4b:s13+s2], $0x80, v2, vm0, $0xb8;
	[tilespmem:$0x11100] =	vst v63  }
0x14a: {  	s23 =	simm.s32 $0xC100  }
0x14b: {  	[tilespmem:s23], [sflag:$0x1] =	stream.indirect_vreg.gather [hbm4b:s22+s2], $0x80, v2, vm0, $0xb8;
	[tilespmem:$0x11100] =	vst v63  }
0x14c: {  	s25 =	simm.s32 $0xC900  }
0x14d: {  	[tilespmem:s25], [sflag:$0x1] =	stream.indirect_vreg.gather [hbm4b:s15+s2], $0x80, v2, vm0, $0xb8;
	[tilespmem:$0x11100] =	vst v63  }
0x14e: {  	s23 =	simm.s32 $0xD100  }
0x14f: {  	[tilespmem:s23], [sflag:$0x1] =	stream.indirect_vreg.gather [hbm4b:s16+s2], $0x80, v2, vm0, $0xb8;
	[tilespmem:$0x11100] =	vst v63  }
0x150: {  	s25 =	simm.s32 $0xD900  }
0x151: {  	[tilespmem:s25], [sflag:$0x1] =	stream.indirect_vreg.gather [hbm4b:s17+s2], $0x80, v2, vm0, $0xb8;
	[tilespmem:$0x11100] =	vst v63  }
0x152: {  	s23 =	simm.s32 $0xE100  }
0x153: {  	[tilespmem:s23], [sflag:$0x1] =	stream.indirect_vreg.gather [hbm4b:s18+s2], $0x80, v2, vm0, $0xb8;
	[tilespmem:$0x11100] =	vst v63  }
0x154: {  	s25 =	simm.s32 $0xE900  }
0x155: {  	[tilespmem:s25], [sflag:$0x1] =	stream.indirect_vreg.gather [hbm4b:s19+s2], $0x80, v2, vm0, $0xb8;
	[tilespmem:$0x11100] =	vst v63  }
0x156: {  	s23 =	simm.s32 $0xF100  }
0x157: {  	[tilespmem:s23], [sflag:$0x1] =	stream.indirect_vreg.gather [hbm4b:s20+s2], $0x80, v2, vm0, $0xb8;
	[tilespmem:$0x11100] =	vst v63  }
0x158: {  	s25 =	simm.s32 $0xF900  }
0x159: {  	[tilespmem:s25], [sflag:$0x1] =	stream.indirect_vreg.gather [hbm4b:s31+s2], $0x80, v2, vm0, $0xb8;
	[tilespmem:$0x11100] =	vst v63  }
0x15a: {  	s26 =	simm.s32 $0x10500  }
0x15b: {  	[tilespmem:s26], [sflag:$0x1] =	stream.indirect.gather [hbm4b:s5+s14], $0x80, s29, s14, $0xb8;
	[tilespmem:$0x11100] =	vst v63  }
0x15c: {  	s25 =	simm.s32 $0x10D00  }
0x15d: {  	[tilespmem:s25], [sflag:$0x1] =	stream.indirect.gather [hbm4b:s6+s14], $0x80, s29, s14, $0xb8;
	[tilespmem:$0x11100] =	vst v63  }
0x15e: {  	_ =	swait.ge [sflag:s24], $0x8000  }
0x15f: {  	[sflag:s24] =	ssyncset.done $0x0  }
0x160: {  	[sflag:s24] =	ssyncadd.s32 $0xFFFF8000  }
0x161: {  	_ =	swait.ge [sflag:s24], $0x400  }
0x162: {  	[sflag:s24] =	ssyncset.done $0x0  }
0x163: {  	[sflag:s24] =	ssyncadd.s32 $0xFFFFFC00  }
0x164: {  	_ =	swait.ge [sflag:s24], $0x400  }
0x165: {  	[sflag:s24] =	ssyncset.done $0x0  }
0x166: {  	s23 =	rddreg [dreg:$0xf];
	[sflag:s24] =	ssyncadd.s32 $0xFFFFFC00  }
0x167: {  	[hbm4b:s23+s2] =	stream.linear.scatter [tilespmem:s0], [sflag:$0x2], $0x8000, $0x38;
	[tilespmem:$0x11100] =	vst v63  }
0x168: {  	s29 =	rddreg [dreg:$0x10]  }
0x169: {  	[hbm4b:s29+s2] =	stream.linear.scatter [tilespmem:s26], [sflag:$0x2], $0x400, $0x38;
	[tilespmem:$0x11100] =	vst v63  }
0x16a: {  	s0 =	rddreg [dreg:$0x11]  }
0x16b: {  	[hbm4b:s0+s2] =	stream.linear.scatter [tilespmem:s25], [sflag:$0x2], $0x400, $0x38;
	[tilespmem:$0x11100] =	vst v63  }
0x16c: {  	_ =	swait.ge [sflag:s30], $0x8000  }
0x16d: {  	[sflag:s30] =	ssyncset.done $0x0  }
0x16e: {  	[sflag:s30] =	ssyncadd.s32 $0xFFFF8000  }
0x16f: {  	_ =	swait.ge [sflag:s30], $0x400  }
0x170: {  	[sflag:s30] =	ssyncset.done $0x0  }
0x171: {  	[sflag:s30] =	ssyncadd.s32 $0xFFFFFC00  }
0x172: {  	_ =	swait.ge [sflag:s30], $0x400  }
0x173: {  	[sflag:s30] =	ssyncset.done $0x0  }
0x174: {  	s26 =	rddreg [dreg:$0x12];
	[sflag:s30] =	ssyncadd.s32 $0xFFFFFC00  }
0x175: {  	[tilespmem:s2], [sflag:$0x3] =	stream.linear.gather [hbm4b:s26+s2], $0x8, $0x38;
	[tilespmem:$0x11100] =	vst v63  }
0x176: {  	_ =	swait.ge [sflag:s3], $0x8  }
0x177: {  	[sflag:s3] =	ssyncset.done $0x0  }
0x178: {  	[sflag:s3] =	ssyncadd.s32 $0xFFFFFFF8  }
0x179: {  	v2 =	vld.msk [tilespmem:$0x0], $0xff;
	_ =	sdelay $0x4  }
0x17a: {  	v3 =	vshll.u32 v2, $0x5  }
0x17b: {  	v2 =	vand.u32 $0x7, v2;
	v3 =	vand.u32 $0xFFFFFF00, v3  }
0x17c: {  	v2 =	vor.u32 v2, v3  }
0x17d: {  	v2 =	vperm.xlane v2, v0;
	_ =	sdelay $0x1  }
0x17e: {  	v2 =	vadd.s32 v1, v2;
	_ =	sdelay $0x3  }
0x17f: {  	s26 =	simm.s32 $0x100  }
0x180: {  	[tilespmem:s26], [sflag:$0x1] =	stream.indirect_vreg.gather [hbm4b:s4+s2], $0x80, v2, vm0, $0xb8;
	[tilespmem:$0x11100] =	vst v63  }
0x181: {  	s29 =	simm.s32 $0x900  }
0x182: {  	[tilespmem:s29], [sflag:$0x1] =	stream.indirect_vreg.gather [hbm4b:s7+s2], $0x80, v2, vm0, $0xb8;
	[tilespmem:$0x11100] =	vst v63  }
0x183: {  	s28 =	simm.s32 $0x1100  }
0x184: {  	[tilespmem:s28], [sflag:$0x1] =	stream.indirect_vreg.gather [hbm4b:s8+s2], $0x80, v2, vm0, $0xb8;
	[tilespmem:$0x11100] =	vst v63  }
0x185: {  	s25 =	simm.s32 $0x1900  }
0x186: {  	[tilespmem:s25], [sflag:$0x1] =	stream.indirect_vreg.gather [hbm4b:s9+s2], $0x80, v2, vm0, $0xb8;
	[tilespmem:$0x11100] =	vst v63  }
0x187: {  	s21 =	simm.s32 $0x2100  }
0x188: {  	[tilespmem:s21], [sflag:$0x1] =	stream.indirect_vreg.gather [hbm4b:s10+s2], $0x80, v2, vm0, $0xb8;
	[tilespmem:$0x11100] =	vst v63  }
0x189: {  	s23 =	simm.s32 $0x2900  }
0x18a: {  	[tilespmem:s23], [sflag:$0x1] =	stream.indirect_vreg.gather [hbm4b:s11+s2], $0x80, v2, vm0, $0xb8;
	[tilespmem:$0x11100] =	vst v63  }
0x18b: {  	s28 =	simm.s32 $0x3100  }
0x18c: {  	[tilespmem:s28], [sflag:$0x1] =	stream.indirect_vreg.gather [hbm4b:s12+s2], $0x80, v2, vm0, $0xb8;
	[tilespmem:$0x11100] =	vst v63  }
0x18d: {  	s29 =	simm.s32 $0x3900  }
0x18e: {  	[tilespmem:s29], [sflag:$0x1] =	stream.indirect_vreg.gather [hbm4b:s13+s2], $0x80, v2, vm0, $0xb8;
	[tilespmem:$0x11100] =	vst v63  }
0x18f: {  	s21 =	simm.s32 $0x4100  }
0x190: {  	[tilespmem:s21], [sflag:$0x1] =	stream.indirect_vreg.gather [hbm4b:s22+s2], $0x80, v2, vm0, $0xb8;
	[tilespmem:$0x11100] =	vst v63  }
0x191: {  	s23 =	simm.s32 $0x4900  }
0x192: {  	[tilespmem:s23], [sflag:$0x1] =	stream.indirect_vreg.gather [hbm4b:s15+s2], $0x80, v2, vm0, $0xb8;
	[tilespmem:$0x11100] =	vst v63  }
0x193: {  	s28 =	simm.s32 $0x5100  }
0x194: {  	[tilespmem:s28], [sflag:$0x1] =	stream.indirect_vreg.gather [hbm4b:s16+s2], $0x80, v2, vm0, $0xb8;
	[tilespmem:$0x11100] =	vst v63  }
0x195: {  	s21 =	simm.s32 $0x5900  }
0x196: {  	[tilespmem:s21], [sflag:$0x1] =	stream.indirect_vreg.gather [hbm4b:s17+s2], $0x80, v2, vm0, $0xb8;
	[tilespmem:$0x11100] =	vst v63  }
0x197: {  	s23 =	simm.s32 $0x6100  }
0x198: {  	[tilespmem:s23], [sflag:$0x1] =	stream.indirect_vreg.gather [hbm4b:s18+s2], $0x80, v2, vm0, $0xb8;
	[tilespmem:$0x11100] =	vst v63  }
0x199: {  	s28 =	simm.s32 $0x6900  }
0x19a: {  	[tilespmem:s28], [sflag:$0x1] =	stream.indirect_vreg.gather [hbm4b:s19+s2], $0x80, v2, vm0, $0xb8;
	[tilespmem:$0x11100] =	vst v63  }
0x19b: {  	s21 =	simm.s32 $0x7100  }
0x19c: {  	[tilespmem:s21], [sflag:$0x1] =	stream.indirect_vreg.gather [hbm4b:s20+s2], $0x80, v2, vm0, $0xb8;
	[tilespmem:$0x11100] =	vst v63  }
0x19d: {  	s23 =	simm.s32 $0x7900  }
0x19e: {  	[tilespmem:s23], [sflag:$0x1] =	stream.indirect_vreg.gather [hbm4b:s31+s2], $0x80, v2, vm0, $0xb8;
	[tilespmem:$0x11100] =	vst v63  }
0x19f: {  	s28 =	simm.s32 $0x10100  }
0x1a0: {  	[tilespmem:s28], [sflag:$0x1] =	stream.indirect.gather [hbm4b:s5+s14], $0x80, s2, s14, $0xb8;
	[tilespmem:$0x11100] =	vst v63  }
0x1a1: {  	s0 =	simm.s32 $0x10900  }
0x1a2: {  	[tilespmem:s0], [sflag:$0x1] =	stream.indirect.gather [hbm4b:s6+s14], $0x80, s2, s14, $0xb8;
	[tilespmem:$0x11100] =	vst v63  }
0x1a3: {  	_ =	swait.ge [sflag:s24], $0x8000  }
0x1a4: {  	[sflag:s24] =	ssyncset.done $0x0  }
0x1a5: {  	[sflag:s24] =	ssyncadd.s32 $0xFFFF8000  }
0x1a6: {  	_ =	swait.ge [sflag:s24], $0x400  }
0x1a7: {  	[sflag:s24] =	ssyncset.done $0x0  }
0x1a8: {  	[sflag:s24] =	ssyncadd.s32 $0xFFFFFC00  }
0x1a9: {  	_ =	swait.ge [sflag:s24], $0x400  }
0x1aa: {  	[sflag:s24] =	ssyncset.done $0x0  }
0x1ab: {  	s21 =	rddreg [dreg:$0x13];
	[sflag:s24] =	ssyncadd.s32 $0xFFFFFC00  }
0x1ac: {  	[hbm4b:s21+s2] =	stream.linear.scatter [tilespmem:s26], [sflag:$0x2], $0x8000, $0x38;
	[tilespmem:$0x11100] =	vst v63  }
0x1ad: {  	s23 =	rddreg [dreg:$0x14]  }
0x1ae: {  	[hbm4b:s23+s2] =	stream.linear.scatter [tilespmem:s28], [sflag:$0x2], $0x400, $0x38;
	[tilespmem:$0x11100] =	vst v63  }
0x1af: {  	s26 =	rddreg [dreg:$0x15]  }
0x1b0: {  	[hbm4b:s26+s2] =	stream.linear.scatter [tilespmem:s0], [sflag:$0x2], $0x400, $0x38;
	[tilespmem:$0x11100] =	vst v63  }
0x1b1: {  	_ =	swait.ge [sflag:s30], $0x8000  }
0x1b2: {  	[sflag:s30] =	ssyncset.done $0x0  }
0x1b3: {  	[sflag:s30] =	ssyncadd.s32 $0xFFFF8000  }
0x1b4: {  	_ =	swait.ge [sflag:s30], $0x400  }
0x1b5: {  	[sflag:s30] =	ssyncset.done $0x0  }
0x1b6: {  	[sflag:s30] =	ssyncadd.s32 $0xFFFFFC00  }
0x1b7: {  	_ =	swait.ge [sflag:s30], $0x400  }
0x1b8: {  	[sflag:s30] =	ssyncset.done $0x0  }
0x1b9: {  	s23 =	simm.s32 $0x80;
	s26 =	rddreg [dreg:$0x16];
	[sflag:s30] =	ssyncadd.s32 $0xFFFFFC00  }
0x1ba: {  	[tilespmem:s23], [sflag:$0x3] =	stream.linear.gather [hbm4b:s26+s2], $0x8, $0x38;
	[tilespmem:$0x11100] =	vst v63  }
0x1bb: {  	_ =	swait.ge [sflag:s3], $0x8  }
0x1bc: {  	[sflag:s3] =	ssyncset.done $0x0  }
0x1bd: {  	[sflag:s3] =	ssyncadd.s32 $0xFFFFFFF8  }
0x1be: {  	v2 =	vld.msk [tilespmem:$0x80], $0xff;
	_ =	sdelay $0x4  }
0x1bf: {  	v3 =	vshll.u32 v2, $0x5  }
0x1c0: {  	v2 =	vand.u32 $0x7, v2;
	v3 =	vand.u32 $0xFFFFFF00, v3  }
0x1c1: {  	v2 =	vor.u32 v2, v3  }
0x1c2: {  	v2 =	vperm.xlane v2, v0;
	_ =	sdelay $0x1  }
0x1c3: {  	v2 =	vadd.s32 v1, v2;
	_ =	sdelay $0x3  }
0x1c4: {  	s26 =	simm.s32 $0x8100  }
0x1c5: {  	[tilespmem:s26], [sflag:$0x1] =	stream.indirect_vreg.gather [hbm4b:s4+s2], $0x80, v2, vm0, $0xb8;
	[tilespmem:$0x11100] =	vst v63  }
0x1c6: {  	s28 =	simm.s32 $0x8900  }
0x1c7: {  	[tilespmem:s28], [sflag:$0x1] =	stream.indirect_vreg.gather [hbm4b:s7+s2], $0x80, v2, vm0, $0xb8;
	[tilespmem:$0x11100] =	vst v63  }
0x1c8: {  	_ = 	snop  }
0x1c9: {  	[tilespmem:s1], [sflag:$0x1] =	stream.indirect_vreg.gather [hbm4b:s8+s2], $0x80, v2, vm0, $0xb8;
	[tilespmem:$0x11100] =	vst v63  }
0x1ca: {  	s21 =	simm.s32 $0x9900  }
0x1cb: {  	[tilespmem:s21], [sflag:$0x1] =	stream.indirect_vreg.gather [hbm4b:s9+s2], $0x80, v2, vm0, $0xb8;
	[tilespmem:$0x11100] =	vst v63  }
0x1cc: {  	s28 =	simm.s32 $0xA100  }
0x1cd: {  	[tilespmem:s28], [sflag:$0x1] =	stream.indirect_vreg.gather [hbm4b:s10+s2], $0x80, v2, vm0, $0xb8;
	[tilespmem:$0x11100] =	vst v63  }
0x1ce: {  	s1 =	simm.s32 $0xA900  }
0x1cf: {  	[tilespmem:s1], [sflag:$0x1] =	stream.indirect_vreg.gather [hbm4b:s11+s2], $0x80, v2, vm0, $0xb8;
	[tilespmem:$0x11100] =	vst v63  }
0x1d0: {  	s21 =	simm.s32 $0xB100  }
0x1d1: {  	[tilespmem:s21], [sflag:$0x1] =	stream.indirect_vreg.gather [hbm4b:s12+s2], $0x80, v2, vm0, $0xb8;
	[tilespmem:$0x11100] =	vst v63  }
0x1d2: {  	s28 =	simm.s32 $0xB900  }
0x1d3: {  	[tilespmem:s28], [sflag:$0x1] =	stream.indirect_vreg.gather [hbm4b:s13+s2], $0x80, v2, vm0, $0xb8;
	[tilespmem:$0x11100] =	vst v63  }
0x1d4: {  	s1 =	simm.s32 $0xC100  }
0x1d5: {  	[tilespmem:s1], [sflag:$0x1] =	stream.indirect_vreg.gather [hbm4b:s22+s2], $0x80, v2, vm0, $0xb8;
	[tilespmem:$0x11100] =	vst v63  }
0x1d6: {  	s21 =	simm.s32 $0xC900  }
0x1d7: {  	[tilespmem:s21], [sflag:$0x1] =	stream.indirect_vreg.gather [hbm4b:s15+s2], $0x80, v2, vm0, $0xb8;
	[tilespmem:$0x11100] =	vst v63  }
0x1d8: {  	s28 =	simm.s32 $0xD100  }
0x1d9: {  	[tilespmem:s28], [sflag:$0x1] =	stream.indirect_vreg.gather [hbm4b:s16+s2], $0x80, v2, vm0, $0xb8;
	[tilespmem:$0x11100] =	vst v63  }
0x1da: {  	s1 =	simm.s32 $0xD900  }
0x1db: {  	[tilespmem:s1], [sflag:$0x1] =	stream.indirect_vreg.gather [hbm4b:s17+s2], $0x80, v2, vm0, $0xb8;
	[tilespmem:$0x11100] =	vst v63  }
0x1dc: {  	s21 =	simm.s32 $0xE100  }
0x1dd: {  	[tilespmem:s21], [sflag:$0x1] =	stream.indirect_vreg.gather [hbm4b:s18+s2], $0x80, v2, vm0, $0xb8;
	[tilespmem:$0x11100] =	vst v63  }
0x1de: {  	s28 =	simm.s32 $0xE900  }
0x1df: {  	[tilespmem:s28], [sflag:$0x1] =	stream.indirect_vreg.gather [hbm4b:s19+s2], $0x80, v2, vm0, $0xb8;
	[tilespmem:$0x11100] =	vst v63  }
0x1e0: {  	s1 =	simm.s32 $0xF100  }
0x1e1: {  	[tilespmem:s1], [sflag:$0x1] =	stream.indirect_vreg.gather [hbm4b:s20+s2], $0x80, v2, vm0, $0xb8;
	[tilespmem:$0x11100] =	vst v63  }
0x1e2: {  	s21 =	simm.s32 $0xF900  }
0x1e3: {  	[tilespmem:s21], [sflag:$0x1] =	stream.indirect_vreg.gather [hbm4b:s31+s2], $0x80, v2, vm0, $0xb8;
	[tilespmem:$0x11100] =	vst v63  }
0x1e4: {  	s0 =	simm.s32 $0x10500  }
0x1e5: {  	[tilespmem:s0], [sflag:$0x1] =	stream.indirect.gather [hbm4b:s5+s14], $0x80, s23, s14, $0xb8;
	[tilespmem:$0x11100] =	vst v63  }
0x1e6: {  	s1 =	simm.s32 $0x10D00  }
0x1e7: {  	[tilespmem:s1], [sflag:$0x1] =	stream.indirect.gather [hbm4b:s6+s14], $0x80, s23, s14, $0xb8;
	[tilespmem:$0x11100] =	vst v63  }
0x1e8: {  	_ =	swait.ge [sflag:s24], $0x8000  }
0x1e9: {  	[sflag:s24] =	ssyncset.done $0x0  }
0x1ea: {  	[sflag:s24] =	ssyncadd.s32 $0xFFFF8000  }
0x1eb: {  	_ =	swait.ge [sflag:s24], $0x400  }
0x1ec: {  	[sflag:s24] =	ssyncset.done $0x0  }
0x1ed: {  	[sflag:s24] =	ssyncadd.s32 $0xFFFFFC00  }
0x1ee: {  	_ =	swait.ge [sflag:s24], $0x400  }
0x1ef: {  	[sflag:s24] =	ssyncset.done $0x0  }
0x1f0: {  	s21 =	rddreg [dreg:$0x17];
	[sflag:s24] =	ssyncadd.s32 $0xFFFFFC00  }
0x1f1: {  	[hbm4b:s21+s2] =	stream.linear.scatter [tilespmem:s26], [sflag:$0x2], $0x8000, $0x38;
	[tilespmem:$0x11100] =	vst v63  }
0x1f2: {  	s23 =	rddreg [dreg:$0x18]  }
0x1f3: {  	[hbm4b:s23+s2] =	stream.linear.scatter [tilespmem:s0], [sflag:$0x2], $0x400, $0x38;
	[tilespmem:$0x11100] =	vst v63  }
0x1f4: {  	s26 =	rddreg [dreg:$0x19]  }
0x1f5: {  	[hbm4b:s26+s2] =	stream.linear.scatter [tilespmem:s1], [sflag:$0x2], $0x400, $0x38;
	[tilespmem:$0x11100] =	vst v63  }
0x1f6: {  	_ =	swait.ge [sflag:s30], $0x8000  }
0x1f7: {  	[sflag:s30] =	ssyncset.done $0x0  }
0x1f8: {  	[sflag:s30] =	ssyncadd.s32 $0xFFFF8000  }
0x1f9: {  	_ =	swait.ge [sflag:s30], $0x400  }
0x1fa: {  	[sflag:s30] =	ssyncset.done $0x0  }
0x1fb: {  	[sflag:s30] =	ssyncadd.s32 $0xFFFFFC00  }
0x1fc: {  	_ =	swait.ge [sflag:s30], $0x400  }
0x1fd: {  	[sflag:s30] =	ssyncset.done $0x0  }
0x1fe: {  	s1 =	rddreg [dreg:$0x1a];
	[sflag:s30] =	ssyncadd.s32 $0xFFFFFC00  }
0x1ff: {  	[tilespmem:s2], [sflag:$0x3] =	stream.linear.gather [hbm4b:s1+s2], $0x8, $0x38;
	[tilespmem:$0x11100] =	vst v63  }
0x200: {  	_ =	swait.ge [sflag:s3], $0x8  }
0x201: {  	[sflag:s3] =	ssyncset.done $0x0  }
0x202: {  	[sflag:s3] =	ssyncadd.s32 $0xFFFFFFF8  }
0x203: {  	v2 =	vld.msk [tilespmem:$0x0], $0xff;
	_ =	sdelay $0x4  }
0x204: {  	v3 =	vshll.u32 v2, $0x5  }
0x205: {  	v2 =	vand.u32 $0x7, v2;
	v3 =	vand.u32 $0xFFFFFF00, v3  }
0x206: {  	v2 =	vor.u32 v2, v3  }
0x207: {  	v2 =	vperm.xlane v2, v0;
	_ =	sdelay $0x1  }
0x208: {  	v2 =	vadd.s32 v1, v2;
	_ =	sdelay $0x3  }
0x209: {  	s1 =	simm.s32 $0x100  }
0x20a: {  	[tilespmem:s1], [sflag:$0x1] =	stream.indirect_vreg.gather [hbm4b:s4+s2], $0x80, v2, vm0, $0xb8;
	[tilespmem:$0x11100] =	vst v63  }
0x20b: {  	s23 =	simm.s32 $0x900  }
0x20c: {  	[tilespmem:s23], [sflag:$0x1] =	stream.indirect_vreg.gather [hbm4b:s7+s2], $0x80, v2, vm0, $0xb8;
	[tilespmem:$0x11100] =	vst v63  }
0x20d: {  	s26 =	simm.s32 $0x1100  }
0x20e: {  	[tilespmem:s26], [sflag:$0x1] =	stream.indirect_vreg.gather [hbm4b:s8+s2], $0x80, v2, vm0, $0xb8;
	[tilespmem:$0x11100] =	vst v63  }
0x20f: {  	_ = 	snop  }
0x210: {  	[tilespmem:s25], [sflag:$0x1] =	stream.indirect_vreg.gather [hbm4b:s9+s2], $0x80, v2, vm0, $0xb8;
	[tilespmem:$0x11100] =	vst v63  }
0x211: {  	s25 =	simm.s32 $0x2100  }
0x212: {  	[tilespmem:s25], [sflag:$0x1] =	stream.indirect_vreg.gather [hbm4b:s10+s2], $0x80, v2, vm0, $0xb8;
	[tilespmem:$0x11100] =	vst v63  }
0x213: {  	s21 =	simm.s32 $0x2900  }
0x214: {  	[tilespmem:s21], [sflag:$0x1] =	stream.indirect_vreg.gather [hbm4b:s11+s2], $0x80, v2, vm0, $0xb8;
	[tilespmem:$0x11100] =	vst v63  }
0x215: {  	s23 =	simm.s32 $0x3100  }
0x216: {  	[tilespmem:s23], [sflag:$0x1] =	stream.indirect_vreg.gather [hbm4b:s12+s2], $0x80, v2, vm0, $0xb8;
	[tilespmem:$0x11100] =	vst v63  }
0x217: {  	s26 =	simm.s32 $0x3900  }
0x218: {  	[tilespmem:s26], [sflag:$0x1] =	stream.indirect_vreg.gather [hbm4b:s13+s2], $0x80, v2, vm0, $0xb8;
	[tilespmem:$0x11100] =	vst v63  }
0x219: {  	s29 =	simm.s32 $0x4100  }
0x21a: {  	[tilespmem:s29], [sflag:$0x1] =	stream.indirect_vreg.gather [hbm4b:s22+s2], $0x80, v2, vm0, $0xb8;
	[tilespmem:$0x11100] =	vst v63  }
0x21b: {  	s29 =	simm.s32 $0x4900  }
0x21c: {  	[tilespmem:s29], [sflag:$0x1] =	stream.indirect_vreg.gather [hbm4b:s15+s2], $0x80, v2, vm0, $0xb8;
	[tilespmem:$0x11100] =	vst v63  }
0x21d: {  	s21 =	simm.s32 $0x5100  }
0x21e: {  	[tilespmem:s21], [sflag:$0x1] =	stream.indirect_vreg.gather [hbm4b:s16+s2], $0x80, v2, vm0, $0xb8;
	[tilespmem:$0x11100] =	vst v63  }
0x21f: {  	s26 =	smov.u32 s22;
	s22 =	simm.s32 $0x5900  }
0x220: {  	[tilespmem:s22], [sflag:$0x1] =	stream.indirect_vreg.gather [hbm4b:s17+s2], $0x80, v2, vm0, $0xb8;
	[tilespmem:$0x11100] =	vst v63  }
0x221: {  	s23 =	simm.s32 $0x6100  }
0x222: {  	[tilespmem:s23], [sflag:$0x1] =	stream.indirect_vreg.gather [hbm4b:s18+s2], $0x80, v2, vm0, $0xb8;
	[tilespmem:$0x11100] =	vst v63  }
0x223: {  	s29 =	simm.s32 $0x6900  }
0x224: {  	[tilespmem:s29], [sflag:$0x1] =	stream.indirect_vreg.gather [hbm4b:s19+s2], $0x80, v2, vm0, $0xb8;
	[tilespmem:$0x11100] =	vst v63  }
0x225: {  	s21 =	simm.s32 $0x7100  }
0x226: {  	[tilespmem:s21], [sflag:$0x1] =	stream.indirect_vreg.gather [hbm4b:s20+s2], $0x80, v2, vm0, $0xb8;
	[tilespmem:$0x11100] =	vst v63  }
0x227: {  	s22 =	simm.s32 $0x7900  }
0x228: {  	[tilespmem:s22], [sflag:$0x1] =	stream.indirect_vreg.gather [hbm4b:s31+s2], $0x80, v2, vm0, $0xb8;
	[tilespmem:$0x11100] =	vst v63  }
0x229: {  	s29 =	simm.s32 $0x10100  }
0x22a: {  	[tilespmem:s29], [sflag:$0x1] =	stream.indirect.gather [hbm4b:s5+s14], $0x80, s2, s14, $0xb8;
	[tilespmem:$0x11100] =	vst v63  }
0x22b: {  	s0 =	simm.s32 $0x10900  }
0x22c: {  	[tilespmem:s0], [sflag:$0x1] =	stream.indirect.gather [hbm4b:s6+s14], $0x80, s2, s14, $0xb8;
	[tilespmem:$0x11100] =	vst v63  }
0x22d: {  	_ =	swait.ge [sflag:s24], $0x8000  }
0x22e: {  	[sflag:s24] =	ssyncset.done $0x0  }
0x22f: {  	[sflag:s24] =	ssyncadd.s32 $0xFFFF8000  }
0x230: {  	_ =	swait.ge [sflag:s24], $0x400  }
0x231: {  	[sflag:s24] =	ssyncset.done $0x0  }
0x232: {  	[sflag:s24] =	ssyncadd.s32 $0xFFFFFC00  }
0x233: {  	_ =	swait.ge [sflag:s24], $0x400  }
0x234: {  	[sflag:s24] =	ssyncset.done $0x0  }
0x235: {  	s23 =	rddreg [dreg:$0x1b];
	[sflag:s24] =	ssyncadd.s32 $0xFFFFFC00  }
0x236: {  	[hbm4b:s23+s2] =	stream.linear.scatter [tilespmem:s1], [sflag:$0x2], $0x8000, $0x38;
	[tilespmem:$0x11100] =	vst v63  }
0x237: {  	s22 =	rddreg [dreg:$0x1c]  }
0x238: {  	[hbm4b:s22+s2] =	stream.linear.scatter [tilespmem:s29], [sflag:$0x2], $0x400, $0x38;
	[tilespmem:$0x11100] =	vst v63  }
0x239: {  	s1 =	rddreg [dreg:$0x1d]  }
0x23a: {  	[hbm4b:s1+s2] =	stream.linear.scatter [tilespmem:s0], [sflag:$0x2], $0x400, $0x38;
	[tilespmem:$0x11100] =	vst v63  }
0x23b: {  	_ =	swait.ge [sflag:s30], $0x8000  }
0x23c: {  	[sflag:s30] =	ssyncset.done $0x0  }
0x23d: {  	[sflag:s30] =	ssyncadd.s32 $0xFFFF8000  }
0x23e: {  	_ =	swait.ge [sflag:s30], $0x400  }
0x23f: {  	[sflag:s30] =	ssyncset.done $0x0  }
0x240: {  	[sflag:s30] =	ssyncadd.s32 $0xFFFFFC00  }
0x241: {  	_ =	swait.ge [sflag:s30], $0x400  }
0x242: {  	[sflag:s30] =	ssyncset.done $0x0  }
0x243: {  	s28 =	simm.s32 $0x80;
	s0 =	rddreg [dreg:$0x1e];
	[sflag:s30] =	ssyncadd.s32 $0xFFFFFC00  }
0x244: {  	[tilespmem:s28], [sflag:$0x3] =	stream.linear.gather [hbm4b:s0+s2], $0x8, $0x38;
	[tilespmem:$0x11100] =	vst v63  }
0x245: {  	_ =	swait.ge [sflag:s3], $0x8  }
0x246: {  	[sflag:s3] =	ssyncset.done $0x0  }
0x247: {  	[sflag:s3] =	ssyncadd.s32 $0xFFFFFFF8  }
0x248: {  	v2 =	vld.msk [tilespmem:$0x80], $0xff;
	_ =	sdelay $0x4  }
0x249: {  	v3 =	vshll.u32 v2, $0x5  }
0x24a: {  	v2 =	vand.u32 $0x7, v2;
	v3 =	vand.u32 $0xFFFFFF00, v3  }
0x24b: {  	v2 =	vor.u32 v2, v3  }
0x24c: {  	v2 =	vperm.xlane v2, v0;
	_ =	sdelay $0x1  }
0x24d: {  	v2 =	vadd.s32 v1, v2;
	_ =	sdelay $0x3  }
0x24e: {  	s29 =	simm.s32 $0x8100  }
0x24f: {  	[tilespmem:s29], [sflag:$0x1] =	stream.indirect_vreg.gather [hbm4b:s4+s2], $0x80, v2, vm0, $0xb8;
	[tilespmem:$0x11100] =	vst v63  }
0x250: {  	s1 =	simm.s32 $0x8900  }
0x251: {  	[tilespmem:s1], [sflag:$0x1] =	stream.indirect_vreg.gather [hbm4b:s7+s2], $0x80, v2, vm0, $0xb8;
	[tilespmem:$0x11100] =	vst v63  }
0x252: {  	s21 =	simm.s32 $0x9100  }
0x253: {  	[tilespmem:s21], [sflag:$0x1] =	stream.indirect_vreg.gather [hbm4b:s8+s2], $0x80, v2, vm0, $0xb8;
	[tilespmem:$0x11100] =	vst v63  }
0x254: {  	s23 =	simm.s32 $0x9900  }
0x255: {  	[tilespmem:s23], [sflag:$0x1] =	stream.indirect_vreg.gather [hbm4b:s9+s2], $0x80, v2, vm0, $0xb8;
	[tilespmem:$0x11100] =	vst v63  }
0x256: {  	s1 =	simm.s32 $0xA100  }
0x257: {  	[tilespmem:s1], [sflag:$0x1] =	stream.indirect_vreg.gather [hbm4b:s10+s2], $0x80, v2, vm0, $0xb8;
	[tilespmem:$0x11100] =	vst v63  }
0x258: {  	s21 =	simm.s32 $0xA900  }
0x259: {  	[tilespmem:s21], [sflag:$0x1] =	stream.indirect_vreg.gather [hbm4b:s11+s2], $0x80, v2, vm0, $0xb8;
	[tilespmem:$0x11100] =	vst v63  }
0x25a: {  	s23 =	simm.s32 $0xB100  }
0x25b: {  	[tilespmem:s23], [sflag:$0x1] =	stream.indirect_vreg.gather [hbm4b:s12+s2], $0x80, v2, vm0, $0xb8;
	[tilespmem:$0x11100] =	vst v63  }
0x25c: {  	s1 =	simm.s32 $0xB900  }
0x25d: {  	[tilespmem:s1], [sflag:$0x1] =	stream.indirect_vreg.gather [hbm4b:s13+s2], $0x80, v2, vm0, $0xb8;
	[tilespmem:$0x11100] =	vst v63  }
0x25e: {  	s21 =	simm.s32 $0xC100  }
0x25f: {  	[tilespmem:s21], [sflag:$0x1] =	stream.indirect_vreg.gather [hbm4b:s26+s2], $0x80, v2, vm0, $0xb8;
	[tilespmem:$0x11100] =	vst v63  }
0x260: {  	s23 =	simm.s32 $0xC900  }
0x261: {  	[tilespmem:s23], [sflag:$0x1] =	stream.indirect_vreg.gather [hbm4b:s15+s2], $0x80, v2, vm0, $0xb8;
	[tilespmem:$0x11100] =	vst v63  }
0x262: {  	s1 =	simm.s32 $0xD100  }
0x263: {  	[tilespmem:s1], [sflag:$0x1] =	stream.indirect_vreg.gather [hbm4b:s16+s2], $0x80, v2, vm0, $0xb8;
	[tilespmem:$0x11100] =	vst v63  }
0x264: {  	s21 =	simm.s32 $0xD900  }
0x265: {  	[tilespmem:s21], [sflag:$0x1] =	stream.indirect_vreg.gather [hbm4b:s17+s2], $0x80, v2, vm0, $0xb8;
	[tilespmem:$0x11100] =	vst v63  }
0x266: {  	s23 =	simm.s32 $0xE100  }
0x267: {  	[tilespmem:s23], [sflag:$0x1] =	stream.indirect_vreg.gather [hbm4b:s18+s2], $0x80, v2, vm0, $0xb8;
	[tilespmem:$0x11100] =	vst v63  }
0x268: {  	s1 =	simm.s32 $0xE900  }
0x269: {  	[tilespmem:s1], [sflag:$0x1] =	stream.indirect_vreg.gather [hbm4b:s19+s2], $0x80, v2, vm0, $0xb8;
	[tilespmem:$0x11100] =	vst v63  }
0x26a: {  	s21 =	simm.s32 $0xF100  }
0x26b: {  	[tilespmem:s21], [sflag:$0x1] =	stream.indirect_vreg.gather [hbm4b:s20+s2], $0x80, v2, vm0, $0xb8;
	[tilespmem:$0x11100] =	vst v63  }
0x26c: {  	s23 =	simm.s32 $0xF900  }
0x26d: {  	[tilespmem:s23], [sflag:$0x1] =	stream.indirect_vreg.gather [hbm4b:s31+s2], $0x80, v2, vm0, $0xb8;
	[tilespmem:$0x11100] =	vst v63  }
0x26e: {  	s0 =	simm.s32 $0x10500  }
0x26f: {  	[tilespmem:s0], [sflag:$0x1] =	stream.indirect.gather [hbm4b:s5+s14], $0x80, s28, s14, $0xb8;
	[tilespmem:$0x11100] =	vst v63  }
0x270: {  	s1 =	simm.s32 $0x10D00  }
0x271: {  	[tilespmem:s1], [sflag:$0x1] =	stream.indirect.gather [hbm4b:s6+s14], $0x80, s28, s14, $0xb8;
	[tilespmem:$0x11100] =	vst v63  }
0x272: {  	_ =	swait.ge [sflag:s24], $0x8000  }
0x273: {  	[sflag:s24] =	ssyncset.done $0x0  }
0x274: {  	[sflag:s24] =	ssyncadd.s32 $0xFFFF8000  }
0x275: {  	_ =	swait.ge [sflag:s24], $0x400  }
0x276: {  	[sflag:s24] =	ssyncset.done $0x0  }
0x277: {  	[sflag:s24] =	ssyncadd.s32 $0xFFFFFC00  }
0x278: {  	_ =	swait.ge [sflag:s24], $0x400  }
0x279: {  	s28 =	rddreg [dreg:$0x1f];
	[sflag:s24] =	ssyncset.done $0x0  }
0x27a: {  	s23 =	sld [smem:$0x7C5];
	[sflag:s24] =	ssyncadd.s32 $0xFFFFFC00  }
0x27b: {  	[hbm4b:s28+s2] =	stream.linear.scatter [tilespmem:s29], [sflag:$0x2], $0x8000, $0x38;
	[tilespmem:$0x11100] =	vst v63  }
0x27c: {  	s29 =	sld [smem:$0x7C6]  }
0x27d: {  	[hbm4b:s23+s2] =	stream.linear.scatter [tilespmem:s0], [sflag:$0x2], $0x400, $0x38;
	[tilespmem:$0x11100] =	vst v63  }
0x27e: {  	_ = 	snop  }
0x27f: {  	[hbm4b:s29+s2] =	stream.linear.scatter [tilespmem:s1], [sflag:$0x2], $0x400, $0x38;
	[tilespmem:$0x11100] =	vst v63  }
0x280: {  	_ =	swait.ge [sflag:s30], $0x8000  }
0x281: {  	[sflag:s30] =	ssyncset.done $0x0  }
0x282: {  	[sflag:s30] =	ssyncadd.s32 $0xFFFF8000  }
0x283: {  	_ =	swait.ge [sflag:s30], $0x400  }
0x284: {  	[sflag:s30] =	ssyncset.done $0x0  }
0x285: {  	[sflag:s30] =	ssyncadd.s32 $0xFFFFFC00  }
0x286: {  	_ =	swait.ge [sflag:s30], $0x400  }
0x287: {  	[sflag:s30] =	ssyncset.done $0x0  }
0x288: {  	s1 =	sld [smem:$0x7C7];
	_ =	sdelay $0x1  }
0x289: {  	[sflag:s30] =	ssyncadd.s32 $0xFFFFFC00  }
0x28a: {  	[tilespmem:s2], [sflag:$0x3] =	stream.linear.gather [hbm4b:s1+s2], $0x8, $0x38;
	[tilespmem:$0x11100] =	vst v63  }
0x28b: {  	_ =	swait.ge [sflag:s3], $0x8  }
0x28c: {  	[sflag:s3] =	ssyncset.done $0x0  }
0x28d: {  	[sflag:s3] =	ssyncadd.s32 $0xFFFFFFF8  }
0x28e: {  	v2 =	vld.msk [tilespmem:$0x0], $0xff;
	_ =	sdelay $0x4  }
0x28f: {  	v3 =	vshll.u32 v2, $0x5  }
0x290: {  	v2 =	vand.u32 $0x7, v2;
	v3 =	vand.u32 $0xFFFFFF00, v3  }
0x291: {  	v2 =	vor.u32 v2, v3  }
0x292: {  	v2 =	vperm.xlane v2, v0;
	_ =	sdelay $0x1  }
0x293: {  	v2 =	vadd.s32 v1, v2;
	_ =	sdelay $0x3  }
0x294: {  	s29 =	simm.s32 $0x100  }
0x295: {  	[tilespmem:s29], [sflag:$0x1] =	stream.indirect_vreg.gather [hbm4b:s4+s2], $0x80, v2, vm0, $0xb8;
	[tilespmem:$0x11100] =	vst v63  }
0x296: {  	s21 =	simm.s32 $0x900  }
0x297: {  	[tilespmem:s21], [sflag:$0x1] =	stream.indirect_vreg.gather [hbm4b:s7+s2], $0x80, v2, vm0, $0xb8;
	[tilespmem:$0x11100] =	vst v63  }
0x298: {  	s23 =	simm.s32 $0x1100  }
0x299: {  	[tilespmem:s23], [sflag:$0x1] =	stream.indirect_vreg.gather [hbm4b:s8+s2], $0x80, v2, vm0, $0xb8;
	[tilespmem:$0x11100] =	vst v63  }
0x29a: {  	s1 =	simm.s32 $0x1900  }
0x29b: {  	[tilespmem:s1], [sflag:$0x1] =	stream.indirect_vreg.gather [hbm4b:s9+s2], $0x80, v2, vm0, $0xb8;
	[tilespmem:$0x11100] =	vst v63  }
0x29c: {  	_ = 	snop  }
0x29d: {  	[tilespmem:s25], [sflag:$0x1] =	stream.indirect_vreg.gather [hbm4b:s10+s2], $0x80, v2, vm0, $0xb8;
	[tilespmem:$0x11100] =	vst v63  }
0x29e: {  	s25 =	simm.s32 $0x2900  }
0x29f: {  	[tilespmem:s25], [sflag:$0x1] =	stream.indirect_vreg.gather [hbm4b:s11+s2], $0x80, v2, vm0, $0xb8;
	[tilespmem:$0x11100] =	vst v63  }
0x2a0: {  	s21 =	simm.s32 $0x3100  }
0x2a1: {  	[tilespmem:s21], [sflag:$0x1] =	stream.indirect_vreg.gather [hbm4b:s12+s2], $0x80, v2, vm0, $0xb8;
	[tilespmem:$0x11100] =	vst v63  }
0x2a2: {  	s23 =	simm.s32 $0x3900  }
0x2a3: {  	[tilespmem:s23], [sflag:$0x1] =	stream.indirect_vreg.gather [hbm4b:s13+s2], $0x80, v2, vm0, $0xb8;
	[tilespmem:$0x11100] =	vst v63  }
0x2a4: {  	s0 =	simm.s32 $0x4100  }
0x2a5: {  	[tilespmem:s0], [sflag:$0x1] =	stream.indirect_vreg.gather [hbm4b:s26+s2], $0x80, v2, vm0, $0xb8;
	[tilespmem:$0x11100] =	vst v63  }
0x2a6: {  	s25 =	simm.s32 $0x4900  }
0x2a7: {  	[tilespmem:s25], [sflag:$0x1] =	stream.indirect_vreg.gather [hbm4b:s15+s2], $0x80, v2, vm0, $0xb8;
	[tilespmem:$0x11100] =	vst v63  }
0x2a8: {  	s23 =	simm.s32 $0x5100  }
0x2a9: {  	[tilespmem:s23], [sflag:$0x1] =	stream.indirect_vreg.gather [hbm4b:s16+s2], $0x80, v2, vm0, $0xb8;
	[tilespmem:$0x11100] =	vst v63  }
0x2aa: {  	s25 =	simm.s32 $0x5900  }
0x2ab: {  	[tilespmem:s25], [sflag:$0x1] =	stream.indirect_vreg.gather [hbm4b:s17+s2], $0x80, v2, vm0, $0xb8;
	[tilespmem:$0x11100] =	vst v63  }
0x2ac: {  	s23 =	simm.s32 $0x6100  }
0x2ad: {  	[tilespmem:s23], [sflag:$0x1] =	stream.indirect_vreg.gather [hbm4b:s18+s2], $0x80, v2, vm0, $0xb8;
	[tilespmem:$0x11100] =	vst v63  }
0x2ae: {  	s25 =	simm.s32 $0x6900  }
0x2af: {  	[tilespmem:s25], [sflag:$0x1] =	stream.indirect_vreg.gather [hbm4b:s19+s2], $0x80, v2, vm0, $0xb8;
	[tilespmem:$0x11100] =	vst v63  }
0x2b0: {  	s23 =	simm.s32 $0x7100  }
0x2b1: {  	[tilespmem:s23], [sflag:$0x1] =	stream.indirect_vreg.gather [hbm4b:s20+s2], $0x80, v2, vm0, $0xb8;
	[tilespmem:$0x11100] =	vst v63  }
0x2b2: {  	s25 =	simm.s32 $0x7900  }
0x2b3: {  	[tilespmem:s25], [sflag:$0x1] =	stream.indirect_vreg.gather [hbm4b:s31+s2], $0x80, v2, vm0, $0xb8;
	[tilespmem:$0x11100] =	vst v63  }
0x2b4: {  	s22 =	simm.s32 $0x10100  }
0x2b5: {  	[tilespmem:s22], [sflag:$0x1] =	stream.indirect.gather [hbm4b:s5+s14], $0x80, s2, s14, $0xb8;
	[tilespmem:$0x11100] =	vst v63  }
0x2b6: {  	s25 =	simm.s32 $0x10900  }
0x2b7: {  	[tilespmem:s25], [sflag:$0x1] =	stream.indirect.gather [hbm4b:s6+s14], $0x80, s2, s14, $0xb8;
	[tilespmem:$0x11100] =	vst v63  }
0x2b8: {  	_ =	swait.ge [sflag:s24], $0x8000  }
0x2b9: {  	[sflag:s24] =	ssyncset.done $0x0  }
0x2ba: {  	[sflag:s24] =	ssyncadd.s32 $0xFFFF8000  }
0x2bb: {  	_ =	swait.ge [sflag:s24], $0x400  }
0x2bc: {  	[sflag:s24] =	ssyncset.done $0x0  }
0x2bd: {  	[sflag:s24] =	ssyncadd.s32 $0xFFFFFC00  }
0x2be: {  	_ =	swait.ge [sflag:s24], $0x400  }
0x2bf: {  	s21 =	sld [smem:$0x7C8]  }
0x2c0: {  	[sflag:s24] =	ssyncset.done $0x0  }
0x2c1: {  	s23 =	sld [smem:$0x7C9];
	[sflag:s24] =	ssyncadd.s32 $0xFFFFFC00  }
0x2c2: {  	[hbm4b:s21+s2] =	stream.linear.scatter [tilespmem:s29], [sflag:$0x2], $0x8000, $0x38;
	[tilespmem:$0x11100] =	vst v63  }
0x2c3: {  	s29 =	sld [smem:$0x7CA]  }
0x2c4: {  	[hbm4b:s23+s2] =	stream.linear.scatter [tilespmem:s22], [sflag:$0x2], $0x400, $0x38;
	[tilespmem:$0x11100] =	vst v63  }
0x2c5: {  	_ = 	snop  }
0x2c6: {  	[hbm4b:s29+s2] =	stream.linear.scatter [tilespmem:s25], [sflag:$0x2], $0x400, $0x38;
	[tilespmem:$0x11100] =	vst v63  }
0x2c7: {  	_ =	swait.ge [sflag:s30], $0x8000  }
0x2c8: {  	[sflag:s30] =	ssyncset.done $0x0  }
0x2c9: {  	[sflag:s30] =	ssyncadd.s32 $0xFFFF8000  }
0x2ca: {  	_ =	swait.ge [sflag:s30], $0x400  }
0x2cb: {  	[sflag:s30] =	ssyncset.done $0x0  }
0x2cc: {  	[sflag:s30] =	ssyncadd.s32 $0xFFFFFC00  }
0x2cd: {  	_ =	swait.ge [sflag:s30], $0x400  }
0x2ce: {  	s29 =	sld [smem:$0x7CB]  }
0x2cf: {  	[sflag:s30] =	ssyncset.done $0x0  }
0x2d0: {  	s23 =	simm.s32 $0x80;
	[sflag:s30] =	ssyncadd.s32 $0xFFFFFC00  }
0x2d1: {  	[tilespmem:s23], [sflag:$0x3] =	stream.linear.gather [hbm4b:s29+s2], $0x8, $0x38;
	[tilespmem:$0x11100] =	vst v63  }
0x2d2: {  	_ =	swait.ge [sflag:s3], $0x8  }
0x2d3: {  	[sflag:s3] =	ssyncset.done $0x0  }
0x2d4: {  	[sflag:s3] =	ssyncadd.s32 $0xFFFFFFF8  }
0x2d5: {  	v2 =	vld.msk [tilespmem:$0x80], $0xff;
	_ =	sdelay $0x4  }
0x2d6: {  	v3 =	vshll.u32 v2, $0x5  }
0x2d7: {  	v2 =	vand.u32 $0x7, v2;
	v3 =	vand.u32 $0xFFFFFF00, v3  }
0x2d8: {  	v2 =	vor.u32 v2, v3  }
0x2d9: {  	v2 =	vperm.xlane v2, v0;
	_ =	sdelay $0x1  }
0x2da: {  	v2 =	vadd.s32 v1, v2;
	_ =	sdelay $0x3  }
0x2db: {  	s28 =	simm.s32 $0x8100  }
0x2dc: {  	[tilespmem:s28], [sflag:$0x1] =	stream.indirect_vreg.gather [hbm4b:s4+s2], $0x80, v2, vm0, $0xb8;
	[tilespmem:$0x11100] =	vst v63  }
0x2dd: {  	s22 =	simm.s32 $0x8900  }
0x2de: {  	[tilespmem:s22], [sflag:$0x1] =	stream.indirect_vreg.gather [hbm4b:s7+s2], $0x80, v2, vm0, $0xb8;
	[tilespmem:$0x11100] =	vst v63  }
0x2df: {  	s25 =	simm.s32 $0x9100  }
0x2e0: {  	[tilespmem:s25], [sflag:$0x1] =	stream.indirect_vreg.gather [hbm4b:s8+s2], $0x80, v2, vm0, $0xb8;
	[tilespmem:$0x11100] =	vst v63  }
0x2e1: {  	s29 =	simm.s32 $0x9900  }
0x2e2: {  	[tilespmem:s29], [sflag:$0x1] =	stream.indirect_vreg.gather [hbm4b:s9+s2], $0x80, v2, vm0, $0xb8;
	[tilespmem:$0x11100] =	vst v63  }
0x2e3: {  	s22 =	simm.s32 $0xA100  }
0x2e4: {  	[tilespmem:s22], [sflag:$0x1] =	stream.indirect_vreg.gather [hbm4b:s10+s2], $0x80, v2, vm0, $0xb8;
	[tilespmem:$0x11100] =	vst v63  }
0x2e5: {  	s25 =	simm.s32 $0xA900  }
0x2e6: {  	[tilespmem:s25], [sflag:$0x1] =	stream.indirect_vreg.gather [hbm4b:s11+s2], $0x80, v2, vm0, $0xb8;
	[tilespmem:$0x11100] =	vst v63  }
0x2e7: {  	s29 =	simm.s32 $0xB100  }
0x2e8: {  	[tilespmem:s29], [sflag:$0x1] =	stream.indirect_vreg.gather [hbm4b:s12+s2], $0x80, v2, vm0, $0xb8;
	[tilespmem:$0x11100] =	vst v63  }
0x2e9: {  	s22 =	simm.s32 $0xB900  }
0x2ea: {  	[tilespmem:s22], [sflag:$0x1] =	stream.indirect_vreg.gather [hbm4b:s13+s2], $0x80, v2, vm0, $0xb8;
	[tilespmem:$0x11100] =	vst v63  }
0x2eb: {  	s25 =	simm.s32 $0xC100  }
0x2ec: {  	[tilespmem:s25], [sflag:$0x1] =	stream.indirect_vreg.gather [hbm4b:s26+s2], $0x80, v2, vm0, $0xb8;
	[tilespmem:$0x11100] =	vst v63  }
0x2ed: {  	s29 =	simm.s32 $0xC900  }
0x2ee: {  	[tilespmem:s29], [sflag:$0x1] =	stream.indirect_vreg.gather [hbm4b:s15+s2], $0x80, v2, vm0, $0xb8;
	[tilespmem:$0x11100] =	vst v63  }
0x2ef: {  	s22 =	simm.s32 $0xD100  }
0x2f0: {  	[tilespmem:s22], [sflag:$0x1] =	stream.indirect_vreg.gather [hbm4b:s16+s2], $0x80, v2, vm0, $0xb8;
	[tilespmem:$0x11100] =	vst v63  }
0x2f1: {  	s25 =	simm.s32 $0xD900  }
0x2f2: {  	[tilespmem:s25], [sflag:$0x1] =	stream.indirect_vreg.gather [hbm4b:s17+s2], $0x80, v2, vm0, $0xb8;
	[tilespmem:$0x11100] =	vst v63  }
0x2f3: {  	s29 =	simm.s32 $0xE100  }
0x2f4: {  	[tilespmem:s29], [sflag:$0x1] =	stream.indirect_vreg.gather [hbm4b:s18+s2], $0x80, v2, vm0, $0xb8;
	[tilespmem:$0x11100] =	vst v63  }
0x2f5: {  	s22 =	simm.s32 $0xE900  }
0x2f6: {  	[tilespmem:s22], [sflag:$0x1] =	stream.indirect_vreg.gather [hbm4b:s19+s2], $0x80, v2, vm0, $0xb8;
	[tilespmem:$0x11100] =	vst v63  }
0x2f7: {  	s25 =	simm.s32 $0xF100  }
0x2f8: {  	[tilespmem:s25], [sflag:$0x1] =	stream.indirect_vreg.gather [hbm4b:s20+s2], $0x80, v2, vm0, $0xb8;
	[tilespmem:$0x11100] =	vst v63  }
0x2f9: {  	s29 =	simm.s32 $0xF900  }
0x2fa: {  	[tilespmem:s29], [sflag:$0x1] =	stream.indirect_vreg.gather [hbm4b:s31+s2], $0x80, v2, vm0, $0xb8;
	[tilespmem:$0x11100] =	vst v63  }
0x2fb: {  	s25 =	simm.s32 $0x10500  }
0x2fc: {  	[tilespmem:s25], [sflag:$0x1] =	stream.indirect.gather [hbm4b:s5+s14], $0x80, s23, s14, $0xb8;
	[tilespmem:$0x11100] =	vst v63  }
0x2fd: {  	s29 =	simm.s32 $0x10D00  }
0x2fe: {  	[tilespmem:s29], [sflag:$0x1] =	stream.indirect.gather [hbm4b:s6+s14], $0x80, s23, s14, $0xb8;
	[tilespmem:$0x11100] =	vst v63  }
0x2ff: {  	_ =	swait.ge [sflag:s24], $0x8000  }
0x300: {  	[sflag:s24] =	ssyncset.done $0x0  }
0x301: {  	[sflag:s24] =	ssyncadd.s32 $0xFFFF8000  }
0x302: {  	_ =	swait.ge [sflag:s24], $0x400  }
0x303: {  	[sflag:s24] =	ssyncset.done $0x0  }
0x304: {  	[sflag:s24] =	ssyncadd.s32 $0xFFFFFC00  }
0x305: {  	_ =	swait.ge [sflag:s24], $0x400  }
0x306: {  	s14 =	sld [smem:$0x7CC]  }
0x307: {  	[sflag:s24] =	ssyncset.done $0x0  }
0x308: {  	s23 =	sld [smem:$0x7CD];
	[sflag:s24] =	ssyncadd.s32 $0xFFFFFC00  }
0x309: {  	[hbm4b:s14+s2] =	stream.linear.scatter [tilespmem:s28], [sflag:$0x2], $0x8000, $0x38;
	[tilespmem:$0x11100] =	vst v63  }
0x30a: {  	s14 =	sld [smem:$0x7CE]  }
0x30b: {  	[hbm4b:s23+s2] =	stream.linear.scatter [tilespmem:s25], [sflag:$0x2], $0x400, $0x38;
	[tilespmem:$0x11100] =	vst v63  }
0x30c: {  	_ = 	snop  }
0x30d: {  	[hbm4b:s14+s2] =	stream.linear.scatter [tilespmem:s29], [sflag:$0x2], $0x400, $0x38;
	[tilespmem:$0x11100] =	vst v63  }
0x30e: {  	_ =	swait.ge [sflag:s30], $0x8000  }
0x30f: {  	[sflag:s30] =	ssyncset.done $0x0  }
0x310: {  	[sflag:s30] =	ssyncadd.s32 $0xFFFF8000  }
0x311: {  	_ =	swait.ge [sflag:s30], $0x400  }
0x312: {  	[sflag:s30] =	ssyncset.done $0x0  }
0x313: {  	[sflag:s30] =	ssyncadd.s32 $0xFFFFFC00  }
0x314: {  	_ =	swait.ge [sflag:s30], $0x400  }
0x315: {  	s25 =	sld [smem:$0x7CF]  }
0x316: {  	[sflag:s30] =	ssyncset.done $0x0  }
0x317: {  	[sflag:s30] =	ssyncadd.s32 $0xFFFFFC00  }
0x318: {  	[tilespmem:s2], [sflag:$0x3] =	stream.linear.gather [hbm4b:s25+s2], $0x8, $0x38;
	[tilespmem:$0x11100] =	vst v63  }
0x319: {  	_ =	swait.ge [sflag:s3], $0x8  }
0x31a: {  	[sflag:s3] =	ssyncset.done $0x0  }
0x31b: {  	[sflag:s3] =	ssyncadd.s32 $0xFFFFFFF8  }
0x31c: {  	v2 =	vld.msk [tilespmem:$0x0], $0xff;
	_ =	sdelay $0x4  }
0x31d: {  	v3 =	vshll.u32 v2, $0x5  }
0x31e: {  	v2 =	vand.u32 $0x7, v2;
	v3 =	vand.u32 $0xFFFFFF00, v3  }
0x31f: {  	v2 =	vor.u32 v2, v3  }
0x320: {  	v2 =	vperm.xlane v2, v0;
	_ =	sdelay $0x1  }
0x321: {  	v2 =	vadd.s32 v1, v2;
	_ =	sdelay $0x3  }
0x322: {  	s14 =	simm.s32 $0x100  }
0x323: {  	[tilespmem:s14], [sflag:$0x1] =	stream.indirect_vreg.gather [hbm4b:s4+s2], $0x80, v2, vm0, $0xb8;
	[tilespmem:$0x11100] =	vst v63  }
0x324: {  	s28 =	simm.s32 $0x900  }
0x325: {  	[tilespmem:s28], [sflag:$0x1] =	stream.indirect_vreg.gather [hbm4b:s7+s2], $0x80, v2, vm0, $0xb8;
	[tilespmem:$0x11100] =	vst v63  }
0x326: {  	s29 =	simm.s32 $0x1100  }
0x327: {  	[tilespmem:s29], [sflag:$0x1] =	stream.indirect_vreg.gather [hbm4b:s8+s2], $0x80, v2, vm0, $0xb8;
	[tilespmem:$0x11100] =	vst v63  }
0x328: {  	_ = 	snop  }
0x329: {  	[tilespmem:s1], [sflag:$0x1] =	stream.indirect_vreg.gather [hbm4b:s9+s2], $0x80, v2, vm0, $0xb8;
	[tilespmem:$0x11100] =	vst v63  }
0x32a: {  	s29 =	simm.s32 $0x2100  }
0x32b: {  	[tilespmem:s29], [sflag:$0x1] =	stream.indirect_vreg.gather [hbm4b:s10+s2], $0x80, v2, vm0, $0xb8;
	[tilespmem:$0x11100] =	vst v63  }
0x32c: {  	s23 =	simm.s32 $0x2900  }
0x32d: {  	[tilespmem:s23], [sflag:$0x1] =	stream.indirect_vreg.gather [hbm4b:s11+s2], $0x80, v2, vm0, $0xb8;
	[tilespmem:$0x11100] =	vst v63  }
0x32e: {  	s25 =	simm.s32 $0x3100  }
0x32f: {  	[tilespmem:s25], [sflag:$0x1] =	stream.indirect_vreg.gather [hbm4b:s12+s2], $0x80, v2, vm0, $0xb8;
	[tilespmem:$0x11100] =	vst v63  }
0x330: {  	s28 =	simm.s32 $0x3900  }
0x331: {  	[tilespmem:s28], [sflag:$0x1] =	stream.indirect_vreg.gather [hbm4b:s13+s2], $0x80, v2, vm0, $0xb8;
	[tilespmem:$0x11100] =	vst v63  }
0x332: {  	_ = 	snop  }
0x333: {  	[tilespmem:s0], [sflag:$0x1] =	stream.indirect_vreg.gather [hbm4b:s26+s2], $0x80, v2, vm0, $0xb8;
	[tilespmem:$0x11100] =	vst v63  }
0x334: {  	s28 =	simm.s32 $0x4900  }
0x335: {  	[tilespmem:s28], [sflag:$0x1] =	stream.indirect_vreg.gather [hbm4b:s15+s2], $0x80, v2, vm0, $0xb8;
	[tilespmem:$0x11100] =	vst v63  }
0x336: {  	s21 =	simm.s32 $0x5100  }
0x337: {  	[tilespmem:s21], [sflag:$0x1] =	stream.indirect_vreg.gather [hbm4b:s16+s2], $0x80, v2, vm0, $0xb8;
	[tilespmem:$0x11100] =	vst v63  }
0x338: {  	s23 =	simm.s32 $0x5900  }
0x339: {  	[tilespmem:s23], [sflag:$0x1] =	stream.indirect_vreg.gather [hbm4b:s17+s2], $0x80, v2, vm0, $0xb8;
	[tilespmem:$0x11100] =	vst v63  }
0x33a: {  	s25 =	simm.s32 $0x6100  }
0x33b: {  	[tilespmem:s25], [sflag:$0x1] =	stream.indirect_vreg.gather [hbm4b:s18+s2], $0x80, v2, vm0, $0xb8;
	[tilespmem:$0x11100] =	vst v63  }
0x33c: {  	s1 =	simm.s32 $0x6900  }
0x33d: {  	[tilespmem:s1], [sflag:$0x1] =	stream.indirect_vreg.gather [hbm4b:s19+s2], $0x80, v2, vm0, $0xb8;
	[tilespmem:$0x11100] =	vst v63  }
0x33e: {  	s21 =	simm.s32 $0x7100  }
0x33f: {  	[tilespmem:s21], [sflag:$0x1] =	stream.indirect_vreg.gather [hbm4b:s20+s2], $0x80, v2, vm0, $0xb8;
	[tilespmem:$0x11100] =	vst v63  }
0x340: {  	s23 =	simm.s32 $0x7900  }
0x341: {  	[tilespmem:s23], [sflag:$0x1] =	stream.indirect_vreg.gather [hbm4b:s31+s2], $0x80, v2, vm0, $0xb8;
	[tilespmem:$0x11100] =	vst v63  }
0x342: {  	s0 =	simm.s32 $0x10100;
	s25 =	simm.s32 $0x8  }
0x343: {  	[tilespmem:s0], [sflag:$0x1] =	stream.indirect.gather [hbm4b:s5+s25], $0x80, s2, s25, $0xb8;
	[tilespmem:$0x11100] =	vst v63  }
0x344: {  	s1 =	simm.s32 $0x10900  }
0x345: {  	[tilespmem:s1], [sflag:$0x1] =	stream.indirect.gather [hbm4b:s6+s25], $0x80, s2, s25, $0xb8;
	[tilespmem:$0x11100] =	vst v63  }
0x346: {  	_ =	swait.ge [sflag:s24], $0x8000  }
0x347: {  	[sflag:s24] =	ssyncset.done $0x0  }
0x348: {  	[sflag:s24] =	ssyncadd.s32 $0xFFFF8000  }
0x349: {  	_ =	swait.ge [sflag:s24], $0x400  }
0x34a: {  	[sflag:s24] =	ssyncset.done $0x0  }
0x34b: {  	[sflag:s24] =	ssyncadd.s32 $0xFFFFFC00  }
0x34c: {  	_ =	swait.ge [sflag:s24], $0x400  }
0x34d: {  	s21 =	sld [smem:$0x7D0]  }
0x34e: {  	[sflag:s24] =	ssyncset.done $0x0  }
0x34f: {  	s23 =	sld [smem:$0x7D1];
	[sflag:s24] =	ssyncadd.s32 $0xFFFFFC00  }
0x350: {  	[hbm4b:s21+s2] =	stream.linear.scatter [tilespmem:s14], [sflag:$0x2], $0x8000, $0x38;
	[tilespmem:$0x11100] =	vst v63  }
0x351: {  	s14 =	sld [smem:$0x7D2]  }
0x352: {  	[hbm4b:s23+s2] =	stream.linear.scatter [tilespmem:s0], [sflag:$0x2], $0x400, $0x38;
	[tilespmem:$0x11100] =	vst v63  }
0x353: {  	_ = 	snop  }
0x354: {  	[hbm4b:s14+s2] =	stream.linear.scatter [tilespmem:s1], [sflag:$0x2], $0x400, $0x38;
	[tilespmem:$0x11100] =	vst v63  }
0x355: {  	_ =	swait.ge [sflag:s30], $0x8000  }
0x356: {  	[sflag:s30] =	ssyncset.done $0x0  }
0x357: {  	[sflag:s30] =	ssyncadd.s32 $0xFFFF8000  }
0x358: {  	_ =	swait.ge [sflag:s30], $0x400  }
0x359: {  	[sflag:s30] =	ssyncset.done $0x0  }
0x35a: {  	[sflag:s30] =	ssyncadd.s32 $0xFFFFFC00  }
0x35b: {  	_ =	swait.ge [sflag:s30], $0x400  }
0x35c: {  	s14 =	sld [smem:$0x7D3]  }
0x35d: {  	[sflag:s30] =	ssyncset.done $0x0  }
0x35e: {  	s22 =	simm.s32 $0x80;
	[sflag:s30] =	ssyncadd.s32 $0xFFFFFC00  }
0x35f: {  	[tilespmem:s22], [sflag:$0x3] =	stream.linear.gather [hbm4b:s14+s2], $0x8, $0x38;
	[tilespmem:$0x11100] =	vst v63  }
0x360: {  	_ =	swait.ge [sflag:s3], $0x8  }
0x361: {  	[sflag:s3] =	ssyncset.done $0x0  }
0x362: {  	[sflag:s3] =	ssyncadd.s32 $0xFFFFFFF8  }
0x363: {  	v2 =	vld.msk [tilespmem:$0x80], $0xff;
	_ =	sdelay $0x4  }
0x364: {  	v3 =	vshll.u32 v2, $0x5  }
0x365: {  	v2 =	vand.u32 $0x7, v2;
	v3 =	vand.u32 $0xFFFFFF00, v3  }
0x366: {  	v2 =	vor.u32 v2, v3  }
0x367: {  	v2 =	vperm.xlane v2, v0;
	_ =	sdelay $0x1  }
0x368: {  	v2 =	vadd.s32 v1, v2;
	_ =	sdelay $0x3  }
0x369: {  	s1 =	simm.s32 $0x8100  }
0x36a: {  	[tilespmem:s1], [sflag:$0x1] =	stream.indirect_vreg.gather [hbm4b:s4+s2], $0x80, v2, vm0, $0xb8;
	[tilespmem:$0x11100] =	vst v63  }
0x36b: {  	s23 =	simm.s32 $0x8900  }
0x36c: {  	[tilespmem:s23], [sflag:$0x1] =	stream.indirect_vreg.gather [hbm4b:s7+s2], $0x80, v2, vm0, $0xb8;
	[tilespmem:$0x11100] =	vst v63  }
0x36d: {  	s14 =	simm.s32 $0x9100  }
0x36e: {  	[tilespmem:s14], [sflag:$0x1] =	stream.indirect_vreg.gather [hbm4b:s8+s2], $0x80, v2, vm0, $0xb8;
	[tilespmem:$0x11100] =	vst v63  }
0x36f: {  	s21 =	simm.s32 $0x9900  }
0x370: {  	[tilespmem:s21], [sflag:$0x1] =	stream.indirect_vreg.gather [hbm4b:s9+s2], $0x80, v2, vm0, $0xb8;
	[tilespmem:$0x11100] =	vst v63  }
0x371: {  	s23 =	simm.s32 $0xA100  }
0x372: {  	[tilespmem:s23], [sflag:$0x1] =	stream.indirect_vreg.gather [hbm4b:s10+s2], $0x80, v2, vm0, $0xb8;
	[tilespmem:$0x11100] =	vst v63  }
0x373: {  	s14 =	simm.s32 $0xA900  }
0x374: {  	[tilespmem:s14], [sflag:$0x1] =	stream.indirect_vreg.gather [hbm4b:s11+s2], $0x80, v2, vm0, $0xb8;
	[tilespmem:$0x11100] =	vst v63  }
0x375: {  	s21 =	simm.s32 $0xB100  }
0x376: {  	[tilespmem:s21], [sflag:$0x1] =	stream.indirect_vreg.gather [hbm4b:s12+s2], $0x80, v2, vm0, $0xb8;
	[tilespmem:$0x11100] =	vst v63  }
0x377: {  	s23 =	simm.s32 $0xB900  }
0x378: {  	[tilespmem:s23], [sflag:$0x1] =	stream.indirect_vreg.gather [hbm4b:s13+s2], $0x80, v2, vm0, $0xb8;
	[tilespmem:$0x11100] =	vst v63  }
0x379: {  	s14 =	simm.s32 $0xC100  }
0x37a: {  	[tilespmem:s14], [sflag:$0x1] =	stream.indirect_vreg.gather [hbm4b:s26+s2], $0x80, v2, vm0, $0xb8;
	[tilespmem:$0x11100] =	vst v63  }
0x37b: {  	s21 =	simm.s32 $0xC900  }
0x37c: {  	[tilespmem:s21], [sflag:$0x1] =	stream.indirect_vreg.gather [hbm4b:s15+s2], $0x80, v2, vm0, $0xb8;
	[tilespmem:$0x11100] =	vst v63  }
0x37d: {  	s23 =	simm.s32 $0xD100  }
0x37e: {  	[tilespmem:s23], [sflag:$0x1] =	stream.indirect_vreg.gather [hbm4b:s16+s2], $0x80, v2, vm0, $0xb8;
	[tilespmem:$0x11100] =	vst v63  }
0x37f: {  	s14 =	simm.s32 $0xD900  }
0x380: {  	[tilespmem:s14], [sflag:$0x1] =	stream.indirect_vreg.gather [hbm4b:s17+s2], $0x80, v2, vm0, $0xb8;
	[tilespmem:$0x11100] =	vst v63  }
0x381: {  	s21 =	simm.s32 $0xE100  }
0x382: {  	[tilespmem:s21], [sflag:$0x1] =	stream.indirect_vreg.gather [hbm4b:s18+s2], $0x80, v2, vm0, $0xb8;
	[tilespmem:$0x11100] =	vst v63  }
0x383: {  	s23 =	simm.s32 $0xE900  }
0x384: {  	[tilespmem:s23], [sflag:$0x1] =	stream.indirect_vreg.gather [hbm4b:s19+s2], $0x80, v2, vm0, $0xb8;
	[tilespmem:$0x11100] =	vst v63  }
0x385: {  	s14 =	simm.s32 $0xF100  }
0x386: {  	[tilespmem:s14], [sflag:$0x1] =	stream.indirect_vreg.gather [hbm4b:s20+s2], $0x80, v2, vm0, $0xb8;
	[tilespmem:$0x11100] =	vst v63  }
0x387: {  	s21 =	simm.s32 $0xF900  }
0x388: {  	[tilespmem:s21], [sflag:$0x1] =	stream.indirect_vreg.gather [hbm4b:s31+s2], $0x80, v2, vm0, $0xb8;
	[tilespmem:$0x11100] =	vst v63  }
0x389: {  	s25 =	simm.s32 $0x8;
	s23 =	simm.s32 $0x10500  }
0x38a: {  	[tilespmem:s23], [sflag:$0x1] =	stream.indirect.gather [hbm4b:s5+s25], $0x80, s22, s25, $0xb8;
	[tilespmem:$0x11100] =	vst v63  }
0x38b: {  	s14 =	simm.s32 $0x10D00  }
0x38c: {  	[tilespmem:s14], [sflag:$0x1] =	stream.indirect.gather [hbm4b:s6+s25], $0x80, s22, s25, $0xb8;
	[tilespmem:$0x11100] =	vst v63  }
0x38d: {  	_ =	swait.ge [sflag:s24], $0x8000  }
0x38e: {  	[sflag:s24] =	ssyncset.done $0x0  }
0x38f: {  	[sflag:s24] =	ssyncadd.s32 $0xFFFF8000  }
0x390: {  	_ =	swait.ge [sflag:s24], $0x400  }
0x391: {  	[sflag:s24] =	ssyncset.done $0x0  }
0x392: {  	[sflag:s24] =	ssyncadd.s32 $0xFFFFFC00  }
0x393: {  	_ =	swait.ge [sflag:s24], $0x400  }
0x394: {  	s25 =	sld [smem:$0x7D4]  }
0x395: {  	[sflag:s24] =	ssyncset.done $0x0  }
0x396: {  	s22 =	sld [smem:$0x7D5];
	[sflag:s24] =	ssyncadd.s32 $0xFFFFFC00  }
0x397: {  	[hbm4b:s25+s2] =	stream.linear.scatter [tilespmem:s1], [sflag:$0x2], $0x8000, $0x38;
	[tilespmem:$0x11100] =	vst v63  }
0x398: {  	s25 =	sld [smem:$0x7D6]  }
0x399: {  	[hbm4b:s22+s2] =	stream.linear.scatter [tilespmem:s23], [sflag:$0x2], $0x400, $0x38;
	[tilespmem:$0x11100] =	vst v63  }
0x39a: {  	_ = 	snop  }
0x39b: {  	[hbm4b:s25+s2] =	stream.linear.scatter [tilespmem:s14], [sflag:$0x2], $0x400, $0x38;
	[tilespmem:$0x11100] =	vst v63  }
0x39c: {  	_ =	swait.ge [sflag:s30], $0x8000  }
0x39d: {  	[sflag:s30] =	ssyncset.done $0x0  }
0x39e: {  	[sflag:s30] =	ssyncadd.s32 $0xFFFF8000  }
0x39f: {  	_ =	swait.ge [sflag:s30], $0x400  }
0x3a0: {  	[sflag:s30] =	ssyncset.done $0x0  }
0x3a1: {  	[sflag:s30] =	ssyncadd.s32 $0xFFFFFC00  }
0x3a2: {  	_ =	swait.ge [sflag:s30], $0x400  }
0x3a3: {  	s0 =	sld [smem:$0x7D7]  }
0x3a4: {  	[sflag:s30] =	ssyncset.done $0x0  }
0x3a5: {  	[sflag:s30] =	ssyncadd.s32 $0xFFFFFC00  }
0x3a6: {  	[tilespmem:s2], [sflag:$0x3] =	stream.linear.gather [hbm4b:s0+s2], $0x8, $0x38;
	[tilespmem:$0x11100] =	vst v63  }
0x3a7: {  	_ =	swait.ge [sflag:s3], $0x8  }
0x3a8: {  	[sflag:s3] =	ssyncset.done $0x0  }
0x3a9: {  	[sflag:s3] =	ssyncadd.s32 $0xFFFFFFF8  }
0x3aa: {  	v2 =	vld.msk [tilespmem:$0x0], $0xff;
	_ =	sdelay $0x4  }
0x3ab: {  	v3 =	vshll.u32 v2, $0x5  }
0x3ac: {  	v2 =	vand.u32 $0x7, v2;
	v3 =	vand.u32 $0xFFFFFF00, v3  }
0x3ad: {  	v2 =	vor.u32 v2, v3  }
0x3ae: {  	v2 =	vperm.xlane v2, v0;
	_ =	sdelay $0x1  }
0x3af: {  	v2 =	vadd.s32 v1, v2;
	_ =	sdelay $0x3  }
0x3b0: {  	s22 =	simm.s32 $0x100  }
0x3b1: {  	[tilespmem:s22], [sflag:$0x1] =	stream.indirect_vreg.gather [hbm4b:s4+s2], $0x80, v2, vm0, $0xb8;
	[tilespmem:$0x11100] =	vst v63  }
0x3b2: {  	s1 =	simm.s32 $0x900  }
0x3b3: {  	[tilespmem:s1], [sflag:$0x1] =	stream.indirect_vreg.gather [hbm4b:s7+s2], $0x80, v2, vm0, $0xb8;
	[tilespmem:$0x11100] =	vst v63  }
0x3b4: {  	s1 =	simm.s32 $0x1100  }
0x3b5: {  	[tilespmem:s1], [sflag:$0x1] =	stream.indirect_vreg.gather [hbm4b:s8+s2], $0x80, v2, vm0, $0xb8;
	[tilespmem:$0x11100] =	vst v63  }
0x3b6: {  	s14 =	simm.s32 $0x1900  }
0x3b7: {  	[tilespmem:s14], [sflag:$0x1] =	stream.indirect_vreg.gather [hbm4b:s9+s2], $0x80, v2, vm0, $0xb8;
	[tilespmem:$0x11100] =	vst v63  }
0x3b8: {  	_ = 	snop  }
0x3b9: {  	[tilespmem:s29], [sflag:$0x1] =	stream.indirect_vreg.gather [hbm4b:s10+s2], $0x80, v2, vm0, $0xb8;
	[tilespmem:$0x11100] =	vst v63  }
0x3ba: {  	s21 =	simm.s32 $0x2900  }
0x3bb: {  	[tilespmem:s21], [sflag:$0x1] =	stream.indirect_vreg.gather [hbm4b:s11+s2], $0x80, v2, vm0, $0xb8;
	[tilespmem:$0x11100] =	vst v63  }
0x3bc: {  	s25 =	simm.s32 $0x3100  }
0x3bd: {  	[tilespmem:s25], [sflag:$0x1] =	stream.indirect_vreg.gather [hbm4b:s12+s2], $0x80, v2, vm0, $0xb8;
	[tilespmem:$0x11100] =	vst v63  }
0x3be: {  	s23 =	simm.s32 $0x3900  }
0x3bf: {  	[tilespmem:s23], [sflag:$0x1] =	stream.indirect_vreg.gather [hbm4b:s13+s2], $0x80, v2, vm0, $0xb8;
	[tilespmem:$0x11100] =	vst v63  }
0x3c0: {  	s29 =	simm.s32 $0x4100  }
0x3c1: {  	[tilespmem:s29], [sflag:$0x1] =	stream.indirect_vreg.gather [hbm4b:s26+s2], $0x80, v2, vm0, $0xb8;
	[tilespmem:$0x11100] =	vst v63  }
0x3c2: {  	_ = 	snop  }
0x3c3: {  	[tilespmem:s28], [sflag:$0x1] =	stream.indirect_vreg.gather [hbm4b:s15+s2], $0x80, v2, vm0, $0xb8;
	[tilespmem:$0x11100] =	vst v63  }
0x3c4: {  	s14 =	simm.s32 $0x5100  }
0x3c5: {  	[tilespmem:s14], [sflag:$0x1] =	stream.indirect_vreg.gather [hbm4b:s16+s2], $0x80, v2, vm0, $0xb8;
	[tilespmem:$0x11100] =	vst v63  }
0x3c6: {  	s21 =	simm.s32 $0x5900  }
0x3c7: {  	[tilespmem:s21], [sflag:$0x1] =	stream.indirect_vreg.gather [hbm4b:s17+s2], $0x80, v2, vm0, $0xb8;
	[tilespmem:$0x11100] =	vst v63  }
0x3c8: {  	s23 =	simm.s32 $0x6100  }
0x3c9: {  	[tilespmem:s23], [sflag:$0x1] =	stream.indirect_vreg.gather [hbm4b:s18+s2], $0x80, v2, vm0, $0xb8;
	[tilespmem:$0x11100] =	vst v63  }
0x3ca: {  	s28 =	simm.s32 $0x6900  }
0x3cb: {  	[tilespmem:s28], [sflag:$0x1] =	stream.indirect_vreg.gather [hbm4b:s19+s2], $0x80, v2, vm0, $0xb8;
	[tilespmem:$0x11100] =	vst v63  }
0x3cc: {  	s29 =	simm.s32 $0x7100  }
0x3cd: {  	[tilespmem:s29], [sflag:$0x1] =	stream.indirect_vreg.gather [hbm4b:s20+s2], $0x80, v2, vm0, $0xb8;
	[tilespmem:$0x11100] =	vst v63  }
0x3ce: {  	s14 =	simm.s32 $0x7900  }
0x3cf: {  	[tilespmem:s14], [sflag:$0x1] =	stream.indirect_vreg.gather [hbm4b:s31+s2], $0x80, v2, vm0, $0xb8;
	[tilespmem:$0x11100] =	vst v63  }
0x3d0: {  	s21 =	simm.s32 $0x8;
	s28 =	simm.s32 $0x10100  }
0x3d1: {  	[tilespmem:s28], [sflag:$0x1] =	stream.indirect.gather [hbm4b:s5+s21], $0x80, s2, s21, $0xb8;
	[tilespmem:$0x11100] =	vst v63  }
0x3d2: {  	s0 =	simm.s32 $0x10900  }
0x3d3: {  	[tilespmem:s0], [sflag:$0x1] =	stream.indirect.gather [hbm4b:s6+s21], $0x80, s2, s21, $0xb8;
	[tilespmem:$0x11100] =	vst v63  }
0x3d4: {  	_ =	swait.ge [sflag:s24], $0x8000  }
0x3d5: {  	[sflag:s24] =	ssyncset.done $0x0  }
0x3d6: {  	[sflag:s24] =	ssyncadd.s32 $0xFFFF8000  }
0x3d7: {  	_ =	swait.ge [sflag:s24], $0x400  }
0x3d8: {  	[sflag:s24] =	ssyncset.done $0x0  }
0x3d9: {  	[sflag:s24] =	ssyncadd.s32 $0xFFFFFC00  }
0x3da: {  	_ =	swait.ge [sflag:s24], $0x400  }
0x3db: {  	s23 =	sld [smem:$0x7D8]  }
0x3dc: {  	[sflag:s24] =	ssyncset.done $0x0  }
0x3dd: {  	s14 =	sld [smem:$0x7D9];
	[sflag:s24] =	ssyncadd.s32 $0xFFFFFC00  }
0x3de: {  	[hbm4b:s23+s2] =	stream.linear.scatter [tilespmem:s22], [sflag:$0x2], $0x8000, $0x38;
	[tilespmem:$0x11100] =	vst v63  }
0x3df: {  	s22 =	sld [smem:$0x7DA]  }
0x3e0: {  	[hbm4b:s14+s2] =	stream.linear.scatter [tilespmem:s28], [sflag:$0x2], $0x400, $0x38;
	[tilespmem:$0x11100] =	vst v63  }
0x3e1: {  	_ = 	snop  }
0x3e2: {  	[hbm4b:s22+s2] =	stream.linear.scatter [tilespmem:s0], [sflag:$0x2], $0x400, $0x38;
	[tilespmem:$0x11100] =	vst v63  }
0x3e3: {  	_ =	swait.ge [sflag:s30], $0x8000  }
0x3e4: {  	[sflag:s30] =	ssyncset.done $0x0  }
0x3e5: {  	[sflag:s30] =	ssyncadd.s32 $0xFFFF8000  }
0x3e6: {  	_ =	swait.ge [sflag:s30], $0x400  }
0x3e7: {  	[sflag:s30] =	ssyncset.done $0x0  }
0x3e8: {  	[sflag:s30] =	ssyncadd.s32 $0xFFFFFC00  }
0x3e9: {  	_ =	swait.ge [sflag:s30], $0x400  }
0x3ea: {  	s14 =	sld [smem:$0x7DB]  }
0x3eb: {  	[sflag:s30] =	ssyncset.done $0x0  }
0x3ec: {  	s23 =	simm.s32 $0x80;
	[sflag:s30] =	ssyncadd.s32 $0xFFFFFC00  }
0x3ed: {  	[tilespmem:s23], [sflag:$0x3] =	stream.linear.gather [hbm4b:s14+s2], $0x8, $0x38;
	[tilespmem:$0x11100] =	vst v63  }
0x3ee: {  	_ =	swait.ge [sflag:s3], $0x8  }
0x3ef: {  	[sflag:s3] =	ssyncset.done $0x0  }
0x3f0: {  	[sflag:s3] =	ssyncadd.s32 $0xFFFFFFF8  }
0x3f1: {  	v2 =	vld.msk [tilespmem:$0x80], $0xff;
	_ =	sdelay $0x4  }
0x3f2: {  	v3 =	vshll.u32 v2, $0x5  }
0x3f3: {  	v2 =	vand.u32 $0x7, v2;
	v3 =	vand.u32 $0xFFFFFF00, v3  }
0x3f4: {  	v2 =	vor.u32 v2, v3  }
0x3f5: {  	v2 =	vperm.xlane v2, v0;
	_ =	sdelay $0x1  }
0x3f6: {  	v2 =	vadd.s32 v1, v2;
	_ =	sdelay $0x3  }
0x3f7: {  	s0 =	simm.s32 $0x8100  }
0x3f8: {  	[tilespmem:s0], [sflag:$0x1] =	stream.indirect_vreg.gather [hbm4b:s4+s2], $0x80, v2, vm0, $0xb8;
	[tilespmem:$0x11100] =	vst v63  }
0x3f9: {  	s22 =	simm.s32 $0x8900  }
0x3fa: {  	[tilespmem:s22], [sflag:$0x1] =	stream.indirect_vreg.gather [hbm4b:s7+s2], $0x80, v2, vm0, $0xb8;
	[tilespmem:$0x11100] =	vst v63  }
0x3fb: {  	s21 =	simm.s32 $0x9100  }
0x3fc: {  	[tilespmem:s21], [sflag:$0x1] =	stream.indirect_vreg.gather [hbm4b:s8+s2], $0x80, v2, vm0, $0xb8;
	[tilespmem:$0x11100] =	vst v63  }
0x3fd: {  	s22 =	simm.s32 $0x9900  }
0x3fe: {  	[tilespmem:s22], [sflag:$0x1] =	stream.indirect_vreg.gather [hbm4b:s9+s2], $0x80, v2, vm0, $0xb8;
	[tilespmem:$0x11100] =	vst v63  }
0x3ff: {  	s21 =	simm.s32 $0xA100  }
0x400: {  	[tilespmem:s21], [sflag:$0x1] =	stream.indirect_vreg.gather [hbm4b:s10+s2], $0x80, v2, vm0, $0xb8;
	[tilespmem:$0x11100] =	vst v63  }
0x401: {  	s22 =	simm.s32 $0xA900  }
0x402: {  	[tilespmem:s22], [sflag:$0x1] =	stream.indirect_vreg.gather [hbm4b:s11+s2], $0x80, v2, vm0, $0xb8;
	[tilespmem:$0x11100] =	vst v63  }
0x403: {  	s21 =	simm.s32 $0xB100  }
0x404: {  	[tilespmem:s21], [sflag:$0x1] =	stream.indirect_vreg.gather [hbm4b:s12+s2], $0x80, v2, vm0, $0xb8;
	[tilespmem:$0x11100] =	vst v63  }
0x405: {  	s22 =	simm.s32 $0xB900  }
0x406: {  	[tilespmem:s22], [sflag:$0x1] =	stream.indirect_vreg.gather [hbm4b:s13+s2], $0x80, v2, vm0, $0xb8;
	[tilespmem:$0x11100] =	vst v63  }
0x407: {  	s21 =	simm.s32 $0xC100  }
0x408: {  	[tilespmem:s21], [sflag:$0x1] =	stream.indirect_vreg.gather [hbm4b:s26+s2], $0x80, v2, vm0, $0xb8;
	[tilespmem:$0x11100] =	vst v63  }
0x409: {  	s22 =	simm.s32 $0xC900  }
0x40a: {  	[tilespmem:s22], [sflag:$0x1] =	stream.indirect_vreg.gather [hbm4b:s15+s2], $0x80, v2, vm0, $0xb8;
	[tilespmem:$0x11100] =	vst v63  }
0x40b: {  	s21 =	simm.s32 $0xD100  }
0x40c: {  	[tilespmem:s21], [sflag:$0x1] =	stream.indirect_vreg.gather [hbm4b:s16+s2], $0x80, v2, vm0, $0xb8;
	[tilespmem:$0x11100] =	vst v63  }
0x40d: {  	s22 =	simm.s32 $0xD900  }
0x40e: {  	[tilespmem:s22], [sflag:$0x1] =	stream.indirect_vreg.gather [hbm4b:s17+s2], $0x80, v2, vm0, $0xb8;
	[tilespmem:$0x11100] =	vst v63  }
0x40f: {  	s21 =	simm.s32 $0xE100  }
0x410: {  	[tilespmem:s21], [sflag:$0x1] =	stream.indirect_vreg.gather [hbm4b:s18+s2], $0x80, v2, vm0, $0xb8;
	[tilespmem:$0x11100] =	vst v63  }
0x411: {  	s22 =	simm.s32 $0xE900  }
0x412: {  	[tilespmem:s22], [sflag:$0x1] =	stream.indirect_vreg.gather [hbm4b:s19+s2], $0x80, v2, vm0, $0xb8;
	[tilespmem:$0x11100] =	vst v63  }
0x413: {  	s21 =	simm.s32 $0xF100  }
0x414: {  	[tilespmem:s21], [sflag:$0x1] =	stream.indirect_vreg.gather [hbm4b:s20+s2], $0x80, v2, vm0, $0xb8;
	[tilespmem:$0x11100] =	vst v63  }
0x415: {  	s22 =	simm.s32 $0xF900  }
0x416: {  	[tilespmem:s22], [sflag:$0x1] =	stream.indirect_vreg.gather [hbm4b:s31+s2], $0x80, v2, vm0, $0xb8;
	[tilespmem:$0x11100] =	vst v63  }
0x417: {  	s29 =	simm.s32 $0x8;
	s14 =	simm.s32 $0x10500  }
0x418: {  	[tilespmem:s14], [sflag:$0x1] =	stream.indirect.gather [hbm4b:s5+s29], $0x80, s23, s29, $0xb8;
	[tilespmem:$0x11100] =	vst v63  }
0x419: {  	s22 =	simm.s32 $0x10D00  }
0x41a: {  	[tilespmem:s22], [sflag:$0x1] =	stream.indirect.gather [hbm4b:s6+s29], $0x80, s23, s29, $0xb8;
	[tilespmem:$0x11100] =	vst v63  }
0x41b: {  	_ =	swait.ge [sflag:s24], $0x8000  }
0x41c: {  	[sflag:s24] =	ssyncset.done $0x0  }
0x41d: {  	[sflag:s24] =	ssyncadd.s32 $0xFFFF8000  }
0x41e: {  	_ =	swait.ge [sflag:s24], $0x400  }
0x41f: {  	[sflag:s24] =	ssyncset.done $0x0  }
0x420: {  	[sflag:s24] =	ssyncadd.s32 $0xFFFFFC00  }
0x421: {  	_ =	swait.ge [sflag:s24], $0x400  }
0x422: {  	s21 =	sld [smem:$0x7DC]  }
0x423: {  	[sflag:s24] =	ssyncset.done $0x0  }
0x424: {  	s23 =	sld [smem:$0x7DD];
	[sflag:s24] =	ssyncadd.s32 $0xFFFFFC00  }
0x425: {  	[hbm4b:s21+s2] =	stream.linear.scatter [tilespmem:s0], [sflag:$0x2], $0x8000, $0x38;
	[tilespmem:$0x11100] =	vst v63  }
0x426: {  	s0 =	sld [smem:$0x7DE]  }
0x427: {  	[hbm4b:s23+s2] =	stream.linear.scatter [tilespmem:s14], [sflag:$0x2], $0x400, $0x38;
	[tilespmem:$0x11100] =	vst v63  }
0x428: {  	_ = 	snop  }
0x429: {  	[hbm4b:s0+s2] =	stream.linear.scatter [tilespmem:s22], [sflag:$0x2], $0x400, $0x38;
	[tilespmem:$0x11100] =	vst v63  }
0x42a: {  	_ =	swait.ge [sflag:s30], $0x8000  }
0x42b: {  	[sflag:s30] =	ssyncset.done $0x0  }
0x42c: {  	[sflag:s30] =	ssyncadd.s32 $0xFFFF8000  }
0x42d: {  	_ =	swait.ge [sflag:s30], $0x400  }
0x42e: {  	[sflag:s30] =	ssyncset.done $0x0  }
0x42f: {  	[sflag:s30] =	ssyncadd.s32 $0xFFFFFC00  }
0x430: {  	_ =	swait.ge [sflag:s30], $0x400  }
0x431: {  	s0 =	sld [smem:$0x7DF]  }
0x432: {  	[sflag:s30] =	ssyncset.done $0x0  }
0x433: {  	[sflag:s30] =	ssyncadd.s32 $0xFFFFFC00  }
0x434: {  	[tilespmem:s2], [sflag:$0x3] =	stream.linear.gather [hbm4b:s0+s2], $0x8, $0x38;
	[tilespmem:$0x11100] =	vst v63  }
0x435: {  	_ =	swait.ge [sflag:s3], $0x8  }
0x436: {  	[sflag:s3] =	ssyncset.done $0x0  }
0x437: {  	[sflag:s3] =	ssyncadd.s32 $0xFFFFFFF8  }
0x438: {  	v2 =	vld.msk [tilespmem:$0x0], $0xff;
	_ =	sdelay $0x4  }
0x439: {  	v3 =	vshll.u32 v2, $0x5  }
0x43a: {  	v2 =	vand.u32 $0x7, v2;
	v3 =	vand.u32 $0xFFFFFF00, v3  }
0x43b: {  	v2 =	vor.u32 v2, v3  }
0x43c: {  	v2 =	vperm.xlane v2, v0;
	_ =	sdelay $0x1  }
0x43d: {  	v2 =	vadd.s32 v1, v2;
	_ =	sdelay $0x3  }
0x43e: {  	s0 =	simm.s32 $0x100  }
0x43f: {  	[tilespmem:s0], [sflag:$0x1] =	stream.indirect_vreg.gather [hbm4b:s4+s2], $0x80, v2, vm0, $0xb8;
	[tilespmem:$0x11100] =	vst v63  }
0x440: {  	s22 =	simm.s32 $0x900  }
0x441: {  	[tilespmem:s22], [sflag:$0x1] =	stream.indirect_vreg.gather [hbm4b:s7+s2], $0x80, v2, vm0, $0xb8;
	[tilespmem:$0x11100] =	vst v63  }
0x442: {  	_ = 	snop  }
0x443: {  	[tilespmem:s1], [sflag:$0x1] =	stream.indirect_vreg.gather [hbm4b:s8+s2], $0x80, v2, vm0, $0xb8;
	[tilespmem:$0x11100] =	vst v63  }
0x444: {  	s23 =	simm.s32 $0x1900  }
0x445: {  	[tilespmem:s23], [sflag:$0x1] =	stream.indirect_vreg.gather [hbm4b:s9+s2], $0x80, v2, vm0, $0xb8;
	[tilespmem:$0x11100] =	vst v63  }
0x446: {  	s22 =	simm.s32 $0x2100  }
0x447: {  	[tilespmem:s22], [sflag:$0x1] =	stream.indirect_vreg.gather [hbm4b:s10+s2], $0x80, v2, vm0, $0xb8;
	[tilespmem:$0x11100] =	vst v63  }
0x448: {  	s21 =	simm.s32 $0x2900  }
0x449: {  	[tilespmem:s21], [sflag:$0x1] =	stream.indirect_vreg.gather [hbm4b:s11+s2], $0x80, v2, vm0, $0xb8;
	[tilespmem:$0x11100] =	vst v63  }
0x44a: {  	_ = 	snop  }
0x44b: {  	[tilespmem:s25], [sflag:$0x1] =	stream.indirect_vreg.gather [hbm4b:s12+s2], $0x80, v2, vm0, $0xb8;
	[tilespmem:$0x11100] =	vst v63  }
0x44c: {  	s23 =	simm.s32 $0x3900  }
0x44d: {  	[tilespmem:s23], [sflag:$0x1] =	stream.indirect_vreg.gather [hbm4b:s13+s2], $0x80, v2, vm0, $0xb8;
	[tilespmem:$0x11100] =	vst v63  }
0x44e: {  	s25 =	simm.s32 $0x4100  }
0x44f: {  	[tilespmem:s25], [sflag:$0x1] =	stream.indirect_vreg.gather [hbm4b:s26+s2], $0x80, v2, vm0, $0xb8;
	[tilespmem:$0x11100] =	vst v63  }
0x450: {  	s21 =	simm.s32 $0x4900  }
0x451: {  	[tilespmem:s21], [sflag:$0x1] =	stream.indirect_vreg.gather [hbm4b:s15+s2], $0x80, v2, vm0, $0xb8;
	[tilespmem:$0x11100] =	vst v63  }
0x452: {  	s23 =	simm.s32 $0x5100  }
0x453: {  	[tilespmem:s23], [sflag:$0x1] =	stream.indirect_vreg.gather [hbm4b:s16+s2], $0x80, v2, vm0, $0xb8;
	[tilespmem:$0x11100] =	vst v63  }
0x454: {  	s25 =	simm.s32 $0x5900  }
0x455: {  	[tilespmem:s25], [sflag:$0x1] =	stream.indirect_vreg.gather [hbm4b:s17+s2], $0x80, v2, vm0, $0xb8;
	[tilespmem:$0x11100] =	vst v63  }
0x456: {  	s21 =	simm.s32 $0x6100  }
0x457: {  	[tilespmem:s21], [sflag:$0x1] =	stream.indirect_vreg.gather [hbm4b:s18+s2], $0x80, v2, vm0, $0xb8;
	[tilespmem:$0x11100] =	vst v63  }
0x458: {  	s23 =	simm.s32 $0x6900  }
0x459: {  	[tilespmem:s23], [sflag:$0x1] =	stream.indirect_vreg.gather [hbm4b:s19+s2], $0x80, v2, vm0, $0xb8;
	[tilespmem:$0x11100] =	vst v63  }
0x45a: {  	s25 =	simm.s32 $0x7100  }
0x45b: {  	[tilespmem:s25], [sflag:$0x1] =	stream.indirect_vreg.gather [hbm4b:s20+s2], $0x80, v2, vm0, $0xb8;
	[tilespmem:$0x11100] =	vst v63  }
0x45c: {  	s21 =	simm.s32 $0x7900  }
0x45d: {  	[tilespmem:s21], [sflag:$0x1] =	stream.indirect_vreg.gather [hbm4b:s31+s2], $0x80, v2, vm0, $0xb8;
	[tilespmem:$0x11100] =	vst v63  }
0x45e: {  	s23 =	simm.s32 $0x8;
	s25 =	simm.s32 $0x10100  }
0x45f: {  	[tilespmem:s25], [sflag:$0x1] =	stream.indirect.gather [hbm4b:s5+s23], $0x80, s2, s23, $0xb8;
	[tilespmem:$0x11100] =	vst v63  }
0x460: {  	s28 =	simm.s32 $0x10900  }
0x461: {  	[tilespmem:s28], [sflag:$0x1] =	stream.indirect.gather [hbm4b:s6+s23], $0x80, s2, s23, $0xb8;
	[tilespmem:$0x11100] =	vst v63  }
0x462: {  	_ =	swait.ge [sflag:s24], $0x8000  }
0x463: {  	[sflag:s24] =	ssyncset.done $0x0  }
0x464: {  	[sflag:s24] =	ssyncadd.s32 $0xFFFF8000  }
0x465: {  	_ =	swait.ge [sflag:s24], $0x400  }
0x466: {  	[sflag:s24] =	ssyncset.done $0x0  }
0x467: {  	[sflag:s24] =	ssyncadd.s32 $0xFFFFFC00  }
0x468: {  	_ =	swait.ge [sflag:s24], $0x400  }
0x469: {  	s21 =	sld [smem:$0x7E0]  }
0x46a: {  	[sflag:s24] =	ssyncset.done $0x0  }
0x46b: {  	s23 =	sld [smem:$0x7E1];
	[sflag:s24] =	ssyncadd.s32 $0xFFFFFC00  }
0x46c: {  	[hbm4b:s21+s2] =	stream.linear.scatter [tilespmem:s0], [sflag:$0x2], $0x8000, $0x38;
	[tilespmem:$0x11100] =	vst v63  }
0x46d: {  	s0 =	sld [smem:$0x7E2]  }
0x46e: {  	[hbm4b:s23+s2] =	stream.linear.scatter [tilespmem:s25], [sflag:$0x2], $0x400, $0x38;
	[tilespmem:$0x11100] =	vst v63  }
0x46f: {  	_ = 	snop  }
0x470: {  	[hbm4b:s0+s2] =	stream.linear.scatter [tilespmem:s28], [sflag:$0x2], $0x400, $0x38;
	[tilespmem:$0x11100] =	vst v63  }
0x471: {  	_ =	swait.ge [sflag:s30], $0x8000  }
0x472: {  	[sflag:s30] =	ssyncset.done $0x0  }
0x473: {  	[sflag:s30] =	ssyncadd.s32 $0xFFFF8000  }
0x474: {  	_ =	swait.ge [sflag:s30], $0x400  }
0x475: {  	[sflag:s30] =	ssyncset.done $0x0  }
0x476: {  	[sflag:s30] =	ssyncadd.s32 $0xFFFFFC00  }
0x477: {  	_ =	swait.ge [sflag:s30], $0x400  }
0x478: {  	s23 =	sld [smem:$0x7E3]  }
0x479: {  	[sflag:s30] =	ssyncset.done $0x0  }
0x47a: {  	s29 =	simm.s32 $0x80;
	[sflag:s30] =	ssyncadd.s32 $0xFFFFFC00  }
0x47b: {  	[tilespmem:s29], [sflag:$0x3] =	stream.linear.gather [hbm4b:s23+s2], $0x8, $0x38;
	[tilespmem:$0x11100] =	vst v63  }
0x47c: {  	_ =	swait.ge [sflag:s3], $0x8  }
0x47d: {  	[sflag:s3] =	ssyncset.done $0x0  }
0x47e: {  	[sflag:s3] =	ssyncadd.s32 $0xFFFFFFF8  }
0x47f: {  	v2 =	vld.msk [tilespmem:$0x80], $0xff;
	_ =	sdelay $0x4  }
0x480: {  	v3 =	vshll.u32 v2, $0x5  }
0x481: {  	v2 =	vand.u32 $0x7, v2;
	v3 =	vand.u32 $0xFFFFFF00, v3  }
0x482: {  	v2 =	vor.u32 v2, v3  }
0x483: {  	v2 =	vperm.xlane v2, v0;
	_ =	sdelay $0x1  }
0x484: {  	v2 =	vadd.s32 v1, v2;
	_ =	sdelay $0x3  }
0x485: {  	s0 =	simm.s32 $0x8100  }
0x486: {  	[tilespmem:s0], [sflag:$0x1] =	stream.indirect_vreg.gather [hbm4b:s4+s2], $0x80, v2, vm0, $0xb8;
	[tilespmem:$0x11100] =	vst v63  }
0x487: {  	s25 =	simm.s32 $0x8900  }
0x488: {  	[tilespmem:s25], [sflag:$0x1] =	stream.indirect_vreg.gather [hbm4b:s7+s2], $0x80, v2, vm0, $0xb8;
	[tilespmem:$0x11100] =	vst v63  }
0x489: {  	s28 =	simm.s32 $0x9100  }
0x48a: {  	[tilespmem:s28], [sflag:$0x1] =	stream.indirect_vreg.gather [hbm4b:s8+s2], $0x80, v2, vm0, $0xb8;
	[tilespmem:$0x11100] =	vst v63  }
0x48b: {  	s23 =	simm.s32 $0x9900  }
0x48c: {  	[tilespmem:s23], [sflag:$0x1] =	stream.indirect_vreg.gather [hbm4b:s9+s2], $0x80, v2, vm0, $0xb8;
	[tilespmem:$0x11100] =	vst v63  }
0x48d: {  	s25 =	simm.s32 $0xA100  }
0x48e: {  	[tilespmem:s25], [sflag:$0x1] =	stream.indirect_vreg.gather [hbm4b:s10+s2], $0x80, v2, vm0, $0xb8;
	[tilespmem:$0x11100] =	vst v63  }
0x48f: {  	s28 =	simm.s32 $0xA900  }
0x490: {  	[tilespmem:s28], [sflag:$0x1] =	stream.indirect_vreg.gather [hbm4b:s11+s2], $0x80, v2, vm0, $0xb8;
	[tilespmem:$0x11100] =	vst v63  }
0x491: {  	s23 =	simm.s32 $0xB100  }
0x492: {  	[tilespmem:s23], [sflag:$0x1] =	stream.indirect_vreg.gather [hbm4b:s12+s2], $0x80, v2, vm0, $0xb8;
	[tilespmem:$0x11100] =	vst v63  }
0x493: {  	s25 =	simm.s32 $0xB900  }
0x494: {  	[tilespmem:s25], [sflag:$0x1] =	stream.indirect_vreg.gather [hbm4b:s13+s2], $0x80, v2, vm0, $0xb8;
	[tilespmem:$0x11100] =	vst v63  }
0x495: {  	s28 =	simm.s32 $0xC100  }
0x496: {  	[tilespmem:s28], [sflag:$0x1] =	stream.indirect_vreg.gather [hbm4b:s26+s2], $0x80, v2, vm0, $0xb8;
	[tilespmem:$0x11100] =	vst v63  }
0x497: {  	s23 =	simm.s32 $0xC900  }
0x498: {  	[tilespmem:s23], [sflag:$0x1] =	stream.indirect_vreg.gather [hbm4b:s15+s2], $0x80, v2, vm0, $0xb8;
	[tilespmem:$0x11100] =	vst v63  }
0x499: {  	s25 =	simm.s32 $0xD100  }
0x49a: {  	[tilespmem:s25], [sflag:$0x1] =	stream.indirect_vreg.gather [hbm4b:s16+s2], $0x80, v2, vm0, $0xb8;
	[tilespmem:$0x11100] =	vst v63  }
0x49b: {  	s28 =	simm.s32 $0xD900  }
0x49c: {  	[tilespmem:s28], [sflag:$0x1] =	stream.indirect_vreg.gather [hbm4b:s17+s2], $0x80, v2, vm0, $0xb8;
	[tilespmem:$0x11100] =	vst v63  }
0x49d: {  	s23 =	simm.s32 $0xE100  }
0x49e: {  	[tilespmem:s23], [sflag:$0x1] =	stream.indirect_vreg.gather [hbm4b:s18+s2], $0x80, v2, vm0, $0xb8;
	[tilespmem:$0x11100] =	vst v63  }
0x49f: {  	s25 =	simm.s32 $0xE900  }
0x4a0: {  	[tilespmem:s25], [sflag:$0x1] =	stream.indirect_vreg.gather [hbm4b:s19+s2], $0x80, v2, vm0, $0xb8;
	[tilespmem:$0x11100] =	vst v63  }
0x4a1: {  	s28 =	simm.s32 $0xF100  }
0x4a2: {  	[tilespmem:s28], [sflag:$0x1] =	stream.indirect_vreg.gather [hbm4b:s20+s2], $0x80, v2, vm0, $0xb8;
	[tilespmem:$0x11100] =	vst v63  }
0x4a3: {  	s23 =	simm.s32 $0xF900  }
0x4a4: {  	[tilespmem:s23], [sflag:$0x1] =	stream.indirect_vreg.gather [hbm4b:s31+s2], $0x80, v2, vm0, $0xb8;
	[tilespmem:$0x11100] =	vst v63  }
0x4a5: {  	s14 =	simm.s32 $0x10500;
	s1 =	simm.s32 $0x8  }
0x4a6: {  	[tilespmem:s14], [sflag:$0x1] =	stream.indirect.gather [hbm4b:s5+s1], $0x80, s29, s1, $0xb8;
	[tilespmem:$0x11100] =	vst v63  }
0x4a7: {  	s28 =	simm.s32 $0x10D00  }
0x4a8: {  	[tilespmem:s28], [sflag:$0x1] =	stream.indirect.gather [hbm4b:s6+s1], $0x80, s29, s1, $0xb8;
	[tilespmem:$0x11100] =	vst v63  }
0x4a9: {  	_ =	swait.ge [sflag:s24], $0x8000  }
0x4aa: {  	[sflag:s24] =	ssyncset.done $0x0  }
0x4ab: {  	[sflag:s24] =	ssyncadd.s32 $0xFFFF8000  }
0x4ac: {  	_ =	swait.ge [sflag:s24], $0x400  }
0x4ad: {  	[sflag:s24] =	ssyncset.done $0x0  }
0x4ae: {  	[sflag:s24] =	ssyncadd.s32 $0xFFFFFC00  }
0x4af: {  	_ =	swait.ge [sflag:s24], $0x400  }
0x4b0: {  	s25 =	sld [smem:$0x7E4]  }
0x4b1: {  	[sflag:s24] =	ssyncset.done $0x0  }
0x4b2: {  	s29 =	sld [smem:$0x7E5];
	[sflag:s24] =	ssyncadd.s32 $0xFFFFFC00  }
0x4b3: {  	[hbm4b:s25+s2] =	stream.linear.scatter [tilespmem:s0], [sflag:$0x2], $0x8000, $0x38;
	[tilespmem:$0x11100] =	vst v63  }
0x4b4: {  	s1 =	sld [smem:$0x7E6]  }
0x4b5: {  	[hbm4b:s29+s2] =	stream.linear.scatter [tilespmem:s14], [sflag:$0x2], $0x400, $0x38;
	[tilespmem:$0x11100] =	vst v63  }
0x4b6: {  	_ = 	snop  }
0x4b7: {  	[hbm4b:s1+s2] =	stream.linear.scatter [tilespmem:s28], [sflag:$0x2], $0x400, $0x38;
	[tilespmem:$0x11100] =	vst v63  }
0x4b8: {  	_ =	swait.ge [sflag:s30], $0x8000  }
0x4b9: {  	[sflag:s30] =	ssyncset.done $0x0  }
0x4ba: {  	[sflag:s30] =	ssyncadd.s32 $0xFFFF8000  }
0x4bb: {  	_ =	swait.ge [sflag:s30], $0x400  }
0x4bc: {  	[sflag:s30] =	ssyncset.done $0x0  }
0x4bd: {  	[sflag:s30] =	ssyncadd.s32 $0xFFFFFC00  }
0x4be: {  	_ =	swait.ge [sflag:s30], $0x400  }
0x4bf: {  	s14 =	sld [smem:$0x7E7]  }
0x4c0: {  	[sflag:s30] =	ssyncset.done $0x0  }
0x4c1: {  	[sflag:s30] =	ssyncadd.s32 $0xFFFFFC00  }
0x4c2: {  	[tilespmem:s2], [sflag:$0x3] =	stream.linear.gather [hbm4b:s14+s2], $0x8, $0x38;
	[tilespmem:$0x11100] =	vst v63  }
0x4c3: {  	_ =	swait.ge [sflag:s3], $0x8  }
0x4c4: {  	[sflag:s3] =	ssyncset.done $0x0  }
0x4c5: {  	[sflag:s3] =	ssyncadd.s32 $0xFFFFFFF8  }
0x4c6: {  	v2 =	vld.msk [tilespmem:$0x0], $0xff;
	_ =	sdelay $0x4  }
0x4c7: {  	v3 =	vshll.u32 v2, $0x5  }
0x4c8: {  	v2 =	vand.u32 $0x7, v2;
	v3 =	vand.u32 $0xFFFFFF00, v3  }
0x4c9: {  	v2 =	vor.u32 v2, v3  }
0x4ca: {  	v2 =	vperm.xlane v2, v0;
	_ =	sdelay $0x1  }
0x4cb: {  	v2 =	vadd.s32 v1, v2;
	_ =	sdelay $0x3  }
0x4cc: {  	s14 =	simm.s32 $0x100  }
0x4cd: {  	[tilespmem:s14], [sflag:$0x1] =	stream.indirect_vreg.gather [hbm4b:s4+s2], $0x80, v2, vm0, $0xb8;
	[tilespmem:$0x11100] =	vst v63  }
0x4ce: {  	s21 =	simm.s32 $0x900  }
0x4cf: {  	[tilespmem:s21], [sflag:$0x1] =	stream.indirect_vreg.gather [hbm4b:s7+s2], $0x80, v2, vm0, $0xb8;
	[tilespmem:$0x11100] =	vst v63  }
0x4d0: {  	s23 =	simm.s32 $0x1100  }
0x4d1: {  	[tilespmem:s23], [sflag:$0x1] =	stream.indirect_vreg.gather [hbm4b:s8+s2], $0x80, v2, vm0, $0xb8;
	[tilespmem:$0x11100] =	vst v63  }
0x4d2: {  	s25 =	simm.s32 $0x1900  }
0x4d3: {  	[tilespmem:s25], [sflag:$0x1] =	stream.indirect_vreg.gather [hbm4b:s9+s2], $0x80, v2, vm0, $0xb8;
	[tilespmem:$0x11100] =	vst v63  }
0x4d4: {  	_ = 	snop  }
0x4d5: {  	[tilespmem:s22], [sflag:$0x1] =	stream.indirect_vreg.gather [hbm4b:s10+s2], $0x80, v2, vm0, $0xb8;
	[tilespmem:$0x11100] =	vst v63  }
0x4d6: {  	s28 =	simm.s32 $0x2900  }
0x4d7: {  	[tilespmem:s28], [sflag:$0x1] =	stream.indirect_vreg.gather [hbm4b:s11+s2], $0x80, v2, vm0, $0xb8;
	[tilespmem:$0x11100] =	vst v63  }
0x4d8: {  	s29 =	simm.s32 $0x3100  }
0x4d9: {  	[tilespmem:s29], [sflag:$0x1] =	stream.indirect_vreg.gather [hbm4b:s12+s2], $0x80, v2, vm0, $0xb8;
	[tilespmem:$0x11100] =	vst v63  }
0x4da: {  	s1 =	simm.s32 $0x3900  }
0x4db: {  	[tilespmem:s1], [sflag:$0x1] =	stream.indirect_vreg.gather [hbm4b:s13+s2], $0x80, v2, vm0, $0xb8;
	[tilespmem:$0x11100] =	vst v63  }
0x4dc: {  	s21 =	simm.s32 $0x4100  }
0x4dd: {  	[tilespmem:s21], [sflag:$0x1] =	stream.indirect_vreg.gather [hbm4b:s26+s2], $0x80, v2, vm0, $0xb8;
	[tilespmem:$0x11100] =	vst v63  }
0x4de: {  	s22 =	simm.s32 $0x4900  }
0x4df: {  	[tilespmem:s22], [sflag:$0x1] =	stream.indirect_vreg.gather [hbm4b:s15+s2], $0x80, v2, vm0, $0xb8;
	[tilespmem:$0x11100] =	vst v63  }
0x4e0: {  	s23 =	simm.s32 $0x5100  }
0x4e1: {  	[tilespmem:s23], [sflag:$0x1] =	stream.indirect_vreg.gather [hbm4b:s16+s2], $0x80, v2, vm0, $0xb8;
	[tilespmem:$0x11100] =	vst v63  }
0x4e2: {  	s25 =	simm.s32 $0x5900  }
0x4e3: {  	[tilespmem:s25], [sflag:$0x1] =	stream.indirect_vreg.gather [hbm4b:s17+s2], $0x80, v2, vm0, $0xb8;
	[tilespmem:$0x11100] =	vst v63  }
0x4e4: {  	s28 =	simm.s32 $0x6100  }
0x4e5: {  	[tilespmem:s28], [sflag:$0x1] =	stream.indirect_vreg.gather [hbm4b:s18+s2], $0x80, v2, vm0, $0xb8;
	[tilespmem:$0x11100] =	vst v63  }
0x4e6: {  	s29 =	simm.s32 $0x6900  }
0x4e7: {  	[tilespmem:s29], [sflag:$0x1] =	stream.indirect_vreg.gather [hbm4b:s19+s2], $0x80, v2, vm0, $0xb8;
	[tilespmem:$0x11100] =	vst v63  }
0x4e8: {  	s0 =	simm.s32 $0x7100  }
0x4e9: {  	[tilespmem:s0], [sflag:$0x1] =	stream.indirect_vreg.gather [hbm4b:s20+s2], $0x80, v2, vm0, $0xb8;
	[tilespmem:$0x11100] =	vst v63  }
0x4ea: {  	s21 =	simm.s32 $0x7900  }
0x4eb: {  	[tilespmem:s21], [sflag:$0x1] =	stream.indirect_vreg.gather [hbm4b:s31+s2], $0x80, v2, vm0, $0xb8;
	[tilespmem:$0x11100] =	vst v63  }
0x4ec: {  	s22 =	simm.s32 $0x8;
	s23 =	simm.s32 $0x10100  }
0x4ed: {  	[tilespmem:s23], [sflag:$0x1] =	stream.indirect.gather [hbm4b:s5+s22], $0x80, s2, s22, $0xb8;
	[tilespmem:$0x11100] =	vst v63  }
0x4ee: {  	s0 =	simm.s32 $0x10900  }
0x4ef: {  	[tilespmem:s0], [sflag:$0x1] =	stream.indirect.gather [hbm4b:s6+s22], $0x80, s2, s22, $0xb8;
	[tilespmem:$0x11100] =	vst v63  }
0x4f0: {  	_ =	swait.ge [sflag:s24], $0x8000  }
0x4f1: {  	[sflag:s24] =	ssyncset.done $0x0  }
0x4f2: {  	[sflag:s24] =	ssyncadd.s32 $0xFFFF8000  }
0x4f3: {  	_ =	swait.ge [sflag:s24], $0x400  }
0x4f4: {  	[sflag:s24] =	ssyncset.done $0x0  }
0x4f5: {  	[sflag:s24] =	ssyncadd.s32 $0xFFFFFC00  }
0x4f6: {  	_ =	swait.ge [sflag:s24], $0x400  }
0x4f7: {  	s28 =	sld [smem:$0x7E8]  }
0x4f8: {  	[sflag:s24] =	ssyncset.done $0x0  }
0x4f9: {  	s1 =	sld [smem:$0x7E9];
	[sflag:s24] =	ssyncadd.s32 $0xFFFFFC00  }
0x4fa: {  	[hbm4b:s28+s2] =	stream.linear.scatter [tilespmem:s14], [sflag:$0x2], $0x8000, $0x38;
	[tilespmem:$0x11100] =	vst v63  }
0x4fb: {  	s28 =	sld [smem:$0x7EA]  }
0x4fc: {  	[hbm4b:s1+s2] =	stream.linear.scatter [tilespmem:s23], [sflag:$0x2], $0x400, $0x38;
	[tilespmem:$0x11100] =	vst v63  }
0x4fd: {  	_ = 	snop  }
0x4fe: {  	[hbm4b:s28+s2] =	stream.linear.scatter [tilespmem:s0], [sflag:$0x2], $0x400, $0x38;
	[tilespmem:$0x11100] =	vst v63  }
0x4ff: {  	_ =	swait.ge [sflag:s30], $0x8000  }
0x500: {  	[sflag:s30] =	ssyncset.done $0x0  }
0x501: {  	[sflag:s30] =	ssyncadd.s32 $0xFFFF8000  }
0x502: {  	_ =	swait.ge [sflag:s30], $0x400  }
0x503: {  	[sflag:s30] =	ssyncset.done $0x0  }
0x504: {  	[sflag:s30] =	ssyncadd.s32 $0xFFFFFC00  }
0x505: {  	_ =	swait.ge [sflag:s30], $0x400  }
0x506: {  	s1 =	sld [smem:$0x7EB]  }
0x507: {  	[sflag:s30] =	ssyncset.done $0x0  }
0x508: {  	s23 =	simm.s32 $0x80;
	[sflag:s30] =	ssyncadd.s32 $0xFFFFFC00  }
0x509: {  	[tilespmem:s23], [sflag:$0x3] =	stream.linear.gather [hbm4b:s1+s2], $0x8, $0x38;
	[tilespmem:$0x11100] =	vst v63  }
0x50a: {  	_ =	swait.ge [sflag:s3], $0x8  }
0x50b: {  	[sflag:s3] =	ssyncset.done $0x0  }
0x50c: {  	[sflag:s3] =	ssyncadd.s32 $0xFFFFFFF8  }
0x50d: {  	v2 =	vld.msk [tilespmem:$0x80], $0xff;
	_ =	sdelay $0x4  }
0x50e: {  	v3 =	vshll.u32 v2, $0x5  }
0x50f: {  	v2 =	vand.u32 $0x7, v2;
	v3 =	vand.u32 $0xFFFFFF00, v3  }
0x510: {  	v2 =	vor.u32 v2, v3  }
0x511: {  	v2 =	vperm.xlane v2, v0;
	_ =	sdelay $0x1  }
0x512: {  	v2 =	vadd.s32 v1, v2;
	_ =	sdelay $0x3  }
0x513: {  	s28 =	simm.s32 $0x8100  }
0x514: {  	[tilespmem:s28], [sflag:$0x1] =	stream.indirect_vreg.gather [hbm4b:s4+s2], $0x80, v2, vm0, $0xb8;
	[tilespmem:$0x11100] =	vst v63  }
0x515: {  	s21 =	simm.s32 $0x8900  }
0x516: {  	[tilespmem:s21], [sflag:$0x1] =	stream.indirect_vreg.gather [hbm4b:s7+s2], $0x80, v2, vm0, $0xb8;
	[tilespmem:$0x11100] =	vst v63  }
0x517: {  	s1 =	simm.s32 $0x9100  }
0x518: {  	[tilespmem:s1], [sflag:$0x1] =	stream.indirect_vreg.gather [hbm4b:s8+s2], $0x80, v2, vm0, $0xb8;
	[tilespmem:$0x11100] =	vst v63  }
0x519: {  	s21 =	simm.s32 $0x9900  }
0x51a: {  	[tilespmem:s21], [sflag:$0x1] =	stream.indirect_vreg.gather [hbm4b:s9+s2], $0x80, v2, vm0, $0xb8;
	[tilespmem:$0x11100] =	vst v63  }
0x51b: {  	s1 =	simm.s32 $0xA100  }
0x51c: {  	[tilespmem:s1], [sflag:$0x1] =	stream.indirect_vreg.gather [hbm4b:s10+s2], $0x80, v2, vm0, $0xb8;
	[tilespmem:$0x11100] =	vst v63  }
0x51d: {  	s21 =	simm.s32 $0xA900  }
0x51e: {  	[tilespmem:s21], [sflag:$0x1] =	stream.indirect_vreg.gather [hbm4b:s11+s2], $0x80, v2, vm0, $0xb8;
	[tilespmem:$0x11100] =	vst v63  }
0x51f: {  	s1 =	simm.s32 $0xB100  }
0x520: {  	[tilespmem:s1], [sflag:$0x1] =	stream.indirect_vreg.gather [hbm4b:s12+s2], $0x80, v2, vm0, $0xb8;
	[tilespmem:$0x11100] =	vst v63  }
0x521: {  	s21 =	simm.s32 $0xB900  }
0x522: {  	[tilespmem:s21], [sflag:$0x1] =	stream.indirect_vreg.gather [hbm4b:s13+s2], $0x80, v2, vm0, $0xb8;
	[tilespmem:$0x11100] =	vst v63  }
0x523: {  	s1 =	simm.s32 $0xC100  }
0x524: {  	[tilespmem:s1], [sflag:$0x1] =	stream.indirect_vreg.gather [hbm4b:s26+s2], $0x80, v2, vm0, $0xb8;
	[tilespmem:$0x11100] =	vst v63  }
0x525: {  	s21 =	simm.s32 $0xC900  }
0x526: {  	[tilespmem:s21], [sflag:$0x1] =	stream.indirect_vreg.gather [hbm4b:s15+s2], $0x80, v2, vm0, $0xb8;
	[tilespmem:$0x11100] =	vst v63  }
0x527: {  	s1 =	simm.s32 $0xD100  }
0x528: {  	[tilespmem:s1], [sflag:$0x1] =	stream.indirect_vreg.gather [hbm4b:s16+s2], $0x80, v2, vm0, $0xb8;
	[tilespmem:$0x11100] =	vst v63  }
0x529: {  	s21 =	simm.s32 $0xD900  }
0x52a: {  	[tilespmem:s21], [sflag:$0x1] =	stream.indirect_vreg.gather [hbm4b:s17+s2], $0x80, v2, vm0, $0xb8;
	[tilespmem:$0x11100] =	vst v63  }
0x52b: {  	s1 =	simm.s32 $0xE100  }
0x52c: {  	[tilespmem:s1], [sflag:$0x1] =	stream.indirect_vreg.gather [hbm4b:s18+s2], $0x80, v2, vm0, $0xb8;
	[tilespmem:$0x11100] =	vst v63  }
0x52d: {  	s21 =	simm.s32 $0xE900  }
0x52e: {  	[tilespmem:s21], [sflag:$0x1] =	stream.indirect_vreg.gather [hbm4b:s19+s2], $0x80, v2, vm0, $0xb8;
	[tilespmem:$0x11100] =	vst v63  }
0x52f: {  	s1 =	simm.s32 $0xF100  }
0x530: {  	[tilespmem:s1], [sflag:$0x1] =	stream.indirect_vreg.gather [hbm4b:s20+s2], $0x80, v2, vm0, $0xb8;
	[tilespmem:$0x11100] =	vst v63  }
0x531: {  	s21 =	simm.s32 $0xF900  }
0x532: {  	[tilespmem:s21], [sflag:$0x1] =	stream.indirect_vreg.gather [hbm4b:s31+s2], $0x80, v2, vm0, $0xb8;
	[tilespmem:$0x11100] =	vst v63  }
0x533: {  	s29 =	simm.s32 $0x8;
	s0 =	simm.s32 $0x10500  }
0x534: {  	[tilespmem:s0], [sflag:$0x1] =	stream.indirect.gather [hbm4b:s5+s29], $0x80, s23, s29, $0xb8;
	[tilespmem:$0x11100] =	vst v63  }
0x535: {  	s1 =	simm.s32 $0x10D00  }
0x536: {  	[tilespmem:s1], [sflag:$0x1] =	stream.indirect.gather [hbm4b:s6+s29], $0x80, s23, s29, $0xb8;
	[tilespmem:$0x11100] =	vst v63  }
0x537: {  	_ =	swait.ge [sflag:s24], $0x8000  }
0x538: {  	[sflag:s24] =	ssyncset.done $0x0  }
0x539: {  	[sflag:s24] =	ssyncadd.s32 $0xFFFF8000  }
0x53a: {  	_ =	swait.ge [sflag:s24], $0x400  }
0x53b: {  	[sflag:s24] =	ssyncset.done $0x0  }
0x53c: {  	[sflag:s24] =	ssyncadd.s32 $0xFFFFFC00  }
0x53d: {  	_ =	swait.ge [sflag:s24], $0x400  }
0x53e: {  	s21 =	sld [smem:$0x7EC]  }
0x53f: {  	[sflag:s24] =	ssyncset.done $0x0  }
0x540: {  	s23 =	sld [smem:$0x7ED];
	[sflag:s24] =	ssyncadd.s32 $0xFFFFFC00  }
0x541: {  	[hbm4b:s21+s2] =	stream.linear.scatter [tilespmem:s28], [sflag:$0x2], $0x8000, $0x38;
	[tilespmem:$0x11100] =	vst v63  }
0x542: {  	s21 =	sld [smem:$0x7EF]  }
0x543: {  	[hbm4b:s23+s2] =	stream.linear.scatter [tilespmem:s0], [sflag:$0x2], $0x400, $0x38;
	[tilespmem:$0x11100] =	vst v63  }
0x544: {  	_ = 	snop  }
0x545: {  	[hbm4b:s21+s2] =	stream.linear.scatter [tilespmem:s1], [sflag:$0x2], $0x400, $0x38;
	[tilespmem:$0x11100] =	vst v63  }
0x546: {  	_ =	swait.ge [sflag:s30], $0x8000  }
0x547: {  	[sflag:s30] =	ssyncset.done $0x0  }
0x548: {  	[sflag:s30] =	ssyncadd.s32 $0xFFFF8000  }
0x549: {  	_ =	swait.ge [sflag:s30], $0x400  }
0x54a: {  	[sflag:s30] =	ssyncset.done $0x0  }
0x54b: {  	[sflag:s30] =	ssyncadd.s32 $0xFFFFFC00  }
0x54c: {  	_ =	swait.ge [sflag:s30], $0x400  }
0x54d: {  	s1 =	sld [smem:$0x7F1]  }
0x54e: {  	[sflag:s30] =	ssyncset.done $0x0  }
0x54f: {  	[sflag:s30] =	ssyncadd.s32 $0xFFFFFC00  }
0x550: {  	[tilespmem:s2], [sflag:$0x3] =	stream.linear.gather [hbm4b:s1+s2], $0x8, $0x38;
	[tilespmem:$0x11100] =	vst v63  }
0x551: {  	_ =	swait.ge [sflag:s3], $0x8  }
0x552: {  	[sflag:s3] =	ssyncset.done $0x0  }
0x553: {  	[sflag:s3] =	ssyncadd.s32 $0xFFFFFFF8  }
0x554: {  	v2 =	vld.msk [tilespmem:$0x0], $0xff;
	_ =	sdelay $0x4  }
0x555: {  	v3 =	vshll.u32 v2, $0x5  }
0x556: {  	v2 =	vand.u32 $0x7, v2;
	v3 =	vand.u32 $0xFFFFFF00, v3  }
0x557: {  	v2 =	vor.u32 v2, v3  }
0x558: {  	v2 =	vperm.xlane v2, v0;
	_ =	sdelay $0x1  }
0x559: {  	v2 =	vadd.s32 v1, v2;
	_ =	sdelay $0x3  }
0x55a: {  	s22 =	simm.s32 $0x100  }
0x55b: {  	[tilespmem:s22], [sflag:$0x1] =	stream.indirect_vreg.gather [hbm4b:s4+s2], $0x80, v2, vm0, $0xb8;
	[tilespmem:$0x11100] =	vst v63  }
0x55c: {  	s21 =	simm.s32 $0x900  }
0x55d: {  	[tilespmem:s21], [sflag:$0x1] =	stream.indirect_vreg.gather [hbm4b:s7+s2], $0x80, v2, vm0, $0xb8;
	[tilespmem:$0x11100] =	vst v63  }
0x55e: {  	s23 =	simm.s32 $0x1100  }
0x55f: {  	[tilespmem:s23], [sflag:$0x1] =	stream.indirect_vreg.gather [hbm4b:s8+s2], $0x80, v2, vm0, $0xb8;
	[tilespmem:$0x11100] =	vst v63  }
0x560: {  	s1 =	simm.s32 $0x1900  }
0x561: {  	[tilespmem:s1], [sflag:$0x1] =	stream.indirect_vreg.gather [hbm4b:s9+s2], $0x80, v2, vm0, $0xb8;
	[tilespmem:$0x11100] =	vst v63  }
0x562: {  	s21 =	simm.s32 $0x2100  }
0x563: {  	[tilespmem:s21], [sflag:$0x1] =	stream.indirect_vreg.gather [hbm4b:s10+s2], $0x80, v2, vm0, $0xb8;
	[tilespmem:$0x11100] =	vst v63  }
0x564: {  	s23 =	simm.s32 $0x2900  }
0x565: {  	[tilespmem:s23], [sflag:$0x1] =	stream.indirect_vreg.gather [hbm4b:s11+s2], $0x80, v2, vm0, $0xb8;
	[tilespmem:$0x11100] =	vst v63  }
0x566: {  	s1 =	simm.s32 $0x3100  }
0x567: {  	[tilespmem:s1], [sflag:$0x1] =	stream.indirect_vreg.gather [hbm4b:s12+s2], $0x80, v2, vm0, $0xb8;
	[tilespmem:$0x11100] =	vst v63  }
0x568: {  	s21 =	simm.s32 $0x3900  }
0x569: {  	[tilespmem:s21], [sflag:$0x1] =	stream.indirect_vreg.gather [hbm4b:s13+s2], $0x80, v2, vm0, $0xb8;
	[tilespmem:$0x11100] =	vst v63  }
0x56a: {  	s23 =	simm.s32 $0x4100  }
0x56b: {  	[tilespmem:s23], [sflag:$0x1] =	stream.indirect_vreg.gather [hbm4b:s26+s2], $0x80, v2, vm0, $0xb8;
	[tilespmem:$0x11100] =	vst v63  }
0x56c: {  	s1 =	simm.s32 $0x4900  }
0x56d: {  	[tilespmem:s1], [sflag:$0x1] =	stream.indirect_vreg.gather [hbm4b:s15+s2], $0x80, v2, vm0, $0xb8;
	[tilespmem:$0x11100] =	vst v63  }
0x56e: {  	s21 =	simm.s32 $0x5100  }
0x56f: {  	[tilespmem:s21], [sflag:$0x1] =	stream.indirect_vreg.gather [hbm4b:s16+s2], $0x80, v2, vm0, $0xb8;
	[tilespmem:$0x11100] =	vst v63  }
0x570: {  	s23 =	simm.s32 $0x5900  }
0x571: {  	[tilespmem:s23], [sflag:$0x1] =	stream.indirect_vreg.gather [hbm4b:s17+s2], $0x80, v2, vm0, $0xb8;
	[tilespmem:$0x11100] =	vst v63  }
0x572: {  	s1 =	simm.s32 $0x6100  }
0x573: {  	[tilespmem:s1], [sflag:$0x1] =	stream.indirect_vreg.gather [hbm4b:s18+s2], $0x80, v2, vm0, $0xb8;
	[tilespmem:$0x11100] =	vst v63  }
0x574: {  	s21 =	simm.s32 $0x6900  }
0x575: {  	[tilespmem:s21], [sflag:$0x1] =	stream.indirect_vreg.gather [hbm4b:s19+s2], $0x80, v2, vm0, $0xb8;
	[tilespmem:$0x11100] =	vst v63  }
0x576: {  	s23 =	simm.s32 $0x7100  }
0x577: {  	[tilespmem:s23], [sflag:$0x1] =	stream.indirect_vreg.gather [hbm4b:s20+s2], $0x80, v2, vm0, $0xb8;
	[tilespmem:$0x11100] =	vst v63  }
0x578: {  	s1 =	simm.s32 $0x7900  }
0x579: {  	[tilespmem:s1], [sflag:$0x1] =	stream.indirect_vreg.gather [hbm4b:s31+s2], $0x80, v2, vm0, $0xb8;
	[tilespmem:$0x11100] =	vst v63  }
0x57a: {  	s25 =	simm.s32 $0x10100;
	s21 =	simm.s32 $0x8  }
0x57b: {  	[tilespmem:s25], [sflag:$0x1] =	stream.indirect.gather [hbm4b:s5+s21], $0x80, s2, s21, $0xb8;
	[tilespmem:$0x11100] =	vst v63  }
0x57c: {  	s14 =	simm.s32 $0x10900  }
0x57d: {  	[tilespmem:s14], [sflag:$0x1] =	stream.indirect.gather [hbm4b:s6+s21], $0x80, s2, s21, $0xb8;
	[tilespmem:$0x11100] =	vst v63  }
0x57e: {  	_ =	swait.ge [sflag:s24], $0x8000  }
0x57f: {  	[sflag:s24] =	ssyncset.done $0x0  }
0x580: {  	[sflag:s24] =	ssyncadd.s32 $0xFFFF8000  }
0x581: {  	_ =	swait.ge [sflag:s24], $0x400  }
0x582: {  	[sflag:s24] =	ssyncset.done $0x0  }
0x583: {  	[sflag:s24] =	ssyncadd.s32 $0xFFFFFC00  }
0x584: {  	_ =	swait.ge [sflag:s24], $0x400  }
0x585: {  	s23 =	sld [smem:$0x7F3]  }
0x586: {  	[sflag:s24] =	ssyncset.done $0x0  }
0x587: {  	s1 =	sld [smem:$0x7F4];
	[sflag:s24] =	ssyncadd.s32 $0xFFFFFC00  }
0x588: {  	[hbm4b:s23+s2] =	stream.linear.scatter [tilespmem:s22], [sflag:$0x2], $0x8000, $0x38;
	[tilespmem:$0x11100] =	vst v63  }
0x589: {  	s22 =	sld [smem:$0x7F5]  }
0x58a: {  	[hbm4b:s1+s2] =	stream.linear.scatter [tilespmem:s25], [sflag:$0x2], $0x400, $0x38;
	[tilespmem:$0x11100] =	vst v63  }
0x58b: {  	_ = 	snop  }
0x58c: {  	[hbm4b:s22+s2] =	stream.linear.scatter [tilespmem:s14], [sflag:$0x2], $0x400, $0x38;
	[tilespmem:$0x11100] =	vst v63  }
0x58d: {  	_ =	swait.ge [sflag:s30], $0x8000  }
0x58e: {  	[sflag:s30] =	ssyncset.done $0x0  }
0x58f: {  	[sflag:s30] =	ssyncadd.s32 $0xFFFF8000  }
0x590: {  	_ =	swait.ge [sflag:s30], $0x400  }
0x591: {  	[sflag:s30] =	ssyncset.done $0x0  }
0x592: {  	[sflag:s30] =	ssyncadd.s32 $0xFFFFFC00  }
0x593: {  	_ =	swait.ge [sflag:s30], $0x400  }
0x594: {  	s23 =	sld [smem:$0x7F6]  }
0x595: {  	[sflag:s30] =	ssyncset.done $0x0  }
0x596: {  	s29 =	simm.s32 $0x80;
	[sflag:s30] =	ssyncadd.s32 $0xFFFFFC00  }
0x597: {  	[tilespmem:s29], [sflag:$0x3] =	stream.linear.gather [hbm4b:s23+s2], $0x8, $0x38;
	[tilespmem:$0x11100] =	vst v63  }
0x598: {  	_ =	swait.ge [sflag:s3], $0x8  }
0x599: {  	[sflag:s3] =	ssyncset.done $0x0  }
0x59a: {  	[sflag:s3] =	ssyncadd.s32 $0xFFFFFFF8  }
0x59b: {  	v2 =	vld.msk [tilespmem:$0x80], $0xff;
	_ =	sdelay $0x4  }
0x59c: {  	v3 =	vshll.u32 v2, $0x5  }
0x59d: {  	v2 =	vand.u32 $0x7, v2;
	v3 =	vand.u32 $0xFFFFFF00, v3  }
0x59e: {  	v2 =	vor.u32 v2, v3  }
0x59f: {  	v2 =	vperm.xlane v2, v0;
	_ =	sdelay $0x1  }
0x5a0: {  	v2 =	vadd.s32 v1, v2;
	_ =	sdelay $0x3  }
0x5a1: {  	s28 =	simm.s32 $0x8100  }
0x5a2: {  	[tilespmem:s28], [sflag:$0x1] =	stream.indirect_vreg.gather [hbm4b:s4+s2], $0x80, v2, vm0, $0xb8;
	[tilespmem:$0x11100] =	vst v63  }
0x5a3: {  	s25 =	simm.s32 $0x8900  }
0x5a4: {  	[tilespmem:s25], [sflag:$0x1] =	stream.indirect_vreg.gather [hbm4b:s7+s2], $0x80, v2, vm0, $0xb8;
	[tilespmem:$0x11100] =	vst v63  }
0x5a5: {  	s4 =	simm.s32 $0x9100  }
0x5a6: {  	[tilespmem:s4], [sflag:$0x1] =	stream.indirect_vreg.gather [hbm4b:s8+s2], $0x80, v2, vm0, $0xb8;
	[tilespmem:$0x11100] =	vst v63  }
0x5a7: {  	s7 =	simm.s32 $0x9900  }
0x5a8: {  	[tilespmem:s7], [sflag:$0x1] =	stream.indirect_vreg.gather [hbm4b:s9+s2], $0x80, v2, vm0, $0xb8;
	[tilespmem:$0x11100] =	vst v63  }
0x5a9: {  	s8 =	simm.s32 $0xA100  }
0x5aa: {  	[tilespmem:s8], [sflag:$0x1] =	stream.indirect_vreg.gather [hbm4b:s10+s2], $0x80, v2, vm0, $0xb8;
	[tilespmem:$0x11100] =	vst v63  }
0x5ab: {  	s9 =	simm.s32 $0xA900  }
0x5ac: {  	[tilespmem:s9], [sflag:$0x1] =	stream.indirect_vreg.gather [hbm4b:s11+s2], $0x80, v2, vm0, $0xb8;
	[tilespmem:$0x11100] =	vst v63  }
0x5ad: {  	s10 =	simm.s32 $0xB100  }
0x5ae: {  	[tilespmem:s10], [sflag:$0x1] =	stream.indirect_vreg.gather [hbm4b:s12+s2], $0x80, v2, vm0, $0xb8;
	[tilespmem:$0x11100] =	vst v63  }
0x5af: {  	s11 =	simm.s32 $0xB900  }
0x5b0: {  	[tilespmem:s11], [sflag:$0x1] =	stream.indirect_vreg.gather [hbm4b:s13+s2], $0x80, v2, vm0, $0xb8;
	[tilespmem:$0x11100] =	vst v63  }
0x5b1: {  	s12 =	simm.s32 $0xC100  }
0x5b2: {  	[tilespmem:s12], [sflag:$0x1] =	stream.indirect_vreg.gather [hbm4b:s26+s2], $0x80, v2, vm0, $0xb8;
	[tilespmem:$0x11100] =	vst v63  }
0x5b3: {  	s13 =	simm.s32 $0xC900  }
0x5b4: {  	[tilespmem:s13], [sflag:$0x1] =	stream.indirect_vreg.gather [hbm4b:s15+s2], $0x80, v2, vm0, $0xb8;
	[tilespmem:$0x11100] =	vst v63  }
0x5b5: {  	s14 =	simm.s32 $0xD100  }
0x5b6: {  	[tilespmem:s14], [sflag:$0x1] =	stream.indirect_vreg.gather [hbm4b:s16+s2], $0x80, v2, vm0, $0xb8;
	[tilespmem:$0x11100] =	vst v63  }
0x5b7: {  	s15 =	simm.s32 $0xD900  }
0x5b8: {  	[tilespmem:s15], [sflag:$0x1] =	stream.indirect_vreg.gather [hbm4b:s17+s2], $0x80, v2, vm0, $0xb8;
	[tilespmem:$0x11100] =	vst v63  }
0x5b9: {  	s16 =	simm.s32 $0xE100  }
0x5ba: {  	[tilespmem:s16], [sflag:$0x1] =	stream.indirect_vreg.gather [hbm4b:s18+s2], $0x80, v2, vm0, $0xb8;
	[tilespmem:$0x11100] =	vst v63  }
0x5bb: {  	s17 =	simm.s32 $0xE900  }
0x5bc: {  	[tilespmem:s17], [sflag:$0x1] =	stream.indirect_vreg.gather [hbm4b:s19+s2], $0x80, v2, vm0, $0xb8;
	[tilespmem:$0x11100] =	vst v63  }
0x5bd: {  	s18 =	simm.s32 $0xF100  }
0x5be: {  	[tilespmem:s18], [sflag:$0x1] =	stream.indirect_vreg.gather [hbm4b:s20+s2], $0x80, v2, vm0, $0xb8;
	[tilespmem:$0x11100] =	vst v63  }
0x5bf: {  	s19 =	simm.s32 $0xF900  }
0x5c0: {  	[tilespmem:s19], [sflag:$0x1] =	stream.indirect_vreg.gather [hbm4b:s31+s2], $0x80, v2, vm0, $0xb8;
	[tilespmem:$0x11100] =	vst v63  }
0x5c1: {  	s0 =	simm.s32 $0x8;
	s20 =	simm.s32 $0x10500  }
0x5c2: {  	[tilespmem:s20], [sflag:$0x1] =	stream.indirect.gather [hbm4b:s5+s0], $0x80, s29, s0, $0xb8;
	[tilespmem:$0x11100] =	vst v63  }
0x5c3: {  	s22 =	simm.s32 $0x10D00  }
0x5c4: {  	[tilespmem:s22], [sflag:$0x1] =	stream.indirect.gather [hbm4b:s6+s0], $0x80, s29, s0, $0xb8;
	[tilespmem:$0x11100] =	vst v63  }
0x5c5: {  	_ =	swait.ge [sflag:s24], $0x8000  }
0x5c6: {  	[sflag:s24] =	ssyncset.done $0x0  }
0x5c7: {  	[sflag:s24] =	ssyncadd.s32 $0xFFFF8000  }
0x5c8: {  	_ =	swait.ge [sflag:s24], $0x400  }
0x5c9: {  	[sflag:s24] =	ssyncset.done $0x0  }
0x5ca: {  	[sflag:s24] =	ssyncadd.s32 $0xFFFFFC00  }
0x5cb: {  	_ =	swait.ge [sflag:s24], $0x400  }
0x5cc: {  	s25 =	sld [smem:$0x7F8]  }
0x5cd: {  	[sflag:s24] =	ssyncset.done $0x0  }
0x5ce: {  	s26 =	sld [smem:$0x7FA];
	[sflag:s24] =	ssyncadd.s32 $0xFFFFFC00  }
0x5cf: {  	[hbm4b:s25+s2] =	stream.linear.scatter [tilespmem:s28], [sflag:$0x2], $0x8000, $0x38;
	[tilespmem:$0x11100] =	vst v63  }
0x5d0: {  	s29 =	sld [smem:$0x7FD]  }
0x5d1: {  	[hbm4b:s26+s2] =	stream.linear.scatter [tilespmem:s20], [sflag:$0x2], $0x400, $0x38;
	[tilespmem:$0x11100] =	vst v63  }
0x5d2: {  	_ = 	snop  }
0x5d3: {  	[hbm4b:s29+s2] =	stream.linear.scatter [tilespmem:s22], [sflag:$0x2], $0x400, $0x38;
	[tilespmem:$0x11100] =	vst v63  }
0x5d4: {  	s31 =	sld [smem:$0x7B9];
	_ =	swait.ge [sflag:s30], $0x8000  }
0x5d5: {  	[sflag:s30] =	ssyncset.done $0x0  }
0x5d6: {  	[sflag:s30] =	ssyncadd.s32 $0xFFFF8000  }
0x5d7: {  	_ =	swait.ge [sflag:s30], $0x400  }
0x5d8: {  	[sflag:s30] =	ssyncset.done $0x0  }
0x5d9: {  	[sflag:s30] =	ssyncadd.s32 $0xFFFFFC00  }
0x5da: {  	_ =	swait.ge [sflag:s30], $0x400  }
0x5db: {  	[sflag:s30] =	ssyncset.done $0x0  }
0x5dc: {  	[sflag:s30] =	ssyncadd.s32 $0xFFFFFC00  }
0x5dd: {  	_ =	swait.ge [sflag:s30], $0x8000  }
0x5de: {  	[sflag:s30] =	ssyncset.done $0x0  }
0x5df: {  	[sflag:s30] =	ssyncadd.s32 $0xFFFF8000  }
0x5e0: {  	p0 =	sne.s32 s31, $0x1;
	_ =	swait.ge [sflag:s30], $0x400  }
.Ltmp0:
0x5e1: {  	[sflag:s30] =	ssyncset.done $0x0;
	(pc) =	sbr.rel @p0 .LBB2_1-.Ltmp0, $4  }
0x5e2: {  	[sflag:s30] =	ssyncadd.s32 $0xFFFFFC00  }
0x5e3: {  	_ =	swait.ge [sflag:s30], $0x400  }
0x5e4: {  	[sflag:s30] =	ssyncset.done $0x0  }
0x5e5: {  	s21 =	sadd.s32 $0xFFFFFFFF, s31;
	[sflag:s30] =	ssyncadd.s32 $0xFFFFFC00  }
0x5e6: {  	_ =	sfence.sel $0x180000  }
0x5e7: {  	[bflag:$0x0] =	sbarrier.arrive $0xFFFF  }
0x5e8: {  	_ =	strace $0x90000047  }
0x5e9: {  	s0 =	stileid.u32;
	[bflag:$0x2] =	sbarrier.arrive $0xFFFF  }
0x5ea: {  	p0 =	sne.s32 s0, $0x0;
	s0 =	rddreg [dreg:$0x1]  }
0x5eb: {  	s0 =	sadd.s32 @!p0 $0x100000, s0  }
0x5ec: {  	[sflag:s0] =	ssyncadd.tile.s32 @!p0 $0x1;
	_ =	shalt  }
.Lfunc_end2:
_tile_overlayer_lowered:
.L_overlay_start_2:
0x5ed: {  	(tag) =	ssettag $0x2  }
0x5ee: {  	s0 =	rddreg [dreg:$0x0];
	s2 =	stileid.u32  }
0x5ef: {  	s1 =	rddreg [dreg:$0x1];
	p0 =	sne.s32 s2, $0x0  }
0x5f0: {  	s3 =	rddreg [dreg:$0x2];
	[bflag:$0x3] =	sbarrier.arrive $0xFFFF;
	s2 =	simm.s32 @!p0 $0x1C03  }
0x5f1: {  	[timem:s3], [sflag:s2] =	dma.local @!p0 [hbm:s0], s1  }
0x5f2: {  	s0 =	simm.s32 @!p0 $0x3  }
0x5f3: {  	_ =	swait.ge @!p0 [sflag:s0], s1  }
0x5f4: {  	s1 =	ssub.s32 @!p0 $0x0, s1;
	[sflag:s0] =	ssyncset.done @!p0 $0x0  }
0x5f5: {  	[sflag:s0] =	ssyncadd.s32 @!p0 s1  }
0x5f6: {  	[bflag:$0x3] =	sbarrier.arrive $0xFFFF  }
0x5f7: {  	_ =	shalt  }

// kernel: sparse-core-data-format-call.cloned.1.call-start
scs
called_computation_lowered:
.L_overlay_start_0:
0x0: {  	s1 =	sld [smem:$0x3FD9]  }
0x1: {  	s2 =	sld [smem:$0x3FFE];
	_ =	sdelay $0x1  }
0x2: {  	s3 =	srdreg.scid  }
0x3: {  	s0 =	sand.u32 $0x1, s3  }
0x4: {  	s17 =	sshll.u32 s0, $0xA;
	s1 =	sadd.s32 s2, s1  }
0x5: {  	s1 =	sadd.s32 s1, s17  }
0x6: {  	[smem:$0x3FC5] =	sst s1  }
0x7: {  	_ = 	snop  }
0x8: {  	(tm) =	ssettm $0x1  }
0x9: {  	s18 =	sld [smem:$0x3FFB];
	_ =	sdelay $0x3  }
0xa: {  	_ =	strace s18  }
0xb: {  	s1 =	sld [smem:$0x3FFC];
	_ =	sdelay $0x3  }
0xc: {  	_ =	strace s1  }
0xd: {  	s1 =	sld [smem:$0x3FFD];
	_ =	sdelay $0x3  }
0xe: {  	_ =	strace s1  }
0xf: {  	_ =	strace $0x8FFFFFFF  }
0x10: {  	s19 =	sld [smem:$0x3FDB];
	_ =	sdelay $0x1  }
0x11: {  	s20 =	simm.s32 $_scs_section_size  }
0x12: {  	s4 =	simm.s32 $_size__tile_overlayer_lowered;
	s5 =	simm.s32 $_tile_overlayer_lowered  }
0x13: {  	s23 =	simm.s32 $0x1BFF;
	s22 =	sshll.u32 s5, $0x1;
	s1 =	sadd.s32 s20, s19  }
0x14: {  	s6 =	simm.s32 $0x0;
	s21 =	sshll.u32 s4, $0x1;
	s4 =	sadd.s32 s22, s1  }
0x15: {  	[timem:s6], [sflag:s23] =	dma.local [hbm:s4], s21  }
0x16: {  	_ =	swait.ge [sflag:s23], s21  }
0x17: {  	s2 =	ssub.s32 $0x0, s21;
	[sflag:s23] =	ssyncset.done $0x0  }
0x18: {  	[sflag:s23] =	ssyncadd.s32 s2;
	_ =	sdelay $0x1  }
0x19: {  	s24 =	simm.s32 $0x1B8B  }
0x1a: {  	_ =	swait.ge [sflag:s24], $0x1  }
0x1b: {  	[sflag:s24] =	ssyncset.done $0x0  }
0x1c: {  	s26 =	simm.s32 $0x1B8E;
	s25 =	sld [smem:$0x3FFE];
	[sflag:s24] =	ssyncadd.s32 $0xFFFFFFFF  }
0x1d: {  	s27 =	simm.s32 $execute0_lowered;
	[smem:$0x3FD2] =	sst s26  }
0x1e: {  	s4 =	sshll.u32 s27, $0x1;
	_ =	strace $0x80000049;
	[dreg:$0x1] =	wrdreg $0xFFFFFFFF  }
0x1f: {  	s28 =	simm.s32 $_size_execute0_lowered;
	s1 =	sadd.s32 s1, s4;
	[dreg:$0x0] =	wrdreg $0x0  }
0x20: {  	s4 =	sshll.u32 s28, $0x1;
	[dreg:$0x2] =	wrdreg s1  }
0x21: {  	[dreg:$0x3] =	wrdreg s4  }
0x22: {  	[dreg:$0x4] =	wrdreg $0xC0  }
0x23: {  	_ =	task [dreg:s6], $0x5FFFF  }
0x24: {  	[dreg:$0x1] =	wrdreg $0xFFFFFFFF  }
0x25: {  	[dreg:$0x0] =	wrdreg $0x60  }
0x26: {  	[dreg:$0x2] =	wrdreg s25  }
0x27: {  	[dreg:$0x3] =	wrdreg $0x9  }
0x28: {  	_ =	task.clear_ibuf [dreg:s6], $0x4FFFF;
	_ =	strace $0x90000049  }
0x29: {  	s29 =	simm.s32 $0x9;
	_ =	strace $0x8000004B  }
0x2a: {  	_ =	swait.ge [sflag:s29], $0x1  }
0x2b: {  	[sflag:s29] =	ssyncadd.s32 $0xFFFFFFFF  }
0x2c: {  	_ =	strace $0x9000004B  }
0x2d: {  	_ =	sfence  }
0x2e: {  	s30 =	sld [smem:$0x0];
	_ =	sdelay $0x2  }
0x2f: {  	s31 =	sshll.u32 s3, $0xD;
	s3 =	sshrl.u32 s3, $0x2  }
0x30: {  	s2 =	sand.u32 $0x4000, s31;
	s1 =	sadd.s32 s3, s30  }
0x31: {  	s0 =	sor.u32 s2, s0;
	s1 =	sshll.u32 s1, $0x11  }
0x32: {  	s0 =	sor.u32 s1, s0  }
0x33: {  	s0 =	sadd.s32 $0x8F2B, s0  }
0x34: {  	[sflag:s0] =	ssyncadd.remote.s32 $0x1  }
0x35: {  	_ =	sfence.sel $0xFFFF  }
0x36: {  	[dreg:$0x0] =	wrdreg $0xFFFFFFFF;
	(pc) =	sbr.abs _section_cstart, $3  }
0x37: {  	[dreg:$0x1] =	wrdreg $0xFFFFFFFF  }
0x38: {  	_ =	task.clear_ibuf [dreg:s6], $0x2FFFF;
	_ =	strace $0x9FFFFFFF  }
0x39: {  	(tm) =	ssettm $0x7FFFFFFF  }
tec
execute0_lowered:
.L_overlay_start_1:
0x0: {  	(tag) =	ssettag $0x1  }
0x1: {  	s1 =	rddreg [dreg:$0x0]  }
0x2: {  	s0 =	rddreg [dreg:$0x1]  }
0x3: {  	_ =	strace $0x8000004A;
	s4 =	srdreg.scid;
	s6 =	simm.s32 $0x2  }
0x4: {  	s11 =	simm.s32 $0x0;
	p0 =	por $0x0, $0x0;
	s7 =	simm.s32 $0x1000  }
.Ltmp0:
0x5: {  	s12 =	simm.s32 $0x0;
	s9 =	simm.s32 $0x0;
	(pc) =	sbr.rel .LBB1_1-.Ltmp0, $4  }
0x6: {  	s2 =	sadd.s32 $0x74000, s1;
	s3 =	sadd.s32 $0x31C000, s1;
	s5 =	sshll.u32 s4, $0x4  }
0x7: {  	s1 =	stileid.u32;
	s4 =	simm.s32 $0x1;
	s5 =	sand.u32 $0x10, s5  }
0x8: {  	s8 =	simm.s32 $0x0;
	[sflag:s4] =	ssyncpa.u1 $0x0;
	s5 =	sor.u32 s1, s5  }
0x9: {  	[sflag:s6] =	ssyncpa.u1 $0x0;
	s6 =	simm.s32 $0x800;
	s10 =	smov.u32 s5  }
.LBB1_7:
0xa: {  	s13 =	sadd.s32 $0x10, s9  }
0xb: {  	s11 =	sadd.s32 $0x20, s10;
	s15 =	smov.u32 s10;
	p2 =	sgt.s32 s13, $0x1F  }
0xc: {  	p1 =	slt.u32 s8, $0x2;
	s15 =	smov.u32 @p2 s11  }
0xd: {  	s8 =	sadd.s32 $0x1, s8;
	s13 =	simm.s32 @p2 $0x0;
	p2 =	sgt.s32 s15, $0x27F  }
0xe: {  	s15 =	smov.u32 @p2 s5;
	p2 =	sne.s32 s8, $0x2A  }
.Ltmp1:
0xf: {  	_ = 	snop;
	(pc) =	sbr.rel @!p2 .LBB1_8-.Ltmp1, $4  }
0x10: {  	s14 =	simm.s32 @!p1 $0x2  }
0x11: {  	s12 =	smov.u32 s10;
	_ =	swait.ge @!p1 [sflag:s14], $0x4000  }
0x12: {  	p0 =	por !p0, !p0;
	s11 =	smov.u32 s9;
	[sflag:s14] =	ssyncset.done @!p1 $0x0  }
0x13: {  	s9 =	smov.u32 s13;
	[sflag:s14] =	ssyncadd.s32 @!p1 $0xFFFFC000;
	s10 =	smov.u32 s15  }
.LBB1_1:
0x14: {  	p1 =	sgt.u32 s8, $0x27  }
0x15: {  	s13 =	sxor.u32 @!p1 $0xFFFFFFFF, s8;
	s14 =	sshll.u32 @!p1 s10, $0xC  }
0x16: {  	s15 =	sshll.u32 @!p1 s9, $0x7;
	s13 =	sshll.u32 @!p1 s13, $0xE;
	s14 =	sadd.s32 @!p1 s2, s14  }
0x17: {  	s13 =	sand.u32 @!p1 $0x4000, s13;
	s14 =	sadd.s32 @!p1 s15, s14;
	s15 =	simm.s32 @!p1 $0x0  }
0x18: {  	[tilespmem:s13], [sflag:$0x1] =	stream.linear.gather @!p1 [hbm4b:s14+s15], $0x4000, $0x38;
	[tilespmem:$0x10000] =	vst v63  }
0x19: {  	p1 =	seq.s32 s8, $0x0  }
0x1a: {  	p2 =	seq.s32 @!p1 s8, $0x29  }
0x1b: {  	p1 =	por p1, p2  }
.Ltmp2:
0x1c: {  	_ = 	snop;
	(pc) =	sbr.rel @p1 .LBB1_7-.Ltmp2, $1  }
0x1d: {  	_ =	sdelay $0x3  }
0x1e: {  	s13 =	simm.s32 $0x1;
	_ =	swait.ge [sflag:s4], $0x4000;
	s16 =	sshll.u32 s8, $0xE  }
0x1f: {  	s13 =	simm.s32 @!p0 $0x0;
	[sflag:s4] =	ssyncset.done $0x0;
	s31 =	sand.u32 $0x4000, s16  }
0x20: {  	s16 =	simm.s32 $0x0;
	s14 =	sshll.u32 s13, $0xE;
	[sflag:s4] =	ssyncadd.s32 $0xFFFFC000  }
0x21: {  	s13 =	sor.u32 $0x8040, s14;
	s15 =	sor.u32 $0x40, s14;
	s14 =	sor.u32 $0x8000, s31  }
.LBB1_3:
0x22: {  	v0 =	vmov s15;
	_ =	sdelay $0x3  }
0x23: {  	s18 =	simm.s32 $0x0  }
0x24: {  	v6 =	vld.idx.msk [tilespmem:v0+s18+$0x30 ss:$0x1], $0xffff  }
0x25: {  	v7 =	vld.idx.msk [tilespmem:v0+s18+$0xFFFFFFC0 ss:$0x1], $0xffff  }
0x26: {  	v5 =	vld.idx.msk [tilespmem:v0+s18+$0xFFFFFFD0 ss:$0x1], $0xffff  }
0x27: {  	v4 =	vld.idx.msk [tilespmem:v0+s18+$0xFFFFFFE0 ss:$0x1], $0xffff  }
0x28: {  	v3 =	vld.idx.msk [tilespmem:v0+s18+$0xFFFFFFF0 ss:$0x1], $0xffff  }
0x29: {  	v1 =	vld.idx.msk [tilespmem:v0+s18+$0x0 ss:$0x1], $0xffff  }
0x2a: {  	v2 =	vld.idx.msk [tilespmem:v0+s18+$0x10 ss:$0x1], $0xffff;
	[tilespmem:s13+$0x30] =	vst v6  }
0x2b: {  	s17 =	simm.s32 $0x80;
	s19 =	simm.s32 $0x400;
	[tilespmem:s13+$0xFFFFFFC0] =	vst v7;
	v6 =	vld.idx.msk [tilespmem:v0+s18+$0x20 ss:$0x1], $0xffff;
	s18 =	smov.u32 s13  }
.LBB1_4:
0x2c: {  	p1 =	sne.s32 s19, $0xE00;
	v7 =	vld.idx.msk [tilespmem:v0+s17+$0x30 ss:$0x1], $0xffff;
	[tilespmem:s18+$0xFFFFFFD0] =	vst v5  }
0x2d: {  	v8 =	vld.idx.msk [tilespmem:v0+s17+$0xFFFFFFC0 ss:$0x1], $0xffff;
	[tilespmem:s18+$0xFFFFFFE0] =	vst v4  }
0x2e: {  	v5 =	vld.idx.msk [tilespmem:v0+s17+$0xFFFFFFD0 ss:$0x1], $0xffff;
	[tilespmem:s18+$0xFFFFFFF0] =	vst v3  }
.Ltmp3:
0x2f: {  	v4 =	vld.idx.msk [tilespmem:v0+s17+$0xFFFFFFE0 ss:$0x1], $0xffff;
	[tilespmem:s18+$0x0] =	vst v1;
	(pc) =	sbr.rel @p1 .LBB1_4-.Ltmp3, $4  }
0x30: {  	v3 =	vld.idx.msk [tilespmem:v0+s17+$0xFFFFFFF0 ss:$0x1], $0xffff;
	[tilespmem:s18+$0x10] =	vst v2  }
0x31: {  	v1 =	vld.idx.msk [tilespmem:v0+s17+$0x0 ss:$0x1], $0xffff;
	[tilespmem:s18+$0x20] =	vst v6;
	s18 =	sadd.s32 $0x800, s18  }
0x32: {  	v2 =	vld.idx.msk [tilespmem:v0+s17+$0x10 ss:$0x1], $0xffff;
	[tilespmem:s18+$0x30] =	vst v7  }
0x33: {  	[tilespmem:s18+$0xFFFFFFC0] =	vst v8;
	v6 =	vld.idx.msk [tilespmem:v0+s17+$0x20 ss:$0x1], $0xffff;
	s17 =	sshra.s32 s19, $0x2;
	s19 =	sadd.s32 $0x200, s19  }
0x34: {  	_ =	sdelay $0x2  }
0x35: {  	[tilespmem:s18+$0xFFFFFFD0] =	vst v5  }
0x36: {  	v56 =	vld.idx.msk [tilespmem:v0+s17+$0x30 ss:$0x1], $0xffff;
	[tilespmem:s18+$0xFFFFFFE0] =	vst v4  }
0x37: {  	v57 =	vld.idx.msk [tilespmem:v0+s17+$0xFFFFFFC0 ss:$0x1], $0xffff;
	[tilespmem:s18+$0xFFFFFFF0] =	vst v3  }
0x38: {  	v58 =	vld.idx.msk [tilespmem:v0+s17+$0xFFFFFFD0 ss:$0x1], $0xffff;
	[tilespmem:s18+$0x0] =	vst v1  }
0x39: {  	v59 =	vld.idx.msk [tilespmem:v0+s17+$0xFFFFFFE0 ss:$0x1], $0xffff;
	[tilespmem:s18+$0x10] =	vst v2  }
0x3a: {  	v60 =	vld.idx.msk [tilespmem:v0+s17+$0xFFFFFFF0 ss:$0x1], $0xffff;
	s31 =	sadd.s32 $0x800, s18;
	[tilespmem:s18+$0x20] =	vst v6  }
0x3b: {  	v61 =	vld.idx.msk [tilespmem:v0+s17+$0x0 ss:$0x1], $0xffff;
	[tilespmem:s31+$0x30] =	vst v56  }
0x3c: {  	v62 =	vld.idx.msk [tilespmem:v0+s17+$0x10 ss:$0x1], $0xffff;
	s16 =	sadd.s32 $0x1, s16;
	[tilespmem:s31+$0xFFFFFFC0] =	vst v57  }
0x3d: {  	v63 =	vld.idx.msk [tilespmem:v0+s17+$0x20 ss:$0x1], $0xffff;
	p1 =	sne.s32 s16, $0x10;
	[tilespmem:s31+$0xFFFFFFD0] =	vst v58  }
.Ltmp4:
0x3e: {  	[tilespmem:s31+$0xFFFFFFE0] =	vst v59;
	(pc) =	sbr.rel @p1 .LBB1_3-.Ltmp4, $4  }
0x3f: {  	[tilespmem:s31+$0xFFFFFFF0] =	vst v60  }
0x40: {  	[tilespmem:s31+$0x0] =	vst v61  }
0x41: {  	[tilespmem:s31+$0x10] =	vst v62  }
0x42: {  	s13 =	sadd.s32 $0x80, s13;
	s15 =	sadd.s32 $0x400, s15;
	[tilespmem:s31+$0x20] =	vst v63  }
.Ltmp5:
0x43: {  	(pc) =	sbr.rel .LBB1_7-.Ltmp5, $4  }
0x44: {  	s12 =	sshll.u32 s12, $0xC;
	s11 =	sshll.u32 s11, $0x4  }
0x45: {  	s11 =	sand.u32 $0x1F0, s11;
	s12 =	sadd.s32 s3, s12  }
0x46: {  	s11 =	sadd.s32 s11, s12  }
0x47: {  	[hbm4b:s11+s6] =	stream.strided.scatter [tilespmem:s14], [sflag:$0x2], $0x4000, s7, s6, $0x38;
	[tilespmem:$0x10000] =	vst v63  }
.LBB1_8:
0x48: {  	_ =	sfence.sel $0x180000  }
0x49: {  	s2 =	simm.s32 $0x1;
	[bflag:$0x0] =	sbarrier.arrive $0xFFFF  }
0x4a: {  	s31 =	simm.s32 $0x2;
	[sflag:s2] =	ssyncpa.u1 $0x1  }
0x4b: {  	[sflag:s31] =	ssyncpa.u1 $0x1  }
0x4c: {  	p0 =	sne.s32 s1, $0x0;
	_ =	strace $0x9000004A  }
0x4d: {  	s0 =	sadd.s32 @!p0 $0x100000, s0;
	[bflag:$0x2] =	sbarrier.arrive $0xFFFF  }
0x4e: {  	[sflag:s0] =	ssyncadd.tile.s32 @!p0 $0x1;
	_ =	shalt  }
.Lfunc_end1:
_tile_overlayer_lowered:
.L_overlay_start_2:
0x4f: {  	(tag) =	ssettag $0x2  }
0x50: {  	s0 =	rddreg [dreg:$0x0];
	s2 =	stileid.u32  }
0x51: {  	s1 =	rddreg [dreg:$0x1];
	p0 =	sne.s32 s2, $0x0  }
0x52: {  	s3 =	rddreg [dreg:$0x2];
	[bflag:$0x3] =	sbarrier.arrive $0xFFFF;
	s2 =	simm.s32 @!p0 $0x1C01  }
0x53: {  	[timem:s3], [sflag:s2] =	dma.local @!p0 [hbm:s0], s1  }
0x54: {  	s0 =	simm.s32 @!p0 $0x1  }
0x55: {  	_ =	swait.ge @!p0 [sflag:s0], s1  }
0x56: {  	s1 =	ssub.s32 @!p0 $0x0, s1;
	[sflag:s0] =	ssyncset.done @!p0 $0x0  }
0x57: {  	[sflag:s0] =	ssyncadd.s32 @!p0 s1  }
0x58: {  	[bflag:$0x3] =	sbarrier.arrive $0xFFFF  }
0x59: {  	_ =	shalt  }

</sc_bundles>
